<compile_context>
chip_gen: v7x
topology: tpu7x:2x2x1
jax: 0.10.2.dev20260603
libtpu: 0.0.44.dev20260713+nightly
codegen_flags: <defaults>
</compile_context>

<pallas_src>
import functools

import jax
import jax.numpy as jnp
from jax import lax
from jax.experimental import pallas as pl
from jax.experimental.pallas import tpu as pltpu
from jax.experimental.pallas import tpu_sc as plsc

B = 4096
CTX = 20
NOISE = 26
VD = 128
NW = 32
NB = B // NW
SUB = 8
NSUB = NB // SUB
IROW = 80
CROWS = NB * CTX // IROW
WSTR = SUB * CTX // IROW

_NG = B * NOISE
GC = 128
NOGB = 4

_MESH = plsc.VectorSubcoreMesh(core_axis_name="c", subcore_axis_name="s")


@functools.partial(
    pl.kernel,
    mesh=_MESH,
    out_type=[
        jax.ShapeDtypeStruct((B, VD), jnp.float32),
        jax.ShapeDtypeStruct((_NG, VD), jnp.float32),
    ],
    scratch_types=[
        pltpu.VMEM((1, 128), jnp.int32),
        pltpu.VMEM((CROWS, IROW), jnp.int32),
        pltpu.VMEM((NOISE, GC), jnp.int32),
        pltpu.VMEM((SUB, VD), jnp.float32),
        pltpu.VMEM((SUB, VD), jnp.float32),
        pltpu.VMEM((SUB * CTX, VD), jnp.float32),
        pltpu.VMEM((SUB * CTX, VD), jnp.float32),
        pltpu.VMEM((SUB, VD), jnp.float32),
        pltpu.VMEM((SUB, VD), jnp.float32),
        pltpu.VMEM((GC, VD), jnp.float32),
        pltpu.VMEM((GC, VD), jnp.float32),
        pltpu.VMEM((GC, VD), jnp.float32),
        pltpu.VMEM((GC, VD), jnp.float32),
        pltpu.SemaphoreType.DMA,
        pltpu.SemaphoreType.DMA,
        pltpu.SemaphoreType.DMA,
        pltpu.SemaphoreType.DMA,
        pltpu.SemaphoreType.DMA,
        pltpu.SemaphoreType.DMA,
        pltpu.SemaphoreType.DMA,
        pltpu.SemaphoreType.DMA,
        pltpu.SemaphoreType.DMA,
        pltpu.SemaphoreType.DMA,
        pltpu.SemaphoreType.DMA,
        pltpu.SemaphoreType.DMA,
        pltpu.SemaphoreType.DMA,
        pltpu.SemaphoreType.DMA,
    ],
)
def _sc_fused(doc3_hbm, ctx3_hbm, tid2_hbm, d_hbm, w_hbm, ot_hbm,
              x_hbm, og_hbm,
              didx_v, cidx_v, tidx_v, drows_a, drows_b, wrows_a, wrows_b,
              acc_a, acc_b, og0, og1, og2, og3,
              dsem_a, dsem_b, wsem_a, wsem_b, xsem_a, xsem_b,
              osem0, osem1, osem2, osem3,
              owsem0, owsem1, owsem2, owsem3):
    wid = lax.axis_index("s") * 2 + lax.axis_index("c")
    base = wid * NB
    ogbuf = (og0, og1, og2, og3)
    osem = (osem0, osem1, osem2, osem3)
    owsem = (owsem0, owsem1, owsem2, owsem3)
    wrows = (wrows_a, wrows_b)
    wsem = (wsem_a, wsem_b)
    drows = (drows_a, drows_b)
    dsem = (dsem_a, dsem_b)
    acc = (acc_a, acc_b)
    xsem = (xsem_a, xsem_b)

    def x_write(s, p):
        pltpu.async_copy(acc[p], x_hbm.at[pl.ds(base + s * SUB, SUB)], xsem[p])

    def x_write_drain(s, p):
        pltpu.make_async_copy(
            acc[p], x_hbm.at[pl.ds(base + s * SUB, SUB)], xsem[p]).wait()

    def d_fire(s, p):
        pltpu.async_copy(
            d_hbm.at[didx_v.at[0, pl.ds(s * SUB, SUB)]], drows[p], dsem[p])

    def d_drain(s, p):
        pltpu.make_async_copy(
            d_hbm.at[didx_v.at[0, pl.ds(s * SUB, SUB)]], drows[p],
            dsem[p]).wait()

    def w_fire(s, p):
        for j in range(WSTR):
            pltpu.async_copy(
                w_hbm.at[cidx_v.at[s * WSTR + j]],
                wrows[p].at[pl.ds(j * IROW, IROW)],
                wsem[p],
            )

    def w_drain(s, p):
        for j in range(WSTR):
            pltpu.make_async_copy(
                w_hbm.at[cidx_v.at[s * WSTR + j]],
                wrows[p].at[pl.ds(j * IROW, IROW)],
                wsem[p],
            ).wait()

    def og_fire(c, b):
        pltpu.async_copy(ot_hbm.at[tidx_v.at[c]], ogbuf[b], osem[b])

    def og_gather_drain(c, b):
        pltpu.make_async_copy(ot_hbm.at[tidx_v.at[c]], ogbuf[b], osem[b]).wait()

    def og_write(c, b):
        pltpu.async_copy(ogbuf[b], og_hbm.at[pl.ds(c * B + base, GC)],
                         owsem[b])

    def og_write_drain(c, b):
        pltpu.make_async_copy(ogbuf[b], og_hbm.at[pl.ds(c * B + base, GC)],
                              owsem[b]).wait()

    pltpu.sync_copy(doc3_hbm.at[wid], didx_v)
    d_fire(0, 0)
    d_fire(1, 1)
    pltpu.sync_copy(ctx3_hbm.at[wid], cidx_v)
    pltpu.sync_copy(tid2_hbm.at[:, pl.ds(wid * GC, GC)], tidx_v)

    w_fire(0, 0)
    w_fire(1, 1)
    for c in range(NOGB):
        og_fire(c, c)

    @pl.loop(0, NSUB // 2)
    def _(g):
        for p in range(2):
            s = 2 * g + p
            for q in range(2):
                cp = 2 * s + 2 + q
                bp = (2 * p + 2 + q) % NOGB

                @pl.when(jnp.logical_and(cp >= NOGB, cp < NOISE))
                def _():
                    og_write_drain(cp - NOGB, bp)
                    og_fire(cp, bp)

            for q in range(2):
                c = 2 * s + q
                bq = (2 * p + q) % NOGB

                @pl.when(c < NOISE)
                def _():
                    og_gather_drain(c, bq)
                    og_write(c, bq)

            d_drain(s, p)
            w_drain(s, p)

            @pl.when(s >= 2)
            def _():
                x_write_drain(s - 2, p)

            @pl.loop(0, SUB)
            def _(b):
                for ch in range(VD // 16):
                    sl = pl.ds(ch * 16, 16)
                    v = drows[p][b, sl]
                    for j in range(CTX):
                        v = v + wrows[p][b * CTX + j, sl]
                    acc[p][b, sl] = v

            x_write(s, p)

            @pl.when(s + 2 < NSUB)
            def _():
                d_fire(s + 2, p)
                w_fire(s + 2, p)

    for b in range(NOGB):
        c = NOISE - NOGB + b
        og_write_drain(c, c % NOGB)
    x_write_drain(NSUB - 2, 0)
    x_write_drain(NSUB - 1, 1)


def _score_body(x_ref, og_ref, s_ref):
    x = x_ref[...]
    og = og_ref[...]
    s_ref[...] = jnp.sum(og * x[None, :, :], axis=-1)


def kernel(context_ids, doc_ids, target_noise_ids, D, W, O):
    ctx3 = context_ids.astype(jnp.int32).reshape(NW, CROWS, IROW)
    doc3 = doc_ids.astype(jnp.int32).reshape(NW, 1, 128)
    tid2 = target_noise_ids.astype(jnp.int32).T

    ot = jnp.transpose(O)

    x, og = _sc_fused(doc3, ctx3, tid2, D, W, ot)

    scores_t = pl.pallas_call(
        _score_body,
        grid=(B // 1024,),
        in_specs=[
            pl.BlockSpec((1024, VD), lambda i: (i, 0)),
            pl.BlockSpec((NOISE, 1024, VD), lambda i: (0, i, 0)),
        ],
        out_specs=pl.BlockSpec((NOISE, 1024), lambda i: (0, i)),
        out_shape=jax.ShapeDtypeStruct((NOISE, B), jnp.float32),
    )(x, og.reshape(NOISE, B, VD))

    return jnp.transpose(scores_t)

# --- scband reference (transcript-rebuilt; emitter-appended) ---
"""Pipeline reference for scband-dm-76948634075885 (READ-ONLY COPY).

The authoritative reference and input builder live on the scoring server;
editing this copy changes nothing except your own understanding.
"""

import jax, jax.numpy as jnp
import numpy as np

VEC_DIM = 128
NUM_DOCS = 100000
NUM_WORDS = 100000
BATCH = 4096
CTX = 20
NOISE = 26


def setup_inputs(seed: int = 0) -> dict:
    key = jax.random.key(seed)
    k1, k2, k3, k4, k5, k6 = jax.random.split(key, 6)
    context_ids = jax.random.randint(k1, (BATCH, CTX), 0, NUM_WORDS, dtype=jnp.int64 if jax.config.jax_enable_x64 else jnp.int32)
    doc_ids = jax.random.randint(k2, (BATCH,), 0, NUM_DOCS, dtype=jnp.int64 if jax.config.jax_enable_x64 else jnp.int32)
    target_noise_ids = jax.random.randint(k3, (BATCH, NOISE), 0, NUM_WORDS, dtype=jnp.int64 if jax.config.jax_enable_x64 else jnp.int32)
    D = jax.random.normal(k4, (NUM_DOCS, VEC_DIM), dtype=jnp.float32)
    W = jax.random.normal(k5, (NUM_WORDS, VEC_DIM), dtype=jnp.float32)
    O = jax.random.normal(k6, (VEC_DIM, NUM_WORDS), dtype=jnp.float32) * 0.01
    return {"context_ids": context_ids, "doc_ids": doc_ids, "target_noise_ids": target_noise_ids, "D": D, "W": W, "O": O}


def reference(context_ids, doc_ids, target_noise_ids, D, W, O):
    # x = D[doc_ids] + sum over context of W[context_ids]
    x = jnp.take(D, doc_ids, axis=0) + jnp.sum(jnp.take(W, context_ids, axis=0), axis=1)  # [B, vec_dim]
    # O[:, target_noise_ids] -> [vec_dim, B, K]; permute(1,0,2) -> [B, vec_dim, K]
    O_g = jnp.transpose(jnp.take(O, target_noise_ids, axis=1), (1, 0, 2))  # [B, vec_dim, K]
    # bmm(x.unsqueeze(1), O_g).squeeze(1) -> [B, K]
    scores = jnp.einsum('bd,bdk->bk', x, O_g)
    return scores

if __name__ == "__main__":
    import jax
    _d = setup_inputs()
    print(jax.jit(kernel)(*tuple(_d.values())))

</pallas_src>

<mosaic_0001>
#map = affine_map<(d0, d1) -> (0, 0, 0)>
#map1 = affine_map<(d0, d1) -> (0, 0)>
module attributes {stable_mosaic.version = 14 : i64} {
  func.func @_sc_fused(%arg0: i32, %arg1: i32, %arg2: memref<32x1x128xi32, #tpu.memory_space<hbm>>, %arg3: memref<32x32x80xi32, #tpu.memory_space<hbm>>, %arg4: memref<26x4096xi32, #tpu.memory_space<hbm>>, %arg5: memref<100000x128xf32, #tpu.memory_space<hbm>>, %arg6: memref<100000x128xf32, #tpu.memory_space<hbm>>, %arg7: memref<100000x128xf32, #tpu.memory_space<hbm>>, %arg8: memref<4096x128xf32, #tpu.memory_space<hbm>>, %arg9: memref<106496x128xf32, #tpu.memory_space<hbm>>, %arg10: memref<1x128xi32, #tpu.memory_space<vmem>>, %arg11: memref<32x80xi32, #tpu.memory_space<vmem>>, %arg12: memref<26x128xi32, #tpu.memory_space<vmem>>, %arg13: memref<8x128xf32, #tpu.memory_space<vmem>>, %arg14: memref<8x128xf32, #tpu.memory_space<vmem>>, %arg15: memref<160x128xf32, #tpu.memory_space<vmem>>, %arg16: memref<160x128xf32, #tpu.memory_space<vmem>>, %arg17: memref<8x128xf32, #tpu.memory_space<vmem>>, %arg18: memref<8x128xf32, #tpu.memory_space<vmem>>, %arg19: memref<128x128xf32, #tpu.memory_space<vmem>>, %arg20: memref<128x128xf32, #tpu.memory_space<vmem>>, %arg21: memref<128x128xf32, #tpu.memory_space<vmem>>, %arg22: memref<128x128xf32, #tpu.memory_space<vmem>>, %arg23: memref<!tpu.dma_semaphore, #tpu.memory_space<semaphore_mem>>, %arg24: memref<!tpu.dma_semaphore, #tpu.memory_space<semaphore_mem>>, %arg25: memref<!tpu.dma_semaphore, #tpu.memory_space<semaphore_mem>>, %arg26: memref<!tpu.dma_semaphore, #tpu.memory_space<semaphore_mem>>, %arg27: memref<!tpu.dma_semaphore, #tpu.memory_space<semaphore_mem>>, %arg28: memref<!tpu.dma_semaphore, #tpu.memory_space<semaphore_mem>>, %arg29: memref<!tpu.dma_semaphore, #tpu.memory_space<semaphore_mem>>, %arg30: memref<!tpu.dma_semaphore, #tpu.memory_space<semaphore_mem>>, %arg31: memref<!tpu.dma_semaphore, #tpu.memory_space<semaphore_mem>>, %arg32: memref<!tpu.dma_semaphore, #tpu.memory_space<semaphore_mem>>, %arg33: memref<!tpu.dma_semaphore, #tpu.memory_space<semaphore_mem>>, %arg34: memref<!tpu.dma_semaphore, #tpu.memory_space<semaphore_mem>>, %arg35: memref<!tpu.dma_semaphore, #tpu.memory_space<semaphore_mem>>, %arg36: memref<!tpu.dma_semaphore, #tpu.memory_space<semaphore_mem>>) attributes {dimension_semantics = [#tpu.dimension_semantics<core_parallel>, #tpu.dimension_semantics<subcore_parallel>], iteration_bounds = array<i64: 2, 16>, scalar_prefetch = 0 : i64, scratch_operands = 27 : i64, tpu.core_type = #tpu.core_type<sc_vector_subcore>, window_params = [{transform_indices = #map}, {transform_indices = #map}, {transform_indices = #map1}, {transform_indices = #map1}, {transform_indices = #map1}, {transform_indices = #map1}, {transform_indices = #map1}, {transform_indices = #map1}]} {
    %mul3A = arith.constant 2 : i32
    %mul3A_0 = arith.muli %arg1, %mul3A : i32
    %add3A = arith.addi %mul3A_0, %arg0 : i32
    %mul3A_1 = arith.constant 128 : i32
    %mul3A_2 = arith.muli %add3A, %mul3A_1 : i32
    "tpu.region"() ({
      %run_scoped3A = tpu.sem_alloc : memref<!tpu.dma_semaphore, #tpu.memory_space<semaphore_mem>>
      %dma_start3A_125 = arith.constant 0 : i32
      %dma_start3A_126 = arith.constant 0 : i32
      %dma_start3A_127 = tpu.memref_slice %arg2[%add3A, %dma_start3A_125, %dma_start3A_126] : memref<32x1x128xi32, #tpu.memory_space<hbm>> -> memref<1x1x128xi32, #tpu.memory_space<hbm>>
      %dma_start3A_128 = tpu.memref_squeeze %dma_start3A_127 : memref<1x1x128xi32, #tpu.memory_space<hbm>> -> memref<1x128xi32, #tpu.memory_space<hbm>>
      %dma_start3A_129 = arith.constant 0 : i32
      %dma_start3A_130 = arith.constant 0 : i32
      %dma_start3A_131 = tpu.memref_slice %arg2[%add3A, %dma_start3A_129, %dma_start3A_130] : memref<32x1x128xi32, #tpu.memory_space<hbm>> -> memref<1x1x128xi32, #tpu.memory_space<hbm>>
      %dma_start3A_132 = tpu.memref_squeeze %dma_start3A_131 : memref<1x1x128xi32, #tpu.memory_space<hbm>> -> memref<1x128xi32, #tpu.memory_space<hbm>>
      tpu.enqueue_dma source(%dma_start3A_132 : memref<1x128xi32, #tpu.memory_space<hbm>>) target(%arg10 : memref<1x128xi32, #tpu.memory_space<vmem>>) target_semaphore(%run_scoped3A : memref<!tpu.dma_semaphore, #tpu.memory_space<semaphore_mem>>)
      %dma_wait3A_133 = arith.constant 0 : i32
      %dma_wait3A_134 = arith.constant 0 : i32
      %dma_wait3A_135 = tpu.memref_slice %arg2[%add3A, %dma_wait3A_133, %dma_wait3A_134] : memref<32x1x128xi32, #tpu.memory_space<hbm>> -> memref<1x1x128xi32, #tpu.memory_space<hbm>>
      %dma_wait3A_136 = tpu.memref_squeeze %dma_wait3A_135 : memref<1x1x128xi32, #tpu.memory_space<hbm>> -> memref<1x128xi32, #tpu.memory_space<hbm>>
      %dma_wait3A_137 = arith.constant 0 : i32
      %dma_wait3A_138 = arith.constant 0 : i32
      %dma_wait3A_139 = tpu.memref_slice %arg2[%add3A, %dma_wait3A_137, %dma_wait3A_138] : memref<32x1x128xi32, #tpu.memory_space<hbm>> -> memref<1x1x128xi32, #tpu.memory_space<hbm>>
      %dma_wait3A_140 = tpu.memref_squeeze %dma_wait3A_139 : memref<1x1x128xi32, #tpu.memory_space<hbm>> -> memref<1x128xi32, #tpu.memory_space<hbm>>
      tpu.wait_dma2 semaphore(%run_scoped3A : memref<!tpu.dma_semaphore, #tpu.memory_space<semaphore_mem>>) src(%dma_wait3A_140 : memref<1x128xi32, #tpu.memory_space<hbm>>) dst(%arg10 : memref<1x128xi32, #tpu.memory_space<vmem>>)
      tpu.yield
    }) : () -> ()
    %dma_start3A = arith.constant 0 : i32
    %dma_start3A_3 = arith.constant 0 : i32
    %dma_start3A_4 = tpu.memref_slice %arg10[%dma_start3A, %dma_start3A_3] : memref<1x128xi32, #tpu.memory_space<vmem>> -> memref<1x8xi32, #tpu.memory_space<vmem>>
    %dma_start3A_5 = tpu.memref_squeeze %dma_start3A_4 : memref<1x8xi32, #tpu.memory_space<vmem>> -> memref<8xi32, #tpu.memory_space<vmem>>
    %dma_start3A_6 = arith.constant 0 : i32
    %dma_start3A_7 = arith.constant 0 : i32
    %dma_start3A_8 = tpu.memref_slice %arg5[%dma_start3A_6, %dma_start3A_7] : memref<100000x128xf32, #tpu.memory_space<hbm>> -> memref<100000x128xf32, #tpu.memory_space<hbm>>
    tpu.enqueue_indirect_dma source(%dma_start3A_8 : memref<100000x128xf32, #tpu.memory_space<hbm>>) target(%arg13 : memref<8x128xf32, #tpu.memory_space<vmem>>) offsets(%dma_start3A_5 : memref<8xi32, #tpu.memory_space<vmem>>) semaphore(%arg23 : memref<!tpu.dma_semaphore, #tpu.memory_space<semaphore_mem>>)
    %dma_start3A_9 = arith.constant 0 : i32
    %dma_start3A_10 = arith.constant 8 : i32
    %dma_start3A_11 = tpu.memref_slice %arg10[%dma_start3A_9, %dma_start3A_10] : memref<1x128xi32, #tpu.memory_space<vmem>> -> memref<1x8xi32, #tpu.memory_space<vmem>>
    %dma_start3A_12 = tpu.memref_squeeze %dma_start3A_11 : memref<1x8xi32, #tpu.memory_space<vmem>> -> memref<8xi32, #tpu.memory_space<vmem>>
    %dma_start3A_13 = arith.constant 0 : i32
    %dma_start3A_14 = arith.constant 0 : i32
    %dma_start3A_15 = tpu.memref_slice %arg5[%dma_start3A_13, %dma_start3A_14] : memref<100000x128xf32, #tpu.memory_space<hbm>> -> memref<100000x128xf32, #tpu.memory_space<hbm>>
    tpu.enqueue_indirect_dma source(%dma_start3A_15 : memref<100000x128xf32, #tpu.memory_space<hbm>>) target(%arg14 : memref<8x128xf32, #tpu.memory_space<vmem>>) offsets(%dma_start3A_12 : memref<8xi32, #tpu.memory_space<vmem>>) semaphore(%arg24 : memref<!tpu.dma_semaphore, #tpu.memory_space<semaphore_mem>>)
    "tpu.region"() ({
      %run_scoped3A = tpu.sem_alloc : memref<!tpu.dma_semaphore, #tpu.memory_space<semaphore_mem>>
      %dma_start3A_125 = arith.constant 0 : i32
      %dma_start3A_126 = arith.constant 0 : i32
      %dma_start3A_127 = tpu.memref_slice %arg3[%add3A, %dma_start3A_125, %dma_start3A_126] : memref<32x32x80xi32, #tpu.memory_space<hbm>> -> memref<1x32x80xi32, #tpu.memory_space<hbm>>
      %dma_start3A_128 = tpu.memref_squeeze %dma_start3A_127 : memref<1x32x80xi32, #tpu.memory_space<hbm>> -> memref<32x80xi32, #tpu.memory_space<hbm>>
      %dma_start3A_129 = arith.constant 0 : i32
      %dma_start3A_130 = arith.constant 0 : i32
      %dma_start3A_131 = tpu.memref_slice %arg3[%add3A, %dma_start3A_129, %dma_start3A_130] : memref<32x32x80xi32, #tpu.memory_space<hbm>> -> memref<1x32x80xi32, #tpu.memory_space<hbm>>
      %dma_start3A_132 = tpu.memref_squeeze %dma_start3A_131 : memref<1x32x80xi32, #tpu.memory_space<hbm>> -> memref<32x80xi32, #tpu.memory_space<hbm>>
      tpu.enqueue_dma source(%dma_start3A_132 : memref<32x80xi32, #tpu.memory_space<hbm>>) target(%arg11 : memref<32x80xi32, #tpu.memory_space<vmem>>) target_semaphore(%run_scoped3A : memref<!tpu.dma_semaphore, #tpu.memory_space<semaphore_mem>>)
      %dma_wait3A_133 = arith.constant 0 : i32
      %dma_wait3A_134 = arith.constant 0 : i32
      %dma_wait3A_135 = tpu.memref_slice %arg3[%add3A, %dma_wait3A_133, %dma_wait3A_134] : memref<32x32x80xi32, #tpu.memory_space<hbm>> -> memref<1x32x80xi32, #tpu.memory_space<hbm>>
      %dma_wait3A_136 = tpu.memref_squeeze %dma_wait3A_135 : memref<1x32x80xi32, #tpu.memory_space<hbm>> -> memref<32x80xi32, #tpu.memory_space<hbm>>
      %dma_wait3A_137 = arith.constant 0 : i32
      %dma_wait3A_138 = arith.constant 0 : i32
      %dma_wait3A_139 = tpu.memref_slice %arg3[%add3A, %dma_wait3A_137, %dma_wait3A_138] : memref<32x32x80xi32, #tpu.memory_space<hbm>> -> memref<1x32x80xi32, #tpu.memory_space<hbm>>
      %dma_wait3A_140 = tpu.memref_squeeze %dma_wait3A_139 : memref<1x32x80xi32, #tpu.memory_space<hbm>> -> memref<32x80xi32, #tpu.memory_space<hbm>>
      tpu.wait_dma2 semaphore(%run_scoped3A : memref<!tpu.dma_semaphore, #tpu.memory_space<semaphore_mem>>) src(%dma_wait3A_140 : memref<32x80xi32, #tpu.memory_space<hbm>>) dst(%arg11 : memref<32x80xi32, #tpu.memory_space<vmem>>)
      tpu.yield
    }) : () -> ()
    %mul3A_16 = arith.constant 128 : i32
    %mul3A_17 = arith.muli %add3A, %mul3A_16 : i32
    "tpu.region"() ({
      %run_scoped3A = tpu.sem_alloc : memref<!tpu.dma_semaphore, #tpu.memory_space<semaphore_mem>>
      %dma_start3A_125 = arith.constant 0 : i32
      %dma_start3A_126 = tpu.memref_slice %arg4[%dma_start3A_125, %mul3A_17] : memref<26x4096xi32, #tpu.memory_space<hbm>> -> memref<26x128xi32, #tpu.memory_space<hbm>>
      %dma_start3A_127 = arith.constant 0 : i32
      %dma_start3A_128 = tpu.memref_slice %arg4[%dma_start3A_127, %mul3A_17] : memref<26x4096xi32, #tpu.memory_space<hbm>> -> memref<26x128xi32, #tpu.memory_space<hbm>>
      tpu.enqueue_dma source(%dma_start3A_128 : memref<26x128xi32, #tpu.memory_space<hbm>>) target(%arg12 : memref<26x128xi32, #tpu.memory_space<vmem>>) target_semaphore(%run_scoped3A : memref<!tpu.dma_semaphore, #tpu.memory_space<semaphore_mem>>)
      %dma_wait3A_129 = arith.constant 0 : i32
      %dma_wait3A_130 = tpu.memref_slice %arg4[%dma_wait3A_129, %mul3A_17] : memref<26x4096xi32, #tpu.memory_space<hbm>> -> memref<26x128xi32, #tpu.memory_space<hbm>>
      %dma_wait3A_131 = arith.constant 0 : i32
      %dma_wait3A_132 = tpu.memref_slice %arg4[%dma_wait3A_131, %mul3A_17] : memref<26x4096xi32, #tpu.memory_space<hbm>> -> memref<26x128xi32, #tpu.memory_space<hbm>>
      tpu.wait_dma2 semaphore(%run_scoped3A : memref<!tpu.dma_semaphore, #tpu.memory_space<semaphore_mem>>) src(%dma_wait3A_132 : memref<26x128xi32, #tpu.memory_space<hbm>>) dst(%arg12 : memref<26x128xi32, #tpu.memory_space<vmem>>)
      tpu.yield
    }) : () -> ()
    %dma_start3A_18 = arith.constant 0 : i32
    %dma_start3A_19 = arith.constant 0 : i32
    %dma_start3A_20 = arith.constant 0 : i32
    %dma_start3A_21 = tpu.memref_slice %arg15[%dma_start3A_19, %dma_start3A_20] : memref<160x128xf32, #tpu.memory_space<vmem>> -> memref<80x128xf32, #tpu.memory_space<vmem>>
    %dma_start3A_22 = arith.constant 0 : i32
    %dma_start3A_23 = tpu.memref_slice %arg11[%dma_start3A_18, %dma_start3A_22] : memref<32x80xi32, #tpu.memory_space<vmem>> -> memref<1x80xi32, #tpu.memory_space<vmem>>
    %dma_start3A_24 = tpu.memref_squeeze %dma_start3A_23 : memref<1x80xi32, #tpu.memory_space<vmem>> -> memref<80xi32, #tpu.memory_space<vmem>>
    %dma_start3A_25 = arith.constant 0 : i32
    %dma_start3A_26 = arith.constant 0 : i32
    %dma_start3A_27 = tpu.memref_slice %arg6[%dma_start3A_25, %dma_start3A_26] : memref<100000x128xf32, #tpu.memory_space<hbm>> -> memref<100000x128xf32, #tpu.memory_space<hbm>>
    tpu.enqueue_indirect_dma source(%dma_start3A_27 : memref<100000x128xf32, #tpu.memory_space<hbm>>) target(%dma_start3A_21 : memref<80x128xf32, #tpu.memory_space<vmem>>) offsets(%dma_start3A_24 : memref<80xi32, #tpu.memory_space<vmem>>) semaphore(%arg25 : memref<!tpu.dma_semaphore, #tpu.memory_space<semaphore_mem>>)
    %dma_start3A_28 = arith.constant 1 : i32
    %dma_start3A_29 = arith.constant 80 : i32
    %dma_start3A_30 = arith.constant 0 : i32
    %dma_start3A_31 = tpu.memref_slice %arg15[%dma_start3A_29, %dma_start3A_30] : memref<160x128xf32, #tpu.memory_space<vmem>> -> memref<80x128xf32, #tpu.memory_space<vmem>>
    %dma_start3A_32 = arith.constant 0 : i32
    %dma_start3A_33 = tpu.memref_slice %arg11[%dma_start3A_28, %dma_start3A_32] : memref<32x80xi32, #tpu.memory_space<vmem>> -> memref<1x80xi32, #tpu.memory_space<vmem>>
    %dma_start3A_34 = tpu.memref_squeeze %dma_start3A_33 : memref<1x80xi32, #tpu.memory_space<vmem>> -> memref<80xi32, #tpu.memory_space<vmem>>
    %dma_start3A_35 = arith.constant 0 : i32
    %dma_start3A_36 = arith.constant 0 : i32
    %dma_start3A_37 = tpu.memref_slice %arg6[%dma_start3A_35, %dma_start3A_36] : memref<100000x128xf32, #tpu.memory_space<hbm>> -> memref<100000x128xf32, #tpu.memory_space<hbm>>
    tpu.enqueue_indirect_dma source(%dma_start3A_37 : memref<100000x128xf32, #tpu.memory_space<hbm>>) target(%dma_start3A_31 : memref<80x128xf32, #tpu.memory_space<vmem>>) offsets(%dma_start3A_34 : memref<80xi32, #tpu.memory_space<vmem>>) semaphore(%arg25 : memref<!tpu.dma_semaphore, #tpu.memory_space<semaphore_mem>>)
    %dma_start3A_38 = arith.constant 2 : i32
    %dma_start3A_39 = arith.constant 0 : i32
    %dma_start3A_40 = arith.constant 0 : i32
    %dma_start3A_41 = tpu.memref_slice %arg16[%dma_start3A_39, %dma_start3A_40] : memref<160x128xf32, #tpu.memory_space<vmem>> -> memref<80x128xf32, #tpu.memory_space<vmem>>
    %dma_start3A_42 = arith.constant 0 : i32
    %dma_start3A_43 = tpu.memref_slice %arg11[%dma_start3A_38, %dma_start3A_42] : memref<32x80xi32, #tpu.memory_space<vmem>> -> memref<1x80xi32, #tpu.memory_space<vmem>>
    %dma_start3A_44 = tpu.memref_squeeze %dma_start3A_43 : memref<1x80xi32, #tpu.memory_space<vmem>> -> memref<80xi32, #tpu.memory_space<vmem>>
    %dma_start3A_45 = arith.constant 0 : i32
    %dma_start3A_46 = arith.constant 0 : i32
    %dma_start3A_47 = tpu.memref_slice %arg6[%dma_start3A_45, %dma_start3A_46] : memref<100000x128xf32, #tpu.memory_space<hbm>> -> memref<100000x128xf32, #tpu.memory_space<hbm>>
    tpu.enqueue_indirect_dma source(%dma_start3A_47 : memref<100000x128xf32, #tpu.memory_space<hbm>>) target(%dma_start3A_41 : memref<80x128xf32, #tpu.memory_space<vmem>>) offsets(%dma_start3A_44 : memref<80xi32, #tpu.memory_space<vmem>>) semaphore(%arg26 : memref<!tpu.dma_semaphore, #tpu.memory_space<semaphore_mem>>)
    %dma_start3A_48 = arith.constant 3 : i32
    %dma_start3A_49 = arith.constant 80 : i32
    %dma_start3A_50 = arith.constant 0 : i32
    %dma_start3A_51 = tpu.memref_slice %arg16[%dma_start3A_49, %dma_start3A_50] : memref<160x128xf32, #tpu.memory_space<vmem>> -> memref<80x128xf32, #tpu.memory_space<vmem>>
    %dma_start3A_52 = arith.constant 0 : i32
    %dma_start3A_53 = tpu.memref_slice %arg11[%dma_start3A_48, %dma_start3A_52] : memref<32x80xi32, #tpu.memory_space<vmem>> -> memref<1x80xi32, #tpu.memory_space<vmem>>
    %dma_start3A_54 = tpu.memref_squeeze %dma_start3A_53 : memref<1x80xi32, #tpu.memory_space<vmem>> -> memref<80xi32, #tpu.memory_space<vmem>>
    %dma_start3A_55 = arith.constant 0 : i32
    %dma_start3A_56 = arith.constant 0 : i32
    %dma_start3A_57 = tpu.memref_slice %arg6[%dma_start3A_55, %dma_start3A_56] : memref<100000x128xf32, #tpu.memory_space<hbm>> -> memref<100000x128xf32, #tpu.memory_space<hbm>>
    tpu.enqueue_indirect_dma source(%dma_start3A_57 : memref<100000x128xf32, #tpu.memory_space<hbm>>) target(%dma_start3A_51 : memref<80x128xf32, #tpu.memory_space<vmem>>) offsets(%dma_start3A_54 : memref<80xi32, #tpu.memory_space<vmem>>) semaphore(%arg26 : memref<!tpu.dma_semaphore, #tpu.memory_space<semaphore_mem>>)
    %dma_start3A_58 = arith.constant 0 : i32
    %dma_start3A_59 = arith.constant 0 : i32
    %dma_start3A_60 = tpu.memref_slice %arg12[%dma_start3A_58, %dma_start3A_59] : memref<26x128xi32, #tpu.memory_space<vmem>> -> memref<1x128xi32, #tpu.memory_space<vmem>>
    %dma_start3A_61 = tpu.memref_squeeze %dma_start3A_60 : memref<1x128xi32, #tpu.memory_space<vmem>> -> memref<128xi32, #tpu.memory_space<vmem>>
    %dma_start3A_62 = arith.constant 0 : i32
    %dma_start3A_63 = arith.constant 0 : i32
    %dma_start3A_64 = tpu.memref_slice %arg7[%dma_start3A_62, %dma_start3A_63] : memref<100000x128xf32, #tpu.memory_space<hbm>> -> memref<100000x128xf32, #tpu.memory_space<hbm>>
    tpu.enqueue_indirect_dma source(%dma_start3A_64 : memref<100000x128xf32, #tpu.memory_space<hbm>>) target(%arg19 : memref<128x128xf32, #tpu.memory_space<vmem>>) offsets(%dma_start3A_61 : memref<128xi32, #tpu.memory_space<vmem>>) semaphore(%arg29 : memref<!tpu.dma_semaphore, #tpu.memory_space<semaphore_mem>>)
    %dma_start3A_65 = arith.constant 1 : i32
    %dma_start3A_66 = arith.constant 0 : i32
    %dma_start3A_67 = tpu.memref_slice %arg12[%dma_start3A_65, %dma_start3A_66] : memref<26x128xi32, #tpu.memory_space<vmem>> -> memref<1x128xi32, #tpu.memory_space<vmem>>
    %dma_start3A_68 = tpu.memref_squeeze %dma_start3A_67 : memref<1x128xi32, #tpu.memory_space<vmem>> -> memref<128xi32, #tpu.memory_space<vmem>>
    %dma_start3A_69 = arith.constant 0 : i32
    %dma_start3A_70 = arith.constant 0 : i32
    %dma_start3A_71 = tpu.memref_slice %arg7[%dma_start3A_69, %dma_start3A_70] : memref<100000x128xf32, #tpu.memory_space<hbm>> -> memref<100000x128xf32, #tpu.memory_space<hbm>>
    tpu.enqueue_indirect_dma source(%dma_start3A_71 : memref<100000x128xf32, #tpu.memory_space<hbm>>) target(%arg20 : memref<128x128xf32, #tpu.memory_space<vmem>>) offsets(%dma_start3A_68 : memref<128xi32, #tpu.memory_space<vmem>>) semaphore(%arg30 : memref<!tpu.dma_semaphore, #tpu.memory_space<semaphore_mem>>)
    %dma_start3A_72 = arith.constant 2 : i32
    %dma_start3A_73 = arith.constant 0 : i32
    %dma_start3A_74 = tpu.memref_slice %arg12[%dma_start3A_72, %dma_start3A_73] : memref<26x128xi32, #tpu.memory_space<vmem>> -> memref<1x128xi32, #tpu.memory_space<vmem>>
    %dma_start3A_75 = tpu.memref_squeeze %dma_start3A_74 : memref<1x128xi32, #tpu.memory_space<vmem>> -> memref<128xi32, #tpu.memory_space<vmem>>
    %dma_start3A_76 = arith.constant 0 : i32
    %dma_start3A_77 = arith.constant 0 : i32
    %dma_start3A_78 = tpu.memref_slice %arg7[%dma_start3A_76, %dma_start3A_77] : memref<100000x128xf32, #tpu.memory_space<hbm>> -> memref<100000x128xf32, #tpu.memory_space<hbm>>
    tpu.enqueue_indirect_dma source(%dma_start3A_78 : memref<100000x128xf32, #tpu.memory_space<hbm>>) target(%arg21 : memref<128x128xf32, #tpu.memory_space<vmem>>) offsets(%dma_start3A_75 : memref<128xi32, #tpu.memory_space<vmem>>) semaphore(%arg31 : memref<!tpu.dma_semaphore, #tpu.memory_space<semaphore_mem>>)
    %dma_start3A_79 = arith.constant 3 : i32
    %dma_start3A_80 = arith.constant 0 : i32
    %dma_start3A_81 = tpu.memref_slice %arg12[%dma_start3A_79, %dma_start3A_80] : memref<26x128xi32, #tpu.memory_space<vmem>> -> memref<1x128xi32, #tpu.memory_space<vmem>>
    %dma_start3A_82 = tpu.memref_squeeze %dma_start3A_81 : memref<1x128xi32, #tpu.memory_space<vmem>> -> memref<128xi32, #tpu.memory_space<vmem>>
    %dma_start3A_83 = arith.constant 0 : i32
    %dma_start3A_84 = arith.constant 0 : i32
    %dma_start3A_85 = tpu.memref_slice %arg7[%dma_start3A_83, %dma_start3A_84] : memref<100000x128xf32, #tpu.memory_space<hbm>> -> memref<100000x128xf32, #tpu.memory_space<hbm>>
    tpu.enqueue_indirect_dma source(%dma_start3A_85 : memref<100000x128xf32, #tpu.memory_space<hbm>>) target(%arg22 : memref<128x128xf32, #tpu.memory_space<vmem>>) offsets(%dma_start3A_82 : memref<128xi32, #tpu.memory_space<vmem>>) semaphore(%arg32 : memref<!tpu.dma_semaphore, #tpu.memory_space<semaphore_mem>>)
    %scan3A = arith.constant 0 : i32
    %scan3A_86 = arith.constant 8 : i32
    %scan3A_87 = arith.addi %scan3A, %scan3A_86 : i32
    %scan3A_88 = arith.constant 1 : i32
    scf.for %scan3A_125 = %scan3A to %scan3A_87 step %scan3A_88  : i32 {
      %mul3A_126 = arith.constant 1 : i32
      %mul3A_127 = arith.muli %scan3A_125, %mul3A_126 : i32
      %add3A_128 = arith.constant 0 : i32
      %add3A_129 = arith.addi %add3A_128, %mul3A_127 : i32
      %mul3A_130 = arith.constant 2 : i32
      %mul3A_131 = arith.muli %mul3A_130, %add3A_129 : i32
      %add3A_132 = arith.constant 0 : i32
      %add3A_133 = arith.addi %mul3A_131, %add3A_132 : i32
      %mul3A_134 = arith.constant 2 : i32
      %mul3A_135 = arith.muli %mul3A_134, %add3A_133 : i32
      %add3A_136 = arith.constant 2 : i32
      %add3A_137 = arith.addi %mul3A_135, %add3A_136 : i32
      %add3A_138 = arith.constant 0 : i32
      %add3A_139 = arith.addi %add3A_137, %add3A_138 : i32
      %ge3A = arith.constant 4 : i32
      %ge3A_140 = arith.cmpi sge, %add3A_139, %ge3A : i32
      %lt3A = arith.constant 26 : i32
      %lt3A_141 = arith.cmpi slt, %add3A_139, %lt3A : i32
      %and3A = arith.andi %ge3A_140, %lt3A_141 : i1
      %convert_element_type3A = arith.extui %and3A : i1 to i32
      %cond3A = arith.constant 0 : i32
      %cond3A_142 = arith.cmpi ne, %convert_element_type3A, %cond3A : i32
      scf.if %cond3A_142 {
        %sub3A = arith.constant 4 : i32
        %sub3A_341 = arith.subi %add3A_139, %sub3A : i32
        %mul3A_342 = arith.constant 4096 : i32
        %mul3A_343 = arith.muli %sub3A_341, %mul3A_342 : i32
        %add3A_344 = arith.addi %mul3A_343, %mul3A_2 : i32
        %dma_wait3A_345 = arith.constant 0 : i32
        %dma_wait3A_346 = tpu.memref_slice %arg9[%add3A_344, %dma_wait3A_345] : memref<106496x128xf32, #tpu.memory_space<hbm>> -> memref<128x128xf32, #tpu.memory_space<hbm>>
        %dma_wait3A_347 = arith.constant 0 : i32
        %dma_wait3A_348 = tpu.memref_slice %arg9[%add3A_344, %dma_wait3A_347] : memref<106496x128xf32, #tpu.memory_space<hbm>> -> memref<128x128xf32, #tpu.memory_space<hbm>>
        tpu.wait_dma2 semaphore(%arg35 : memref<!tpu.dma_semaphore, #tpu.memory_space<semaphore_mem>>) src(%arg21 : memref<128x128xf32, #tpu.memory_space<vmem>>) dst(%dma_wait3A_348 : memref<128x128xf32, #tpu.memory_space<hbm>>)
        %dma_start3A_349 = arith.constant 0 : i32
        %dma_start3A_350 = tpu.memref_slice %arg12[%add3A_139, %dma_start3A_349] : memref<26x128xi32, #tpu.memory_space<vmem>> -> memref<1x128xi32, #tpu.memory_space<vmem>>
        %dma_start3A_351 = tpu.memref_squeeze %dma_start3A_350 : memref<1x128xi32, #tpu.memory_space<vmem>> -> memref<128xi32, #tpu.memory_space<vmem>>
        %dma_start3A_352 = arith.constant 0 : i32
        %dma_start3A_353 = arith.constant 0 : i32
        %dma_start3A_354 = tpu.memref_slice %arg7[%dma_start3A_352, %dma_start3A_353] : memref<100000x128xf32, #tpu.memory_space<hbm>> -> memref<100000x128xf32, #tpu.memory_space<hbm>>
        tpu.enqueue_indirect_dma source(%dma_start3A_354 : memref<100000x128xf32, #tpu.memory_space<hbm>>) target(%arg21 : memref<128x128xf32, #tpu.memory_space<vmem>>) offsets(%dma_start3A_351 : memref<128xi32, #tpu.memory_space<vmem>>) semaphore(%arg31 : memref<!tpu.dma_semaphore, #tpu.memory_space<semaphore_mem>>)
      } else {
      }
      %mul3A_143 = arith.constant 2 : i32
      %mul3A_144 = arith.muli %mul3A_143, %add3A_133 : i32
      %add3A_145 = arith.constant 2 : i32
      %add3A_146 = arith.addi %mul3A_144, %add3A_145 : i32
      %add3A_147 = arith.constant 1 : i32
      %add3A_148 = arith.addi %add3A_146, %add3A_147 : i32
      %ge3A_149 = arith.constant 4 : i32
      %ge3A_150 = arith.cmpi sge, %add3A_148, %ge3A_149 : i32
      %lt3A_151 = arith.constant 26 : i32
      %lt3A_152 = arith.cmpi slt, %add3A_148, %lt3A_151 : i32
      %and3A_153 = arith.andi %ge3A_150, %lt3A_152 : i1
      %convert_element_type3A_154 = arith.extui %and3A_153 : i1 to i32
      %cond3A_155 = arith.constant 0 : i32
      %cond3A_156 = arith.cmpi ne, %convert_element_type3A_154, %cond3A_155 : i32
      scf.if %cond3A_156 {
        %sub3A = arith.constant 4 : i32
        %sub3A_341 = arith.subi %add3A_148, %sub3A : i32
        %mul3A_342 = arith.constant 4096 : i32
        %mul3A_343 = arith.muli %sub3A_341, %mul3A_342 : i32
        %add3A_344 = arith.addi %mul3A_343, %mul3A_2 : i32
        %dma_wait3A_345 = arith.constant 0 : i32
        %dma_wait3A_346 = tpu.memref_slice %arg9[%add3A_344, %dma_wait3A_345] : memref<106496x128xf32, #tpu.memory_space<hbm>> -> memref<128x128xf32, #tpu.memory_space<hbm>>
        %dma_wait3A_347 = arith.constant 0 : i32
        %dma_wait3A_348 = tpu.memref_slice %arg9[%add3A_344, %dma_wait3A_347] : memref<106496x128xf32, #tpu.memory_space<hbm>> -> memref<128x128xf32, #tpu.memory_space<hbm>>
        tpu.wait_dma2 semaphore(%arg36 : memref<!tpu.dma_semaphore, #tpu.memory_space<semaphore_mem>>) src(%arg22 : memref<128x128xf32, #tpu.memory_space<vmem>>) dst(%dma_wait3A_348 : memref<128x128xf32, #tpu.memory_space<hbm>>)
        %dma_start3A_349 = arith.constant 0 : i32
        %dma_start3A_350 = tpu.memref_slice %arg12[%add3A_148, %dma_start3A_349] : memref<26x128xi32, #tpu.memory_space<vmem>> -> memref<1x128xi32, #tpu.memory_space<vmem>>
        %dma_start3A_351 = tpu.memref_squeeze %dma_start3A_350 : memref<1x128xi32, #tpu.memory_space<vmem>> -> memref<128xi32, #tpu.memory_space<vmem>>
        %dma_start3A_352 = arith.constant 0 : i32
        %dma_start3A_353 = arith.constant 0 : i32
        %dma_start3A_354 = tpu.memref_slice %arg7[%dma_start3A_352, %dma_start3A_353] : memref<100000x128xf32, #tpu.memory_space<hbm>> -> memref<100000x128xf32, #tpu.memory_space<hbm>>
        tpu.enqueue_indirect_dma source(%dma_start3A_354 : memref<100000x128xf32, #tpu.memory_space<hbm>>) target(%arg22 : memref<128x128xf32, #tpu.memory_space<vmem>>) offsets(%dma_start3A_351 : memref<128xi32, #tpu.memory_space<vmem>>) semaphore(%arg32 : memref<!tpu.dma_semaphore, #tpu.memory_space<semaphore_mem>>)
      } else {
      }
      %mul3A_157 = arith.constant 2 : i32
      %mul3A_158 = arith.muli %mul3A_157, %add3A_133 : i32
      %add3A_159 = arith.constant 0 : i32
      %add3A_160 = arith.addi %mul3A_158, %add3A_159 : i32
      %lt3A_161 = arith.constant 26 : i32
      %lt3A_162 = arith.cmpi slt, %add3A_160, %lt3A_161 : i32
      %convert_element_type3A_163 = arith.extui %lt3A_162 : i1 to i32
      %cond3A_164 = arith.constant 0 : i32
      %cond3A_165 = arith.cmpi ne, %convert_element_type3A_163, %cond3A_164 : i32
      scf.if %cond3A_165 {
        %dma_wait3A_341 = arith.constant 0 : i32
        %dma_wait3A_342 = tpu.memref_slice %arg12[%add3A_160, %dma_wait3A_341] : memref<26x128xi32, #tpu.memory_space<vmem>> -> memref<1x128xi32, #tpu.memory_space<vmem>>
        %dma_wait3A_343 = tpu.memref_squeeze %dma_wait3A_342 : memref<1x128xi32, #tpu.memory_space<vmem>> -> memref<128xi32, #tpu.memory_space<vmem>>
        %dma_wait3A_344 = arith.constant 0 : i32
        %dma_wait3A_345 = arith.constant 0 : i32
        %dma_wait3A_346 = tpu.memref_slice %arg7[%dma_wait3A_344, %dma_wait3A_345] : memref<100000x128xf32, #tpu.memory_space<hbm>> -> memref<100000x128xf32, #tpu.memory_space<hbm>>
        tpu.wait_indirect_dma semaphore(%arg29 : memref<!tpu.dma_semaphore, #tpu.memory_space<semaphore_mem>>) src(%dma_wait3A_346 : memref<100000x128xf32, #tpu.memory_space<hbm>>) dst(%arg19 : memref<128x128xf32, #tpu.memory_space<vmem>>)
        %mul3A_347 = arith.constant 4096 : i32
        %mul3A_348 = arith.muli %add3A_160, %mul3A_347 : i32
        %add3A_349 = arith.addi %mul3A_348, %mul3A_2 : i32
        %dma_start3A_350 = arith.constant 0 : i32
        %dma_start3A_351 = tpu.memref_slice %arg9[%add3A_349, %dma_start3A_350] : memref<106496x128xf32, #tpu.memory_space<hbm>> -> memref<128x128xf32, #tpu.memory_space<hbm>>
        %dma_start3A_352 = arith.constant 0 : i32
        %dma_start3A_353 = tpu.memref_slice %arg9[%add3A_349, %dma_start3A_352] : memref<106496x128xf32, #tpu.memory_space<hbm>> -> memref<128x128xf32, #tpu.memory_space<hbm>>
        tpu.enqueue_dma source(%arg19 : memref<128x128xf32, #tpu.memory_space<vmem>>) target(%dma_start3A_353 : memref<128x128xf32, #tpu.memory_space<hbm>>) target_semaphore(%arg33 : memref<!tpu.dma_semaphore, #tpu.memory_space<semaphore_mem>>)
      } else {
      }
      %mul3A_166 = arith.constant 2 : i32
      %mul3A_167 = arith.muli %mul3A_166, %add3A_133 : i32
      %add3A_168 = arith.constant 1 : i32
      %add3A_169 = arith.addi %mul3A_167, %add3A_168 : i32
      %lt3A_170 = arith.constant 26 : i32
      %lt3A_171 = arith.cmpi slt, %add3A_169, %lt3A_170 : i32
      %convert_element_type3A_172 = arith.extui %lt3A_171 : i1 to i32
      %cond3A_173 = arith.constant 0 : i32
      %cond3A_174 = arith.cmpi ne, %convert_element_type3A_172, %cond3A_173 : i32
      scf.if %cond3A_174 {
        %dma_wait3A_341 = arith.constant 0 : i32
        %dma_wait3A_342 = tpu.memref_slice %arg12[%add3A_169, %dma_wait3A_341] : memref<26x128xi32, #tpu.memory_space<vmem>> -> memref<1x128xi32, #tpu.memory_space<vmem>>
        %dma_wait3A_343 = tpu.memref_squeeze %dma_wait3A_342 : memref<1x128xi32, #tpu.memory_space<vmem>> -> memref<128xi32, #tpu.memory_space<vmem>>
        %dma_wait3A_344 = arith.constant 0 : i32
        %dma_wait3A_345 = arith.constant 0 : i32
        %dma_wait3A_346 = tpu.memref_slice %arg7[%dma_wait3A_344, %dma_wait3A_345] : memref<100000x128xf32, #tpu.memory_space<hbm>> -> memref<100000x128xf32, #tpu.memory_space<hbm>>
        tpu.wait_indirect_dma semaphore(%arg30 : memref<!tpu.dma_semaphore, #tpu.memory_space<semaphore_mem>>) src(%dma_wait3A_346 : memref<100000x128xf32, #tpu.memory_space<hbm>>) dst(%arg20 : memref<128x128xf32, #tpu.memory_space<vmem>>)
        %mul3A_347 = arith.constant 4096 : i32
        %mul3A_348 = arith.muli %add3A_169, %mul3A_347 : i32
        %add3A_349 = arith.addi %mul3A_348, %mul3A_2 : i32
        %dma_start3A_350 = arith.constant 0 : i32
        %dma_start3A_351 = tpu.memref_slice %arg9[%add3A_349, %dma_start3A_350] : memref<106496x128xf32, #tpu.memory_space<hbm>> -> memref<128x128xf32, #tpu.memory_space<hbm>>
        %dma_start3A_352 = arith.constant 0 : i32
        %dma_start3A_353 = tpu.memref_slice %arg9[%add3A_349, %dma_start3A_352] : memref<106496x128xf32, #tpu.memory_space<hbm>> -> memref<128x128xf32, #tpu.memory_space<hbm>>
        tpu.enqueue_dma source(%arg20 : memref<128x128xf32, #tpu.memory_space<vmem>>) target(%dma_start3A_353 : memref<128x128xf32, #tpu.memory_space<hbm>>) target_semaphore(%arg34 : memref<!tpu.dma_semaphore, #tpu.memory_space<semaphore_mem>>)
      } else {
      }
      %mul3A_175 = arith.constant 8 : i32
      %mul3A_176 = arith.muli %add3A_133, %mul3A_175 : i32
      %dma_wait3A_177 = arith.constant 0 : i32
      %dma_wait3A_178 = tpu.memref_slice %arg10[%dma_wait3A_177, %mul3A_176] : memref<1x128xi32, #tpu.memory_space<vmem>> -> memref<1x8xi32, #tpu.memory_space<vmem>>
      %dma_wait3A_179 = tpu.memref_squeeze %dma_wait3A_178 : memref<1x8xi32, #tpu.memory_space<vmem>> -> memref<8xi32, #tpu.memory_space<vmem>>
      %dma_wait3A_180 = arith.constant 0 : i32
      %dma_wait3A_181 = arith.constant 0 : i32
      %dma_wait3A_182 = tpu.memref_slice %arg5[%dma_wait3A_180, %dma_wait3A_181] : memref<100000x128xf32, #tpu.memory_space<hbm>> -> memref<100000x128xf32, #tpu.memory_space<hbm>>
      tpu.wait_indirect_dma semaphore(%arg23 : memref<!tpu.dma_semaphore, #tpu.memory_space<semaphore_mem>>) src(%dma_wait3A_182 : memref<100000x128xf32, #tpu.memory_space<hbm>>) dst(%arg13 : memref<8x128xf32, #tpu.memory_space<vmem>>)
      %mul3A_183 = arith.constant 2 : i32
      %mul3A_184 = arith.muli %add3A_133, %mul3A_183 : i32
      %add3A_185 = arith.constant 0 : i32
      %add3A_186 = arith.addi %mul3A_184, %add3A_185 : i32
      %dma_wait3A_187 = arith.constant 0 : i32
      %dma_wait3A_188 = arith.constant 0 : i32
      %dma_wait3A_189 = tpu.memref_slice %arg15[%dma_wait3A_187, %dma_wait3A_188] : memref<160x128xf32, #tpu.memory_space<vmem>> -> memref<80x128xf32, #tpu.memory_space<vmem>>
      %dma_wait3A_190 = arith.constant 0 : i32
      %dma_wait3A_191 = tpu.memref_slice %arg11[%add3A_186, %dma_wait3A_190] : memref<32x80xi32, #tpu.memory_space<vmem>> -> memref<1x80xi32, #tpu.memory_space<vmem>>
      %dma_wait3A_192 = tpu.memref_squeeze %dma_wait3A_191 : memref<1x80xi32, #tpu.memory_space<vmem>> -> memref<80xi32, #tpu.memory_space<vmem>>
      %dma_wait3A_193 = arith.constant 0 : i32
      %dma_wait3A_194 = arith.constant 0 : i32
      %dma_wait3A_195 = tpu.memref_slice %arg6[%dma_wait3A_193, %dma_wait3A_194] : memref<100000x128xf32, #tpu.memory_space<hbm>> -> memref<100000x128xf32, #tpu.memory_space<hbm>>
      tpu.wait_indirect_dma semaphore(%arg25 : memref<!tpu.dma_semaphore, #tpu.memory_space<semaphore_mem>>) src(%dma_wait3A_195 : memref<100000x128xf32, #tpu.memory_space<hbm>>) dst(%dma_wait3A_189 : memref<80x128xf32, #tpu.memory_space<vmem>>)
      %mul3A_196 = arith.constant 2 : i32
      %mul3A_197 = arith.muli %add3A_133, %mul3A_196 : i32
      %add3A_198 = arith.constant 1 : i32
      %add3A_199 = arith.addi %mul3A_197, %add3A_198 : i32
      %dma_wait3A_200 = arith.constant 80 : i32
      %dma_wait3A_201 = arith.constant 0 : i32
      %dma_wait3A_202 = tpu.memref_slice %arg15[%dma_wait3A_200, %dma_wait3A_201] : memref<160x128xf32, #tpu.memory_space<vmem>> -> memref<80x128xf32, #tpu.memory_space<vmem>>
      %dma_wait3A_203 = arith.constant 0 : i32
      %dma_wait3A_204 = tpu.memref_slice %arg11[%add3A_199, %dma_wait3A_203] : memref<32x80xi32, #tpu.memory_space<vmem>> -> memref<1x80xi32, #tpu.memory_space<vmem>>
      %dma_wait3A_205 = tpu.memref_squeeze %dma_wait3A_204 : memref<1x80xi32, #tpu.memory_space<vmem>> -> memref<80xi32, #tpu.memory_space<vmem>>
      %dma_wait3A_206 = arith.constant 0 : i32
      %dma_wait3A_207 = arith.constant 0 : i32
      %dma_wait3A_208 = tpu.memref_slice %arg6[%dma_wait3A_206, %dma_wait3A_207] : memref<100000x128xf32, #tpu.memory_space<hbm>> -> memref<100000x128xf32, #tpu.memory_space<hbm>>
      tpu.wait_indirect_dma semaphore(%arg25 : memref<!tpu.dma_semaphore, #tpu.memory_space<semaphore_mem>>) src(%dma_wait3A_208 : memref<100000x128xf32, #tpu.memory_space<hbm>>) dst(%dma_wait3A_202 : memref<80x128xf32, #tpu.memory_space<vmem>>)
      %ge3A_209 = arith.constant 2 : i32
      %ge3A_210 = arith.cmpi sge, %add3A_133, %ge3A_209 : i32
      %convert_element_type3A_211 = arith.extui %ge3A_210 : i1 to i32
      %cond3A_212 = arith.constant 0 : i32
      %cond3A_213 = arith.cmpi ne, %convert_element_type3A_211, %cond3A_212 : i32
      scf.if %cond3A_213 {
        %sub3A = arith.constant 2 : i32
        %sub3A_341 = arith.subi %add3A_133, %sub3A : i32
        %mul3A_342 = arith.constant 8 : i32
        %mul3A_343 = arith.muli %sub3A_341, %mul3A_342 : i32
        %add3A_344 = arith.addi %mul3A_2, %mul3A_343 : i32
        %dma_wait3A_345 = arith.constant 0 : i32
        %dma_wait3A_346 = tpu.memref_slice %arg8[%add3A_344, %dma_wait3A_345] : memref<4096x128xf32, #tpu.memory_space<hbm>> -> memref<8x128xf32, #tpu.memory_space<hbm>>
        %dma_wait3A_347 = arith.constant 0 : i32
        %dma_wait3A_348 = tpu.memref_slice %arg8[%add3A_344, %dma_wait3A_347] : memref<4096x128xf32, #tpu.memory_space<hbm>> -> memref<8x128xf32, #tpu.memory_space<hbm>>
        tpu.wait_dma2 semaphore(%arg27 : memref<!tpu.dma_semaphore, #tpu.memory_space<semaphore_mem>>) src(%arg17 : memref<8x128xf32, #tpu.memory_space<vmem>>) dst(%dma_wait3A_348 : memref<8x128xf32, #tpu.memory_space<hbm>>)
      } else {
      }
      %scan3A_214 = arith.constant 0 : i32
      %scan3A_215 = arith.constant 8 : i32
      %scan3A_216 = arith.addi %scan3A_214, %scan3A_215 : i32
      %scan3A_217 = arith.constant 1 : i32
      scf.for %scan3A_341 = %scan3A_214 to %scan3A_216 step %scan3A_217  : i32 {
        %mul3A_342 = arith.constant 1 : i32
        %mul3A_343 = arith.muli %scan3A_341, %mul3A_342 : i32
        %add3A_344 = arith.constant 0 : i32
        %add3A_345 = arith.addi %add3A_344, %mul3A_343 : i32
        %get3A = arith.index_cast %add3A_345 : i32 to index
        %get3A_346 = arith.constant 0 : index
        %get3A_347 = tpu.vector_load %arg13[%get3A, %get3A_346] {strides = array<i32>} : memref<8x128xf32, #tpu.memory_space<vmem>>, vector<1x16xf32>,
        %get3A_348 = vector.shape_cast %get3A_347 : vector<1x16xf32> to vector<16xf32>
        %mul3A_349 = arith.constant 20 : i32
        %mul3A_350 = arith.muli %add3A_345, %mul3A_349 : i32
        %add3A_351 = arith.constant 0 : i32
        %add3A_352 = arith.addi %mul3A_350, %add3A_351 : i32
        %get3A_353 = arith.index_cast %add3A_352 : i32 to index
        %get3A_354 = arith.constant 0 : index
        %get3A_355 = tpu.vector_load %arg15[%get3A_353, %get3A_354] {strides = array<i32>} : memref<160x128xf32, #tpu.memory_space<vmem>>, vector<1x16xf32>,
        %get3A_356 = vector.shape_cast %get3A_355 : vector<1x16xf32> to vector<16xf32>
        %add3A_357 = arith.addf %get3A_348, %get3A_356 : vector<16xf32>
        %mul3A_358 = arith.constant 20 : i32
        %mul3A_359 = arith.muli %add3A_345, %mul3A_358 : i32
        %add3A_360 = arith.constant 1 : i32
        %add3A_361 = arith.addi %mul3A_359, %add3A_360 : i32
        %get3A_362 = arith.index_cast %add3A_361 : i32 to index
        %get3A_363 = arith.constant 0 : index
        %get3A_364 = tpu.vector_load %arg15[%get3A_362, %get3A_363] {strides = array<i32>} : memref<160x128xf32, #tpu.memory_space<vmem>>, vector<1x16xf32>,
        %get3A_365 = vector.shape_cast %get3A_364 : vector<1x16xf32> to vector<16xf32>
        %add3A_366 = arith.addf %add3A_357, %get3A_365 : vector<16xf32>
        %mul3A_367 = arith.constant 20 : i32
        %mul3A_368 = arith.muli %add3A_345, %mul3A_367 : i32
        %add3A_369 = arith.constant 2 : i32
        %add3A_370 = arith.addi %mul3A_368, %add3A_369 : i32
        %get3A_371 = arith.index_cast %add3A_370 : i32 to index
        %get3A_372 = arith.constant 0 : index
        %get3A_373 = tpu.vector_load %arg15[%get3A_371, %get3A_372] {strides = array<i32>} : memref<160x128xf32, #tpu.memory_space<vmem>>, vector<1x16xf32>,
        %get3A_374 = vector.shape_cast %get3A_373 : vector<1x16xf32> to vector<16xf32>
        %add3A_375 = arith.addf %add3A_366, %get3A_374 : vector<16xf32>
        %mul3A_376 = arith.constant 20 : i32
        %mul3A_377 = arith.muli %add3A_345, %mul3A_376 : i32
        %add3A_378 = arith.constant 3 : i32
        %add3A_379 = arith.addi %mul3A_377, %add3A_378 : i32
        %get3A_380 = arith.index_cast %add3A_379 : i32 to index
        %get3A_381 = arith.constant 0 : index
        %get3A_382 = tpu.vector_load %arg15[%get3A_380, %get3A_381] {strides = array<i32>} : memref<160x128xf32, #tpu.memory_space<vmem>>, vector<1x16xf32>,
        %get3A_383 = vector.shape_cast %get3A_382 : vector<1x16xf32> to vector<16xf32>
        %add3A_384 = arith.addf %add3A_375, %get3A_383 : vector<16xf32>
        %mul3A_385 = arith.constant 20 : i32
        %mul3A_386 = arith.muli %add3A_345, %mul3A_385 : i32
        %add3A_387 = arith.constant 4 : i32
        %add3A_388 = arith.addi %mul3A_386, %add3A_387 : i32
        %get3A_389 = arith.index_cast %add3A_388 : i32 to index
        %get3A_390 = arith.constant 0 : index
        %get3A_391 = tpu.vector_load %arg15[%get3A_389, %get3A_390] {strides = array<i32>} : memref<160x128xf32, #tpu.memory_space<vmem>>, vector<1x16xf32>,
        %get3A_392 = vector.shape_cast %get3A_391 : vector<1x16xf32> to vector<16xf32>
        %add3A_393 = arith.addf %add3A_384, %get3A_392 : vector<16xf32>
        %mul3A_394 = arith.constant 20 : i32
        %mul3A_395 = arith.muli %add3A_345, %mul3A_394 : i32
        %add3A_396 = arith.constant 5 : i32
        %add3A_397 = arith.addi %mul3A_395, %add3A_396 : i32
        %get3A_398 = arith.index_cast %add3A_397 : i32 to index
        %get3A_399 = arith.constant 0 : index
        %get3A_400 = tpu.vector_load %arg15[%get3A_398, %get3A_399] {strides = array<i32>} : memref<160x128xf32, #tpu.memory_space<vmem>>, vector<1x16xf32>,
        %get3A_401 = vector.shape_cast %get3A_400 : vector<1x16xf32> to vector<16xf32>
        %add3A_402 = arith.addf %add3A_393, %get3A_401 : vector<16xf32>
        %mul3A_403 = arith.constant 20 : i32
        %mul3A_404 = arith.muli %add3A_345, %mul3A_403 : i32
        %add3A_405 = arith.constant 6 : i32
        %add3A_406 = arith.addi %mul3A_404, %add3A_405 : i32
        %get3A_407 = arith.index_cast %add3A_406 : i32 to index
        %get3A_408 = arith.constant 0 : index
        %get3A_409 = tpu.vector_load %arg15[%get3A_407, %get3A_408] {strides = array<i32>} : memref<160x128xf32, #tpu.memory_space<vmem>>, vector<1x16xf32>,
        %get3A_410 = vector.shape_cast %get3A_409 : vector<1x16xf32> to vector<16xf32>
        %add3A_411 = arith.addf %add3A_402, %get3A_410 : vector<16xf32>
        %mul3A_412 = arith.constant 20 : i32
        %mul3A_413 = arith.muli %add3A_345, %mul3A_412 : i32
        %add3A_414 = arith.constant 7 : i32
        %add3A_415 = arith.addi %mul3A_413, %add3A_414 : i32
        %get3A_416 = arith.index_cast %add3A_415 : i32 to index
        %get3A_417 = arith.constant 0 : index
        %get3A_418 = tpu.vector_load %arg15[%get3A_416, %get3A_417] {strides = array<i32>} : memref<160x128xf32, #tpu.memory_space<vmem>>, vector<1x16xf32>,
        %get3A_419 = vector.shape_cast %get3A_418 : vector<1x16xf32> to vector<16xf32>
        %add3A_420 = arith.addf %add3A_411, %get3A_419 : vector<16xf32>
        %mul3A_421 = arith.constant 20 : i32
        %mul3A_422 = arith.muli %add3A_345, %mul3A_421 : i32
        %add3A_423 = arith.constant 8 : i32
        %add3A_424 = arith.addi %mul3A_422, %add3A_423 : i32
        %get3A_425 = arith.index_cast %add3A_424 : i32 to index
        %get3A_426 = arith.constant 0 : index
        %get3A_427 = tpu.vector_load %arg15[%get3A_425, %get3A_426] {strides = array<i32>} : memref<160x128xf32, #tpu.memory_space<vmem>>, vector<1x16xf32>,
        %get3A_428 = vector.shape_cast %get3A_427 : vector<1x16xf32> to vector<16xf32>
        %add3A_429 = arith.addf %add3A_420, %get3A_428 : vector<16xf32>
        %mul3A_430 = arith.constant 20 : i32
        %mul3A_431 = arith.muli %add3A_345, %mul3A_430 : i32
        %add3A_432 = arith.constant 9 : i32
        %add3A_433 = arith.addi %mul3A_431, %add3A_432 : i32
        %get3A_434 = arith.index_cast %add3A_433 : i32 to index
        %get3A_435 = arith.constant 0 : index
        %get3A_436 = tpu.vector_load %arg15[%get3A_434, %get3A_435] {strides = array<i32>} : memref<160x128xf32, #tpu.memory_space<vmem>>, vector<1x16xf32>,
        %get3A_437 = vector.shape_cast %get3A_436 : vector<1x16xf32> to vector<16xf32>
        %add3A_438 = arith.addf %add3A_429, %get3A_437 : vector<16xf32>
        %mul3A_439 = arith.constant 20 : i32
        %mul3A_440 = arith.muli %add3A_345, %mul3A_439 : i32
        %add3A_441 = arith.constant 10 : i32
        %add3A_442 = arith.addi %mul3A_440, %add3A_441 : i32
        %get3A_443 = arith.index_cast %add3A_442 : i32 to index
        %get3A_444 = arith.constant 0 : index
        %get3A_445 = tpu.vector_load %arg15[%get3A_443, %get3A_444] {strides = array<i32>} : memref<160x128xf32, #tpu.memory_space<vmem>>, vector<1x16xf32>,
        %get3A_446 = vector.shape_cast %get3A_445 : vector<1x16xf32> to vector<16xf32>
        %add3A_447 = arith.addf %add3A_438, %get3A_446 : vector<16xf32>
        %mul3A_448 = arith.constant 20 : i32
        %mul3A_449 = arith.muli %add3A_345, %mul3A_448 : i32
        %add3A_450 = arith.constant 11 : i32
        %add3A_451 = arith.addi %mul3A_449, %add3A_450 : i32
        %get3A_452 = arith.index_cast %add3A_451 : i32 to index
        %get3A_453 = arith.constant 0 : index
        %get3A_454 = tpu.vector_load %arg15[%get3A_452, %get3A_453] {strides = array<i32>} : memref<160x128xf32, #tpu.memory_space<vmem>>, vector<1x16xf32>,
        %get3A_455 = vector.shape_cast %get3A_454 : vector<1x16xf32> to vector<16xf32>
        %add3A_456 = arith.addf %add3A_447, %get3A_455 : vector<16xf32>
        %mul3A_457 = arith.constant 20 : i32
        %mul3A_458 = arith.muli %add3A_345, %mul3A_457 : i32
        %add3A_459 = arith.constant 12 : i32
        %add3A_460 = arith.addi %mul3A_458, %add3A_459 : i32
        %get3A_461 = arith.index_cast %add3A_460 : i32 to index
        %get3A_462 = arith.constant 0 : index
        %get3A_463 = tpu.vector_load %arg15[%get3A_461, %get3A_462] {strides = array<i32>} : memref<160x128xf32, #tpu.memory_space<vmem>>, vector<1x16xf32>,
        %get3A_464 = vector.shape_cast %get3A_463 : vector<1x16xf32> to vector<16xf32>
        %add3A_465 = arith.addf %add3A_456, %get3A_464 : vector<16xf32>
        %mul3A_466 = arith.constant 20 : i32
        %mul3A_467 = arith.muli %add3A_345, %mul3A_466 : i32
        %add3A_468 = arith.constant 13 : i32
        %add3A_469 = arith.addi %mul3A_467, %add3A_468 : i32
        %get3A_470 = arith.index_cast %add3A_469 : i32 to index
        %get3A_471 = arith.constant 0 : index
        %get3A_472 = tpu.vector_load %arg15[%get3A_470, %get3A_471] {strides = array<i32>} : memref<160x128xf32, #tpu.memory_space<vmem>>, vector<1x16xf32>,
        %get3A_473 = vector.shape_cast %get3A_472 : vector<1x16xf32> to vector<16xf32>
        %add3A_474 = arith.addf %add3A_465, %get3A_473 : vector<16xf32>
        %mul3A_475 = arith.constant 20 : i32
        %mul3A_476 = arith.muli %add3A_345, %mul3A_475 : i32
        %add3A_477 = arith.constant 14 : i32
        %add3A_478 = arith.addi %mul3A_476, %add3A_477 : i32
        %get3A_479 = arith.index_cast %add3A_478 : i32 to index
        %get3A_480 = arith.constant 0 : index
        %get3A_481 = tpu.vector_load %arg15[%get3A_479, %get3A_480] {strides = array<i32>} : memref<160x128xf32, #tpu.memory_space<vmem>>, vector<1x16xf32>,
        %get3A_482 = vector.shape_cast %get3A_481 : vector<1x16xf32> to vector<16xf32>
        %add3A_483 = arith.addf %add3A_474, %get3A_482 : vector<16xf32>
        %mul3A_484 = arith.constant 20 : i32
        %mul3A_485 = arith.muli %add3A_345, %mul3A_484 : i32
        %add3A_486 = arith.constant 15 : i32
        %add3A_487 = arith.addi %mul3A_485, %add3A_486 : i32
        %get3A_488 = arith.index_cast %add3A_487 : i32 to index
        %get3A_489 = arith.constant 0 : index
        %get3A_490 = tpu.vector_load %arg15[%get3A_488, %get3A_489] {strides = array<i32>} : memref<160x128xf32, #tpu.memory_space<vmem>>, vector<1x16xf32>,
        %get3A_491 = vector.shape_cast %get3A_490 : vector<1x16xf32> to vector<16xf32>
        %add3A_492 = arith.addf %add3A_483, %get3A_491 : vector<16xf32>
        %mul3A_493 = arith.constant 20 : i32
        %mul3A_494 = arith.muli %add3A_345, %mul3A_493 : i32
        %add3A_495 = arith.constant 16 : i32
        %add3A_496 = arith.addi %mul3A_494, %add3A_495 : i32
        %get3A_497 = arith.index_cast %add3A_496 : i32 to index
        %get3A_498 = arith.constant 0 : index
        %get3A_499 = tpu.vector_load %arg15[%get3A_497, %get3A_498] {strides = array<i32>} : memref<160x128xf32, #tpu.memory_space<vmem>>, vector<1x16xf32>,
        %get3A_500 = vector.shape_cast %get3A_499 : vector<1x16xf32> to vector<16xf32>
        %add3A_501 = arith.addf %add3A_492, %get3A_500 : vector<16xf32>
        %mul3A_502 = arith.constant 20 : i32
        %mul3A_503 = arith.muli %add3A_345, %mul3A_502 : i32
        %add3A_504 = arith.constant 17 : i32
        %add3A_505 = arith.addi %mul3A_503, %add3A_504 : i32
        %get3A_506 = arith.index_cast %add3A_505 : i32 to index
        %get3A_507 = arith.constant 0 : index
        %get3A_508 = tpu.vector_load %arg15[%get3A_506, %get3A_507] {strides = array<i32>} : memref<160x128xf32, #tpu.memory_space<vmem>>, vector<1x16xf32>,
        %get3A_509 = vector.shape_cast %get3A_508 : vector<1x16xf32> to vector<16xf32>
        %add3A_510 = arith.addf %add3A_501, %get3A_509 : vector<16xf32>
        %mul3A_511 = arith.constant 20 : i32
        %mul3A_512 = arith.muli %add3A_345, %mul3A_511 : i32
        %add3A_513 = arith.constant 18 : i32
        %add3A_514 = arith.addi %mul3A_512, %add3A_513 : i32
        %get3A_515 = arith.index_cast %add3A_514 : i32 to index
        %get3A_516 = arith.constant 0 : index
        %get3A_517 = tpu.vector_load %arg15[%get3A_515, %get3A_516] {strides = array<i32>} : memref<160x128xf32, #tpu.memory_space<vmem>>, vector<1x16xf32>,
        %get3A_518 = vector.shape_cast %get3A_517 : vector<1x16xf32> to vector<16xf32>
        %add3A_519 = arith.addf %add3A_510, %get3A_518 : vector<16xf32>
        %mul3A_520 = arith.constant 20 : i32
        %mul3A_521 = arith.muli %add3A_345, %mul3A_520 : i32
        %add3A_522 = arith.constant 19 : i32
        %add3A_523 = arith.addi %mul3A_521, %add3A_522 : i32
        %get3A_524 = arith.index_cast %add3A_523 : i32 to index
        %get3A_525 = arith.constant 0 : index
        %get3A_526 = tpu.vector_load %arg15[%get3A_524, %get3A_525] {strides = array<i32>} : memref<160x128xf32, #tpu.memory_space<vmem>>, vector<1x16xf32>,
        %get3A_527 = vector.shape_cast %get3A_526 : vector<1x16xf32> to vector<16xf32>
        %add3A_528 = arith.addf %add3A_519, %get3A_527 : vector<16xf32>
        %swap3A = arith.index_cast %add3A_345 : i32 to index
        %swap3A_529 = arith.constant 0 : index
        %swap3A_530 = tpu.vector_load %arg17[%swap3A, %swap3A_529] {strides = array<i32>} : memref<8x128xf32, #tpu.memory_space<vmem>>, vector<1x16xf32>,
        %swap3A_531 = vector.shape_cast %swap3A_530 : vector<1x16xf32> to vector<16xf32>
        %swap3A_532 = vector.shape_cast %add3A_528 : vector<16xf32> to vector<1x16xf32>
        tpu.vector_store %arg17[%swap3A, %swap3A_529], %swap3A_532 {strides = array<i32>} : memref<8x128xf32, #tpu.memory_space<vmem>>, vector<1x16xf32>,
        %get3A_533 = arith.index_cast %add3A_345 : i32 to index
        %get3A_534 = arith.constant 16 : index
        %get3A_535 = tpu.vector_load %arg13[%get3A_533, %get3A_534] {strides = array<i32>} : memref<8x128xf32, #tpu.memory_space<vmem>>, vector<1x16xf32>,
        %get3A_536 = vector.shape_cast %get3A_535 : vector<1x16xf32> to vector<16xf32>
        %mul3A_537 = arith.constant 20 : i32
        %mul3A_538 = arith.muli %add3A_345, %mul3A_537 : i32
        %add3A_539 = arith.constant 0 : i32
        %add3A_540 = arith.addi %mul3A_538, %add3A_539 : i32
        %get3A_541 = arith.index_cast %add3A_540 : i32 to index
        %get3A_542 = arith.constant 16 : index
        %get3A_543 = tpu.vector_load %arg15[%get3A_541, %get3A_542] {strides = array<i32>} : memref<160x128xf32, #tpu.memory_space<vmem>>, vector<1x16xf32>,
        %get3A_544 = vector.shape_cast %get3A_543 : vector<1x16xf32> to vector<16xf32>
        %add3A_545 = arith.addf %get3A_536, %get3A_544 : vector<16xf32>
        %mul3A_546 = arith.constant 20 : i32
        %mul3A_547 = arith.muli %add3A_345, %mul3A_546 : i32
        %add3A_548 = arith.constant 1 : i32
        %add3A_549 = arith.addi %mul3A_547, %add3A_548 : i32
        %get3A_550 = arith.index_cast %add3A_549 : i32 to index
        %get3A_551 = arith.constant 16 : index
        %get3A_552 = tpu.vector_load %arg15[%get3A_550, %get3A_551] {strides = array<i32>} : memref<160x128xf32, #tpu.memory_space<vmem>>, vector<1x16xf32>,
        %get3A_553 = vector.shape_cast %get3A_552 : vector<1x16xf32> to vector<16xf32>
        %add3A_554 = arith.addf %add3A_545, %get3A_553 : vector<16xf32>
        %mul3A_555 = arith.constant 20 : i32
        %mul3A_556 = arith.muli %add3A_345, %mul3A_555 : i32
        %add3A_557 = arith.constant 2 : i32
        %add3A_558 = arith.addi %mul3A_556, %add3A_557 : i32
        %get3A_559 = arith.index_cast %add3A_558 : i32 to index
        %get3A_560 = arith.constant 16 : index
        %get3A_561 = tpu.vector_load %arg15[%get3A_559, %get3A_560] {strides = array<i32>} : memref<160x128xf32, #tpu.memory_space<vmem>>, vector<1x16xf32>,
        %get3A_562 = vector.shape_cast %get3A_561 : vector<1x16xf32> to vector<16xf32>
        %add3A_563 = arith.addf %add3A_554, %get3A_562 : vector<16xf32>
        %mul3A_564 = arith.constant 20 : i32
        %mul3A_565 = arith.muli %add3A_345, %mul3A_564 : i32
        %add3A_566 = arith.constant 3 : i32
        %add3A_567 = arith.addi %mul3A_565, %add3A_566 : i32
        %get3A_568 = arith.index_cast %add3A_567 : i32 to index
        %get3A_569 = arith.constant 16 : index
        %get3A_570 = tpu.vector_load %arg15[%get3A_568, %get3A_569] {strides = array<i32>} : memref<160x128xf32, #tpu.memory_space<vmem>>, vector<1x16xf32>,
        %get3A_571 = vector.shape_cast %get3A_570 : vector<1x16xf32> to vector<16xf32>
        %add3A_572 = arith.addf %add3A_563, %get3A_571 : vector<16xf32>
        %mul3A_573 = arith.constant 20 : i32
        %mul3A_574 = arith.muli %add3A_345, %mul3A_573 : i32
        %add3A_575 = arith.constant 4 : i32
        %add3A_576 = arith.addi %mul3A_574, %add3A_575 : i32
        %get3A_577 = arith.index_cast %add3A_576 : i32 to index
        %get3A_578 = arith.constant 16 : index
        %get3A_579 = tpu.vector_load %arg15[%get3A_577, %get3A_578] {strides = array<i32>} : memref<160x128xf32, #tpu.memory_space<vmem>>, vector<1x16xf32>,
        %get3A_580 = vector.shape_cast %get3A_579 : vector<1x16xf32> to vector<16xf32>
        %add3A_581 = arith.addf %add3A_572, %get3A_580 : vector<16xf32>
        %mul3A_582 = arith.constant 20 : i32
        %mul3A_583 = arith.muli %add3A_345, %mul3A_582 : i32
        %add3A_584 = arith.constant 5 : i32
        %add3A_585 = arith.addi %mul3A_583, %add3A_584 : i32
        %get3A_586 = arith.index_cast %add3A_585 : i32 to index
        %get3A_587 = arith.constant 16 : index
        %get3A_588 = tpu.vector_load %arg15[%get3A_586, %get3A_587] {strides = array<i32>} : memref<160x128xf32, #tpu.memory_space<vmem>>, vector<1x16xf32>,
        %get3A_589 = vector.shape_cast %get3A_588 : vector<1x16xf32> to vector<16xf32>
        %add3A_590 = arith.addf %add3A_581, %get3A_589 : vector<16xf32>
        %mul3A_591 = arith.constant 20 : i32
        %mul3A_592 = arith.muli %add3A_345, %mul3A_591 : i32
        %add3A_593 = arith.constant 6 : i32
        %add3A_594 = arith.addi %mul3A_592, %add3A_593 : i32
        %get3A_595 = arith.index_cast %add3A_594 : i32 to index
        %get3A_596 = arith.constant 16 : index
        %get3A_597 = tpu.vector_load %arg15[%get3A_595, %get3A_596] {strides = array<i32>} : memref<160x128xf32, #tpu.memory_space<vmem>>, vector<1x16xf32>,
        %get3A_598 = vector.shape_cast %get3A_597 : vector<1x16xf32> to vector<16xf32>
        %add3A_599 = arith.addf %add3A_590, %get3A_598 : vector<16xf32>
        %mul3A_600 = arith.constant 20 : i32
        %mul3A_601 = arith.muli %add3A_345, %mul3A_600 : i32
        %add3A_602 = arith.constant 7 : i32
        %add3A_603 = arith.addi %mul3A_601, %add3A_602 : i32
        %get3A_604 = arith.index_cast %add3A_603 : i32 to index
        %get3A_605 = arith.constant 16 : index
        %get3A_606 = tpu.vector_load %arg15[%get3A_604, %get3A_605] {strides = array<i32>} : memref<160x128xf32, #tpu.memory_space<vmem>>, vector<1x16xf32>,
        %get3A_607 = vector.shape_cast %get3A_606 : vector<1x16xf32> to vector<16xf32>
        %add3A_608 = arith.addf %add3A_599, %get3A_607 : vector<16xf32>
        %mul3A_609 = arith.constant 20 : i32
        %mul3A_610 = arith.muli %add3A_345, %mul3A_609 : i32
        %add3A_611 = arith.constant 8 : i32
        %add3A_612 = arith.addi %mul3A_610, %add3A_611 : i32
        %get3A_613 = arith.index_cast %add3A_612 : i32 to index
        %get3A_614 = arith.constant 16 : index
        %get3A_615 = tpu.vector_load %arg15[%get3A_613, %get3A_614] {strides = array<i32>} : memref<160x128xf32, #tpu.memory_space<vmem>>, vector<1x16xf32>,
        %get3A_616 = vector.shape_cast %get3A_615 : vector<1x16xf32> to vector<16xf32>
        %add3A_617 = arith.addf %add3A_608, %get3A_616 : vector<16xf32>
        %mul3A_618 = arith.constant 20 : i32
        %mul3A_619 = arith.muli %add3A_345, %mul3A_618 : i32
        %add3A_620 = arith.constant 9 : i32
        %add3A_621 = arith.addi %mul3A_619, %add3A_620 : i32
        %get3A_622 = arith.index_cast %add3A_621 : i32 to index
        %get3A_623 = arith.constant 16 : index
        %get3A_624 = tpu.vector_load %arg15[%get3A_622, %get3A_623] {strides = array<i32>} : memref<160x128xf32, #tpu.memory_space<vmem>>, vector<1x16xf32>,
        %get3A_625 = vector.shape_cast %get3A_624 : vector<1x16xf32> to vector<16xf32>
        %add3A_626 = arith.addf %add3A_617, %get3A_625 : vector<16xf32>
        %mul3A_627 = arith.constant 20 : i32
        %mul3A_628 = arith.muli %add3A_345, %mul3A_627 : i32
        %add3A_629 = arith.constant 10 : i32
        %add3A_630 = arith.addi %mul3A_628, %add3A_629 : i32
        %get3A_631 = arith.index_cast %add3A_630 : i32 to index
        %get3A_632 = arith.constant 16 : index
        %get3A_633 = tpu.vector_load %arg15[%get3A_631, %get3A_632] {strides = array<i32>} : memref<160x128xf32, #tpu.memory_space<vmem>>, vector<1x16xf32>,
        %get3A_634 = vector.shape_cast %get3A_633 : vector<1x16xf32> to vector<16xf32>
        %add3A_635 = arith.addf %add3A_626, %get3A_634 : vector<16xf32>
        %mul3A_636 = arith.constant 20 : i32
        %mul3A_637 = arith.muli %add3A_345, %mul3A_636 : i32
        %add3A_638 = arith.constant 11 : i32
        %add3A_639 = arith.addi %mul3A_637, %add3A_638 : i32
        %get3A_640 = arith.index_cast %add3A_639 : i32 to index
        %get3A_641 = arith.constant 16 : index
        %get3A_642 = tpu.vector_load %arg15[%get3A_640, %get3A_641] {strides = array<i32>} : memref<160x128xf32, #tpu.memory_space<vmem>>, vector<1x16xf32>,
        %get3A_643 = vector.shape_cast %get3A_642 : vector<1x16xf32> to vector<16xf32>
        %add3A_644 = arith.addf %add3A_635, %get3A_643 : vector<16xf32>
        %mul3A_645 = arith.constant 20 : i32
        %mul3A_646 = arith.muli %add3A_345, %mul3A_645 : i32
        %add3A_647 = arith.constant 12 : i32
        %add3A_648 = arith.addi %mul3A_646, %add3A_647 : i32
        %get3A_649 = arith.index_cast %add3A_648 : i32 to index
        %get3A_650 = arith.constant 16 : index
        %get3A_651 = tpu.vector_load %arg15[%get3A_649, %get3A_650] {strides = array<i32>} : memref<160x128xf32, #tpu.memory_space<vmem>>, vector<1x16xf32>,
        %get3A_652 = vector.shape_cast %get3A_651 : vector<1x16xf32> to vector<16xf32>
        %add3A_653 = arith.addf %add3A_644, %get3A_652 : vector<16xf32>
        %mul3A_654 = arith.constant 20 : i32
        %mul3A_655 = arith.muli %add3A_345, %mul3A_654 : i32
        %add3A_656 = arith.constant 13 : i32
        %add3A_657 = arith.addi %mul3A_655, %add3A_656 : i32
        %get3A_658 = arith.index_cast %add3A_657 : i32 to index
        %get3A_659 = arith.constant 16 : index
        %get3A_660 = tpu.vector_load %arg15[%get3A_658, %get3A_659] {strides = array<i32>} : memref<160x128xf32, #tpu.memory_space<vmem>>, vector<1x16xf32>,
        %get3A_661 = vector.shape_cast %get3A_660 : vector<1x16xf32> to vector<16xf32>
        %add3A_662 = arith.addf %add3A_653, %get3A_661 : vector<16xf32>
        %mul3A_663 = arith.constant 20 : i32
        %mul3A_664 = arith.muli %add3A_345, %mul3A_663 : i32
        %add3A_665 = arith.constant 14 : i32
        %add3A_666 = arith.addi %mul3A_664, %add3A_665 : i32
        %get3A_667 = arith.index_cast %add3A_666 : i32 to index
        %get3A_668 = arith.constant 16 : index
        %get3A_669 = tpu.vector_load %arg15[%get3A_667, %get3A_668] {strides = array<i32>} : memref<160x128xf32, #tpu.memory_space<vmem>>, vector<1x16xf32>,
        %get3A_670 = vector.shape_cast %get3A_669 : vector<1x16xf32> to vector<16xf32>
        %add3A_671 = arith.addf %add3A_662, %get3A_670 : vector<16xf32>
        %mul3A_672 = arith.constant 20 : i32
        %mul3A_673 = arith.muli %add3A_345, %mul3A_672 : i32
        %add3A_674 = arith.constant 15 : i32
        %add3A_675 = arith.addi %mul3A_673, %add3A_674 : i32
        %get3A_676 = arith.index_cast %add3A_675 : i32 to index
        %get3A_677 = arith.constant 16 : index
        %get3A_678 = tpu.vector_load %arg15[%get3A_676, %get3A_677] {strides = array<i32>} : memref<160x128xf32, #tpu.memory_space<vmem>>, vector<1x16xf32>,
        %get3A_679 = vector.shape_cast %get3A_678 : vector<1x16xf32> to vector<16xf32>
        %add3A_680 = arith.addf %add3A_671, %get3A_679 : vector<16xf32>
        %mul3A_681 = arith.constant 20 : i32
        %mul3A_682 = arith.muli %add3A_345, %mul3A_681 : i32
        %add3A_683 = arith.constant 16 : i32
        %add3A_684 = arith.addi %mul3A_682, %add3A_683 : i32
        %get3A_685 = arith.index_cast %add3A_684 : i32 to index
        %get3A_686 = arith.constant 16 : index
        %get3A_687 = tpu.vector_load %arg15[%get3A_685, %get3A_686] {strides = array<i32>} : memref<160x128xf32, #tpu.memory_space<vmem>>, vector<1x16xf32>,
        %get3A_688 = vector.shape_cast %get3A_687 : vector<1x16xf32> to vector<16xf32>
        %add3A_689 = arith.addf %add3A_680, %get3A_688 : vector<16xf32>
        %mul3A_690 = arith.constant 20 : i32
        %mul3A_691 = arith.muli %add3A_345, %mul3A_690 : i32
        %add3A_692 = arith.constant 17 : i32
        %add3A_693 = arith.addi %mul3A_691, %add3A_692 : i32
        %get3A_694 = arith.index_cast %add3A_693 : i32 to index
        %get3A_695 = arith.constant 16 : index
        %get3A_696 = tpu.vector_load %arg15[%get3A_694, %get3A_695] {strides = array<i32>} : memref<160x128xf32, #tpu.memory_space<vmem>>, vector<1x16xf32>,
        %get3A_697 = vector.shape_cast %get3A_696 : vector<1x16xf32> to vector<16xf32>
        %add3A_698 = arith.addf %add3A_689, %get3A_697 : vector<16xf32>
        %mul3A_699 = arith.constant 20 : i32
        %mul3A_700 = arith.muli %add3A_345, %mul3A_699 : i32
        %add3A_701 = arith.constant 18 : i32
        %add3A_702 = arith.addi %mul3A_700, %add3A_701 : i32
        %get3A_703 = arith.index_cast %add3A_702 : i32 to index
        %get3A_704 = arith.constant 16 : index
        %get3A_705 = tpu.vector_load %arg15[%get3A_703, %get3A_704] {strides = array<i32>} : memref<160x128xf32, #tpu.memory_space<vmem>>, vector<1x16xf32>,
        %get3A_706 = vector.shape_cast %get3A_705 : vector<1x16xf32> to vector<16xf32>
        %add3A_707 = arith.addf %add3A_698, %get3A_706 : vector<16xf32>
        %mul3A_708 = arith.constant 20 : i32
        %mul3A_709 = arith.muli %add3A_345, %mul3A_708 : i32
        %add3A_710 = arith.constant 19 : i32
        %add3A_711 = arith.addi %mul3A_709, %add3A_710 : i32
        %get3A_712 = arith.index_cast %add3A_711 : i32 to index
        %get3A_713 = arith.constant 16 : index
        %get3A_714 = tpu.vector_load %arg15[%get3A_712, %get3A_713] {strides = array<i32>} : memref<160x128xf32, #tpu.memory_space<vmem>>, vector<1x16xf32>,
        %get3A_715 = vector.shape_cast %get3A_714 : vector<1x16xf32> to vector<16xf32>
        %add3A_716 = arith.addf %add3A_707, %get3A_715 : vector<16xf32>
        %swap3A_717 = arith.index_cast %add3A_345 : i32 to index
        %swap3A_718 = arith.constant 16 : index
        %swap3A_719 = tpu.vector_load %arg17[%swap3A_717, %swap3A_718] {strides = array<i32>} : memref<8x128xf32, #tpu.memory_space<vmem>>, vector<1x16xf32>,
        %swap3A_720 = vector.shape_cast %swap3A_719 : vector<1x16xf32> to vector<16xf32>
        %swap3A_721 = vector.shape_cast %add3A_716 : vector<16xf32> to vector<1x16xf32>
        tpu.vector_store %arg17[%swap3A_717, %swap3A_718], %swap3A_721 {strides = array<i32>} : memref<8x128xf32, #tpu.memory_space<vmem>>, vector<1x16xf32>,
        %get3A_722 = arith.index_cast %add3A_345 : i32 to index
        %get3A_723 = arith.constant 32 : index
        %get3A_724 = tpu.vector_load %arg13[%get3A_722, %get3A_723] {strides = array<i32>} : memref<8x128xf32, #tpu.memory_space<vmem>>, vector<1x16xf32>,
        %get3A_725 = vector.shape_cast %get3A_724 : vector<1x16xf32> to vector<16xf32>
        %mul3A_726 = arith.constant 20 : i32
        %mul3A_727 = arith.muli %add3A_345, %mul3A_726 : i32
        %add3A_728 = arith.constant 0 : i32
        %add3A_729 = arith.addi %mul3A_727, %add3A_728 : i32
        %get3A_730 = arith.index_cast %add3A_729 : i32 to index
        %get3A_731 = arith.constant 32 : index
        %get3A_732 = tpu.vector_load %arg15[%get3A_730, %get3A_731] {strides = array<i32>} : memref<160x128xf32, #tpu.memory_space<vmem>>, vector<1x16xf32>,
        %get3A_733 = vector.shape_cast %get3A_732 : vector<1x16xf32> to vector<16xf32>
        %add3A_734 = arith.addf %get3A_725, %get3A_733 : vector<16xf32>
        %mul3A_735 = arith.constant 20 : i32
        %mul3A_736 = arith.muli %add3A_345, %mul3A_735 : i32
        %add3A_737 = arith.constant 1 : i32
        %add3A_738 = arith.addi %mul3A_736, %add3A_737 : i32
        %get3A_739 = arith.index_cast %add3A_738 : i32 to index
        %get3A_740 = arith.constant 32 : index
        %get3A_741 = tpu.vector_load %arg15[%get3A_739, %get3A_740] {strides = array<i32>} : memref<160x128xf32, #tpu.memory_space<vmem>>, vector<1x16xf32>,
        %get3A_742 = vector.shape_cast %get3A_741 : vector<1x16xf32> to vector<16xf32>
        %add3A_743 = arith.addf %add3A_734, %get3A_742 : vector<16xf32>
        %mul3A_744 = arith.constant 20 : i32
        %mul3A_745 = arith.muli %add3A_345, %mul3A_744 : i32
        %add3A_746 = arith.constant 2 : i32
        %add3A_747 = arith.addi %mul3A_745, %add3A_746 : i32
        %get3A_748 = arith.index_cast %add3A_747 : i32 to index
        %get3A_749 = arith.constant 32 : index
        %get3A_750 = tpu.vector_load %arg15[%get3A_748, %get3A_749] {strides = array<i32>} : memref<160x128xf32, #tpu.memory_space<vmem>>, vector<1x16xf32>,
        %get3A_751 = vector.shape_cast %get3A_750 : vector<1x16xf32> to vector<16xf32>
        %add3A_752 = arith.addf %add3A_743, %get3A_751 : vector<16xf32>
        %mul3A_753 = arith.constant 20 : i32
        %mul3A_754 = arith.muli %add3A_345, %mul3A_753 : i32
        %add3A_755 = arith.constant 3 : i32
        %add3A_756 = arith.addi %mul3A_754, %add3A_755 : i32
        %get3A_757 = arith.index_cast %add3A_756 : i32 to index
        %get3A_758 = arith.constant 32 : index
        %get3A_759 = tpu.vector_load %arg15[%get3A_757, %get3A_758] {strides = array<i32>} : memref<160x128xf32, #tpu.memory_space<vmem>>, vector<1x16xf32>,
        %get3A_760 = vector.shape_cast %get3A_759 : vector<1x16xf32> to vector<16xf32>
        %add3A_761 = arith.addf %add3A_752, %get3A_760 : vector<16xf32>
        %mul3A_762 = arith.constant 20 : i32
        %mul3A_763 = arith.muli %add3A_345, %mul3A_762 : i32
        %add3A_764 = arith.constant 4 : i32
        %add3A_765 = arith.addi %mul3A_763, %add3A_764 : i32
        %get3A_766 = arith.index_cast %add3A_765 : i32 to index
        %get3A_767 = arith.constant 32 : index
        %get3A_768 = tpu.vector_load %arg15[%get3A_766, %get3A_767] {strides = array<i32>} : memref<160x128xf32, #tpu.memory_space<vmem>>, vector<1x16xf32>,
        %get3A_769 = vector.shape_cast %get3A_768 : vector<1x16xf32> to vector<16xf32>
        %add3A_770 = arith.addf %add3A_761, %get3A_769 : vector<16xf32>
        %mul3A_771 = arith.constant 20 : i32
        %mul3A_772 = arith.muli %add3A_345, %mul3A_771 : i32
        %add3A_773 = arith.constant 5 : i32
        %add3A_774 = arith.addi %mul3A_772, %add3A_773 : i32
        %get3A_775 = arith.index_cast %add3A_774 : i32 to index
        %get3A_776 = arith.constant 32 : index
        %get3A_777 = tpu.vector_load %arg15[%get3A_775, %get3A_776] {strides = array<i32>} : memref<160x128xf32, #tpu.memory_space<vmem>>, vector<1x16xf32>,
        %get3A_778 = vector.shape_cast %get3A_777 : vector<1x16xf32> to vector<16xf32>
        %add3A_779 = arith.addf %add3A_770, %get3A_778 : vector<16xf32>
        %mul3A_780 = arith.constant 20 : i32
        %mul3A_781 = arith.muli %add3A_345, %mul3A_780 : i32
        %add3A_782 = arith.constant 6 : i32
        %add3A_783 = arith.addi %mul3A_781, %add3A_782 : i32
        %get3A_784 = arith.index_cast %add3A_783 : i32 to index
        %get3A_785 = arith.constant 32 : index
        %get3A_786 = tpu.vector_load %arg15[%get3A_784, %get3A_785] {strides = array<i32>} : memref<160x128xf32, #tpu.memory_space<vmem>>, vector<1x16xf32>,
        %get3A_787 = vector.shape_cast %get3A_786 : vector<1x16xf32> to vector<16xf32>
        %add3A_788 = arith.addf %add3A_779, %get3A_787 : vector<16xf32>
        %mul3A_789 = arith.constant 20 : i32
        %mul3A_790 = arith.muli %add3A_345, %mul3A_789 : i32
        %add3A_791 = arith.constant 7 : i32
        %add3A_792 = arith.addi %mul3A_790, %add3A_791 : i32
        %get3A_793 = arith.index_cast %add3A_792 : i32 to index
        %get3A_794 = arith.constant 32 : index
        %get3A_795 = tpu.vector_load %arg15[%get3A_793, %get3A_794] {strides = array<i32>} : memref<160x128xf32, #tpu.memory_space<vmem>>, vector<1x16xf32>,
        %get3A_796 = vector.shape_cast %get3A_795 : vector<1x16xf32> to vector<16xf32>
        %add3A_797 = arith.addf %add3A_788, %get3A_796 : vector<16xf32>
        %mul3A_798 = arith.constant 20 : i32
        %mul3A_799 = arith.muli %add3A_345, %mul3A_798 : i32
        %add3A_800 = arith.constant 8 : i32
        %add3A_801 = arith.addi %mul3A_799, %add3A_800 : i32
        %get3A_802 = arith.index_cast %add3A_801 : i32 to index
        %get3A_803 = arith.constant 32 : index
        %get3A_804 = tpu.vector_load %arg15[%get3A_802, %get3A_803] {strides = array<i32>} : memref<160x128xf32, #tpu.memory_space<vmem>>, vector<1x16xf32>,
        %get3A_805 = vector.shape_cast %get3A_804 : vector<1x16xf32> to vector<16xf32>
        %add3A_806 = arith.addf %add3A_797, %get3A_805 : vector<16xf32>
        %mul3A_807 = arith.constant 20 : i32
        %mul3A_808 = arith.muli %add3A_345, %mul3A_807 : i32
        %add3A_809 = arith.constant 9 : i32
        %add3A_810 = arith.addi %mul3A_808, %add3A_809 : i32
        %get3A_811 = arith.index_cast %add3A_810 : i32 to index
        %get3A_812 = arith.constant 32 : index
        %get3A_813 = tpu.vector_load %arg15[%get3A_811, %get3A_812] {strides = array<i32>} : memref<160x128xf32, #tpu.memory_space<vmem>>, vector<1x16xf32>,
        %get3A_814 = vector.shape_cast %get3A_813 : vector<1x16xf32> to vector<16xf32>
        %add3A_815 = arith.addf %add3A_806, %get3A_814 : vector<16xf32>
        %mul3A_816 = arith.constant 20 : i32
        %mul3A_817 = arith.muli %add3A_345, %mul3A_816 : i32
        %add3A_818 = arith.constant 10 : i32
        %add3A_819 = arith.addi %mul3A_817, %add3A_818 : i32
        %get3A_820 = arith.index_cast %add3A_819 : i32 to index
        %get3A_821 = arith.constant 32 : index
        %get3A_822 = tpu.vector_load %arg15[%get3A_820, %get3A_821] {strides = array<i32>} : memref<160x128xf32, #tpu.memory_space<vmem>>, vector<1x16xf32>,
        %get3A_823 = vector.shape_cast %get3A_822 : vector<1x16xf32> to vector<16xf32>
        %add3A_824 = arith.addf %add3A_815, %get3A_823 : vector<16xf32>
        %mul3A_825 = arith.constant 20 : i32
        %mul3A_826 = arith.muli %add3A_345, %mul3A_825 : i32
        %add3A_827 = arith.constant 11 : i32
        %add3A_828 = arith.addi %mul3A_826, %add3A_827 : i32
        %get3A_829 = arith.index_cast %add3A_828 : i32 to index
        %get3A_830 = arith.constant 32 : index
        %get3A_831 = tpu.vector_load %arg15[%get3A_829, %get3A_830] {strides = array<i32>} : memref<160x128xf32, #tpu.memory_space<vmem>>, vector<1x16xf32>,
        %get3A_832 = vector.shape_cast %get3A_831 : vector<1x16xf32> to vector<16xf32>
        %add3A_833 = arith.addf %add3A_824, %get3A_832 : vector<16xf32>
        %mul3A_834 = arith.constant 20 : i32
        %mul3A_835 = arith.muli %add3A_345, %mul3A_834 : i32
        %add3A_836 = arith.constant 12 : i32
        %add3A_837 = arith.addi %mul3A_835, %add3A_836 : i32
        %get3A_838 = arith.index_cast %add3A_837 : i32 to index
        %get3A_839 = arith.constant 32 : index
        %get3A_840 = tpu.vector_load %arg15[%get3A_838, %get3A_839] {strides = array<i32>} : memref<160x128xf32, #tpu.memory_space<vmem>>, vector<1x16xf32>,
        %get3A_841 = vector.shape_cast %get3A_840 : vector<1x16xf32> to vector<16xf32>
        %add3A_842 = arith.addf %add3A_833, %get3A_841 : vector<16xf32>
        %mul3A_843 = arith.constant 20 : i32
        %mul3A_844 = arith.muli %add3A_345, %mul3A_843 : i32
        %add3A_845 = arith.constant 13 : i32
        %add3A_846 = arith.addi %mul3A_844, %add3A_845 : i32
        %get3A_847 = arith.index_cast %add3A_846 : i32 to index
        %get3A_848 = arith.constant 32 : index
        %get3A_849 = tpu.vector_load %arg15[%get3A_847, %get3A_848] {strides = array<i32>} : memref<160x128xf32, #tpu.memory_space<vmem>>, vector<1x16xf32>,
        %get3A_850 = vector.shape_cast %get3A_849 : vector<1x16xf32> to vector<16xf32>
        %add3A_851 = arith.addf %add3A_842, %get3A_850 : vector<16xf32>
        %mul3A_852 = arith.constant 20 : i32
        %mul3A_853 = arith.muli %add3A_345, %mul3A_852 : i32
        %add3A_854 = arith.constant 14 : i32
        %add3A_855 = arith.addi %mul3A_853, %add3A_854 : i32
        %get3A_856 = arith.index_cast %add3A_855 : i32 to index
        %get3A_857 = arith.constant 32 : index
        %get3A_858 = tpu.vector_load %arg15[%get3A_856, %get3A_857] {strides = array<i32>} : memref<160x128xf32, #tpu.memory_space<vmem>>, vector<1x16xf32>,
        %get3A_859 = vector.shape_cast %get3A_858 : vector<1x16xf32> to vector<16xf32>
        %add3A_860 = arith.addf %add3A_851, %get3A_859 : vector<16xf32>
        %mul3A_861 = arith.constant 20 : i32
        %mul3A_862 = arith.muli %add3A_345, %mul3A_861 : i32
        %add3A_863 = arith.constant 15 : i32
        %add3A_864 = arith.addi %mul3A_862, %add3A_863 : i32
        %get3A_865 = arith.index_cast %add3A_864 : i32 to index
        %get3A_866 = arith.constant 32 : index
        %get3A_867 = tpu.vector_load %arg15[%get3A_865, %get3A_866] {strides = array<i32>} : memref<160x128xf32, #tpu.memory_space<vmem>>, vector<1x16xf32>,
        %get3A_868 = vector.shape_cast %get3A_867 : vector<1x16xf32> to vector<16xf32>
        %add3A_869 = arith.addf %add3A_860, %get3A_868 : vector<16xf32>
        %mul3A_870 = arith.constant 20 : i32
        %mul3A_871 = arith.muli %add3A_345, %mul3A_870 : i32
        %add3A_872 = arith.constant 16 : i32
        %add3A_873 = arith.addi %mul3A_871, %add3A_872 : i32
        %get3A_874 = arith.index_cast %add3A_873 : i32 to index
        %get3A_875 = arith.constant 32 : index
        %get3A_876 = tpu.vector_load %arg15[%get3A_874, %get3A_875] {strides = array<i32>} : memref<160x128xf32, #tpu.memory_space<vmem>>, vector<1x16xf32>,
        %get3A_877 = vector.shape_cast %get3A_876 : vector<1x16xf32> to vector<16xf32>
        %add3A_878 = arith.addf %add3A_869, %get3A_877 : vector<16xf32>
        %mul3A_879 = arith.constant 20 : i32
        %mul3A_880 = arith.muli %add3A_345, %mul3A_879 : i32
        %add3A_881 = arith.constant 17 : i32
        %add3A_882 = arith.addi %mul3A_880, %add3A_881 : i32
        %get3A_883 = arith.index_cast %add3A_882 : i32 to index
        %get3A_884 = arith.constant 32 : index
        %get3A_885 = tpu.vector_load %arg15[%get3A_883, %get3A_884] {strides = array<i32>} : memref<160x128xf32, #tpu.memory_space<vmem>>, vector<1x16xf32>,
        %get3A_886 = vector.shape_cast %get3A_885 : vector<1x16xf32> to vector<16xf32>
        %add3A_887 = arith.addf %add3A_878, %get3A_886 : vector<16xf32>
        %mul3A_888 = arith.constant 20 : i32
        %mul3A_889 = arith.muli %add3A_345, %mul3A_888 : i32
        %add3A_890 = arith.constant 18 : i32
        %add3A_891 = arith.addi %mul3A_889, %add3A_890 : i32
        %get3A_892 = arith.index_cast %add3A_891 : i32 to index
        %get3A_893 = arith.constant 32 : index
        %get3A_894 = tpu.vector_load %arg15[%get3A_892, %get3A_893] {strides = array<i32>} : memref<160x128xf32, #tpu.memory_space<vmem>>, vector<1x16xf32>,
        %get3A_895 = vector.shape_cast %get3A_894 : vector<1x16xf32> to vector<16xf32>
        %add3A_896 = arith.addf %add3A_887, %get3A_895 : vector<16xf32>
        %mul3A_897 = arith.constant 20 : i32
        %mul3A_898 = arith.muli %add3A_345, %mul3A_897 : i32
        %add3A_899 = arith.constant 19 : i32
        %add3A_900 = arith.addi %mul3A_898, %add3A_899 : i32
        %get3A_901 = arith.index_cast %add3A_900 : i32 to index
        %get3A_902 = arith.constant 32 : index
        %get3A_903 = tpu.vector_load %arg15[%get3A_901, %get3A_902] {strides = array<i32>} : memref<160x128xf32, #tpu.memory_space<vmem>>, vector<1x16xf32>,
        %get3A_904 = vector.shape_cast %get3A_903 : vector<1x16xf32> to vector<16xf32>
        %add3A_905 = arith.addf %add3A_896, %get3A_904 : vector<16xf32>
        %swap3A_906 = arith.index_cast %add3A_345 : i32 to index
        %swap3A_907 = arith.constant 32 : index
        %swap3A_908 = tpu.vector_load %arg17[%swap3A_906, %swap3A_907] {strides = array<i32>} : memref<8x128xf32, #tpu.memory_space<vmem>>, vector<1x16xf32>,
        %swap3A_909 = vector.shape_cast %swap3A_908 : vector<1x16xf32> to vector<16xf32>
        %swap3A_910 = vector.shape_cast %add3A_905 : vector<16xf32> to vector<1x16xf32>
        tpu.vector_store %arg17[%swap3A_906, %swap3A_907], %swap3A_910 {strides = array<i32>} : memref<8x128xf32, #tpu.memory_space<vmem>>, vector<1x16xf32>,
        %get3A_911 = arith.index_cast %add3A_345 : i32 to index
        %get3A_912 = arith.constant 48 : index
        %get3A_913 = tpu.vector_load %arg13[%get3A_911, %get3A_912] {strides = array<i32>} : memref<8x128xf32, #tpu.memory_space<vmem>>, vector<1x16xf32>,
        %get3A_914 = vector.shape_cast %get3A_913 : vector<1x16xf32> to vector<16xf32>
        %mul3A_915 = arith.constant 20 : i32
        %mul3A_916 = arith.muli %add3A_345, %mul3A_915 : i32
        %add3A_917 = arith.constant 0 : i32
        %add3A_918 = arith.addi %mul3A_916, %add3A_917 : i32
        %get3A_919 = arith.index_cast %add3A_918 : i32 to index
        %get3A_920 = arith.constant 48 : index
        %get3A_921 = tpu.vector_load %arg15[%get3A_919, %get3A_920] {strides = array<i32>} : memref<160x128xf32, #tpu.memory_space<vmem>>, vector<1x16xf32>,
        %get3A_922 = vector.shape_cast %get3A_921 : vector<1x16xf32> to vector<16xf32>
        %add3A_923 = arith.addf %get3A_914, %get3A_922 : vector<16xf32>
        %mul3A_924 = arith.constant 20 : i32
        %mul3A_925 = arith.muli %add3A_345, %mul3A_924 : i32
        %add3A_926 = arith.constant 1 : i32
        %add3A_927 = arith.addi %mul3A_925, %add3A_926 : i32
        %get3A_928 = arith.index_cast %add3A_927 : i32 to index
        %get3A_929 = arith.constant 48 : index
        %get3A_930 = tpu.vector_load %arg15[%get3A_928, %get3A_929] {strides = array<i32>} : memref<160x128xf32, #tpu.memory_space<vmem>>, vector<1x16xf32>,
        %get3A_931 = vector.shape_cast %get3A_930 : vector<1x16xf32> to vector<16xf32>
        %add3A_932 = arith.addf %add3A_923, %get3A_931 : vector<16xf32>
        %mul3A_933 = arith.constant 20 : i32
        %mul3A_934 = arith.muli %add3A_345, %mul3A_933 : i32
        %add3A_935 = arith.constant 2 : i32
        %add3A_936 = arith.addi %mul3A_934, %add3A_935 : i32
        %get3A_937 = arith.index_cast %add3A_936 : i32 to index
        %get3A_938 = arith.constant 48 : index
        %get3A_939 = tpu.vector_load %arg15[%get3A_937, %get3A_938] {strides = array<i32>} : memref<160x128xf32, #tpu.memory_space<vmem>>, vector<1x16xf32>,
        %get3A_940 = vector.shape_cast %get3A_939 : vector<1x16xf32> to vector<16xf32>
        %add3A_941 = arith.addf %add3A_932, %get3A_940 : vector<16xf32>
        %mul3A_942 = arith.constant 20 : i32
        %mul3A_943 = arith.muli %add3A_345, %mul3A_942 : i32
        %add3A_944 = arith.constant 3 : i32
        %add3A_945 = arith.addi %mul3A_943, %add3A_944 : i32
        %get3A_946 = arith.index_cast %add3A_945 : i32 to index
        %get3A_947 = arith.constant 48 : index
        %get3A_948 = tpu.vector_load %arg15[%get3A_946, %get3A_947] {strides = array<i32>} : memref<160x128xf32, #tpu.memory_space<vmem>>, vector<1x16xf32>,
        %get3A_949 = vector.shape_cast %get3A_948 : vector<1x16xf32> to vector<16xf32>
        %add3A_950 = arith.addf %add3A_941, %get3A_949 : vector<16xf32>
        %mul3A_951 = arith.constant 20 : i32
        %mul3A_952 = arith.muli %add3A_345, %mul3A_951 : i32
        %add3A_953 = arith.constant 4 : i32
        %add3A_954 = arith.addi %mul3A_952, %add3A_953 : i32
        %get3A_955 = arith.index_cast %add3A_954 : i32 to index
        %get3A_956 = arith.constant 48 : index
        %get3A_957 = tpu.vector_load %arg15[%get3A_955, %get3A_956] {strides = array<i32>} : memref<160x128xf32, #tpu.memory_space<vmem>>, vector<1x16xf32>,
        %get3A_958 = vector.shape_cast %get3A_957 : vector<1x16xf32> to vector<16xf32>
        %add3A_959 = arith.addf %add3A_950, %get3A_958 : vector<16xf32>
        %mul3A_960 = arith.constant 20 : i32
        %mul3A_961 = arith.muli %add3A_345, %mul3A_960 : i32
        %add3A_962 = arith.constant 5 : i32
        %add3A_963 = arith.addi %mul3A_961, %add3A_962 : i32
        %get3A_964 = arith.index_cast %add3A_963 : i32 to index
        %get3A_965 = arith.constant 48 : index
        %get3A_966 = tpu.vector_load %arg15[%get3A_964, %get3A_965] {strides = array<i32>} : memref<160x128xf32, #tpu.memory_space<vmem>>, vector<1x16xf32>,
        %get3A_967 = vector.shape_cast %get3A_966 : vector<1x16xf32> to vector<16xf32>
        %add3A_968 = arith.addf %add3A_959, %get3A_967 : vector<16xf32>
        %mul3A_969 = arith.constant 20 : i32
        %mul3A_970 = arith.muli %add3A_345, %mul3A_969 : i32
        %add3A_971 = arith.constant 6 : i32
        %add3A_972 = arith.addi %mul3A_970, %add3A_971 : i32
        %get3A_973 = arith.index_cast %add3A_972 : i32 to index
        %get3A_974 = arith.constant 48 : index
        %get3A_975 = tpu.vector_load %arg15[%get3A_973, %get3A_974] {strides = array<i32>} : memref<160x128xf32, #tpu.memory_space<vmem>>, vector<1x16xf32>,
        %get3A_976 = vector.shape_cast %get3A_975 : vector<1x16xf32> to vector<16xf32>
        %add3A_977 = arith.addf %add3A_968, %get3A_976 : vector<16xf32>
        %mul3A_978 = arith.constant 20 : i32
        %mul3A_979 = arith.muli %add3A_345, %mul3A_978 : i32
        %add3A_980 = arith.constant 7 : i32
        %add3A_981 = arith.addi %mul3A_979, %add3A_980 : i32
        %get3A_982 = arith.index_cast %add3A_981 : i32 to index
        %get3A_983 = arith.constant 48 : index
        %get3A_984 = tpu.vector_load %arg15[%get3A_982, %get3A_983] {strides = array<i32>} : memref<160x128xf32, #tpu.memory_space<vmem>>, vector<1x16xf32>,
        %get3A_985 = vector.shape_cast %get3A_984 : vector<1x16xf32> to vector<16xf32>
        %add3A_986 = arith.addf %add3A_977, %get3A_985 : vector<16xf32>
        %mul3A_987 = arith.constant 20 : i32
        %mul3A_988 = arith.muli %add3A_345, %mul3A_987 : i32
        %add3A_989 = arith.constant 8 : i32
        %add3A_990 = arith.addi %mul3A_988, %add3A_989 : i32
        %get3A_991 = arith.index_cast %add3A_990 : i32 to index
        %get3A_992 = arith.constant 48 : index
        %get3A_993 = tpu.vector_load %arg15[%get3A_991, %get3A_992] {strides = array<i32>} : memref<160x128xf32, #tpu.memory_space<vmem>>, vector<1x16xf32>,
        %get3A_994 = vector.shape_cast %get3A_993 : vector<1x16xf32> to vector<16xf32>
        %add3A_995 = arith.addf %add3A_986, %get3A_994 : vector<16xf32>
        %mul3A_996 = arith.constant 20 : i32
        %mul3A_997 = arith.muli %add3A_345, %mul3A_996 : i32
        %add3A_998 = arith.constant 9 : i32
        %add3A_999 = arith.addi %mul3A_997, %add3A_998 : i32
        %get3A_1000 = arith.index_cast %add3A_999 : i32 to index
        %get3A_1001 = arith.constant 48 : index
        %get3A_1002 = tpu.vector_load %arg15[%get3A_1000, %get3A_1001] {strides = array<i32>} : memref<160x128xf32, #tpu.memory_space<vmem>>, vector<1x16xf32>,
        %get3A_1003 = vector.shape_cast %get3A_1002 : vector<1x16xf32> to vector<16xf32>
        %add3A_1004 = arith.addf %add3A_995, %get3A_1003 : vector<16xf32>
        %mul3A_1005 = arith.constant 20 : i32
        %mul3A_1006 = arith.muli %add3A_345, %mul3A_1005 : i32
        %add3A_1007 = arith.constant 10 : i32
        %add3A_1008 = arith.addi %mul3A_1006, %add3A_1007 : i32
        %get3A_1009 = arith.index_cast %add3A_1008 : i32 to index
        %get3A_1010 = arith.constant 48 : index
        %get3A_1011 = tpu.vector_load %arg15[%get3A_1009, %get3A_1010] {strides = array<i32>} : memref<160x128xf32, #tpu.memory_space<vmem>>, vector<1x16xf32>,
        %get3A_1012 = vector.shape_cast %get3A_1011 : vector<1x16xf32> to vector<16xf32>
        %add3A_1013 = arith.addf %add3A_1004, %get3A_1012 : vector<16xf32>
        %mul3A_1014 = arith.constant 20 : i32
        %mul3A_1015 = arith.muli %add3A_345, %mul3A_1014 : i32
        %add3A_1016 = arith.constant 11 : i32
        %add3A_1017 = arith.addi %mul3A_1015, %add3A_1016 : i32
        %get3A_1018 = arith.index_cast %add3A_1017 : i32 to index
        %get3A_1019 = arith.constant 48 : index
        %get3A_1020 = tpu.vector_load %arg15[%get3A_1018, %get3A_1019] {strides = array<i32>} : memref<160x128xf32, #tpu.memory_space<vmem>>, vector<1x16xf32>,
        %get3A_1021 = vector.shape_cast %get3A_1020 : vector<1x16xf32> to vector<16xf32>
        %add3A_1022 = arith.addf %add3A_1013, %get3A_1021 : vector<16xf32>
        %mul3A_1023 = arith.constant 20 : i32
        %mul3A_1024 = arith.muli %add3A_345, %mul3A_1023 : i32
        %add3A_1025 = arith.constant 12 : i32
        %add3A_1026 = arith.addi %mul3A_1024, %add3A_1025 : i32
        %get3A_1027 = arith.index_cast %add3A_1026 : i32 to index
        %get3A_1028 = arith.constant 48 : index
        %get3A_1029 = tpu.vector_load %arg15[%get3A_1027, %get3A_1028] {strides = array<i32>} : memref<160x128xf32, #tpu.memory_space<vmem>>, vector<1x16xf32>,
        %get3A_1030 = vector.shape_cast %get3A_1029 : vector<1x16xf32> to vector<16xf32>
        %add3A_1031 = arith.addf %add3A_1022, %get3A_1030 : vector<16xf32>
        %mul3A_1032 = arith.constant 20 : i32
        %mul3A_1033 = arith.muli %add3A_345, %mul3A_1032 : i32
        %add3A_1034 = arith.constant 13 : i32
        %add3A_1035 = arith.addi %mul3A_1033, %add3A_1034 : i32
        %get3A_1036 = arith.index_cast %add3A_1035 : i32 to index
        %get3A_1037 = arith.constant 48 : index
        %get3A_1038 = tpu.vector_load %arg15[%get3A_1036, %get3A_1037] {strides = array<i32>} : memref<160x128xf32, #tpu.memory_space<vmem>>, vector<1x16xf32>,
        %get3A_1039 = vector.shape_cast %get3A_1038 : vector<1x16xf32> to vector<16xf32>
        %add3A_1040 = arith.addf %add3A_1031, %get3A_1039 : vector<16xf32>
        %mul3A_1041 = arith.constant 20 : i32
        %mul3A_1042 = arith.muli %add3A_345, %mul3A_1041 : i32
        %add3A_1043 = arith.constant 14 : i32
        %add3A_1044 = arith.addi %mul3A_1042, %add3A_1043 : i32
        %get3A_1045 = arith.index_cast %add3A_1044 : i32 to index
        %get3A_1046 = arith.constant 48 : index
        %get3A_1047 = tpu.vector_load %arg15[%get3A_1045, %get3A_1046] {strides = array<i32>} : memref<160x128xf32, #tpu.memory_space<vmem>>, vector<1x16xf32>,
        %get3A_1048 = vector.shape_cast %get3A_1047 : vector<1x16xf32> to vector<16xf32>
        %add3A_1049 = arith.addf %add3A_1040, %get3A_1048 : vector<16xf32>
        %mul3A_1050 = arith.constant 20 : i32
        %mul3A_1051 = arith.muli %add3A_345, %mul3A_1050 : i32
        %add3A_1052 = arith.constant 15 : i32
        %add3A_1053 = arith.addi %mul3A_1051, %add3A_1052 : i32
        %get3A_1054 = arith.index_cast %add3A_1053 : i32 to index
        %get3A_1055 = arith.constant 48 : index
        %get3A_1056 = tpu.vector_load %arg15[%get3A_1054, %get3A_1055] {strides = array<i32>} : memref<160x128xf32, #tpu.memory_space<vmem>>, vector<1x16xf32>,
        %get3A_1057 = vector.shape_cast %get3A_1056 : vector<1x16xf32> to vector<16xf32>
        %add3A_1058 = arith.addf %add3A_1049, %get3A_1057 : vector<16xf32>
        %mul3A_1059 = arith.constant 20 : i32
        %mul3A_1060 = arith.muli %add3A_345, %mul3A_1059 : i32
        %add3A_1061 = arith.constant 16 : i32
        %add3A_1062 = arith.addi %mul3A_1060, %add3A_1061 : i32
        %get3A_1063 = arith.index_cast %add3A_1062 : i32 to index
        %get3A_1064 = arith.constant 48 : index
        %get3A_1065 = tpu.vector_load %arg15[%get3A_1063, %get3A_1064] {strides = array<i32>} : memref<160x128xf32, #tpu.memory_space<vmem>>, vector<1x16xf32>,
        %get3A_1066 = vector.shape_cast %get3A_1065 : vector<1x16xf32> to vector<16xf32>
        %add3A_1067 = arith.addf %add3A_1058, %get3A_1066 : vector<16xf32>
        %mul3A_1068 = arith.constant 20 : i32
        %mul3A_1069 = arith.muli %add3A_345, %mul3A_1068 : i32
        %add3A_1070 = arith.constant 17 : i32
        %add3A_1071 = arith.addi %mul3A_1069, %add3A_1070 : i32
        %get3A_1072 = arith.index_cast %add3A_1071 : i32 to index
        %get3A_1073 = arith.constant 48 : index
        %get3A_1074 = tpu.vector_load %arg15[%get3A_1072, %get3A_1073] {strides = array<i32>} : memref<160x128xf32, #tpu.memory_space<vmem>>, vector<1x16xf32>,
        %get3A_1075 = vector.shape_cast %get3A_1074 : vector<1x16xf32> to vector<16xf32>
        %add3A_1076 = arith.addf %add3A_1067, %get3A_1075 : vector<16xf32>
        %mul3A_1077 = arith.constant 20 : i32
        %mul3A_1078 = arith.muli %add3A_345, %mul3A_1077 : i32
        %add3A_1079 = arith.constant 18 : i32
        %add3A_1080 = arith.addi %mul3A_1078, %add3A_1079 : i32
        %get3A_1081 = arith.index_cast %add3A_1080 : i32 to index
        %get3A_1082 = arith.constant 48 : index
        %get3A_1083 = tpu.vector_load %arg15[%get3A_1081, %get3A_1082] {strides = array<i32>} : memref<160x128xf32, #tpu.memory_space<vmem>>, vector<1x16xf32>,
        %get3A_1084 = vector.shape_cast %get3A_1083 : vector<1x16xf32> to vector<16xf32>
        %add3A_1085 = arith.addf %add3A_1076, %get3A_1084 : vector<16xf32>
        %mul3A_1086 = arith.constant 20 : i32
        %mul3A_1087 = arith.muli %add3A_345, %mul3A_1086 : i32
        %add3A_1088 = arith.constant 19 : i32
        %add3A_1089 = arith.addi %mul3A_1087, %add3A_1088 : i32
        %get3A_1090 = arith.index_cast %add3A_1089 : i32 to index
        %get3A_1091 = arith.constant 48 : index
        %get3A_1092 = tpu.vector_load %arg15[%get3A_1090, %get3A_1091] {strides = array<i32>} : memref<160x128xf32, #tpu.memory_space<vmem>>, vector<1x16xf32>,
        %get3A_1093 = vector.shape_cast %get3A_1092 : vector<1x16xf32> to vector<16xf32>
        %add3A_1094 = arith.addf %add3A_1085, %get3A_1093 : vector<16xf32>
        %swap3A_1095 = arith.index_cast %add3A_345 : i32 to index
        %swap3A_1096 = arith.constant 48 : index
        %swap3A_1097 = tpu.vector_load %arg17[%swap3A_1095, %swap3A_1096] {strides = array<i32>} : memref<8x128xf32, #tpu.memory_space<vmem>>, vector<1x16xf32>,
        %swap3A_1098 = vector.shape_cast %swap3A_1097 : vector<1x16xf32> to vector<16xf32>
        %swap3A_1099 = vector.shape_cast %add3A_1094 : vector<16xf32> to vector<1x16xf32>
        tpu.vector_store %arg17[%swap3A_1095, %swap3A_1096], %swap3A_1099 {strides = array<i32>} : memref<8x128xf32, #tpu.memory_space<vmem>>, vector<1x16xf32>,
        %get3A_1100 = arith.index_cast %add3A_345 : i32 to index
        %get3A_1101 = arith.constant 64 : index
        %get3A_1102 = tpu.vector_load %arg13[%get3A_1100, %get3A_1101] {strides = array<i32>} : memref<8x128xf32, #tpu.memory_space<vmem>>, vector<1x16xf32>,
        %get3A_1103 = vector.shape_cast %get3A_1102 : vector<1x16xf32> to vector<16xf32>
        %mul3A_1104 = arith.constant 20 : i32
        %mul3A_1105 = arith.muli %add3A_345, %mul3A_1104 : i32
        %add3A_1106 = arith.constant 0 : i32
        %add3A_1107 = arith.addi %mul3A_1105, %add3A_1106 : i32
        %get3A_1108 = arith.index_cast %add3A_1107 : i32 to index
        %get3A_1109 = arith.constant 64 : index
        %get3A_1110 = tpu.vector_load %arg15[%get3A_1108, %get3A_1109] {strides = array<i32>} : memref<160x128xf32, #tpu.memory_space<vmem>>, vector<1x16xf32>,
        %get3A_1111 = vector.shape_cast %get3A_1110 : vector<1x16xf32> to vector<16xf32>
        %add3A_1112 = arith.addf %get3A_1103, %get3A_1111 : vector<16xf32>
        %mul3A_1113 = arith.constant 20 : i32
        %mul3A_1114 = arith.muli %add3A_345, %mul3A_1113 : i32
        %add3A_1115 = arith.constant 1 : i32
        %add3A_1116 = arith.addi %mul3A_1114, %add3A_1115 : i32
        %get3A_1117 = arith.index_cast %add3A_1116 : i32 to index
        %get3A_1118 = arith.constant 64 : index
        %get3A_1119 = tpu.vector_load %arg15[%get3A_1117, %get3A_1118] {strides = array<i32>} : memref<160x128xf32, #tpu.memory_space<vmem>>, vector<1x16xf32>,
        %get3A_1120 = vector.shape_cast %get3A_1119 : vector<1x16xf32> to vector<16xf32>
        %add3A_1121 = arith.addf %add3A_1112, %get3A_1120 : vector<16xf32>
        %mul3A_1122 = arith.constant 20 : i32
        %mul3A_1123 = arith.muli %add3A_345, %mul3A_1122 : i32
        %add3A_1124 = arith.constant 2 : i32
        %add3A_1125 = arith.addi %mul3A_1123, %add3A_1124 : i32
        %get3A_1126 = arith.index_cast %add3A_1125 : i32 to index
        %get3A_1127 = arith.constant 64 : index
        %get3A_1128 = tpu.vector_load %arg15[%get3A_1126, %get3A_1127] {strides = array<i32>} : memref<160x128xf32, #tpu.memory_space<vmem>>, vector<1x16xf32>,
        %get3A_1129 = vector.shape_cast %get3A_1128 : vector<1x16xf32> to vector<16xf32>
        %add3A_1130 = arith.addf %add3A_1121, %get3A_1129 : vector<16xf32>
        %mul3A_1131 = arith.constant 20 : i32
        %mul3A_1132 = arith.muli %add3A_345, %mul3A_1131 : i32
        %add3A_1133 = arith.constant 3 : i32
        %add3A_1134 = arith.addi %mul3A_1132, %add3A_1133 : i32
        %get3A_1135 = arith.index_cast %add3A_1134 : i32 to index
        %get3A_1136 = arith.constant 64 : index
        %get3A_1137 = tpu.vector_load %arg15[%get3A_1135, %get3A_1136] {strides = array<i32>} : memref<160x128xf32, #tpu.memory_space<vmem>>, vector<1x16xf32>,
        %get3A_1138 = vector.shape_cast %get3A_1137 : vector<1x16xf32> to vector<16xf32>
        %add3A_1139 = arith.addf %add3A_1130, %get3A_1138 : vector<16xf32>
        %mul3A_1140 = arith.constant 20 : i32
        %mul3A_1141 = arith.muli %add3A_345, %mul3A_1140 : i32
        %add3A_1142 = arith.constant 4 : i32
        %add3A_1143 = arith.addi %mul3A_1141, %add3A_1142 : i32
        %get3A_1144 = arith.index_cast %add3A_1143 : i32 to index
        %get3A_1145 = arith.constant 64 : index
        %get3A_1146 = tpu.vector_load %arg15[%get3A_1144, %get3A_1145] {strides = array<i32>} : memref<160x128xf32, #tpu.memory_space<vmem>>, vector<1x16xf32>,
        %get3A_1147 = vector.shape_cast %get3A_1146 : vector<1x16xf32> to vector<16xf32>
        %add3A_1148 = arith.addf %add3A_1139, %get3A_1147 : vector<16xf32>
        %mul3A_1149 = arith.constant 20 : i32
        %mul3A_1150 = arith.muli %add3A_345, %mul3A_1149 : i32
        %add3A_1151 = arith.constant 5 : i32
        %add3A_1152 = arith.addi %mul3A_1150, %add3A_1151 : i32
        %get3A_1153 = arith.index_cast %add3A_1152 : i32 to index
        %get3A_1154 = arith.constant 64 : index
        %get3A_1155 = tpu.vector_load %arg15[%get3A_1153, %get3A_1154] {strides = array<i32>} : memref<160x128xf32, #tpu.memory_space<vmem>>, vector<1x16xf32>,
        %get3A_1156 = vector.shape_cast %get3A_1155 : vector<1x16xf32> to vector<16xf32>
        %add3A_1157 = arith.addf %add3A_1148, %get3A_1156 : vector<16xf32>
        %mul3A_1158 = arith.constant 20 : i32
        %mul3A_1159 = arith.muli %add3A_345, %mul3A_1158 : i32
        %add3A_1160 = arith.constant 6 : i32
        %add3A_1161 = arith.addi %mul3A_1159, %add3A_1160 : i32
        %get3A_1162 = arith.index_cast %add3A_1161 : i32 to index
        %get3A_1163 = arith.constant 64 : index
        %get3A_1164 = tpu.vector_load %arg15[%get3A_1162, %get3A_1163] {strides = array<i32>} : memref<160x128xf32, #tpu.memory_space<vmem>>, vector<1x16xf32>,
        %get3A_1165 = vector.shape_cast %get3A_1164 : vector<1x16xf32> to vector<16xf32>
        %add3A_1166 = arith.addf %add3A_1157, %get3A_1165 : vector<16xf32>
        %mul3A_1167 = arith.constant 20 : i32
        %mul3A_1168 = arith.muli %add3A_345, %mul3A_1167 : i32
        %add3A_1169 = arith.constant 7 : i32
        %add3A_1170 = arith.addi %mul3A_1168, %add3A_1169 : i32
        %get3A_1171 = arith.index_cast %add3A_1170 : i32 to index
        %get3A_1172 = arith.constant 64 : index
        %get3A_1173 = tpu.vector_load %arg15[%get3A_1171, %get3A_1172] {strides = array<i32>} : memref<160x128xf32, #tpu.memory_space<vmem>>, vector<1x16xf32>,
        %get3A_1174 = vector.shape_cast %get3A_1173 : vector<1x16xf32> to vector<16xf32>
        %add3A_1175 = arith.addf %add3A_1166, %get3A_1174 : vector<16xf32>
        %mul3A_1176 = arith.constant 20 : i32
        %mul3A_1177 = arith.muli %add3A_345, %mul3A_1176 : i32
        %add3A_1178 = arith.constant 8 : i32
        %add3A_1179 = arith.addi %mul3A_1177, %add3A_1178 : i32
        %get3A_1180 = arith.index_cast %add3A_1179 : i32 to index
        %get3A_1181 = arith.constant 64 : index
        %get3A_1182 = tpu.vector_load %arg15[%get3A_1180, %get3A_1181] {strides = array<i32>} : memref<160x128xf32, #tpu.memory_space<vmem>>, vector<1x16xf32>,
        %get3A_1183 = vector.shape_cast %get3A_1182 : vector<1x16xf32> to vector<16xf32>
        %add3A_1184 = arith.addf %add3A_1175, %get3A_1183 : vector<16xf32>
        %mul3A_1185 = arith.constant 20 : i32
        %mul3A_1186 = arith.muli %add3A_345, %mul3A_1185 : i32
        %add3A_1187 = arith.constant 9 : i32
        %add3A_1188 = arith.addi %mul3A_1186, %add3A_1187 : i32
        %get3A_1189 = arith.index_cast %add3A_1188 : i32 to index
        %get3A_1190 = arith.constant 64 : index
        %get3A_1191 = tpu.vector_load %arg15[%get3A_1189, %get3A_1190] {strides = array<i32>} : memref<160x128xf32, #tpu.memory_space<vmem>>, vector<1x16xf32>,
        %get3A_1192 = vector.shape_cast %get3A_1191 : vector<1x16xf32> to vector<16xf32>
        %add3A_1193 = arith.addf %add3A_1184, %get3A_1192 : vector<16xf32>
        %mul3A_1194 = arith.constant 20 : i32
        %mul3A_1195 = arith.muli %add3A_345, %mul3A_1194 : i32
        %add3A_1196 = arith.constant 10 : i32
        %add3A_1197 = arith.addi %mul3A_1195, %add3A_1196 : i32
        %get3A_1198 = arith.index_cast %add3A_1197 : i32 to index
        %get3A_1199 = arith.constant 64 : index
        %get3A_1200 = tpu.vector_load %arg15[%get3A_1198, %get3A_1199] {strides = array<i32>} : memref<160x128xf32, #tpu.memory_space<vmem>>, vector<1x16xf32>,
        %get3A_1201 = vector.shape_cast %get3A_1200 : vector<1x16xf32> to vector<16xf32>
        %add3A_1202 = arith.addf %add3A_1193, %get3A_1201 : vector<16xf32>
        %mul3A_1203 = arith.constant 20 : i32
        %mul3A_1204 = arith.muli %add3A_345, %mul3A_1203 : i32
        %add3A_1205 = arith.constant 11 : i32
        %add3A_1206 = arith.addi %mul3A_1204, %add3A_1205 : i32
        %get3A_1207 = arith.index_cast %add3A_1206 : i32 to index
        %get3A_1208 = arith.constant 64 : index
        %get3A_1209 = tpu.vector_load %arg15[%get3A_1207, %get3A_1208] {strides = array<i32>} : memref<160x128xf32, #tpu.memory_space<vmem>>, vector<1x16xf32>,
        %get3A_1210 = vector.shape_cast %get3A_1209 : vector<1x16xf32> to vector<16xf32>
        %add3A_1211 = arith.addf %add3A_1202, %get3A_1210 : vector<16xf32>
        %mul3A_1212 = arith.constant 20 : i32
        %mul3A_1213 = arith.muli %add3A_345, %mul3A_1212 : i32
        %add3A_1214 = arith.constant 12 : i32
        %add3A_1215 = arith.addi %mul3A_1213, %add3A_1214 : i32
        %get3A_1216 = arith.index_cast %add3A_1215 : i32 to index
        %get3A_1217 = arith.constant 64 : index
        %get3A_1218 = tpu.vector_load %arg15[%get3A_1216, %get3A_1217] {strides = array<i32>} : memref<160x128xf32, #tpu.memory_space<vmem>>, vector<1x16xf32>,
        %get3A_1219 = vector.shape_cast %get3A_1218 : vector<1x16xf32> to vector<16xf32>
        %add3A_1220 = arith.addf %add3A_1211, %get3A_1219 : vector<16xf32>
        %mul3A_1221 = arith.constant 20 : i32
        %mul3A_1222 = arith.muli %add3A_345, %mul3A_1221 : i32
        %add3A_1223 = arith.constant 13 : i32
        %add3A_1224 = arith.addi %mul3A_1222, %add3A_1223 : i32
        %get3A_1225 = arith.index_cast %add3A_1224 : i32 to index
        %get3A_1226 = arith.constant 64 : index
        %get3A_1227 = tpu.vector_load %arg15[%get3A_1225, %get3A_1226] {strides = array<i32>} : memref<160x128xf32, #tpu.memory_space<vmem>>, vector<1x16xf32>,
        %get3A_1228 = vector.shape_cast %get3A_1227 : vector<1x16xf32> to vector<16xf32>
        %add3A_1229 = arith.addf %add3A_1220, %get3A_1228 : vector<16xf32>
        %mul3A_1230 = arith.constant 20 : i32
        %mul3A_1231 = arith.muli %add3A_345, %mul3A_1230 : i32
        %add3A_1232 = arith.constant 14 : i32
        %add3A_1233 = arith.addi %mul3A_1231, %add3A_1232 : i32
        %get3A_1234 = arith.index_cast %add3A_1233 : i32 to index
        %get3A_1235 = arith.constant 64 : index
        %get3A_1236 = tpu.vector_load %arg15[%get3A_1234, %get3A_1235] {strides = array<i32>} : memref<160x128xf32, #tpu.memory_space<vmem>>, vector<1x16xf32>,
        %get3A_1237 = vector.shape_cast %get3A_1236 : vector<1x16xf32> to vector<16xf32>
        %add3A_1238 = arith.addf %add3A_1229, %get3A_1237 : vector<16xf32>
        %mul3A_1239 = arith.constant 20 : i32
        %mul3A_1240 = arith.muli %add3A_345, %mul3A_1239 : i32
        %add3A_1241 = arith.constant 15 : i32
        %add3A_1242 = arith.addi %mul3A_1240, %add3A_1241 : i32
        %get3A_1243 = arith.index_cast %add3A_1242 : i32 to index
        %get3A_1244 = arith.constant 64 : index
        %get3A_1245 = tpu.vector_load %arg15[%get3A_1243, %get3A_1244] {strides = array<i32>} : memref<160x128xf32, #tpu.memory_space<vmem>>, vector<1x16xf32>,
        %get3A_1246 = vector.shape_cast %get3A_1245 : vector<1x16xf32> to vector<16xf32>
        %add3A_1247 = arith.addf %add3A_1238, %get3A_1246 : vector<16xf32>
        %mul3A_1248 = arith.constant 20 : i32
        %mul3A_1249 = arith.muli %add3A_345, %mul3A_1248 : i32
        %add3A_1250 = arith.constant 16 : i32
        %add3A_1251 = arith.addi %mul3A_1249, %add3A_1250 : i32
        %get3A_1252 = arith.index_cast %add3A_1251 : i32 to index
        %get3A_1253 = arith.constant 64 : index
        %get3A_1254 = tpu.vector_load %arg15[%get3A_1252, %get3A_1253] {strides = array<i32>} : memref<160x128xf32, #tpu.memory_space<vmem>>, vector<1x16xf32>,
        %get3A_1255 = vector.shape_cast %get3A_1254 : vector<1x16xf32> to vector<16xf32>
        %add3A_1256 = arith.addf %add3A_1247, %get3A_1255 : vector<16xf32>
        %mul3A_1257 = arith.constant 20 : i32
        %mul3A_1258 = arith.muli %add3A_345, %mul3A_1257 : i32
        %add3A_1259 = arith.constant 17 : i32
        %add3A_1260 = arith.addi %mul3A_1258, %add3A_1259 : i32
        %get3A_1261 = arith.index_cast %add3A_1260 : i32 to index
        %get3A_1262 = arith.constant 64 : index
        %get3A_1263 = tpu.vector_load %arg15[%get3A_1261, %get3A_1262] {strides = array<i32>} : memref<160x128xf32, #tpu.memory_space<vmem>>, vector<1x16xf32>,
        %get3A_1264 = vector.shape_cast %get3A_1263 : vector<1x16xf32> to vector<16xf32>
        %add3A_1265 = arith.addf %add3A_1256, %get3A_1264 : vector<16xf32>
        %mul3A_1266 = arith.constant 20 : i32
        %mul3A_1267 = arith.muli %add3A_345, %mul3A_1266 : i32
        %add3A_1268 = arith.constant 18 : i32
        %add3A_1269 = arith.addi %mul3A_1267, %add3A_1268 : i32
        %get3A_1270 = arith.index_cast %add3A_1269 : i32 to index
        %get3A_1271 = arith.constant 64 : index
        %get3A_1272 = tpu.vector_load %arg15[%get3A_1270, %get3A_1271] {strides = array<i32>} : memref<160x128xf32, #tpu.memory_space<vmem>>, vector<1x16xf32>,
        %get3A_1273 = vector.shape_cast %get3A_1272 : vector<1x16xf32> to vector<16xf32>
        %add3A_1274 = arith.addf %add3A_1265, %get3A_1273 : vector<16xf32>
        %mul3A_1275 = arith.constant 20 : i32
        %mul3A_1276 = arith.muli %add3A_345, %mul3A_1275 : i32
        %add3A_1277 = arith.constant 19 : i32
        %add3A_1278 = arith.addi %mul3A_1276, %add3A_1277 : i32
        %get3A_1279 = arith.index_cast %add3A_1278 : i32 to index
        %get3A_1280 = arith.constant 64 : index
        %get3A_1281 = tpu.vector_load %arg15[%get3A_1279, %get3A_1280] {strides = array<i32>} : memref<160x128xf32, #tpu.memory_space<vmem>>, vector<1x16xf32>,
        %get3A_1282 = vector.shape_cast %get3A_1281 : vector<1x16xf32> to vector<16xf32>
        %add3A_1283 = arith.addf %add3A_1274, %get3A_1282 : vector<16xf32>
        %swap3A_1284 = arith.index_cast %add3A_345 : i32 to index
        %swap3A_1285 = arith.constant 64 : index
        %swap3A_1286 = tpu.vector_load %arg17[%swap3A_1284, %swap3A_1285] {strides = array<i32>} : memref<8x128xf32, #tpu.memory_space<vmem>>, vector<1x16xf32>,
        %swap3A_1287 = vector.shape_cast %swap3A_1286 : vector<1x16xf32> to vector<16xf32>
        %swap3A_1288 = vector.shape_cast %add3A_1283 : vector<16xf32> to vector<1x16xf32>
        tpu.vector_store %arg17[%swap3A_1284, %swap3A_1285], %swap3A_1288 {strides = array<i32>} : memref<8x128xf32, #tpu.memory_space<vmem>>, vector<1x16xf32>,
        %get3A_1289 = arith.index_cast %add3A_345 : i32 to index
        %get3A_1290 = arith.constant 80 : index
        %get3A_1291 = tpu.vector_load %arg13[%get3A_1289, %get3A_1290] {strides = array<i32>} : memref<8x128xf32, #tpu.memory_space<vmem>>, vector<1x16xf32>,
        %get3A_1292 = vector.shape_cast %get3A_1291 : vector<1x16xf32> to vector<16xf32>
        %mul3A_1293 = arith.constant 20 : i32
        %mul3A_1294 = arith.muli %add3A_345, %mul3A_1293 : i32
        %add3A_1295 = arith.constant 0 : i32
        %add3A_1296 = arith.addi %mul3A_1294, %add3A_1295 : i32
        %get3A_1297 = arith.index_cast %add3A_1296 : i32 to index
        %get3A_1298 = arith.constant 80 : index
        %get3A_1299 = tpu.vector_load %arg15[%get3A_1297, %get3A_1298] {strides = array<i32>} : memref<160x128xf32, #tpu.memory_space<vmem>>, vector<1x16xf32>,
        %get3A_1300 = vector.shape_cast %get3A_1299 : vector<1x16xf32> to vector<16xf32>
        %add3A_1301 = arith.addf %get3A_1292, %get3A_1300 : vector<16xf32>
        %mul3A_1302 = arith.constant 20 : i32
        %mul3A_1303 = arith.muli %add3A_345, %mul3A_1302 : i32
        %add3A_1304 = arith.constant 1 : i32
        %add3A_1305 = arith.addi %mul3A_1303, %add3A_1304 : i32
        %get3A_1306 = arith.index_cast %add3A_1305 : i32 to index
        %get3A_1307 = arith.constant 80 : index
        %get3A_1308 = tpu.vector_load %arg15[%get3A_1306, %get3A_1307] {strides = array<i32>} : memref<160x128xf32, #tpu.memory_space<vmem>>, vector<1x16xf32>,
        %get3A_1309 = vector.shape_cast %get3A_1308 : vector<1x16xf32> to vector<16xf32>
        %add3A_1310 = arith.addf %add3A_1301, %get3A_1309 : vector<16xf32>
        %mul3A_1311 = arith.constant 20 : i32
        %mul3A_1312 = arith.muli %add3A_345, %mul3A_1311 : i32
        %add3A_1313 = arith.constant 2 : i32
        %add3A_1314 = arith.addi %mul3A_1312, %add3A_1313 : i32
        %get3A_1315 = arith.index_cast %add3A_1314 : i32 to index
        %get3A_1316 = arith.constant 80 : index
        %get3A_1317 = tpu.vector_load %arg15[%get3A_1315, %get3A_1316] {strides = array<i32>} : memref<160x128xf32, #tpu.memory_space<vmem>>, vector<1x16xf32>,
        %get3A_1318 = vector.shape_cast %get3A_1317 : vector<1x16xf32> to vector<16xf32>
        %add3A_1319 = arith.addf %add3A_1310, %get3A_1318 : vector<16xf32>
        %mul3A_1320 = arith.constant 20 : i32
        %mul3A_1321 = arith.muli %add3A_345, %mul3A_1320 : i32
        %add3A_1322 = arith.constant 3 : i32
        %add3A_1323 = arith.addi %mul3A_1321, %add3A_1322 : i32
        %get3A_1324 = arith.index_cast %add3A_1323 : i32 to index
        %get3A_1325 = arith.constant 80 : index
        %get3A_1326 = tpu.vector_load %arg15[%get3A_1324, %get3A_1325] {strides = array<i32>} : memref<160x128xf32, #tpu.memory_space<vmem>>, vector<1x16xf32>,
        %get3A_1327 = vector.shape_cast %get3A_1326 : vector<1x16xf32> to vector<16xf32>
        %add3A_1328 = arith.addf %add3A_1319, %get3A_1327 : vector<16xf32>
        %mul3A_1329 = arith.constant 20 : i32
        %mul3A_1330 = arith.muli %add3A_345, %mul3A_1329 : i32
        %add3A_1331 = arith.constant 4 : i32
        %add3A_1332 = arith.addi %mul3A_1330, %add3A_1331 : i32
        %get3A_1333 = arith.index_cast %add3A_1332 : i32 to index
        %get3A_1334 = arith.constant 80 : index
        %get3A_1335 = tpu.vector_load %arg15[%get3A_1333, %get3A_1334] {strides = array<i32>} : memref<160x128xf32, #tpu.memory_space<vmem>>, vector<1x16xf32>,
        %get3A_1336 = vector.shape_cast %get3A_1335 : vector<1x16xf32> to vector<16xf32>
        %add3A_1337 = arith.addf %add3A_1328, %get3A_1336 : vector<16xf32>
        %mul3A_1338 = arith.constant 20 : i32
        %mul3A_1339 = arith.muli %add3A_345, %mul3A_1338 : i32
        %add3A_1340 = arith.constant 5 : i32
        %add3A_1341 = arith.addi %mul3A_1339, %add3A_1340 : i32
        %get3A_1342 = arith.index_cast %add3A_1341 : i32 to index
        %get3A_1343 = arith.constant 80 : index
        %get3A_1344 = tpu.vector_load %arg15[%get3A_1342, %get3A_1343] {strides = array<i32>} : memref<160x128xf32, #tpu.memory_space<vmem>>, vector<1x16xf32>,
        %get3A_1345 = vector.shape_cast %get3A_1344 : vector<1x16xf32> to vector<16xf32>
        %add3A_1346 = arith.addf %add3A_1337, %get3A_1345 : vector<16xf32>
        %mul3A_1347 = arith.constant 20 : i32
        %mul3A_1348 = arith.muli %add3A_345, %mul3A_1347 : i32
        %add3A_1349 = arith.constant 6 : i32
        %add3A_1350 = arith.addi %mul3A_1348, %add3A_1349 : i32
        %get3A_1351 = arith.index_cast %add3A_1350 : i32 to index
        %get3A_1352 = arith.constant 80 : index
        %get3A_1353 = tpu.vector_load %arg15[%get3A_1351, %get3A_1352] {strides = array<i32>} : memref<160x128xf32, #tpu.memory_space<vmem>>, vector<1x16xf32>,
        %get3A_1354 = vector.shape_cast %get3A_1353 : vector<1x16xf32> to vector<16xf32>
        %add3A_1355 = arith.addf %add3A_1346, %get3A_1354 : vector<16xf32>
        %mul3A_1356 = arith.constant 20 : i32
        %mul3A_1357 = arith.muli %add3A_345, %mul3A_1356 : i32
        %add3A_1358 = arith.constant 7 : i32
        %add3A_1359 = arith.addi %mul3A_1357, %add3A_1358 : i32
        %get3A_1360 = arith.index_cast %add3A_1359 : i32 to index
        %get3A_1361 = arith.constant 80 : index
        %get3A_1362 = tpu.vector_load %arg15[%get3A_1360, %get3A_1361] {strides = array<i32>} : memref<160x128xf32, #tpu.memory_space<vmem>>, vector<1x16xf32>,
        %get3A_1363 = vector.shape_cast %get3A_1362 : vector<1x16xf32> to vector<16xf32>
        %add3A_1364 = arith.addf %add3A_1355, %get3A_1363 : vector<16xf32>
        %mul3A_1365 = arith.constant 20 : i32
        %mul3A_1366 = arith.muli %add3A_345, %mul3A_1365 : i32
        %add3A_1367 = arith.constant 8 : i32
        %add3A_1368 = arith.addi %mul3A_1366, %add3A_1367 : i32
        %get3A_1369 = arith.index_cast %add3A_1368 : i32 to index
        %get3A_1370 = arith.constant 80 : index
        %get3A_1371 = tpu.vector_load %arg15[%get3A_1369, %get3A_1370] {strides = array<i32>} : memref<160x128xf32, #tpu.memory_space<vmem>>, vector<1x16xf32>,
        %get3A_1372 = vector.shape_cast %get3A_1371 : vector<1x16xf32> to vector<16xf32>
        %add3A_1373 = arith.addf %add3A_1364, %get3A_1372 : vector<16xf32>
        %mul3A_1374 = arith.constant 20 : i32
        %mul3A_1375 = arith.muli %add3A_345, %mul3A_1374 : i32
        %add3A_1376 = arith.constant 9 : i32
        %add3A_1377 = arith.addi %mul3A_1375, %add3A_1376 : i32
        %get3A_1378 = arith.index_cast %add3A_1377 : i32 to index
        %get3A_1379 = arith.constant 80 : index
        %get3A_1380 = tpu.vector_load %arg15[%get3A_1378, %get3A_1379] {strides = array<i32>} : memref<160x128xf32, #tpu.memory_space<vmem>>, vector<1x16xf32>,
        %get3A_1381 = vector.shape_cast %get3A_1380 : vector<1x16xf32> to vector<16xf32>
        %add3A_1382 = arith.addf %add3A_1373, %get3A_1381 : vector<16xf32>
        %mul3A_1383 = arith.constant 20 : i32
        %mul3A_1384 = arith.muli %add3A_345, %mul3A_1383 : i32
        %add3A_1385 = arith.constant 10 : i32
        %add3A_1386 = arith.addi %mul3A_1384, %add3A_1385 : i32
        %get3A_1387 = arith.index_cast %add3A_1386 : i32 to index
        %get3A_1388 = arith.constant 80 : index
        %get3A_1389 = tpu.vector_load %arg15[%get3A_1387, %get3A_1388] {strides = array<i32>} : memref<160x128xf32, #tpu.memory_space<vmem>>, vector<1x16xf32>,
        %get3A_1390 = vector.shape_cast %get3A_1389 : vector<1x16xf32> to vector<16xf32>
        %add3A_1391 = arith.addf %add3A_1382, %get3A_1390 : vector<16xf32>
        %mul3A_1392 = arith.constant 20 : i32
        %mul3A_1393 = arith.muli %add3A_345, %mul3A_1392 : i32
        %add3A_1394 = arith.constant 11 : i32
        %add3A_1395 = arith.addi %mul3A_1393, %add3A_1394 : i32
        %get3A_1396 = arith.index_cast %add3A_1395 : i32 to index
        %get3A_1397 = arith.constant 80 : index
        %get3A_1398 = tpu.vector_load %arg15[%get3A_1396, %get3A_1397] {strides = array<i32>} : memref<160x128xf32, #tpu.memory_space<vmem>>, vector<1x16xf32>,
        %get3A_1399 = vector.shape_cast %get3A_1398 : vector<1x16xf32> to vector<16xf32>
        %add3A_1400 = arith.addf %add3A_1391, %get3A_1399 : vector<16xf32>
        %mul3A_1401 = arith.constant 20 : i32
        %mul3A_1402 = arith.muli %add3A_345, %mul3A_1401 : i32
        %add3A_1403 = arith.constant 12 : i32
        %add3A_1404 = arith.addi %mul3A_1402, %add3A_1403 : i32
        %get3A_1405 = arith.index_cast %add3A_1404 : i32 to index
        %get3A_1406 = arith.constant 80 : index
        %get3A_1407 = tpu.vector_load %arg15[%get3A_1405, %get3A_1406] {strides = array<i32>} : memref<160x128xf32, #tpu.memory_space<vmem>>, vector<1x16xf32>,
        %get3A_1408 = vector.shape_cast %get3A_1407 : vector<1x16xf32> to vector<16xf32>
        %add3A_1409 = arith.addf %add3A_1400, %get3A_1408 : vector<16xf32>
        %mul3A_1410 = arith.constant 20 : i32
        %mul3A_1411 = arith.muli %add3A_345, %mul3A_1410 : i32
        %add3A_1412 = arith.constant 13 : i32
        %add3A_1413 = arith.addi %mul3A_1411, %add3A_1412 : i32
        %get3A_1414 = arith.index_cast %add3A_1413 : i32 to index
        %get3A_1415 = arith.constant 80 : index
        %get3A_1416 = tpu.vector_load %arg15[%get3A_1414, %get3A_1415] {strides = array<i32>} : memref<160x128xf32, #tpu.memory_space<vmem>>, vector<1x16xf32>,
        %get3A_1417 = vector.shape_cast %get3A_1416 : vector<1x16xf32> to vector<16xf32>
        %add3A_1418 = arith.addf %add3A_1409, %get3A_1417 : vector<16xf32>
        %mul3A_1419 = arith.constant 20 : i32
        %mul3A_1420 = arith.muli %add3A_345, %mul3A_1419 : i32
        %add3A_1421 = arith.constant 14 : i32
        %add3A_1422 = arith.addi %mul3A_1420, %add3A_1421 : i32
        %get3A_1423 = arith.index_cast %add3A_1422 : i32 to index
        %get3A_1424 = arith.constant 80 : index
        %get3A_1425 = tpu.vector_load %arg15[%get3A_1423, %get3A_1424] {strides = array<i32>} : memref<160x128xf32, #tpu.memory_space<vmem>>, vector<1x16xf32>,
        %get3A_1426 = vector.shape_cast %get3A_1425 : vector<1x16xf32> to vector<16xf32>
        %add3A_1427 = arith.addf %add3A_1418, %get3A_1426 : vector<16xf32>
        %mul3A_1428 = arith.constant 20 : i32
        %mul3A_1429 = arith.muli %add3A_345, %mul3A_1428 : i32
        %add3A_1430 = arith.constant 15 : i32
        %add3A_1431 = arith.addi %mul3A_1429, %add3A_1430 : i32
        %get3A_1432 = arith.index_cast %add3A_1431 : i32 to index
        %get3A_1433 = arith.constant 80 : index
        %get3A_1434 = tpu.vector_load %arg15[%get3A_1432, %get3A_1433] {strides = array<i32>} : memref<160x128xf32, #tpu.memory_space<vmem>>, vector<1x16xf32>,
        %get3A_1435 = vector.shape_cast %get3A_1434 : vector<1x16xf32> to vector<16xf32>
        %add3A_1436 = arith.addf %add3A_1427, %get3A_1435 : vector<16xf32>
        %mul3A_1437 = arith.constant 20 : i32
        %mul3A_1438 = arith.muli %add3A_345, %mul3A_1437 : i32
        %add3A_1439 = arith.constant 16 : i32
        %add3A_1440 = arith.addi %mul3A_1438, %add3A_1439 : i32
        %get3A_1441 = arith.index_cast %add3A_1440 : i32 to index
        %get3A_1442 = arith.constant 80 : index
        %get3A_1443 = tpu.vector_load %arg15[%get3A_1441, %get3A_1442] {strides = array<i32>} : memref<160x128xf32, #tpu.memory_space<vmem>>, vector<1x16xf32>,
        %get3A_1444 = vector.shape_cast %get3A_1443 : vector<1x16xf32> to vector<16xf32>
        %add3A_1445 = arith.addf %add3A_1436, %get3A_1444 : vector<16xf32>
        %mul3A_1446 = arith.constant 20 : i32
        %mul3A_1447 = arith.muli %add3A_345, %mul3A_1446 : i32
        %add3A_1448 = arith.constant 17 : i32
        %add3A_1449 = arith.addi %mul3A_1447, %add3A_1448 : i32
        %get3A_1450 = arith.index_cast %add3A_1449 : i32 to index
        %get3A_1451 = arith.constant 80 : index
        %get3A_1452 = tpu.vector_load %arg15[%get3A_1450, %get3A_1451] {strides = array<i32>} : memref<160x128xf32, #tpu.memory_space<vmem>>, vector<1x16xf32>,
        %get3A_1453 = vector.shape_cast %get3A_1452 : vector<1x16xf32> to vector<16xf32>
        %add3A_1454 = arith.addf %add3A_1445, %get3A_1453 : vector<16xf32>
        %mul3A_1455 = arith.constant 20 : i32
        %mul3A_1456 = arith.muli %add3A_345, %mul3A_1455 : i32
        %add3A_1457 = arith.constant 18 : i32
        %add3A_1458 = arith.addi %mul3A_1456, %add3A_1457 : i32
        %get3A_1459 = arith.index_cast %add3A_1458 : i32 to index
        %get3A_1460 = arith.constant 80 : index
        %get3A_1461 = tpu.vector_load %arg15[%get3A_1459, %get3A_1460] {strides = array<i32>} : memref<160x128xf32, #tpu.memory_space<vmem>>, vector<1x16xf32>,
        %get3A_1462 = vector.shape_cast %get3A_1461 : vector<1x16xf32> to vector<16xf32>
        %add3A_1463 = arith.addf %add3A_1454, %get3A_1462 : vector<16xf32>
        %mul3A_1464 = arith.constant 20 : i32
        %mul3A_1465 = arith.muli %add3A_345, %mul3A_1464 : i32
        %add3A_1466 = arith.constant 19 : i32
        %add3A_1467 = arith.addi %mul3A_1465, %add3A_1466 : i32
        %get3A_1468 = arith.index_cast %add3A_1467 : i32 to index
        %get3A_1469 = arith.constant 80 : index
        %get3A_1470 = tpu.vector_load %arg15[%get3A_1468, %get3A_1469] {strides = array<i32>} : memref<160x128xf32, #tpu.memory_space<vmem>>, vector<1x16xf32>,
        %get3A_1471 = vector.shape_cast %get3A_1470 : vector<1x16xf32> to vector<16xf32>
        %add3A_1472 = arith.addf %add3A_1463, %get3A_1471 : vector<16xf32>
        %swap3A_1473 = arith.index_cast %add3A_345 : i32 to index
        %swap3A_1474 = arith.constant 80 : index
        %swap3A_1475 = tpu.vector_load %arg17[%swap3A_1473, %swap3A_1474] {strides = array<i32>} : memref<8x128xf32, #tpu.memory_space<vmem>>, vector<1x16xf32>,
        %swap3A_1476 = vector.shape_cast %swap3A_1475 : vector<1x16xf32> to vector<16xf32>
        %swap3A_1477 = vector.shape_cast %add3A_1472 : vector<16xf32> to vector<1x16xf32>
        tpu.vector_store %arg17[%swap3A_1473, %swap3A_1474], %swap3A_1477 {strides = array<i32>} : memref<8x128xf32, #tpu.memory_space<vmem>>, vector<1x16xf32>,
        %get3A_1478 = arith.index_cast %add3A_345 : i32 to index
        %get3A_1479 = arith.constant 96 : index
        %get3A_1480 = tpu.vector_load %arg13[%get3A_1478, %get3A_1479] {strides = array<i32>} : memref<8x128xf32, #tpu.memory_space<vmem>>, vector<1x16xf32>,
        %get3A_1481 = vector.shape_cast %get3A_1480 : vector<1x16xf32> to vector<16xf32>
        %mul3A_1482 = arith.constant 20 : i32
        %mul3A_1483 = arith.muli %add3A_345, %mul3A_1482 : i32
        %add3A_1484 = arith.constant 0 : i32
        %add3A_1485 = arith.addi %mul3A_1483, %add3A_1484 : i32
        %get3A_1486 = arith.index_cast %add3A_1485 : i32 to index
        %get3A_1487 = arith.constant 96 : index
        %get3A_1488 = tpu.vector_load %arg15[%get3A_1486, %get3A_1487] {strides = array<i32>} : memref<160x128xf32, #tpu.memory_space<vmem>>, vector<1x16xf32>,
        %get3A_1489 = vector.shape_cast %get3A_1488 : vector<1x16xf32> to vector<16xf32>
        %add3A_1490 = arith.addf %get3A_1481, %get3A_1489 : vector<16xf32>
        %mul3A_1491 = arith.constant 20 : i32
        %mul3A_1492 = arith.muli %add3A_345, %mul3A_1491 : i32
        %add3A_1493 = arith.constant 1 : i32
        %add3A_1494 = arith.addi %mul3A_1492, %add3A_1493 : i32
        %get3A_1495 = arith.index_cast %add3A_1494 : i32 to index
        %get3A_1496 = arith.constant 96 : index
        %get3A_1497 = tpu.vector_load %arg15[%get3A_1495, %get3A_1496] {strides = array<i32>} : memref<160x128xf32, #tpu.memory_space<vmem>>, vector<1x16xf32>,
        %get3A_1498 = vector.shape_cast %get3A_1497 : vector<1x16xf32> to vector<16xf32>
        %add3A_1499 = arith.addf %add3A_1490, %get3A_1498 : vector<16xf32>
        %mul3A_1500 = arith.constant 20 : i32
        %mul3A_1501 = arith.muli %add3A_345, %mul3A_1500 : i32
        %add3A_1502 = arith.constant 2 : i32
        %add3A_1503 = arith.addi %mul3A_1501, %add3A_1502 : i32
        %get3A_1504 = arith.index_cast %add3A_1503 : i32 to index
        %get3A_1505 = arith.constant 96 : index
        %get3A_1506 = tpu.vector_load %arg15[%get3A_1504, %get3A_1505] {strides = array<i32>} : memref<160x128xf32, #tpu.memory_space<vmem>>, vector<1x16xf32>,
        %get3A_1507 = vector.shape_cast %get3A_1506 : vector<1x16xf32> to vector<16xf32>
        %add3A_1508 = arith.addf %add3A_1499, %get3A_1507 : vector<16xf32>
        %mul3A_1509 = arith.constant 20 : i32
        %mul3A_1510 = arith.muli %add3A_345, %mul3A_1509 : i32
        %add3A_1511 = arith.constant 3 : i32
        %add3A_1512 = arith.addi %mul3A_1510, %add3A_1511 : i32
        %get3A_1513 = arith.index_cast %add3A_1512 : i32 to index
        %get3A_1514 = arith.constant 96 : index
        %get3A_1515 = tpu.vector_load %arg15[%get3A_1513, %get3A_1514] {strides = array<i32>} : memref<160x128xf32, #tpu.memory_space<vmem>>, vector<1x16xf32>,
        %get3A_1516 = vector.shape_cast %get3A_1515 : vector<1x16xf32> to vector<16xf32>
        %add3A_1517 = arith.addf %add3A_1508, %get3A_1516 : vector<16xf32>
        %mul3A_1518 = arith.constant 20 : i32
        %mul3A_1519 = arith.muli %add3A_345, %mul3A_1518 : i32
        %add3A_1520 = arith.constant 4 : i32
        %add3A_1521 = arith.addi %mul3A_1519, %add3A_1520 : i32
        %get3A_1522 = arith.index_cast %add3A_1521 : i32 to index
        %get3A_1523 = arith.constant 96 : index
        %get3A_1524 = tpu.vector_load %arg15[%get3A_1522, %get3A_1523] {strides = array<i32>} : memref<160x128xf32, #tpu.memory_space<vmem>>, vector<1x16xf32>,
        %get3A_1525 = vector.shape_cast %get3A_1524 : vector<1x16xf32> to vector<16xf32>
        %add3A_1526 = arith.addf %add3A_1517, %get3A_1525 : vector<16xf32>
        %mul3A_1527 = arith.constant 20 : i32
        %mul3A_1528 = arith.muli %add3A_345, %mul3A_1527 : i32
        %add3A_1529 = arith.constant 5 : i32
        %add3A_1530 = arith.addi %mul3A_1528, %add3A_1529 : i32
        %get3A_1531 = arith.index_cast %add3A_1530 : i32 to index
        %get3A_1532 = arith.constant 96 : index
        %get3A_1533 = tpu.vector_load %arg15[%get3A_1531, %get3A_1532] {strides = array<i32>} : memref<160x128xf32, #tpu.memory_space<vmem>>, vector<1x16xf32>,
        %get3A_1534 = vector.shape_cast %get3A_1533 : vector<1x16xf32> to vector<16xf32>
        %add3A_1535 = arith.addf %add3A_1526, %get3A_1534 : vector<16xf32>
        %mul3A_1536 = arith.constant 20 : i32
        %mul3A_1537 = arith.muli %add3A_345, %mul3A_1536 : i32
        %add3A_1538 = arith.constant 6 : i32
        %add3A_1539 = arith.addi %mul3A_1537, %add3A_1538 : i32
        %get3A_1540 = arith.index_cast %add3A_1539 : i32 to index
        %get3A_1541 = arith.constant 96 : index
        %get3A_1542 = tpu.vector_load %arg15[%get3A_1540, %get3A_1541] {strides = array<i32>} : memref<160x128xf32, #tpu.memory_space<vmem>>, vector<1x16xf32>,
        %get3A_1543 = vector.shape_cast %get3A_1542 : vector<1x16xf32> to vector<16xf32>
        %add3A_1544 = arith.addf %add3A_1535, %get3A_1543 : vector<16xf32>
        %mul3A_1545 = arith.constant 20 : i32
        %mul3A_1546 = arith.muli %add3A_345, %mul3A_1545 : i32
        %add3A_1547 = arith.constant 7 : i32
        %add3A_1548 = arith.addi %mul3A_1546, %add3A_1547 : i32
        %get3A_1549 = arith.index_cast %add3A_1548 : i32 to index
        %get3A_1550 = arith.constant 96 : index
        %get3A_1551 = tpu.vector_load %arg15[%get3A_1549, %get3A_1550] {strides = array<i32>} : memref<160x128xf32, #tpu.memory_space<vmem>>, vector<1x16xf32>,
        %get3A_1552 = vector.shape_cast %get3A_1551 : vector<1x16xf32> to vector<16xf32>
        %add3A_1553 = arith.addf %add3A_1544, %get3A_1552 : vector<16xf32>
        %mul3A_1554 = arith.constant 20 : i32
        %mul3A_1555 = arith.muli %add3A_345, %mul3A_1554 : i32
        %add3A_1556 = arith.constant 8 : i32
        %add3A_1557 = arith.addi %mul3A_1555, %add3A_1556 : i32
        %get3A_1558 = arith.index_cast %add3A_1557 : i32 to index
        %get3A_1559 = arith.constant 96 : index
        %get3A_1560 = tpu.vector_load %arg15[%get3A_1558, %get3A_1559] {strides = array<i32>} : memref<160x128xf32, #tpu.memory_space<vmem>>, vector<1x16xf32>,
        %get3A_1561 = vector.shape_cast %get3A_1560 : vector<1x16xf32> to vector<16xf32>
        %add3A_1562 = arith.addf %add3A_1553, %get3A_1561 : vector<16xf32>
        %mul3A_1563 = arith.constant 20 : i32
        %mul3A_1564 = arith.muli %add3A_345, %mul3A_1563 : i32
        %add3A_1565 = arith.constant 9 : i32
        %add3A_1566 = arith.addi %mul3A_1564, %add3A_1565 : i32
        %get3A_1567 = arith.index_cast %add3A_1566 : i32 to index
        %get3A_1568 = arith.constant 96 : index
        %get3A_1569 = tpu.vector_load %arg15[%get3A_1567, %get3A_1568] {strides = array<i32>} : memref<160x128xf32, #tpu.memory_space<vmem>>, vector<1x16xf32>,
        %get3A_1570 = vector.shape_cast %get3A_1569 : vector<1x16xf32> to vector<16xf32>
        %add3A_1571 = arith.addf %add3A_1562, %get3A_1570 : vector<16xf32>
        %mul3A_1572 = arith.constant 20 : i32
        %mul3A_1573 = arith.muli %add3A_345, %mul3A_1572 : i32
        %add3A_1574 = arith.constant 10 : i32
        %add3A_1575 = arith.addi %mul3A_1573, %add3A_1574 : i32
        %get3A_1576 = arith.index_cast %add3A_1575 : i32 to index
        %get3A_1577 = arith.constant 96 : index
        %get3A_1578 = tpu.vector_load %arg15[%get3A_1576, %get3A_1577] {strides = array<i32>} : memref<160x128xf32, #tpu.memory_space<vmem>>, vector<1x16xf32>,
        %get3A_1579 = vector.shape_cast %get3A_1578 : vector<1x16xf32> to vector<16xf32>
        %add3A_1580 = arith.addf %add3A_1571, %get3A_1579 : vector<16xf32>
        %mul3A_1581 = arith.constant 20 : i32
        %mul3A_1582 = arith.muli %add3A_345, %mul3A_1581 : i32
        %add3A_1583 = arith.constant 11 : i32
        %add3A_1584 = arith.addi %mul3A_1582, %add3A_1583 : i32
        %get3A_1585 = arith.index_cast %add3A_1584 : i32 to index
        %get3A_1586 = arith.constant 96 : index
        %get3A_1587 = tpu.vector_load %arg15[%get3A_1585, %get3A_1586] {strides = array<i32>} : memref<160x128xf32, #tpu.memory_space<vmem>>, vector<1x16xf32>,
        %get3A_1588 = vector.shape_cast %get3A_1587 : vector<1x16xf32> to vector<16xf32>
        %add3A_1589 = arith.addf %add3A_1580, %get3A_1588 : vector<16xf32>
        %mul3A_1590 = arith.constant 20 : i32
        %mul3A_1591 = arith.muli %add3A_345, %mul3A_1590 : i32
        %add3A_1592 = arith.constant 12 : i32
        %add3A_1593 = arith.addi %mul3A_1591, %add3A_1592 : i32
        %get3A_1594 = arith.index_cast %add3A_1593 : i32 to index
        %get3A_1595 = arith.constant 96 : index
        %get3A_1596 = tpu.vector_load %arg15[%get3A_1594, %get3A_1595] {strides = array<i32>} : memref<160x128xf32, #tpu.memory_space<vmem>>, vector<1x16xf32>,
        %get3A_1597 = vector.shape_cast %get3A_1596 : vector<1x16xf32> to vector<16xf32>
        %add3A_1598 = arith.addf %add3A_1589, %get3A_1597 : vector<16xf32>
        %mul3A_1599 = arith.constant 20 : i32
        %mul3A_1600 = arith.muli %add3A_345, %mul3A_1599 : i32
        %add3A_1601 = arith.constant 13 : i32
        %add3A_1602 = arith.addi %mul3A_1600, %add3A_1601 : i32
        %get3A_1603 = arith.index_cast %add3A_1602 : i32 to index
        %get3A_1604 = arith.constant 96 : index
        %get3A_1605 = tpu.vector_load %arg15[%get3A_1603, %get3A_1604] {strides = array<i32>} : memref<160x128xf32, #tpu.memory_space<vmem>>, vector<1x16xf32>,
        %get3A_1606 = vector.shape_cast %get3A_1605 : vector<1x16xf32> to vector<16xf32>
        %add3A_1607 = arith.addf %add3A_1598, %get3A_1606 : vector<16xf32>
        %mul3A_1608 = arith.constant 20 : i32
        %mul3A_1609 = arith.muli %add3A_345, %mul3A_1608 : i32
        %add3A_1610 = arith.constant 14 : i32
        %add3A_1611 = arith.addi %mul3A_1609, %add3A_1610 : i32
        %get3A_1612 = arith.index_cast %add3A_1611 : i32 to index
        %get3A_1613 = arith.constant 96 : index
        %get3A_1614 = tpu.vector_load %arg15[%get3A_1612, %get3A_1613] {strides = array<i32>} : memref<160x128xf32, #tpu.memory_space<vmem>>, vector<1x16xf32>,
        %get3A_1615 = vector.shape_cast %get3A_1614 : vector<1x16xf32> to vector<16xf32>
        %add3A_1616 = arith.addf %add3A_1607, %get3A_1615 : vector<16xf32>
        %mul3A_1617 = arith.constant 20 : i32
        %mul3A_1618 = arith.muli %add3A_345, %mul3A_1617 : i32
        %add3A_1619 = arith.constant 15 : i32
        %add3A_1620 = arith.addi %mul3A_1618, %add3A_1619 : i32
        %get3A_1621 = arith.index_cast %add3A_1620 : i32 to index
        %get3A_1622 = arith.constant 96 : index
        %get3A_1623 = tpu.vector_load %arg15[%get3A_1621, %get3A_1622] {strides = array<i32>} : memref<160x128xf32, #tpu.memory_space<vmem>>, vector<1x16xf32>,
        %get3A_1624 = vector.shape_cast %get3A_1623 : vector<1x16xf32> to vector<16xf32>
        %add3A_1625 = arith.addf %add3A_1616, %get3A_1624 : vector<16xf32>
        %mul3A_1626 = arith.constant 20 : i32
        %mul3A_1627 = arith.muli %add3A_345, %mul3A_1626 : i32
        %add3A_1628 = arith.constant 16 : i32
        %add3A_1629 = arith.addi %mul3A_1627, %add3A_1628 : i32
        %get3A_1630 = arith.index_cast %add3A_1629 : i32 to index
        %get3A_1631 = arith.constant 96 : index
        %get3A_1632 = tpu.vector_load %arg15[%get3A_1630, %get3A_1631] {strides = array<i32>} : memref<160x128xf32, #tpu.memory_space<vmem>>, vector<1x16xf32>,
        %get3A_1633 = vector.shape_cast %get3A_1632 : vector<1x16xf32> to vector<16xf32>
        %add3A_1634 = arith.addf %add3A_1625, %get3A_1633 : vector<16xf32>
        %mul3A_1635 = arith.constant 20 : i32
        %mul3A_1636 = arith.muli %add3A_345, %mul3A_1635 : i32
        %add3A_1637 = arith.constant 17 : i32
        %add3A_1638 = arith.addi %mul3A_1636, %add3A_1637 : i32
        %get3A_1639 = arith.index_cast %add3A_1638 : i32 to index
        %get3A_1640 = arith.constant 96 : index
        %get3A_1641 = tpu.vector_load %arg15[%get3A_1639, %get3A_1640] {strides = array<i32>} : memref<160x128xf32, #tpu.memory_space<vmem>>, vector<1x16xf32>,
        %get3A_1642 = vector.shape_cast %get3A_1641 : vector<1x16xf32> to vector<16xf32>
        %add3A_1643 = arith.addf %add3A_1634, %get3A_1642 : vector<16xf32>
        %mul3A_1644 = arith.constant 20 : i32
        %mul3A_1645 = arith.muli %add3A_345, %mul3A_1644 : i32
        %add3A_1646 = arith.constant 18 : i32
        %add3A_1647 = arith.addi %mul3A_1645, %add3A_1646 : i32
        %get3A_1648 = arith.index_cast %add3A_1647 : i32 to index
        %get3A_1649 = arith.constant 96 : index
        %get3A_1650 = tpu.vector_load %arg15[%get3A_1648, %get3A_1649] {strides = array<i32>} : memref<160x128xf32, #tpu.memory_space<vmem>>, vector<1x16xf32>,
        %get3A_1651 = vector.shape_cast %get3A_1650 : vector<1x16xf32> to vector<16xf32>
        %add3A_1652 = arith.addf %add3A_1643, %get3A_1651 : vector<16xf32>
        %mul3A_1653 = arith.constant 20 : i32
        %mul3A_1654 = arith.muli %add3A_345, %mul3A_1653 : i32
        %add3A_1655 = arith.constant 19 : i32
        %add3A_1656 = arith.addi %mul3A_1654, %add3A_1655 : i32
        %get3A_1657 = arith.index_cast %add3A_1656 : i32 to index
        %get3A_1658 = arith.constant 96 : index
        %get3A_1659 = tpu.vector_load %arg15[%get3A_1657, %get3A_1658] {strides = array<i32>} : memref<160x128xf32, #tpu.memory_space<vmem>>, vector<1x16xf32>,
        %get3A_1660 = vector.shape_cast %get3A_1659 : vector<1x16xf32> to vector<16xf32>
        %add3A_1661 = arith.addf %add3A_1652, %get3A_1660 : vector<16xf32>
        %swap3A_1662 = arith.index_cast %add3A_345 : i32 to index
        %swap3A_1663 = arith.constant 96 : index
        %swap3A_1664 = tpu.vector_load %arg17[%swap3A_1662, %swap3A_1663] {strides = array<i32>} : memref<8x128xf32, #tpu.memory_space<vmem>>, vector<1x16xf32>,
        %swap3A_1665 = vector.shape_cast %swap3A_1664 : vector<1x16xf32> to vector<16xf32>
        %swap3A_1666 = vector.shape_cast %add3A_1661 : vector<16xf32> to vector<1x16xf32>
        tpu.vector_store %arg17[%swap3A_1662, %swap3A_1663], %swap3A_1666 {strides = array<i32>} : memref<8x128xf32, #tpu.memory_space<vmem>>, vector<1x16xf32>,
        %get3A_1667 = arith.index_cast %add3A_345 : i32 to index
        %get3A_1668 = arith.constant 112 : index
        %get3A_1669 = tpu.vector_load %arg13[%get3A_1667, %get3A_1668] {strides = array<i32>} : memref<8x128xf32, #tpu.memory_space<vmem>>, vector<1x16xf32>,
        %get3A_1670 = vector.shape_cast %get3A_1669 : vector<1x16xf32> to vector<16xf32>
        %mul3A_1671 = arith.constant 20 : i32
        %mul3A_1672 = arith.muli %add3A_345, %mul3A_1671 : i32
        %add3A_1673 = arith.constant 0 : i32
        %add3A_1674 = arith.addi %mul3A_1672, %add3A_1673 : i32
        %get3A_1675 = arith.index_cast %add3A_1674 : i32 to index
        %get3A_1676 = arith.constant 112 : index
        %get3A_1677 = tpu.vector_load %arg15[%get3A_1675, %get3A_1676] {strides = array<i32>} : memref<160x128xf32, #tpu.memory_space<vmem>>, vector<1x16xf32>,
        %get3A_1678 = vector.shape_cast %get3A_1677 : vector<1x16xf32> to vector<16xf32>
        %add3A_1679 = arith.addf %get3A_1670, %get3A_1678 : vector<16xf32>
        %mul3A_1680 = arith.constant 20 : i32
        %mul3A_1681 = arith.muli %add3A_345, %mul3A_1680 : i32
        %add3A_1682 = arith.constant 1 : i32
        %add3A_1683 = arith.addi %mul3A_1681, %add3A_1682 : i32
        %get3A_1684 = arith.index_cast %add3A_1683 : i32 to index
        %get3A_1685 = arith.constant 112 : index
        %get3A_1686 = tpu.vector_load %arg15[%get3A_1684, %get3A_1685] {strides = array<i32>} : memref<160x128xf32, #tpu.memory_space<vmem>>, vector<1x16xf32>,
        %get3A_1687 = vector.shape_cast %get3A_1686 : vector<1x16xf32> to vector<16xf32>
        %add3A_1688 = arith.addf %add3A_1679, %get3A_1687 : vector<16xf32>
        %mul3A_1689 = arith.constant 20 : i32
        %mul3A_1690 = arith.muli %add3A_345, %mul3A_1689 : i32
        %add3A_1691 = arith.constant 2 : i32
        %add3A_1692 = arith.addi %mul3A_1690, %add3A_1691 : i32
        %get3A_1693 = arith.index_cast %add3A_1692 : i32 to index
        %get3A_1694 = arith.constant 112 : index
        %get3A_1695 = tpu.vector_load %arg15[%get3A_1693, %get3A_1694] {strides = array<i32>} : memref<160x128xf32, #tpu.memory_space<vmem>>, vector<1x16xf32>,
        %get3A_1696 = vector.shape_cast %get3A_1695 : vector<1x16xf32> to vector<16xf32>
        %add3A_1697 = arith.addf %add3A_1688, %get3A_1696 : vector<16xf32>
        %mul3A_1698 = arith.constant 20 : i32
        %mul3A_1699 = arith.muli %add3A_345, %mul3A_1698 : i32
        %add3A_1700 = arith.constant 3 : i32
        %add3A_1701 = arith.addi %mul3A_1699, %add3A_1700 : i32
        %get3A_1702 = arith.index_cast %add3A_1701 : i32 to index
        %get3A_1703 = arith.constant 112 : index
        %get3A_1704 = tpu.vector_load %arg15[%get3A_1702, %get3A_1703] {strides = array<i32>} : memref<160x128xf32, #tpu.memory_space<vmem>>, vector<1x16xf32>,
        %get3A_1705 = vector.shape_cast %get3A_1704 : vector<1x16xf32> to vector<16xf32>
        %add3A_1706 = arith.addf %add3A_1697, %get3A_1705 : vector<16xf32>
        %mul3A_1707 = arith.constant 20 : i32
        %mul3A_1708 = arith.muli %add3A_345, %mul3A_1707 : i32
        %add3A_1709 = arith.constant 4 : i32
        %add3A_1710 = arith.addi %mul3A_1708, %add3A_1709 : i32
        %get3A_1711 = arith.index_cast %add3A_1710 : i32 to index
        %get3A_1712 = arith.constant 112 : index
        %get3A_1713 = tpu.vector_load %arg15[%get3A_1711, %get3A_1712] {strides = array<i32>} : memref<160x128xf32, #tpu.memory_space<vmem>>, vector<1x16xf32>,
        %get3A_1714 = vector.shape_cast %get3A_1713 : vector<1x16xf32> to vector<16xf32>
        %add3A_1715 = arith.addf %add3A_1706, %get3A_1714 : vector<16xf32>
        %mul3A_1716 = arith.constant 20 : i32
        %mul3A_1717 = arith.muli %add3A_345, %mul3A_1716 : i32
        %add3A_1718 = arith.constant 5 : i32
        %add3A_1719 = arith.addi %mul3A_1717, %add3A_1718 : i32
        %get3A_1720 = arith.index_cast %add3A_1719 : i32 to index
        %get3A_1721 = arith.constant 112 : index
        %get3A_1722 = tpu.vector_load %arg15[%get3A_1720, %get3A_1721] {strides = array<i32>} : memref<160x128xf32, #tpu.memory_space<vmem>>, vector<1x16xf32>,
        %get3A_1723 = vector.shape_cast %get3A_1722 : vector<1x16xf32> to vector<16xf32>
        %add3A_1724 = arith.addf %add3A_1715, %get3A_1723 : vector<16xf32>
        %mul3A_1725 = arith.constant 20 : i32
        %mul3A_1726 = arith.muli %add3A_345, %mul3A_1725 : i32
        %add3A_1727 = arith.constant 6 : i32
        %add3A_1728 = arith.addi %mul3A_1726, %add3A_1727 : i32
        %get3A_1729 = arith.index_cast %add3A_1728 : i32 to index
        %get3A_1730 = arith.constant 112 : index
        %get3A_1731 = tpu.vector_load %arg15[%get3A_1729, %get3A_1730] {strides = array<i32>} : memref<160x128xf32, #tpu.memory_space<vmem>>, vector<1x16xf32>,
        %get3A_1732 = vector.shape_cast %get3A_1731 : vector<1x16xf32> to vector<16xf32>
        %add3A_1733 = arith.addf %add3A_1724, %get3A_1732 : vector<16xf32>
        %mul3A_1734 = arith.constant 20 : i32
        %mul3A_1735 = arith.muli %add3A_345, %mul3A_1734 : i32
        %add3A_1736 = arith.constant 7 : i32
        %add3A_1737 = arith.addi %mul3A_1735, %add3A_1736 : i32
        %get3A_1738 = arith.index_cast %add3A_1737 : i32 to index
        %get3A_1739 = arith.constant 112 : index
        %get3A_1740 = tpu.vector_load %arg15[%get3A_1738, %get3A_1739] {strides = array<i32>} : memref<160x128xf32, #tpu.memory_space<vmem>>, vector<1x16xf32>,
        %get3A_1741 = vector.shape_cast %get3A_1740 : vector<1x16xf32> to vector<16xf32>
        %add3A_1742 = arith.addf %add3A_1733, %get3A_1741 : vector<16xf32>
        %mul3A_1743 = arith.constant 20 : i32
        %mul3A_1744 = arith.muli %add3A_345, %mul3A_1743 : i32
        %add3A_1745 = arith.constant 8 : i32
        %add3A_1746 = arith.addi %mul3A_1744, %add3A_1745 : i32
        %get3A_1747 = arith.index_cast %add3A_1746 : i32 to index
        %get3A_1748 = arith.constant 112 : index
        %get3A_1749 = tpu.vector_load %arg15[%get3A_1747, %get3A_1748] {strides = array<i32>} : memref<160x128xf32, #tpu.memory_space<vmem>>, vector<1x16xf32>,
        %get3A_1750 = vector.shape_cast %get3A_1749 : vector<1x16xf32> to vector<16xf32>
        %add3A_1751 = arith.addf %add3A_1742, %get3A_1750 : vector<16xf32>
        %mul3A_1752 = arith.constant 20 : i32
        %mul3A_1753 = arith.muli %add3A_345, %mul3A_1752 : i32
        %add3A_1754 = arith.constant 9 : i32
        %add3A_1755 = arith.addi %mul3A_1753, %add3A_1754 : i32
        %get3A_1756 = arith.index_cast %add3A_1755 : i32 to index
        %get3A_1757 = arith.constant 112 : index
        %get3A_1758 = tpu.vector_load %arg15[%get3A_1756, %get3A_1757] {strides = array<i32>} : memref<160x128xf32, #tpu.memory_space<vmem>>, vector<1x16xf32>,
        %get3A_1759 = vector.shape_cast %get3A_1758 : vector<1x16xf32> to vector<16xf32>
        %add3A_1760 = arith.addf %add3A_1751, %get3A_1759 : vector<16xf32>
        %mul3A_1761 = arith.constant 20 : i32
        %mul3A_1762 = arith.muli %add3A_345, %mul3A_1761 : i32
        %add3A_1763 = arith.constant 10 : i32
        %add3A_1764 = arith.addi %mul3A_1762, %add3A_1763 : i32
        %get3A_1765 = arith.index_cast %add3A_1764 : i32 to index
        %get3A_1766 = arith.constant 112 : index
        %get3A_1767 = tpu.vector_load %arg15[%get3A_1765, %get3A_1766] {strides = array<i32>} : memref<160x128xf32, #tpu.memory_space<vmem>>, vector<1x16xf32>,
        %get3A_1768 = vector.shape_cast %get3A_1767 : vector<1x16xf32> to vector<16xf32>
        %add3A_1769 = arith.addf %add3A_1760, %get3A_1768 : vector<16xf32>
        %mul3A_1770 = arith.constant 20 : i32
        %mul3A_1771 = arith.muli %add3A_345, %mul3A_1770 : i32
        %add3A_1772 = arith.constant 11 : i32
        %add3A_1773 = arith.addi %mul3A_1771, %add3A_1772 : i32
        %get3A_1774 = arith.index_cast %add3A_1773 : i32 to index
        %get3A_1775 = arith.constant 112 : index
        %get3A_1776 = tpu.vector_load %arg15[%get3A_1774, %get3A_1775] {strides = array<i32>} : memref<160x128xf32, #tpu.memory_space<vmem>>, vector<1x16xf32>,
        %get3A_1777 = vector.shape_cast %get3A_1776 : vector<1x16xf32> to vector<16xf32>
        %add3A_1778 = arith.addf %add3A_1769, %get3A_1777 : vector<16xf32>
        %mul3A_1779 = arith.constant 20 : i32
        %mul3A_1780 = arith.muli %add3A_345, %mul3A_1779 : i32
        %add3A_1781 = arith.constant 12 : i32
        %add3A_1782 = arith.addi %mul3A_1780, %add3A_1781 : i32
        %get3A_1783 = arith.index_cast %add3A_1782 : i32 to index
        %get3A_1784 = arith.constant 112 : index
        %get3A_1785 = tpu.vector_load %arg15[%get3A_1783, %get3A_1784] {strides = array<i32>} : memref<160x128xf32, #tpu.memory_space<vmem>>, vector<1x16xf32>,
        %get3A_1786 = vector.shape_cast %get3A_1785 : vector<1x16xf32> to vector<16xf32>
        %add3A_1787 = arith.addf %add3A_1778, %get3A_1786 : vector<16xf32>
        %mul3A_1788 = arith.constant 20 : i32
        %mul3A_1789 = arith.muli %add3A_345, %mul3A_1788 : i32
        %add3A_1790 = arith.constant 13 : i32
        %add3A_1791 = arith.addi %mul3A_1789, %add3A_1790 : i32
        %get3A_1792 = arith.index_cast %add3A_1791 : i32 to index
        %get3A_1793 = arith.constant 112 : index
        %get3A_1794 = tpu.vector_load %arg15[%get3A_1792, %get3A_1793] {strides = array<i32>} : memref<160x128xf32, #tpu.memory_space<vmem>>, vector<1x16xf32>,
        %get3A_1795 = vector.shape_cast %get3A_1794 : vector<1x16xf32> to vector<16xf32>
        %add3A_1796 = arith.addf %add3A_1787, %get3A_1795 : vector<16xf32>
        %mul3A_1797 = arith.constant 20 : i32
        %mul3A_1798 = arith.muli %add3A_345, %mul3A_1797 : i32
        %add3A_1799 = arith.constant 14 : i32
        %add3A_1800 = arith.addi %mul3A_1798, %add3A_1799 : i32
        %get3A_1801 = arith.index_cast %add3A_1800 : i32 to index
        %get3A_1802 = arith.constant 112 : index
        %get3A_1803 = tpu.vector_load %arg15[%get3A_1801, %get3A_1802] {strides = array<i32>} : memref<160x128xf32, #tpu.memory_space<vmem>>, vector<1x16xf32>,
        %get3A_1804 = vector.shape_cast %get3A_1803 : vector<1x16xf32> to vector<16xf32>
        %add3A_1805 = arith.addf %add3A_1796, %get3A_1804 : vector<16xf32>
        %mul3A_1806 = arith.constant 20 : i32
        %mul3A_1807 = arith.muli %add3A_345, %mul3A_1806 : i32
        %add3A_1808 = arith.constant 15 : i32
        %add3A_1809 = arith.addi %mul3A_1807, %add3A_1808 : i32
        %get3A_1810 = arith.index_cast %add3A_1809 : i32 to index
        %get3A_1811 = arith.constant 112 : index
        %get3A_1812 = tpu.vector_load %arg15[%get3A_1810, %get3A_1811] {strides = array<i32>} : memref<160x128xf32, #tpu.memory_space<vmem>>, vector<1x16xf32>,
        %get3A_1813 = vector.shape_cast %get3A_1812 : vector<1x16xf32> to vector<16xf32>
        %add3A_1814 = arith.addf %add3A_1805, %get3A_1813 : vector<16xf32>
        %mul3A_1815 = arith.constant 20 : i32
        %mul3A_1816 = arith.muli %add3A_345, %mul3A_1815 : i32
        %add3A_1817 = arith.constant 16 : i32
        %add3A_1818 = arith.addi %mul3A_1816, %add3A_1817 : i32
        %get3A_1819 = arith.index_cast %add3A_1818 : i32 to index
        %get3A_1820 = arith.constant 112 : index
        %get3A_1821 = tpu.vector_load %arg15[%get3A_1819, %get3A_1820] {strides = array<i32>} : memref<160x128xf32, #tpu.memory_space<vmem>>, vector<1x16xf32>,
        %get3A_1822 = vector.shape_cast %get3A_1821 : vector<1x16xf32> to vector<16xf32>
        %add3A_1823 = arith.addf %add3A_1814, %get3A_1822 : vector<16xf32>
        %mul3A_1824 = arith.constant 20 : i32
        %mul3A_1825 = arith.muli %add3A_345, %mul3A_1824 : i32
        %add3A_1826 = arith.constant 17 : i32
        %add3A_1827 = arith.addi %mul3A_1825, %add3A_1826 : i32
        %get3A_1828 = arith.index_cast %add3A_1827 : i32 to index
        %get3A_1829 = arith.constant 112 : index
        %get3A_1830 = tpu.vector_load %arg15[%get3A_1828, %get3A_1829] {strides = array<i32>} : memref<160x128xf32, #tpu.memory_space<vmem>>, vector<1x16xf32>,
        %get3A_1831 = vector.shape_cast %get3A_1830 : vector<1x16xf32> to vector<16xf32>
        %add3A_1832 = arith.addf %add3A_1823, %get3A_1831 : vector<16xf32>
        %mul3A_1833 = arith.constant 20 : i32
        %mul3A_1834 = arith.muli %add3A_345, %mul3A_1833 : i32
        %add3A_1835 = arith.constant 18 : i32
        %add3A_1836 = arith.addi %mul3A_1834, %add3A_1835 : i32
        %get3A_1837 = arith.index_cast %add3A_1836 : i32 to index
        %get3A_1838 = arith.constant 112 : index
        %get3A_1839 = tpu.vector_load %arg15[%get3A_1837, %get3A_1838] {strides = array<i32>} : memref<160x128xf32, #tpu.memory_space<vmem>>, vector<1x16xf32>,
        %get3A_1840 = vector.shape_cast %get3A_1839 : vector<1x16xf32> to vector<16xf32>
        %add3A_1841 = arith.addf %add3A_1832, %get3A_1840 : vector<16xf32>
        %mul3A_1842 = arith.constant 20 : i32
        %mul3A_1843 = arith.muli %add3A_345, %mul3A_1842 : i32
        %add3A_1844 = arith.constant 19 : i32
        %add3A_1845 = arith.addi %mul3A_1843, %add3A_1844 : i32
        %get3A_1846 = arith.index_cast %add3A_1845 : i32 to index
        %get3A_1847 = arith.constant 112 : index
        %get3A_1848 = tpu.vector_load %arg15[%get3A_1846, %get3A_1847] {strides = array<i32>} : memref<160x128xf32, #tpu.memory_space<vmem>>, vector<1x16xf32>,
        %get3A_1849 = vector.shape_cast %get3A_1848 : vector<1x16xf32> to vector<16xf32>
        %add3A_1850 = arith.addf %add3A_1841, %get3A_1849 : vector<16xf32>
        %swap3A_1851 = arith.index_cast %add3A_345 : i32 to index
        %swap3A_1852 = arith.constant 112 : index
        %swap3A_1853 = tpu.vector_load %arg17[%swap3A_1851, %swap3A_1852] {strides = array<i32>} : memref<8x128xf32, #tpu.memory_space<vmem>>, vector<1x16xf32>,
        %swap3A_1854 = vector.shape_cast %swap3A_1853 : vector<1x16xf32> to vector<16xf32>
        %swap3A_1855 = vector.shape_cast %add3A_1850 : vector<16xf32> to vector<1x16xf32>
        tpu.vector_store %arg17[%swap3A_1851, %swap3A_1852], %swap3A_1855 {strides = array<i32>} : memref<8x128xf32, #tpu.memory_space<vmem>>, vector<1x16xf32>,
      }
      %scan3A_218 = arith.constant 8 : i32
      %mul3A_219 = arith.constant 8 : i32
      %mul3A_220 = arith.muli %add3A_133, %mul3A_219 : i32
      %add3A_221 = arith.addi %mul3A_2, %mul3A_220 : i32
      %dma_start3A_222 = arith.constant 0 : i32
      %dma_start3A_223 = tpu.memref_slice %arg8[%add3A_221, %dma_start3A_222] : memref<4096x128xf32, #tpu.memory_space<hbm>> -> memref<8x128xf32, #tpu.memory_space<hbm>>
      %dma_start3A_224 = arith.constant 0 : i32
      %dma_start3A_225 = tpu.memref_slice %arg8[%add3A_221, %dma_start3A_224] : memref<4096x128xf32, #tpu.memory_space<hbm>> -> memref<8x128xf32, #tpu.memory_space<hbm>>
      tpu.enqueue_dma source(%arg17 : memref<8x128xf32, #tpu.memory_space<vmem>>) target(%dma_start3A_225 : memref<8x128xf32, #tpu.memory_space<hbm>>) target_semaphore(%arg27 : memref<!tpu.dma_semaphore, #tpu.memory_space<semaphore_mem>>)
      %add3A_226 = arith.constant 2 : i32
      %add3A_227 = arith.addi %add3A_133, %add3A_226 : i32
      %lt3A_228 = arith.constant 16 : i32
      %lt3A_229 = arith.cmpi slt, %add3A_227, %lt3A_228 : i32
      %convert_element_type3A_230 = arith.extui %lt3A_229 : i1 to i32
      %cond3A_231 = arith.constant 0 : i32
      %cond3A_232 = arith.cmpi ne, %convert_element_type3A_230, %cond3A_231 : i32
      scf.if %cond3A_232 {
        %add3A_341 = arith.constant 2 : i32
        %add3A_342 = arith.addi %add3A_133, %add3A_341 : i32
        %mul3A_343 = arith.constant 8 : i32
        %mul3A_344 = arith.muli %add3A_342, %mul3A_343 : i32
        %dma_start3A_345 = arith.constant 0 : i32
        %dma_start3A_346 = tpu.memref_slice %arg10[%dma_start3A_345, %mul3A_344] : memref<1x128xi32, #tpu.memory_space<vmem>> -> memref<1x8xi32, #tpu.memory_space<vmem>>
        %dma_start3A_347 = tpu.memref_squeeze %dma_start3A_346 : memref<1x8xi32, #tpu.memory_space<vmem>> -> memref<8xi32, #tpu.memory_space<vmem>>
        %dma_start3A_348 = arith.constant 0 : i32
        %dma_start3A_349 = arith.constant 0 : i32
        %dma_start3A_350 = tpu.memref_slice %arg5[%dma_start3A_348, %dma_start3A_349] : memref<100000x128xf32, #tpu.memory_space<hbm>> -> memref<100000x128xf32, #tpu.memory_space<hbm>>
        tpu.enqueue_indirect_dma source(%dma_start3A_350 : memref<100000x128xf32, #tpu.memory_space<hbm>>) target(%arg13 : memref<8x128xf32, #tpu.memory_space<vmem>>) offsets(%dma_start3A_347 : memref<8xi32, #tpu.memory_space<vmem>>) semaphore(%arg23 : memref<!tpu.dma_semaphore, #tpu.memory_space<semaphore_mem>>)
        %add3A_351 = arith.constant 2 : i32
        %add3A_352 = arith.addi %add3A_133, %add3A_351 : i32
        %mul3A_353 = arith.constant 2 : i32
        %mul3A_354 = arith.muli %add3A_352, %mul3A_353 : i32
        %add3A_355 = arith.constant 0 : i32
        %add3A_356 = arith.addi %mul3A_354, %add3A_355 : i32
        %dma_start3A_357 = arith.constant 0 : i32
        %dma_start3A_358 = arith.constant 0 : i32
        %dma_start3A_359 = tpu.memref_slice %arg15[%dma_start3A_357, %dma_start3A_358] : memref<160x128xf32, #tpu.memory_space<vmem>> -> memref<80x128xf32, #tpu.memory_space<vmem>>
        %dma_start3A_360 = arith.constant 0 : i32
        %dma_start3A_361 = tpu.memref_slice %arg11[%add3A_356, %dma_start3A_360] : memref<32x80xi32, #tpu.memory_space<vmem>> -> memref<1x80xi32, #tpu.memory_space<vmem>>
        %dma_start3A_362 = tpu.memref_squeeze %dma_start3A_361 : memref<1x80xi32, #tpu.memory_space<vmem>> -> memref<80xi32, #tpu.memory_space<vmem>>
        %dma_start3A_363 = arith.constant 0 : i32
        %dma_start3A_364 = arith.constant 0 : i32
        %dma_start3A_365 = tpu.memref_slice %arg6[%dma_start3A_363, %dma_start3A_364] : memref<100000x128xf32, #tpu.memory_space<hbm>> -> memref<100000x128xf32, #tpu.memory_space<hbm>>
        tpu.enqueue_indirect_dma source(%dma_start3A_365 : memref<100000x128xf32, #tpu.memory_space<hbm>>) target(%dma_start3A_359 : memref<80x128xf32, #tpu.memory_space<vmem>>) offsets(%dma_start3A_362 : memref<80xi32, #tpu.memory_space<vmem>>) semaphore(%arg25 : memref<!tpu.dma_semaphore, #tpu.memory_space<semaphore_mem>>)
        %mul3A_366 = arith.constant 2 : i32
        %mul3A_367 = arith.muli %add3A_352, %mul3A_366 : i32
        %add3A_368 = arith.constant 1 : i32
        %add3A_369 = arith.addi %mul3A_367, %add3A_368 : i32
        %dma_start3A_370 = arith.constant 80 : i32
        %dma_start3A_371 = arith.constant 0 : i32
        %dma_start3A_372 = tpu.memref_slice %arg15[%dma_start3A_370, %dma_start3A_371] : memref<160x128xf32, #tpu.memory_space<vmem>> -> memref<80x128xf32, #tpu.memory_space<vmem>>
        %dma_start3A_373 = arith.constant 0 : i32
        %dma_start3A_374 = tpu.memref_slice %arg11[%add3A_369, %dma_start3A_373] : memref<32x80xi32, #tpu.memory_space<vmem>> -> memref<1x80xi32, #tpu.memory_space<vmem>>
        %dma_start3A_375 = tpu.memref_squeeze %dma_start3A_374 : memref<1x80xi32, #tpu.memory_space<vmem>> -> memref<80xi32, #tpu.memory_space<vmem>>
        %dma_start3A_376 = arith.constant 0 : i32
        %dma_start3A_377 = arith.constant 0 : i32
        %dma_start3A_378 = tpu.memref_slice %arg6[%dma_start3A_376, %dma_start3A_377] : memref<100000x128xf32, #tpu.memory_space<hbm>> -> memref<100000x128xf32, #tpu.memory_space<hbm>>
        tpu.enqueue_indirect_dma source(%dma_start3A_378 : memref<100000x128xf32, #tpu.memory_space<hbm>>) target(%dma_start3A_372 : memref<80x128xf32, #tpu.memory_space<vmem>>) offsets(%dma_start3A_375 : memref<80xi32, #tpu.memory_space<vmem>>) semaphore(%arg25 : memref<!tpu.dma_semaphore, #tpu.memory_space<semaphore_mem>>)
      } else {
      }
      %mul3A_233 = arith.constant 2 : i32
      %mul3A_234 = arith.muli %mul3A_233, %add3A_129 : i32
      %add3A_235 = arith.constant 1 : i32
      %add3A_236 = arith.addi %mul3A_234, %add3A_235 : i32
      %mul3A_237 = arith.constant 2 : i32
      %mul3A_238 = arith.muli %mul3A_237, %add3A_236 : i32
      %add3A_239 = arith.constant 2 : i32
      %add3A_240 = arith.addi %mul3A_238, %add3A_239 : i32
      %add3A_241 = arith.constant 0 : i32
      %add3A_242 = arith.addi %add3A_240, %add3A_241 : i32
      %ge3A_243 = arith.constant 4 : i32
      %ge3A_244 = arith.cmpi sge, %add3A_242, %ge3A_243 : i32
      %lt3A_245 = arith.constant 26 : i32
      %lt3A_246 = arith.cmpi slt, %add3A_242, %lt3A_245 : i32
      %and3A_247 = arith.andi %ge3A_244, %lt3A_246 : i1
      %convert_element_type3A_248 = arith.extui %and3A_247 : i1 to i32
      %cond3A_249 = arith.constant 0 : i32
      %cond3A_250 = arith.cmpi ne, %convert_element_type3A_248, %cond3A_249 : i32
      scf.if %cond3A_250 {
        %sub3A = arith.constant 4 : i32
        %sub3A_341 = arith.subi %add3A_242, %sub3A : i32
        %mul3A_342 = arith.constant 4096 : i32
        %mul3A_343 = arith.muli %sub3A_341, %mul3A_342 : i32
        %add3A_344 = arith.addi %mul3A_343, %mul3A_2 : i32
        %dma_wait3A_345 = arith.constant 0 : i32
        %dma_wait3A_346 = tpu.memref_slice %arg9[%add3A_344, %dma_wait3A_345] : memref<106496x128xf32, #tpu.memory_space<hbm>> -> memref<128x128xf32, #tpu.memory_space<hbm>>
        %dma_wait3A_347 = arith.constant 0 : i32
        %dma_wait3A_348 = tpu.memref_slice %arg9[%add3A_344, %dma_wait3A_347] : memref<106496x128xf32, #tpu.memory_space<hbm>> -> memref<128x128xf32, #tpu.memory_space<hbm>>
        tpu.wait_dma2 semaphore(%arg33 : memref<!tpu.dma_semaphore, #tpu.memory_space<semaphore_mem>>) src(%arg19 : memref<128x128xf32, #tpu.memory_space<vmem>>) dst(%dma_wait3A_348 : memref<128x128xf32, #tpu.memory_space<hbm>>)
        %dma_start3A_349 = arith.constant 0 : i32
        %dma_start3A_350 = tpu.memref_slice %arg12[%add3A_242, %dma_start3A_349] : memref<26x128xi32, #tpu.memory_space<vmem>> -> memref<1x128xi32, #tpu.memory_space<vmem>>
        %dma_start3A_351 = tpu.memref_squeeze %dma_start3A_350 : memref<1x128xi32, #tpu.memory_space<vmem>> -> memref<128xi32, #tpu.memory_space<vmem>>
        %dma_start3A_352 = arith.constant 0 : i32
        %dma_start3A_353 = arith.constant 0 : i32
        %dma_start3A_354 = tpu.memref_slice %arg7[%dma_start3A_352, %dma_start3A_353] : memref<100000x128xf32, #tpu.memory_space<hbm>> -> memref<100000x128xf32, #tpu.memory_space<hbm>>
        tpu.enqueue_indirect_dma source(%dma_start3A_354 : memref<100000x128xf32, #tpu.memory_space<hbm>>) target(%arg19 : memref<128x128xf32, #tpu.memory_space<vmem>>) offsets(%dma_start3A_351 : memref<128xi32, #tpu.memory_space<vmem>>) semaphore(%arg29 : memref<!tpu.dma_semaphore, #tpu.memory_space<semaphore_mem>>)
      } else {
      }
      %mul3A_251 = arith.constant 2 : i32
      %mul3A_252 = arith.muli %mul3A_251, %add3A_236 : i32
      %add3A_253 = arith.constant 2 : i32
      %add3A_254 = arith.addi %mul3A_252, %add3A_253 : i32
      %add3A_255 = arith.constant 1 : i32
      %add3A_256 = arith.addi %add3A_254, %add3A_255 : i32
      %ge3A_257 = arith.constant 4 : i32
      %ge3A_258 = arith.cmpi sge, %add3A_256, %ge3A_257 : i32
      %lt3A_259 = arith.constant 26 : i32
      %lt3A_260 = arith.cmpi slt, %add3A_256, %lt3A_259 : i32
      %and3A_261 = arith.andi %ge3A_258, %lt3A_260 : i1
      %convert_element_type3A_262 = arith.extui %and3A_261 : i1 to i32
      %cond3A_263 = arith.constant 0 : i32
      %cond3A_264 = arith.cmpi ne, %convert_element_type3A_262, %cond3A_263 : i32
      scf.if %cond3A_264 {
        %sub3A = arith.constant 4 : i32
        %sub3A_341 = arith.subi %add3A_256, %sub3A : i32
        %mul3A_342 = arith.constant 4096 : i32
        %mul3A_343 = arith.muli %sub3A_341, %mul3A_342 : i32
        %add3A_344 = arith.addi %mul3A_343, %mul3A_2 : i32
        %dma_wait3A_345 = arith.constant 0 : i32
        %dma_wait3A_346 = tpu.memref_slice %arg9[%add3A_344, %dma_wait3A_345] : memref<106496x128xf32, #tpu.memory_space<hbm>> -> memref<128x128xf32, #tpu.memory_space<hbm>>
        %dma_wait3A_347 = arith.constant 0 : i32
        %dma_wait3A_348 = tpu.memref_slice %arg9[%add3A_344, %dma_wait3A_347] : memref<106496x128xf32, #tpu.memory_space<hbm>> -> memref<128x128xf32, #tpu.memory_space<hbm>>
        tpu.wait_dma2 semaphore(%arg34 : memref<!tpu.dma_semaphore, #tpu.memory_space<semaphore_mem>>) src(%arg20 : memref<128x128xf32, #tpu.memory_space<vmem>>) dst(%dma_wait3A_348 : memref<128x128xf32, #tpu.memory_space<hbm>>)
        %dma_start3A_349 = arith.constant 0 : i32
        %dma_start3A_350 = tpu.memref_slice %arg12[%add3A_256, %dma_start3A_349] : memref<26x128xi32, #tpu.memory_space<vmem>> -> memref<1x128xi32, #tpu.memory_space<vmem>>
        %dma_start3A_351 = tpu.memref_squeeze %dma_start3A_350 : memref<1x128xi32, #tpu.memory_space<vmem>> -> memref<128xi32, #tpu.memory_space<vmem>>
        %dma_start3A_352 = arith.constant 0 : i32
        %dma_start3A_353 = arith.constant 0 : i32
        %dma_start3A_354 = tpu.memref_slice %arg7[%dma_start3A_352, %dma_start3A_353] : memref<100000x128xf32, #tpu.memory_space<hbm>> -> memref<100000x128xf32, #tpu.memory_space<hbm>>
        tpu.enqueue_indirect_dma source(%dma_start3A_354 : memref<100000x128xf32, #tpu.memory_space<hbm>>) target(%arg20 : memref<128x128xf32, #tpu.memory_space<vmem>>) offsets(%dma_start3A_351 : memref<128xi32, #tpu.memory_space<vmem>>) semaphore(%arg30 : memref<!tpu.dma_semaphore, #tpu.memory_space<semaphore_mem>>)
      } else {
      }
      %mul3A_265 = arith.constant 2 : i32
      %mul3A_266 = arith.muli %mul3A_265, %add3A_236 : i32
      %add3A_267 = arith.constant 0 : i32
      %add3A_268 = arith.addi %mul3A_266, %add3A_267 : i32
      %lt3A_269 = arith.constant 26 : i32
      %lt3A_270 = arith.cmpi slt, %add3A_268, %lt3A_269 : i32
      %convert_element_type3A_271 = arith.extui %lt3A_270 : i1 to i32
      %cond3A_272 = arith.constant 0 : i32
      %cond3A_273 = arith.cmpi ne, %convert_element_type3A_271, %cond3A_272 : i32
      scf.if %cond3A_273 {
        %dma_wait3A_341 = arith.constant 0 : i32
        %dma_wait3A_342 = tpu.memref_slice %arg12[%add3A_268, %dma_wait3A_341] : memref<26x128xi32, #tpu.memory_space<vmem>> -> memref<1x128xi32, #tpu.memory_space<vmem>>
        %dma_wait3A_343 = tpu.memref_squeeze %dma_wait3A_342 : memref<1x128xi32, #tpu.memory_space<vmem>> -> memref<128xi32, #tpu.memory_space<vmem>>
        %dma_wait3A_344 = arith.constant 0 : i32
        %dma_wait3A_345 = arith.constant 0 : i32
        %dma_wait3A_346 = tpu.memref_slice %arg7[%dma_wait3A_344, %dma_wait3A_345] : memref<100000x128xf32, #tpu.memory_space<hbm>> -> memref<100000x128xf32, #tpu.memory_space<hbm>>
        tpu.wait_indirect_dma semaphore(%arg31 : memref<!tpu.dma_semaphore, #tpu.memory_space<semaphore_mem>>) src(%dma_wait3A_346 : memref<100000x128xf32, #tpu.memory_space<hbm>>) dst(%arg21 : memref<128x128xf32, #tpu.memory_space<vmem>>)
        %mul3A_347 = arith.constant 4096 : i32
        %mul3A_348 = arith.muli %add3A_268, %mul3A_347 : i32
        %add3A_349 = arith.addi %mul3A_348, %mul3A_2 : i32
        %dma_start3A_350 = arith.constant 0 : i32
        %dma_start3A_351 = tpu.memref_slice %arg9[%add3A_349, %dma_start3A_350] : memref<106496x128xf32, #tpu.memory_space<hbm>> -> memref<128x128xf32, #tpu.memory_space<hbm>>
        %dma_start3A_352 = arith.constant 0 : i32
        %dma_start3A_353 = tpu.memref_slice %arg9[%add3A_349, %dma_start3A_352] : memref<106496x128xf32, #tpu.memory_space<hbm>> -> memref<128x128xf32, #tpu.memory_space<hbm>>
        tpu.enqueue_dma source(%arg21 : memref<128x128xf32, #tpu.memory_space<vmem>>) target(%dma_start3A_353 : memref<128x128xf32, #tpu.memory_space<hbm>>) target_semaphore(%arg35 : memref<!tpu.dma_semaphore, #tpu.memory_space<semaphore_mem>>)
      } else {
      }
      %mul3A_274 = arith.constant 2 : i32
      %mul3A_275 = arith.muli %mul3A_274, %add3A_236 : i32
      %add3A_276 = arith.constant 1 : i32
      %add3A_277 = arith.addi %mul3A_275, %add3A_276 : i32
      %lt3A_278 = arith.constant 26 : i32
      %lt3A_279 = arith.cmpi slt, %add3A_277, %lt3A_278 : i32
      %convert_element_type3A_280 = arith.extui %lt3A_279 : i1 to i32
      %cond3A_281 = arith.constant 0 : i32
      %cond3A_282 = arith.cmpi ne, %convert_element_type3A_280, %cond3A_281 : i32
      scf.if %cond3A_282 {
        %dma_wait3A_341 = arith.constant 0 : i32
        %dma_wait3A_342 = tpu.memref_slice %arg12[%add3A_277, %dma_wait3A_341] : memref<26x128xi32, #tpu.memory_space<vmem>> -> memref<1x128xi32, #tpu.memory_space<vmem>>
        %dma_wait3A_343 = tpu.memref_squeeze %dma_wait3A_342 : memref<1x128xi32, #tpu.memory_space<vmem>> -> memref<128xi32, #tpu.memory_space<vmem>>
        %dma_wait3A_344 = arith.constant 0 : i32
        %dma_wait3A_345 = arith.constant 0 : i32
        %dma_wait3A_346 = tpu.memref_slice %arg7[%dma_wait3A_344, %dma_wait3A_345] : memref<100000x128xf32, #tpu.memory_space<hbm>> -> memref<100000x128xf32, #tpu.memory_space<hbm>>
        tpu.wait_indirect_dma semaphore(%arg32 : memref<!tpu.dma_semaphore, #tpu.memory_space<semaphore_mem>>) src(%dma_wait3A_346 : memref<100000x128xf32, #tpu.memory_space<hbm>>) dst(%arg22 : memref<128x128xf32, #tpu.memory_space<vmem>>)
        %mul3A_347 = arith.constant 4096 : i32
        %mul3A_348 = arith.muli %add3A_277, %mul3A_347 : i32
        %add3A_349 = arith.addi %mul3A_348, %mul3A_2 : i32
        %dma_start3A_350 = arith.constant 0 : i32
        %dma_start3A_351 = tpu.memref_slice %arg9[%add3A_349, %dma_start3A_350] : memref<106496x128xf32, #tpu.memory_space<hbm>> -> memref<128x128xf32, #tpu.memory_space<hbm>>
        %dma_start3A_352 = arith.constant 0 : i32
        %dma_start3A_353 = tpu.memref_slice %arg9[%add3A_349, %dma_start3A_352] : memref<106496x128xf32, #tpu.memory_space<hbm>> -> memref<128x128xf32, #tpu.memory_space<hbm>>
        tpu.enqueue_dma source(%arg22 : memref<128x128xf32, #tpu.memory_space<vmem>>) target(%dma_start3A_353 : memref<128x128xf32, #tpu.memory_space<hbm>>) target_semaphore(%arg36 : memref<!tpu.dma_semaphore, #tpu.memory_space<semaphore_mem>>)
      } else {
      }
      %mul3A_283 = arith.constant 8 : i32
      %mul3A_284 = arith.muli %add3A_236, %mul3A_283 : i32
      %dma_wait3A_285 = arith.constant 0 : i32
      %dma_wait3A_286 = tpu.memref_slice %arg10[%dma_wait3A_285, %mul3A_284] : memref<1x128xi32, #tpu.memory_space<vmem>> -> memref<1x8xi32, #tpu.memory_space<vmem>>
      %dma_wait3A_287 = tpu.memref_squeeze %dma_wait3A_286 : memref<1x8xi32, #tpu.memory_space<vmem>> -> memref<8xi32, #tpu.memory_space<vmem>>
      %dma_wait3A_288 = arith.constant 0 : i32
      %dma_wait3A_289 = arith.constant 0 : i32
      %dma_wait3A_290 = tpu.memref_slice %arg5[%dma_wait3A_288, %dma_wait3A_289] : memref<100000x128xf32, #tpu.memory_space<hbm>> -> memref<100000x128xf32, #tpu.memory_space<hbm>>
      tpu.wait_indirect_dma semaphore(%arg24 : memref<!tpu.dma_semaphore, #tpu.memory_space<semaphore_mem>>) src(%dma_wait3A_290 : memref<100000x128xf32, #tpu.memory_space<hbm>>) dst(%arg14 : memref<8x128xf32, #tpu.memory_space<vmem>>)
      %mul3A_291 = arith.constant 2 : i32
      %mul3A_292 = arith.muli %add3A_236, %mul3A_291 : i32
      %add3A_293 = arith.constant 0 : i32
      %add3A_294 = arith.addi %mul3A_292, %add3A_293 : i32
      %dma_wait3A_295 = arith.constant 0 : i32
      %dma_wait3A_296 = arith.constant 0 : i32
      %dma_wait3A_297 = tpu.memref_slice %arg16[%dma_wait3A_295, %dma_wait3A_296] : memref<160x128xf32, #tpu.memory_space<vmem>> -> memref<80x128xf32, #tpu.memory_space<vmem>>
      %dma_wait3A_298 = arith.constant 0 : i32
      %dma_wait3A_299 = tpu.memref_slice %arg11[%add3A_294, %dma_wait3A_298] : memref<32x80xi32, #tpu.memory_space<vmem>> -> memref<1x80xi32, #tpu.memory_space<vmem>>
      %dma_wait3A_300 = tpu.memref_squeeze %dma_wait3A_299 : memref<1x80xi32, #tpu.memory_space<vmem>> -> memref<80xi32, #tpu.memory_space<vmem>>
      %dma_wait3A_301 = arith.constant 0 : i32
      %dma_wait3A_302 = arith.constant 0 : i32
      %dma_wait3A_303 = tpu.memref_slice %arg6[%dma_wait3A_301, %dma_wait3A_302] : memref<100000x128xf32, #tpu.memory_space<hbm>> -> memref<100000x128xf32, #tpu.memory_space<hbm>>
      tpu.wait_indirect_dma semaphore(%arg26 : memref<!tpu.dma_semaphore, #tpu.memory_space<semaphore_mem>>) src(%dma_wait3A_303 : memref<100000x128xf32, #tpu.memory_space<hbm>>) dst(%dma_wait3A_297 : memref<80x128xf32, #tpu.memory_space<vmem>>)
      %mul3A_304 = arith.constant 2 : i32
      %mul3A_305 = arith.muli %add3A_236, %mul3A_304 : i32
      %add3A_306 = arith.constant 1 : i32
      %add3A_307 = arith.addi %mul3A_305, %add3A_306 : i32
      %dma_wait3A_308 = arith.constant 80 : i32
      %dma_wait3A_309 = arith.constant 0 : i32
      %dma_wait3A_310 = tpu.memref_slice %arg16[%dma_wait3A_308, %dma_wait3A_309] : memref<160x128xf32, #tpu.memory_space<vmem>> -> memref<80x128xf32, #tpu.memory_space<vmem>>
      %dma_wait3A_311 = arith.constant 0 : i32
      %dma_wait3A_312 = tpu.memref_slice %arg11[%add3A_307, %dma_wait3A_311] : memref<32x80xi32, #tpu.memory_space<vmem>> -> memref<1x80xi32, #tpu.memory_space<vmem>>
      %dma_wait3A_313 = tpu.memref_squeeze %dma_wait3A_312 : memref<1x80xi32, #tpu.memory_space<vmem>> -> memref<80xi32, #tpu.memory_space<vmem>>
      %dma_wait3A_314 = arith.constant 0 : i32
      %dma_wait3A_315 = arith.constant 0 : i32
      %dma_wait3A_316 = tpu.memref_slice %arg6[%dma_wait3A_314, %dma_wait3A_315] : memref<100000x128xf32, #tpu.memory_space<hbm>> -> memref<100000x128xf32, #tpu.memory_space<hbm>>
      tpu.wait_indirect_dma semaphore(%arg26 : memref<!tpu.dma_semaphore, #tpu.memory_space<semaphore_mem>>) src(%dma_wait3A_316 : memref<100000x128xf32, #tpu.memory_space<hbm>>) dst(%dma_wait3A_310 : memref<80x128xf32, #tpu.memory_space<vmem>>)
      %ge3A_317 = arith.constant 2 : i32
      %ge3A_318 = arith.cmpi sge, %add3A_236, %ge3A_317 : i32
      %convert_element_type3A_319 = arith.extui %ge3A_318 : i1 to i32
      %cond3A_320 = arith.constant 0 : i32
      %cond3A_321 = arith.cmpi ne, %convert_element_type3A_319, %cond3A_320 : i32
      scf.if %cond3A_321 {
        %sub3A = arith.constant 2 : i32
        %sub3A_341 = arith.subi %add3A_236, %sub3A : i32
        %mul3A_342 = arith.constant 8 : i32
        %mul3A_343 = arith.muli %sub3A_341, %mul3A_342 : i32
        %add3A_344 = arith.addi %mul3A_2, %mul3A_343 : i32
        %dma_wait3A_345 = arith.constant 0 : i32
        %dma_wait3A_346 = tpu.memref_slice %arg8[%add3A_344, %dma_wait3A_345] : memref<4096x128xf32, #tpu.memory_space<hbm>> -> memref<8x128xf32, #tpu.memory_space<hbm>>
        %dma_wait3A_347 = arith.constant 0 : i32
        %dma_wait3A_348 = tpu.memref_slice %arg8[%add3A_344, %dma_wait3A_347] : memref<4096x128xf32, #tpu.memory_space<hbm>> -> memref<8x128xf32, #tpu.memory_space<hbm>>
        tpu.wait_dma2 semaphore(%arg28 : memref<!tpu.dma_semaphore, #tpu.memory_space<semaphore_mem>>) src(%arg18 : memref<8x128xf32, #tpu.memory_space<vmem>>) dst(%dma_wait3A_348 : memref<8x128xf32, #tpu.memory_space<hbm>>)
      } else {
      }
      %scan3A_322 = arith.constant 0 : i32
      %scan3A_323 = arith.constant 8 : i32
      %scan3A_324 = arith.addi %scan3A_322, %scan3A_323 : i32
      %scan3A_325 = arith.constant 1 : i32
      scf.for %scan3A_341 = %scan3A_322 to %scan3A_324 step %scan3A_325  : i32 {
        %mul3A_342 = arith.constant 1 : i32
        %mul3A_343 = arith.muli %scan3A_341, %mul3A_342 : i32
        %add3A_344 = arith.constant 0 : i32
        %add3A_345 = arith.addi %add3A_344, %mul3A_343 : i32
        %get3A = arith.index_cast %add3A_345 : i32 to index
        %get3A_346 = arith.constant 0 : index
        %get3A_347 = tpu.vector_load %arg14[%get3A, %get3A_346] {strides = array<i32>} : memref<8x128xf32, #tpu.memory_space<vmem>>, vector<1x16xf32>,
        %get3A_348 = vector.shape_cast %get3A_347 : vector<1x16xf32> to vector<16xf32>
        %mul3A_349 = arith.constant 20 : i32
        %mul3A_350 = arith.muli %add3A_345, %mul3A_349 : i32
        %add3A_351 = arith.constant 0 : i32
        %add3A_352 = arith.addi %mul3A_350, %add3A_351 : i32
        %get3A_353 = arith.index_cast %add3A_352 : i32 to index
        %get3A_354 = arith.constant 0 : index
        %get3A_355 = tpu.vector_load %arg16[%get3A_353, %get3A_354] {strides = array<i32>} : memref<160x128xf32, #tpu.memory_space<vmem>>, vector<1x16xf32>,
        %get3A_356 = vector.shape_cast %get3A_355 : vector<1x16xf32> to vector<16xf32>
        %add3A_357 = arith.addf %get3A_348, %get3A_356 : vector<16xf32>
        %mul3A_358 = arith.constant 20 : i32
        %mul3A_359 = arith.muli %add3A_345, %mul3A_358 : i32
        %add3A_360 = arith.constant 1 : i32
        %add3A_361 = arith.addi %mul3A_359, %add3A_360 : i32
        %get3A_362 = arith.index_cast %add3A_361 : i32 to index
        %get3A_363 = arith.constant 0 : index
        %get3A_364 = tpu.vector_load %arg16[%get3A_362, %get3A_363] {strides = array<i32>} : memref<160x128xf32, #tpu.memory_space<vmem>>, vector<1x16xf32>,
        %get3A_365 = vector.shape_cast %get3A_364 : vector<1x16xf32> to vector<16xf32>
        %add3A_366 = arith.addf %add3A_357, %get3A_365 : vector<16xf32>
        %mul3A_367 = arith.constant 20 : i32
        %mul3A_368 = arith.muli %add3A_345, %mul3A_367 : i32
        %add3A_369 = arith.constant 2 : i32
        %add3A_370 = arith.addi %mul3A_368, %add3A_369 : i32
        %get3A_371 = arith.index_cast %add3A_370 : i32 to index
        %get3A_372 = arith.constant 0 : index
        %get3A_373 = tpu.vector_load %arg16[%get3A_371, %get3A_372] {strides = array<i32>} : memref<160x128xf32, #tpu.memory_space<vmem>>, vector<1x16xf32>,
        %get3A_374 = vector.shape_cast %get3A_373 : vector<1x16xf32> to vector<16xf32>
        %add3A_375 = arith.addf %add3A_366, %get3A_374 : vector<16xf32>
        %mul3A_376 = arith.constant 20 : i32
        %mul3A_377 = arith.muli %add3A_345, %mul3A_376 : i32
        %add3A_378 = arith.constant 3 : i32
        %add3A_379 = arith.addi %mul3A_377, %add3A_378 : i32
        %get3A_380 = arith.index_cast %add3A_379 : i32 to index
        %get3A_381 = arith.constant 0 : index
        %get3A_382 = tpu.vector_load %arg16[%get3A_380, %get3A_381] {strides = array<i32>} : memref<160x128xf32, #tpu.memory_space<vmem>>, vector<1x16xf32>,
        %get3A_383 = vector.shape_cast %get3A_382 : vector<1x16xf32> to vector<16xf32>
        %add3A_384 = arith.addf %add3A_375, %get3A_383 : vector<16xf32>
        %mul3A_385 = arith.constant 20 : i32
        %mul3A_386 = arith.muli %add3A_345, %mul3A_385 : i32
        %add3A_387 = arith.constant 4 : i32
        %add3A_388 = arith.addi %mul3A_386, %add3A_387 : i32
        %get3A_389 = arith.index_cast %add3A_388 : i32 to index
        %get3A_390 = arith.constant 0 : index
        %get3A_391 = tpu.vector_load %arg16[%get3A_389, %get3A_390] {strides = array<i32>} : memref<160x128xf32, #tpu.memory_space<vmem>>, vector<1x16xf32>,
        %get3A_392 = vector.shape_cast %get3A_391 : vector<1x16xf32> to vector<16xf32>
        %add3A_393 = arith.addf %add3A_384, %get3A_392 : vector<16xf32>
        %mul3A_394 = arith.constant 20 : i32
        %mul3A_395 = arith.muli %add3A_345, %mul3A_394 : i32
        %add3A_396 = arith.constant 5 : i32
        %add3A_397 = arith.addi %mul3A_395, %add3A_396 : i32
        %get3A_398 = arith.index_cast %add3A_397 : i32 to index
        %get3A_399 = arith.constant 0 : index
        %get3A_400 = tpu.vector_load %arg16[%get3A_398, %get3A_399] {strides = array<i32>} : memref<160x128xf32, #tpu.memory_space<vmem>>, vector<1x16xf32>,
        %get3A_401 = vector.shape_cast %get3A_400 : vector<1x16xf32> to vector<16xf32>
        %add3A_402 = arith.addf %add3A_393, %get3A_401 : vector<16xf32>
        %mul3A_403 = arith.constant 20 : i32
        %mul3A_404 = arith.muli %add3A_345, %mul3A_403 : i32
        %add3A_405 = arith.constant 6 : i32
        %add3A_406 = arith.addi %mul3A_404, %add3A_405 : i32
        %get3A_407 = arith.index_cast %add3A_406 : i32 to index
        %get3A_408 = arith.constant 0 : index
        %get3A_409 = tpu.vector_load %arg16[%get3A_407, %get3A_408] {strides = array<i32>} : memref<160x128xf32, #tpu.memory_space<vmem>>, vector<1x16xf32>,
        %get3A_410 = vector.shape_cast %get3A_409 : vector<1x16xf32> to vector<16xf32>
        %add3A_411 = arith.addf %add3A_402, %get3A_410 : vector<16xf32>
        %mul3A_412 = arith.constant 20 : i32
        %mul3A_413 = arith.muli %add3A_345, %mul3A_412 : i32
        %add3A_414 = arith.constant 7 : i32
        %add3A_415 = arith.addi %mul3A_413, %add3A_414 : i32
        %get3A_416 = arith.index_cast %add3A_415 : i32 to index
        %get3A_417 = arith.constant 0 : index
        %get3A_418 = tpu.vector_load %arg16[%get3A_416, %get3A_417] {strides = array<i32>} : memref<160x128xf32, #tpu.memory_space<vmem>>, vector<1x16xf32>,
        %get3A_419 = vector.shape_cast %get3A_418 : vector<1x16xf32> to vector<16xf32>
        %add3A_420 = arith.addf %add3A_411, %get3A_419 : vector<16xf32>
        %mul3A_421 = arith.constant 20 : i32
        %mul3A_422 = arith.muli %add3A_345, %mul3A_421 : i32
        %add3A_423 = arith.constant 8 : i32
        %add3A_424 = arith.addi %mul3A_422, %add3A_423 : i32
        %get3A_425 = arith.index_cast %add3A_424 : i32 to index
        %get3A_426 = arith.constant 0 : index
        %get3A_427 = tpu.vector_load %arg16[%get3A_425, %get3A_426] {strides = array<i32>} : memref<160x128xf32, #tpu.memory_space<vmem>>, vector<1x16xf32>,
        %get3A_428 = vector.shape_cast %get3A_427 : vector<1x16xf32> to vector<16xf32>
        %add3A_429 = arith.addf %add3A_420, %get3A_428 : vector<16xf32>
        %mul3A_430 = arith.constant 20 : i32
        %mul3A_431 = arith.muli %add3A_345, %mul3A_430 : i32
        %add3A_432 = arith.constant 9 : i32
        %add3A_433 = arith.addi %mul3A_431, %add3A_432 : i32
        %get3A_434 = arith.index_cast %add3A_433 : i32 to index
        %get3A_435 = arith.constant 0 : index
        %get3A_436 = tpu.vector_load %arg16[%get3A_434, %get3A_435] {strides = array<i32>} : memref<160x128xf32, #tpu.memory_space<vmem>>, vector<1x16xf32>,
        %get3A_437 = vector.shape_cast %get3A_436 : vector<1x16xf32> to vector<16xf32>
        %add3A_438 = arith.addf %add3A_429, %get3A_437 : vector<16xf32>
        %mul3A_439 = arith.constant 20 : i32
        %mul3A_440 = arith.muli %add3A_345, %mul3A_439 : i32
        %add3A_441 = arith.constant 10 : i32
        %add3A_442 = arith.addi %mul3A_440, %add3A_441 : i32
        %get3A_443 = arith.index_cast %add3A_442 : i32 to index
        %get3A_444 = arith.constant 0 : index
        %get3A_445 = tpu.vector_load %arg16[%get3A_443, %get3A_444] {strides = array<i32>} : memref<160x128xf32, #tpu.memory_space<vmem>>, vector<1x16xf32>,
        %get3A_446 = vector.shape_cast %get3A_445 : vector<1x16xf32> to vector<16xf32>
        %add3A_447 = arith.addf %add3A_438, %get3A_446 : vector<16xf32>
        %mul3A_448 = arith.constant 20 : i32
        %mul3A_449 = arith.muli %add3A_345, %mul3A_448 : i32
        %add3A_450 = arith.constant 11 : i32
        %add3A_451 = arith.addi %mul3A_449, %add3A_450 : i32
        %get3A_452 = arith.index_cast %add3A_451 : i32 to index
        %get3A_453 = arith.constant 0 : index
        %get3A_454 = tpu.vector_load %arg16[%get3A_452, %get3A_453] {strides = array<i32>} : memref<160x128xf32, #tpu.memory_space<vmem>>, vector<1x16xf32>,
        %get3A_455 = vector.shape_cast %get3A_454 : vector<1x16xf32> to vector<16xf32>
        %add3A_456 = arith.addf %add3A_447, %get3A_455 : vector<16xf32>
        %mul3A_457 = arith.constant 20 : i32
        %mul3A_458 = arith.muli %add3A_345, %mul3A_457 : i32
        %add3A_459 = arith.constant 12 : i32
        %add3A_460 = arith.addi %mul3A_458, %add3A_459 : i32
        %get3A_461 = arith.index_cast %add3A_460 : i32 to index
        %get3A_462 = arith.constant 0 : index
        %get3A_463 = tpu.vector_load %arg16[%get3A_461, %get3A_462] {strides = array<i32>} : memref<160x128xf32, #tpu.memory_space<vmem>>, vector<1x16xf32>,
        %get3A_464 = vector.shape_cast %get3A_463 : vector<1x16xf32> to vector<16xf32>
        %add3A_465 = arith.addf %add3A_456, %get3A_464 : vector<16xf32>
        %mul3A_466 = arith.constant 20 : i32
        %mul3A_467 = arith.muli %add3A_345, %mul3A_466 : i32
        %add3A_468 = arith.constant 13 : i32
        %add3A_469 = arith.addi %mul3A_467, %add3A_468 : i32
        %get3A_470 = arith.index_cast %add3A_469 : i32 to index
        %get3A_471 = arith.constant 0 : index
        %get3A_472 = tpu.vector_load %arg16[%get3A_470, %get3A_471] {strides = array<i32>} : memref<160x128xf32, #tpu.memory_space<vmem>>, vector<1x16xf32>,
        %get3A_473 = vector.shape_cast %get3A_472 : vector<1x16xf32> to vector<16xf32>
        %add3A_474 = arith.addf %add3A_465, %get3A_473 : vector<16xf32>
        %mul3A_475 = arith.constant 20 : i32
        %mul3A_476 = arith.muli %add3A_345, %mul3A_475 : i32
        %add3A_477 = arith.constant 14 : i32
        %add3A_478 = arith.addi %mul3A_476, %add3A_477 : i32
        %get3A_479 = arith.index_cast %add3A_478 : i32 to index
        %get3A_480 = arith.constant 0 : index
        %get3A_481 = tpu.vector_load %arg16[%get3A_479, %get3A_480] {strides = array<i32>} : memref<160x128xf32, #tpu.memory_space<vmem>>, vector<1x16xf32>,
        %get3A_482 = vector.shape_cast %get3A_481 : vector<1x16xf32> to vector<16xf32>
        %add3A_483 = arith.addf %add3A_474, %get3A_482 : vector<16xf32>
        %mul3A_484 = arith.constant 20 : i32
        %mul3A_485 = arith.muli %add3A_345, %mul3A_484 : i32
        %add3A_486 = arith.constant 15 : i32
        %add3A_487 = arith.addi %mul3A_485, %add3A_486 : i32
        %get3A_488 = arith.index_cast %add3A_487 : i32 to index
        %get3A_489 = arith.constant 0 : index
        %get3A_490 = tpu.vector_load %arg16[%get3A_488, %get3A_489] {strides = array<i32>} : memref<160x128xf32, #tpu.memory_space<vmem>>, vector<1x16xf32>,
        %get3A_491 = vector.shape_cast %get3A_490 : vector<1x16xf32> to vector<16xf32>
        %add3A_492 = arith.addf %add3A_483, %get3A_491 : vector<16xf32>
        %mul3A_493 = arith.constant 20 : i32
        %mul3A_494 = arith.muli %add3A_345, %mul3A_493 : i32
        %add3A_495 = arith.constant 16 : i32
        %add3A_496 = arith.addi %mul3A_494, %add3A_495 : i32
        %get3A_497 = arith.index_cast %add3A_496 : i32 to index
        %get3A_498 = arith.constant 0 : index
        %get3A_499 = tpu.vector_load %arg16[%get3A_497, %get3A_498] {strides = array<i32>} : memref<160x128xf32, #tpu.memory_space<vmem>>, vector<1x16xf32>,
        %get3A_500 = vector.shape_cast %get3A_499 : vector<1x16xf32> to vector<16xf32>
        %add3A_501 = arith.addf %add3A_492, %get3A_500 : vector<16xf32>
        %mul3A_502 = arith.constant 20 : i32
        %mul3A_503 = arith.muli %add3A_345, %mul3A_502 : i32
        %add3A_504 = arith.constant 17 : i32
        %add3A_505 = arith.addi %mul3A_503, %add3A_504 : i32
        %get3A_506 = arith.index_cast %add3A_505 : i32 to index
        %get3A_507 = arith.constant 0 : index
        %get3A_508 = tpu.vector_load %arg16[%get3A_506, %get3A_507] {strides = array<i32>} : memref<160x128xf32, #tpu.memory_space<vmem>>, vector<1x16xf32>,
        %get3A_509 = vector.shape_cast %get3A_508 : vector<1x16xf32> to vector<16xf32>
        %add3A_510 = arith.addf %add3A_501, %get3A_509 : vector<16xf32>
        %mul3A_511 = arith.constant 20 : i32
        %mul3A_512 = arith.muli %add3A_345, %mul3A_511 : i32
        %add3A_513 = arith.constant 18 : i32
        %add3A_514 = arith.addi %mul3A_512, %add3A_513 : i32
        %get3A_515 = arith.index_cast %add3A_514 : i32 to index
        %get3A_516 = arith.constant 0 : index
        %get3A_517 = tpu.vector_load %arg16[%get3A_515, %get3A_516] {strides = array<i32>} : memref<160x128xf32, #tpu.memory_space<vmem>>, vector<1x16xf32>,
        %get3A_518 = vector.shape_cast %get3A_517 : vector<1x16xf32> to vector<16xf32>
        %add3A_519 = arith.addf %add3A_510, %get3A_518 : vector<16xf32>
        %mul3A_520 = arith.constant 20 : i32
        %mul3A_521 = arith.muli %add3A_345, %mul3A_520 : i32
        %add3A_522 = arith.constant 19 : i32
        %add3A_523 = arith.addi %mul3A_521, %add3A_522 : i32
        %get3A_524 = arith.index_cast %add3A_523 : i32 to index
        %get3A_525 = arith.constant 0 : index
        %get3A_526 = tpu.vector_load %arg16[%get3A_524, %get3A_525] {strides = array<i32>} : memref<160x128xf32, #tpu.memory_space<vmem>>, vector<1x16xf32>,
        %get3A_527 = vector.shape_cast %get3A_526 : vector<1x16xf32> to vector<16xf32>
        %add3A_528 = arith.addf %add3A_519, %get3A_527 : vector<16xf32>
        %swap3A = arith.index_cast %add3A_345 : i32 to index
        %swap3A_529 = arith.constant 0 : index
        %swap3A_530 = tpu.vector_load %arg18[%swap3A, %swap3A_529] {strides = array<i32>} : memref<8x128xf32, #tpu.memory_space<vmem>>, vector<1x16xf32>,
        %swap3A_531 = vector.shape_cast %swap3A_530 : vector<1x16xf32> to vector<16xf32>
        %swap3A_532 = vector.shape_cast %add3A_528 : vector<16xf32> to vector<1x16xf32>
        tpu.vector_store %arg18[%swap3A, %swap3A_529], %swap3A_532 {strides = array<i32>} : memref<8x128xf32, #tpu.memory_space<vmem>>, vector<1x16xf32>,
        %get3A_533 = arith.index_cast %add3A_345 : i32 to index
        %get3A_534 = arith.constant 16 : index
        %get3A_535 = tpu.vector_load %arg14[%get3A_533, %get3A_534] {strides = array<i32>} : memref<8x128xf32, #tpu.memory_space<vmem>>, vector<1x16xf32>,
        %get3A_536 = vector.shape_cast %get3A_535 : vector<1x16xf32> to vector<16xf32>
        %mul3A_537 = arith.constant 20 : i32
        %mul3A_538 = arith.muli %add3A_345, %mul3A_537 : i32
        %add3A_539 = arith.constant 0 : i32
        %add3A_540 = arith.addi %mul3A_538, %add3A_539 : i32
        %get3A_541 = arith.index_cast %add3A_540 : i32 to index
        %get3A_542 = arith.constant 16 : index
        %get3A_543 = tpu.vector_load %arg16[%get3A_541, %get3A_542] {strides = array<i32>} : memref<160x128xf32, #tpu.memory_space<vmem>>, vector<1x16xf32>,
        %get3A_544 = vector.shape_cast %get3A_543 : vector<1x16xf32> to vector<16xf32>
        %add3A_545 = arith.addf %get3A_536, %get3A_544 : vector<16xf32>
        %mul3A_546 = arith.constant 20 : i32
        %mul3A_547 = arith.muli %add3A_345, %mul3A_546 : i32
        %add3A_548 = arith.constant 1 : i32
        %add3A_549 = arith.addi %mul3A_547, %add3A_548 : i32
        %get3A_550 = arith.index_cast %add3A_549 : i32 to index
        %get3A_551 = arith.constant 16 : index
        %get3A_552 = tpu.vector_load %arg16[%get3A_550, %get3A_551] {strides = array<i32>} : memref<160x128xf32, #tpu.memory_space<vmem>>, vector<1x16xf32>,
        %get3A_553 = vector.shape_cast %get3A_552 : vector<1x16xf32> to vector<16xf32>
        %add3A_554 = arith.addf %add3A_545, %get3A_553 : vector<16xf32>
        %mul3A_555 = arith.constant 20 : i32
        %mul3A_556 = arith.muli %add3A_345, %mul3A_555 : i32
        %add3A_557 = arith.constant 2 : i32
        %add3A_558 = arith.addi %mul3A_556, %add3A_557 : i32
        %get3A_559 = arith.index_cast %add3A_558 : i32 to index
        %get3A_560 = arith.constant 16 : index
        %get3A_561 = tpu.vector_load %arg16[%get3A_559, %get3A_560] {strides = array<i32>} : memref<160x128xf32, #tpu.memory_space<vmem>>, vector<1x16xf32>,
        %get3A_562 = vector.shape_cast %get3A_561 : vector<1x16xf32> to vector<16xf32>
        %add3A_563 = arith.addf %add3A_554, %get3A_562 : vector<16xf32>
        %mul3A_564 = arith.constant 20 : i32
        %mul3A_565 = arith.muli %add3A_345, %mul3A_564 : i32
        %add3A_566 = arith.constant 3 : i32
        %add3A_567 = arith.addi %mul3A_565, %add3A_566 : i32
        %get3A_568 = arith.index_cast %add3A_567 : i32 to index
        %get3A_569 = arith.constant 16 : index
        %get3A_570 = tpu.vector_load %arg16[%get3A_568, %get3A_569] {strides = array<i32>} : memref<160x128xf32, #tpu.memory_space<vmem>>, vector<1x16xf32>,
        %get3A_571 = vector.shape_cast %get3A_570 : vector<1x16xf32> to vector<16xf32>
        %add3A_572 = arith.addf %add3A_563, %get3A_571 : vector<16xf32>
        %mul3A_573 = arith.constant 20 : i32
        %mul3A_574 = arith.muli %add3A_345, %mul3A_573 : i32
        %add3A_575 = arith.constant 4 : i32
        %add3A_576 = arith.addi %mul3A_574, %add3A_575 : i32
        %get3A_577 = arith.index_cast %add3A_576 : i32 to index
        %get3A_578 = arith.constant 16 : index
        %get3A_579 = tpu.vector_load %arg16[%get3A_577, %get3A_578] {strides = array<i32>} : memref<160x128xf32, #tpu.memory_space<vmem>>, vector<1x16xf32>,
        %get3A_580 = vector.shape_cast %get3A_579 : vector<1x16xf32> to vector<16xf32>
        %add3A_581 = arith.addf %add3A_572, %get3A_580 : vector<16xf32>
        %mul3A_582 = arith.constant 20 : i32
        %mul3A_583 = arith.muli %add3A_345, %mul3A_582 : i32
        %add3A_584 = arith.constant 5 : i32
        %add3A_585 = arith.addi %mul3A_583, %add3A_584 : i32
        %get3A_586 = arith.index_cast %add3A_585 : i32 to index
        %get3A_587 = arith.constant 16 : index
        %get3A_588 = tpu.vector_load %arg16[%get3A_586, %get3A_587] {strides = array<i32>} : memref<160x128xf32, #tpu.memory_space<vmem>>, vector<1x16xf32>,
        %get3A_589 = vector.shape_cast %get3A_588 : vector<1x16xf32> to vector<16xf32>
        %add3A_590 = arith.addf %add3A_581, %get3A_589 : vector<16xf32>
        %mul3A_591 = arith.constant 20 : i32
        %mul3A_592 = arith.muli %add3A_345, %mul3A_591 : i32
        %add3A_593 = arith.constant 6 : i32
        %add3A_594 = arith.addi %mul3A_592, %add3A_593 : i32
        %get3A_595 = arith.index_cast %add3A_594 : i32 to index
        %get3A_596 = arith.constant 16 : index
        %get3A_597 = tpu.vector_load %arg16[%get3A_595, %get3A_596] {strides = array<i32>} : memref<160x128xf32, #tpu.memory_space<vmem>>, vector<1x16xf32>,
        %get3A_598 = vector.shape_cast %get3A_597 : vector<1x16xf32> to vector<16xf32>
        %add3A_599 = arith.addf %add3A_590, %get3A_598 : vector<16xf32>
        %mul3A_600 = arith.constant 20 : i32
        %mul3A_601 = arith.muli %add3A_345, %mul3A_600 : i32
        %add3A_602 = arith.constant 7 : i32
        %add3A_603 = arith.addi %mul3A_601, %add3A_602 : i32
        %get3A_604 = arith.index_cast %add3A_603 : i32 to index
        %get3A_605 = arith.constant 16 : index
        %get3A_606 = tpu.vector_load %arg16[%get3A_604, %get3A_605] {strides = array<i32>} : memref<160x128xf32, #tpu.memory_space<vmem>>, vector<1x16xf32>,
        %get3A_607 = vector.shape_cast %get3A_606 : vector<1x16xf32> to vector<16xf32>
        %add3A_608 = arith.addf %add3A_599, %get3A_607 : vector<16xf32>
        %mul3A_609 = arith.constant 20 : i32
        %mul3A_610 = arith.muli %add3A_345, %mul3A_609 : i32
        %add3A_611 = arith.constant 8 : i32
        %add3A_612 = arith.addi %mul3A_610, %add3A_611 : i32
        %get3A_613 = arith.index_cast %add3A_612 : i32 to index
        %get3A_614 = arith.constant 16 : index
        %get3A_615 = tpu.vector_load %arg16[%get3A_613, %get3A_614] {strides = array<i32>} : memref<160x128xf32, #tpu.memory_space<vmem>>, vector<1x16xf32>,
        %get3A_616 = vector.shape_cast %get3A_615 : vector<1x16xf32> to vector<16xf32>
        %add3A_617 = arith.addf %add3A_608, %get3A_616 : vector<16xf32>
        %mul3A_618 = arith.constant 20 : i32
        %mul3A_619 = arith.muli %add3A_345, %mul3A_618 : i32
        %add3A_620 = arith.constant 9 : i32
        %add3A_621 = arith.addi %mul3A_619, %add3A_620 : i32
        %get3A_622 = arith.index_cast %add3A_621 : i32 to index
        %get3A_623 = arith.constant 16 : index
        %get3A_624 = tpu.vector_load %arg16[%get3A_622, %get3A_623] {strides = array<i32>} : memref<160x128xf32, #tpu.memory_space<vmem>>, vector<1x16xf32>,
        %get3A_625 = vector.shape_cast %get3A_624 : vector<1x16xf32> to vector<16xf32>
        %add3A_626 = arith.addf %add3A_617, %get3A_625 : vector<16xf32>
        %mul3A_627 = arith.constant 20 : i32
        %mul3A_628 = arith.muli %add3A_345, %mul3A_627 : i32
        %add3A_629 = arith.constant 10 : i32
        %add3A_630 = arith.addi %mul3A_628, %add3A_629 : i32
        %get3A_631 = arith.index_cast %add3A_630 : i32 to index
        %get3A_632 = arith.constant 16 : index
        %get3A_633 = tpu.vector_load %arg16[%get3A_631, %get3A_632] {strides = array<i32>} : memref<160x128xf32, #tpu.memory_space<vmem>>, vector<1x16xf32>,
        %get3A_634 = vector.shape_cast %get3A_633 : vector<1x16xf32> to vector<16xf32>
        %add3A_635 = arith.addf %add3A_626, %get3A_634 : vector<16xf32>
        %mul3A_636 = arith.constant 20 : i32
        %mul3A_637 = arith.muli %add3A_345, %mul3A_636 : i32
        %add3A_638 = arith.constant 11 : i32
        %add3A_639 = arith.addi %mul3A_637, %add3A_638 : i32
        %get3A_640 = arith.index_cast %add3A_639 : i32 to index
        %get3A_641 = arith.constant 16 : index
        %get3A_642 = tpu.vector_load %arg16[%get3A_640, %get3A_641] {strides = array<i32>} : memref<160x128xf32, #tpu.memory_space<vmem>>, vector<1x16xf32>,
        %get3A_643 = vector.shape_cast %get3A_642 : vector<1x16xf32> to vector<16xf32>
        %add3A_644 = arith.addf %add3A_635, %get3A_643 : vector<16xf32>
        %mul3A_645 = arith.constant 20 : i32
        %mul3A_646 = arith.muli %add3A_345, %mul3A_645 : i32
        %add3A_647 = arith.constant 12 : i32
        %add3A_648 = arith.addi %mul3A_646, %add3A_647 : i32
        %get3A_649 = arith.index_cast %add3A_648 : i32 to index
        %get3A_650 = arith.constant 16 : index
        %get3A_651 = tpu.vector_load %arg16[%get3A_649, %get3A_650] {strides = array<i32>} : memref<160x128xf32, #tpu.memory_space<vmem>>, vector<1x16xf32>,
        %get3A_652 = vector.shape_cast %get3A_651 : vector<1x16xf32> to vector<16xf32>
        %add3A_653 = arith.addf %add3A_644, %get3A_652 : vector<16xf32>
        %mul3A_654 = arith.constant 20 : i32
        %mul3A_655 = arith.muli %add3A_345, %mul3A_654 : i32
        %add3A_656 = arith.constant 13 : i32
        %add3A_657 = arith.addi %mul3A_655, %add3A_656 : i32
        %get3A_658 = arith.index_cast %add3A_657 : i32 to index
        %get3A_659 = arith.constant 16 : index
        %get3A_660 = tpu.vector_load %arg16[%get3A_658, %get3A_659] {strides = array<i32>} : memref<160x128xf32, #tpu.memory_space<vmem>>, vector<1x16xf32>,
        %get3A_661 = vector.shape_cast %get3A_660 : vector<1x16xf32> to vector<16xf32>
        %add3A_662 = arith.addf %add3A_653, %get3A_661 : vector<16xf32>
        %mul3A_663 = arith.constant 20 : i32
        %mul3A_664 = arith.muli %add3A_345, %mul3A_663 : i32
        %add3A_665 = arith.constant 14 : i32
        %add3A_666 = arith.addi %mul3A_664, %add3A_665 : i32
        %get3A_667 = arith.index_cast %add3A_666 : i32 to index
        %get3A_668 = arith.constant 16 : index
        %get3A_669 = tpu.vector_load %arg16[%get3A_667, %get3A_668] {strides = array<i32>} : memref<160x128xf32, #tpu.memory_space<vmem>>, vector<1x16xf32>,
        %get3A_670 = vector.shape_cast %get3A_669 : vector<1x16xf32> to vector<16xf32>
        %add3A_671 = arith.addf %add3A_662, %get3A_670 : vector<16xf32>
        %mul3A_672 = arith.constant 20 : i32
        %mul3A_673 = arith.muli %add3A_345, %mul3A_672 : i32
        %add3A_674 = arith.constant 15 : i32
        %add3A_675 = arith.addi %mul3A_673, %add3A_674 : i32
        %get3A_676 = arith.index_cast %add3A_675 : i32 to index
        %get3A_677 = arith.constant 16 : index
        %get3A_678 = tpu.vector_load %arg16[%get3A_676, %get3A_677] {strides = array<i32>} : memref<160x128xf32, #tpu.memory_space<vmem>>, vector<1x16xf32>,
        %get3A_679 = vector.shape_cast %get3A_678 : vector<1x16xf32> to vector<16xf32>
        %add3A_680 = arith.addf %add3A_671, %get3A_679 : vector<16xf32>
        %mul3A_681 = arith.constant 20 : i32
        %mul3A_682 = arith.muli %add3A_345, %mul3A_681 : i32
        %add3A_683 = arith.constant 16 : i32
        %add3A_684 = arith.addi %mul3A_682, %add3A_683 : i32
        %get3A_685 = arith.index_cast %add3A_684 : i32 to index
        %get3A_686 = arith.constant 16 : index
        %get3A_687 = tpu.vector_load %arg16[%get3A_685, %get3A_686] {strides = array<i32>} : memref<160x128xf32, #tpu.memory_space<vmem>>, vector<1x16xf32>,
        %get3A_688 = vector.shape_cast %get3A_687 : vector<1x16xf32> to vector<16xf32>
        %add3A_689 = arith.addf %add3A_680, %get3A_688 : vector<16xf32>
        %mul3A_690 = arith.constant 20 : i32
        %mul3A_691 = arith.muli %add3A_345, %mul3A_690 : i32
        %add3A_692 = arith.constant 17 : i32
        %add3A_693 = arith.addi %mul3A_691, %add3A_692 : i32
        %get3A_694 = arith.index_cast %add3A_693 : i32 to index
        %get3A_695 = arith.constant 16 : index
        %get3A_696 = tpu.vector_load %arg16[%get3A_694, %get3A_695] {strides = array<i32>} : memref<160x128xf32, #tpu.memory_space<vmem>>, vector<1x16xf32>,
        %get3A_697 = vector.shape_cast %get3A_696 : vector<1x16xf32> to vector<16xf32>
        %add3A_698 = arith.addf %add3A_689, %get3A_697 : vector<16xf32>
        %mul3A_699 = arith.constant 20 : i32
        %mul3A_700 = arith.muli %add3A_345, %mul3A_699 : i32
        %add3A_701 = arith.constant 18 : i32
        %add3A_702 = arith.addi %mul3A_700, %add3A_701 : i32
        %get3A_703 = arith.index_cast %add3A_702 : i32 to index
        %get3A_704 = arith.constant 16 : index
        %get3A_705 = tpu.vector_load %arg16[%get3A_703, %get3A_704] {strides = array<i32>} : memref<160x128xf32, #tpu.memory_space<vmem>>, vector<1x16xf32>,
        %get3A_706 = vector.shape_cast %get3A_705 : vector<1x16xf32> to vector<16xf32>
        %add3A_707 = arith.addf %add3A_698, %get3A_706 : vector<16xf32>
        %mul3A_708 = arith.constant 20 : i32
        %mul3A_709 = arith.muli %add3A_345, %mul3A_708 : i32
        %add3A_710 = arith.constant 19 : i32
        %add3A_711 = arith.addi %mul3A_709, %add3A_710 : i32
        %get3A_712 = arith.index_cast %add3A_711 : i32 to index
        %get3A_713 = arith.constant 16 : index
        %get3A_714 = tpu.vector_load %arg16[%get3A_712, %get3A_713] {strides = array<i32>} : memref<160x128xf32, #tpu.memory_space<vmem>>, vector<1x16xf32>,
        %get3A_715 = vector.shape_cast %get3A_714 : vector<1x16xf32> to vector<16xf32>
        %add3A_716 = arith.addf %add3A_707, %get3A_715 : vector<16xf32>
        %swap3A_717 = arith.index_cast %add3A_345 : i32 to index
        %swap3A_718 = arith.constant 16 : index
        %swap3A_719 = tpu.vector_load %arg18[%swap3A_717, %swap3A_718] {strides = array<i32>} : memref<8x128xf32, #tpu.memory_space<vmem>>, vector<1x16xf32>,
        %swap3A_720 = vector.shape_cast %swap3A_719 : vector<1x16xf32> to vector<16xf32>
        %swap3A_721 = vector.shape_cast %add3A_716 : vector<16xf32> to vector<1x16xf32>
        tpu.vector_store %arg18[%swap3A_717, %swap3A_718], %swap3A_721 {strides = array<i32>} : memref<8x128xf32, #tpu.memory_space<vmem>>, vector<1x16xf32>,
        %get3A_722 = arith.index_cast %add3A_345 : i32 to index
        %get3A_723 = arith.constant 32 : index
        %get3A_724 = tpu.vector_load %arg14[%get3A_722, %get3A_723] {strides = array<i32>} : memref<8x128xf32, #tpu.memory_space<vmem>>, vector<1x16xf32>,
        %get3A_725 = vector.shape_cast %get3A_724 : vector<1x16xf32> to vector<16xf32>
        %mul3A_726 = arith.constant 20 : i32
        %mul3A_727 = arith.muli %add3A_345, %mul3A_726 : i32
        %add3A_728 = arith.constant 0 : i32
        %add3A_729 = arith.addi %mul3A_727, %add3A_728 : i32
        %get3A_730 = arith.index_cast %add3A_729 : i32 to index
        %get3A_731 = arith.constant 32 : index
        %get3A_732 = tpu.vector_load %arg16[%get3A_730, %get3A_731] {strides = array<i32>} : memref<160x128xf32, #tpu.memory_space<vmem>>, vector<1x16xf32>,
        %get3A_733 = vector.shape_cast %get3A_732 : vector<1x16xf32> to vector<16xf32>
        %add3A_734 = arith.addf %get3A_725, %get3A_733 : vector<16xf32>
        %mul3A_735 = arith.constant 20 : i32
        %mul3A_736 = arith.muli %add3A_345, %mul3A_735 : i32
        %add3A_737 = arith.constant 1 : i32
        %add3A_738 = arith.addi %mul3A_736, %add3A_737 : i32
        %get3A_739 = arith.index_cast %add3A_738 : i32 to index
        %get3A_740 = arith.constant 32 : index
        %get3A_741 = tpu.vector_load %arg16[%get3A_739, %get3A_740] {strides = array<i32>} : memref<160x128xf32, #tpu.memory_space<vmem>>, vector<1x16xf32>,
        %get3A_742 = vector.shape_cast %get3A_741 : vector<1x16xf32> to vector<16xf32>
        %add3A_743 = arith.addf %add3A_734, %get3A_742 : vector<16xf32>
        %mul3A_744 = arith.constant 20 : i32
        %mul3A_745 = arith.muli %add3A_345, %mul3A_744 : i32
        %add3A_746 = arith.constant 2 : i32
        %add3A_747 = arith.addi %mul3A_745, %add3A_746 : i32
        %get3A_748 = arith.index_cast %add3A_747 : i32 to index
        %get3A_749 = arith.constant 32 : index
        %get3A_750 = tpu.vector_load %arg16[%get3A_748, %get3A_749] {strides = array<i32>} : memref<160x128xf32, #tpu.memory_space<vmem>>, vector<1x16xf32>,
        %get3A_751 = vector.shape_cast %get3A_750 : vector<1x16xf32> to vector<16xf32>
        %add3A_752 = arith.addf %add3A_743, %get3A_751 : vector<16xf32>
        %mul3A_753 = arith.constant 20 : i32
        %mul3A_754 = arith.muli %add3A_345, %mul3A_753 : i32
        %add3A_755 = arith.constant 3 : i32
        %add3A_756 = arith.addi %mul3A_754, %add3A_755 : i32
        %get3A_757 = arith.index_cast %add3A_756 : i32 to index
        %get3A_758 = arith.constant 32 : index
        %get3A_759 = tpu.vector_load %arg16[%get3A_757, %get3A_758] {strides = array<i32>} : memref<160x128xf32, #tpu.memory_space<vmem>>, vector<1x16xf32>,
        %get3A_760 = vector.shape_cast %get3A_759 : vector<1x16xf32> to vector<16xf32>
        %add3A_761 = arith.addf %add3A_752, %get3A_760 : vector<16xf32>
        %mul3A_762 = arith.constant 20 : i32
        %mul3A_763 = arith.muli %add3A_345, %mul3A_762 : i32
        %add3A_764 = arith.constant 4 : i32
        %add3A_765 = arith.addi %mul3A_763, %add3A_764 : i32
        %get3A_766 = arith.index_cast %add3A_765 : i32 to index
        %get3A_767 = arith.constant 32 : index
        %get3A_768 = tpu.vector_load %arg16[%get3A_766, %get3A_767] {strides = array<i32>} : memref<160x128xf32, #tpu.memory_space<vmem>>, vector<1x16xf32>,
        %get3A_769 = vector.shape_cast %get3A_768 : vector<1x16xf32> to vector<16xf32>
        %add3A_770 = arith.addf %add3A_761, %get3A_769 : vector<16xf32>
        %mul3A_771 = arith.constant 20 : i32
        %mul3A_772 = arith.muli %add3A_345, %mul3A_771 : i32
        %add3A_773 = arith.constant 5 : i32
        %add3A_774 = arith.addi %mul3A_772, %add3A_773 : i32
        %get3A_775 = arith.index_cast %add3A_774 : i32 to index
        %get3A_776 = arith.constant 32 : index
        %get3A_777 = tpu.vector_load %arg16[%get3A_775, %get3A_776] {strides = array<i32>} : memref<160x128xf32, #tpu.memory_space<vmem>>, vector<1x16xf32>,
        %get3A_778 = vector.shape_cast %get3A_777 : vector<1x16xf32> to vector<16xf32>
        %add3A_779 = arith.addf %add3A_770, %get3A_778 : vector<16xf32>
        %mul3A_780 = arith.constant 20 : i32
        %mul3A_781 = arith.muli %add3A_345, %mul3A_780 : i32
        %add3A_782 = arith.constant 6 : i32
        %add3A_783 = arith.addi %mul3A_781, %add3A_782 : i32
        %get3A_784 = arith.index_cast %add3A_783 : i32 to index
        %get3A_785 = arith.constant 32 : index
        %get3A_786 = tpu.vector_load %arg16[%get3A_784, %get3A_785] {strides = array<i32>} : memref<160x128xf32, #tpu.memory_space<vmem>>, vector<1x16xf32>,
        %get3A_787 = vector.shape_cast %get3A_786 : vector<1x16xf32> to vector<16xf32>
        %add3A_788 = arith.addf %add3A_779, %get3A_787 : vector<16xf32>
        %mul3A_789 = arith.constant 20 : i32
        %mul3A_790 = arith.muli %add3A_345, %mul3A_789 : i32
        %add3A_791 = arith.constant 7 : i32
        %add3A_792 = arith.addi %mul3A_790, %add3A_791 : i32
        %get3A_793 = arith.index_cast %add3A_792 : i32 to index
        %get3A_794 = arith.constant 32 : index
        %get3A_795 = tpu.vector_load %arg16[%get3A_793, %get3A_794] {strides = array<i32>} : memref<160x128xf32, #tpu.memory_space<vmem>>, vector<1x16xf32>,
        %get3A_796 = vector.shape_cast %get3A_795 : vector<1x16xf32> to vector<16xf32>
        %add3A_797 = arith.addf %add3A_788, %get3A_796 : vector<16xf32>
        %mul3A_798 = arith.constant 20 : i32
        %mul3A_799 = arith.muli %add3A_345, %mul3A_798 : i32
        %add3A_800 = arith.constant 8 : i32
        %add3A_801 = arith.addi %mul3A_799, %add3A_800 : i32
        %get3A_802 = arith.index_cast %add3A_801 : i32 to index
        %get3A_803 = arith.constant 32 : index
        %get3A_804 = tpu.vector_load %arg16[%get3A_802, %get3A_803] {strides = array<i32>} : memref<160x128xf32, #tpu.memory_space<vmem>>, vector<1x16xf32>,
        %get3A_805 = vector.shape_cast %get3A_804 : vector<1x16xf32> to vector<16xf32>
        %add3A_806 = arith.addf %add3A_797, %get3A_805 : vector<16xf32>
        %mul3A_807 = arith.constant 20 : i32
        %mul3A_808 = arith.muli %add3A_345, %mul3A_807 : i32
        %add3A_809 = arith.constant 9 : i32
        %add3A_810 = arith.addi %mul3A_808, %add3A_809 : i32
        %get3A_811 = arith.index_cast %add3A_810 : i32 to index
        %get3A_812 = arith.constant 32 : index
        %get3A_813 = tpu.vector_load %arg16[%get3A_811, %get3A_812] {strides = array<i32>} : memref<160x128xf32, #tpu.memory_space<vmem>>, vector<1x16xf32>,
        %get3A_814 = vector.shape_cast %get3A_813 : vector<1x16xf32> to vector<16xf32>
        %add3A_815 = arith.addf %add3A_806, %get3A_814 : vector<16xf32>
        %mul3A_816 = arith.constant 20 : i32
        %mul3A_817 = arith.muli %add3A_345, %mul3A_816 : i32
        %add3A_818 = arith.constant 10 : i32
        %add3A_819 = arith.addi %mul3A_817, %add3A_818 : i32
        %get3A_820 = arith.index_cast %add3A_819 : i32 to index
        %get3A_821 = arith.constant 32 : index
        %get3A_822 = tpu.vector_load %arg16[%get3A_820, %get3A_821] {strides = array<i32>} : memref<160x128xf32, #tpu.memory_space<vmem>>, vector<1x16xf32>,
        %get3A_823 = vector.shape_cast %get3A_822 : vector<1x16xf32> to vector<16xf32>
        %add3A_824 = arith.addf %add3A_815, %get3A_823 : vector<16xf32>
        %mul3A_825 = arith.constant 20 : i32
        %mul3A_826 = arith.muli %add3A_345, %mul3A_825 : i32
        %add3A_827 = arith.constant 11 : i32
        %add3A_828 = arith.addi %mul3A_826, %add3A_827 : i32
        %get3A_829 = arith.index_cast %add3A_828 : i32 to index
        %get3A_830 = arith.constant 32 : index
        %get3A_831 = tpu.vector_load %arg16[%get3A_829, %get3A_830] {strides = array<i32>} : memref<160x128xf32, #tpu.memory_space<vmem>>, vector<1x16xf32>,
        %get3A_832 = vector.shape_cast %get3A_831 : vector<1x16xf32> to vector<16xf32>
        %add3A_833 = arith.addf %add3A_824, %get3A_832 : vector<16xf32>
        %mul3A_834 = arith.constant 20 : i32
        %mul3A_835 = arith.muli %add3A_345, %mul3A_834 : i32
        %add3A_836 = arith.constant 12 : i32
        %add3A_837 = arith.addi %mul3A_835, %add3A_836 : i32
        %get3A_838 = arith.index_cast %add3A_837 : i32 to index
        %get3A_839 = arith.constant 32 : index
        %get3A_840 = tpu.vector_load %arg16[%get3A_838, %get3A_839] {strides = array<i32>} : memref<160x128xf32, #tpu.memory_space<vmem>>, vector<1x16xf32>,
        %get3A_841 = vector.shape_cast %get3A_840 : vector<1x16xf32> to vector<16xf32>
        %add3A_842 = arith.addf %add3A_833, %get3A_841 : vector<16xf32>
        %mul3A_843 = arith.constant 20 : i32
        %mul3A_844 = arith.muli %add3A_345, %mul3A_843 : i32
        %add3A_845 = arith.constant 13 : i32
        %add3A_846 = arith.addi %mul3A_844, %add3A_845 : i32
        %get3A_847 = arith.index_cast %add3A_846 : i32 to index
        %get3A_848 = arith.constant 32 : index
        %get3A_849 = tpu.vector_load %arg16[%get3A_847, %get3A_848] {strides = array<i32>} : memref<160x128xf32, #tpu.memory_space<vmem>>, vector<1x16xf32>,
        %get3A_850 = vector.shape_cast %get3A_849 : vector<1x16xf32> to vector<16xf32>
        %add3A_851 = arith.addf %add3A_842, %get3A_850 : vector<16xf32>
        %mul3A_852 = arith.constant 20 : i32
        %mul3A_853 = arith.muli %add3A_345, %mul3A_852 : i32
        %add3A_854 = arith.constant 14 : i32
        %add3A_855 = arith.addi %mul3A_853, %add3A_854 : i32
        %get3A_856 = arith.index_cast %add3A_855 : i32 to index
        %get3A_857 = arith.constant 32 : index
        %get3A_858 = tpu.vector_load %arg16[%get3A_856, %get3A_857] {strides = array<i32>} : memref<160x128xf32, #tpu.memory_space<vmem>>, vector<1x16xf32>,
        %get3A_859 = vector.shape_cast %get3A_858 : vector<1x16xf32> to vector<16xf32>
        %add3A_860 = arith.addf %add3A_851, %get3A_859 : vector<16xf32>
        %mul3A_861 = arith.constant 20 : i32
        %mul3A_862 = arith.muli %add3A_345, %mul3A_861 : i32
        %add3A_863 = arith.constant 15 : i32
        %add3A_864 = arith.addi %mul3A_862, %add3A_863 : i32
        %get3A_865 = arith.index_cast %add3A_864 : i32 to index
        %get3A_866 = arith.constant 32 : index
        %get3A_867 = tpu.vector_load %arg16[%get3A_865, %get3A_866] {strides = array<i32>} : memref<160x128xf32, #tpu.memory_space<vmem>>, vector<1x16xf32>,
        %get3A_868 = vector.shape_cast %get3A_867 : vector<1x16xf32> to vector<16xf32>
        %add3A_869 = arith.addf %add3A_860, %get3A_868 : vector<16xf32>
        %mul3A_870 = arith.constant 20 : i32
        %mul3A_871 = arith.muli %add3A_345, %mul3A_870 : i32
        %add3A_872 = arith.constant 16 : i32
        %add3A_873 = arith.addi %mul3A_871, %add3A_872 : i32
        %get3A_874 = arith.index_cast %add3A_873 : i32 to index
        %get3A_875 = arith.constant 32 : index
        %get3A_876 = tpu.vector_load %arg16[%get3A_874, %get3A_875] {strides = array<i32>} : memref<160x128xf32, #tpu.memory_space<vmem>>, vector<1x16xf32>,
        %get3A_877 = vector.shape_cast %get3A_876 : vector<1x16xf32> to vector<16xf32>
        %add3A_878 = arith.addf %add3A_869, %get3A_877 : vector<16xf32>
        %mul3A_879 = arith.constant 20 : i32
        %mul3A_880 = arith.muli %add3A_345, %mul3A_879 : i32
        %add3A_881 = arith.constant 17 : i32
        %add3A_882 = arith.addi %mul3A_880, %add3A_881 : i32
        %get3A_883 = arith.index_cast %add3A_882 : i32 to index
        %get3A_884 = arith.constant 32 : index
        %get3A_885 = tpu.vector_load %arg16[%get3A_883, %get3A_884] {strides = array<i32>} : memref<160x128xf32, #tpu.memory_space<vmem>>, vector<1x16xf32>,
        %get3A_886 = vector.shape_cast %get3A_885 : vector<1x16xf32> to vector<16xf32>
        %add3A_887 = arith.addf %add3A_878, %get3A_886 : vector<16xf32>
        %mul3A_888 = arith.constant 20 : i32
        %mul3A_889 = arith.muli %add3A_345, %mul3A_888 : i32
        %add3A_890 = arith.constant 18 : i32
        %add3A_891 = arith.addi %mul3A_889, %add3A_890 : i32
        %get3A_892 = arith.index_cast %add3A_891 : i32 to index
        %get3A_893 = arith.constant 32 : index
        %get3A_894 = tpu.vector_load %arg16[%get3A_892, %get3A_893] {strides = array<i32>} : memref<160x128xf32, #tpu.memory_space<vmem>>, vector<1x16xf32>,
        %get3A_895 = vector.shape_cast %get3A_894 : vector<1x16xf32> to vector<16xf32>
        %add3A_896 = arith.addf %add3A_887, %get3A_895 : vector<16xf32>
        %mul3A_897 = arith.constant 20 : i32
        %mul3A_898 = arith.muli %add3A_345, %mul3A_897 : i32
        %add3A_899 = arith.constant 19 : i32
        %add3A_900 = arith.addi %mul3A_898, %add3A_899 : i32
        %get3A_901 = arith.index_cast %add3A_900 : i32 to index
        %get3A_902 = arith.constant 32 : index
        %get3A_903 = tpu.vector_load %arg16[%get3A_901, %get3A_902] {strides = array<i32>} : memref<160x128xf32, #tpu.memory_space<vmem>>, vector<1x16xf32>,
        %get3A_904 = vector.shape_cast %get3A_903 : vector<1x16xf32> to vector<16xf32>
        %add3A_905 = arith.addf %add3A_896, %get3A_904 : vector<16xf32>
        %swap3A_906 = arith.index_cast %add3A_345 : i32 to index
        %swap3A_907 = arith.constant 32 : index
        %swap3A_908 = tpu.vector_load %arg18[%swap3A_906, %swap3A_907] {strides = array<i32>} : memref<8x128xf32, #tpu.memory_space<vmem>>, vector<1x16xf32>,
        %swap3A_909 = vector.shape_cast %swap3A_908 : vector<1x16xf32> to vector<16xf32>
        %swap3A_910 = vector.shape_cast %add3A_905 : vector<16xf32> to vector<1x16xf32>
        tpu.vector_store %arg18[%swap3A_906, %swap3A_907], %swap3A_910 {strides = array<i32>} : memref<8x128xf32, #tpu.memory_space<vmem>>, vector<1x16xf32>,
        %get3A_911 = arith.index_cast %add3A_345 : i32 to index
        %get3A_912 = arith.constant 48 : index
        %get3A_913 = tpu.vector_load %arg14[%get3A_911, %get3A_912] {strides = array<i32>} : memref<8x128xf32, #tpu.memory_space<vmem>>, vector<1x16xf32>,
        %get3A_914 = vector.shape_cast %get3A_913 : vector<1x16xf32> to vector<16xf32>
        %mul3A_915 = arith.constant 20 : i32
        %mul3A_916 = arith.muli %add3A_345, %mul3A_915 : i32
        %add3A_917 = arith.constant 0 : i32
        %add3A_918 = arith.addi %mul3A_916, %add3A_917 : i32
        %get3A_919 = arith.index_cast %add3A_918 : i32 to index
        %get3A_920 = arith.constant 48 : index
        %get3A_921 = tpu.vector_load %arg16[%get3A_919, %get3A_920] {strides = array<i32>} : memref<160x128xf32, #tpu.memory_space<vmem>>, vector<1x16xf32>,
        %get3A_922 = vector.shape_cast %get3A_921 : vector<1x16xf32> to vector<16xf32>
        %add3A_923 = arith.addf %get3A_914, %get3A_922 : vector<16xf32>
        %mul3A_924 = arith.constant 20 : i32
        %mul3A_925 = arith.muli %add3A_345, %mul3A_924 : i32
        %add3A_926 = arith.constant 1 : i32
        %add3A_927 = arith.addi %mul3A_925, %add3A_926 : i32
        %get3A_928 = arith.index_cast %add3A_927 : i32 to index
        %get3A_929 = arith.constant 48 : index
        %get3A_930 = tpu.vector_load %arg16[%get3A_928, %get3A_929] {strides = array<i32>} : memref<160x128xf32, #tpu.memory_space<vmem>>, vector<1x16xf32>,
        %get3A_931 = vector.shape_cast %get3A_930 : vector<1x16xf32> to vector<16xf32>
        %add3A_932 = arith.addf %add3A_923, %get3A_931 : vector<16xf32>
        %mul3A_933 = arith.constant 20 : i32
        %mul3A_934 = arith.muli %add3A_345, %mul3A_933 : i32
        %add3A_935 = arith.constant 2 : i32
        %add3A_936 = arith.addi %mul3A_934, %add3A_935 : i32
        %get3A_937 = arith.index_cast %add3A_936 : i32 to index
        %get3A_938 = arith.constant 48 : index
        %get3A_939 = tpu.vector_load %arg16[%get3A_937, %get3A_938] {strides = array<i32>} : memref<160x128xf32, #tpu.memory_space<vmem>>, vector<1x16xf32>,
        %get3A_940 = vector.shape_cast %get3A_939 : vector<1x16xf32> to vector<16xf32>
        %add3A_941 = arith.addf %add3A_932, %get3A_940 : vector<16xf32>
        %mul3A_942 = arith.constant 20 : i32
        %mul3A_943 = arith.muli %add3A_345, %mul3A_942 : i32
        %add3A_944 = arith.constant 3 : i32
        %add3A_945 = arith.addi %mul3A_943, %add3A_944 : i32
        %get3A_946 = arith.index_cast %add3A_945 : i32 to index
        %get3A_947 = arith.constant 48 : index
        %get3A_948 = tpu.vector_load %arg16[%get3A_946, %get3A_947] {strides = array<i32>} : memref<160x128xf32, #tpu.memory_space<vmem>>, vector<1x16xf32>,
        %get3A_949 = vector.shape_cast %get3A_948 : vector<1x16xf32> to vector<16xf32>
        %add3A_950 = arith.addf %add3A_941, %get3A_949 : vector<16xf32>
        %mul3A_951 = arith.constant 20 : i32
        %mul3A_952 = arith.muli %add3A_345, %mul3A_951 : i32
        %add3A_953 = arith.constant 4 : i32
        %add3A_954 = arith.addi %mul3A_952, %add3A_953 : i32
        %get3A_955 = arith.index_cast %add3A_954 : i32 to index
        %get3A_956 = arith.constant 48 : index
        %get3A_957 = tpu.vector_load %arg16[%get3A_955, %get3A_956] {strides = array<i32>} : memref<160x128xf32, #tpu.memory_space<vmem>>, vector<1x16xf32>,
        %get3A_958 = vector.shape_cast %get3A_957 : vector<1x16xf32> to vector<16xf32>
        %add3A_959 = arith.addf %add3A_950, %get3A_958 : vector<16xf32>
        %mul3A_960 = arith.constant 20 : i32
        %mul3A_961 = arith.muli %add3A_345, %mul3A_960 : i32
        %add3A_962 = arith.constant 5 : i32
        %add3A_963 = arith.addi %mul3A_961, %add3A_962 : i32
        %get3A_964 = arith.index_cast %add3A_963 : i32 to index
        %get3A_965 = arith.constant 48 : index
        %get3A_966 = tpu.vector_load %arg16[%get3A_964, %get3A_965] {strides = array<i32>} : memref<160x128xf32, #tpu.memory_space<vmem>>, vector<1x16xf32>,
        %get3A_967 = vector.shape_cast %get3A_966 : vector<1x16xf32> to vector<16xf32>
        %add3A_968 = arith.addf %add3A_959, %get3A_967 : vector<16xf32>
        %mul3A_969 = arith.constant 20 : i32
        %mul3A_970 = arith.muli %add3A_345, %mul3A_969 : i32
        %add3A_971 = arith.constant 6 : i32
        %add3A_972 = arith.addi %mul3A_970, %add3A_971 : i32
        %get3A_973 = arith.index_cast %add3A_972 : i32 to index
        %get3A_974 = arith.constant 48 : index
        %get3A_975 = tpu.vector_load %arg16[%get3A_973, %get3A_974] {strides = array<i32>} : memref<160x128xf32, #tpu.memory_space<vmem>>, vector<1x16xf32>,
        %get3A_976 = vector.shape_cast %get3A_975 : vector<1x16xf32> to vector<16xf32>
        %add3A_977 = arith.addf %add3A_968, %get3A_976 : vector<16xf32>
        %mul3A_978 = arith.constant 20 : i32
        %mul3A_979 = arith.muli %add3A_345, %mul3A_978 : i32
        %add3A_980 = arith.constant 7 : i32
        %add3A_981 = arith.addi %mul3A_979, %add3A_980 : i32
        %get3A_982 = arith.index_cast %add3A_981 : i32 to index
        %get3A_983 = arith.constant 48 : index
        %get3A_984 = tpu.vector_load %arg16[%get3A_982, %get3A_983] {strides = array<i32>} : memref<160x128xf32, #tpu.memory_space<vmem>>, vector<1x16xf32>,
        %get3A_985 = vector.shape_cast %get3A_984 : vector<1x16xf32> to vector<16xf32>
        %add3A_986 = arith.addf %add3A_977, %get3A_985 : vector<16xf32>
        %mul3A_987 = arith.constant 20 : i32
        %mul3A_988 = arith.muli %add3A_345, %mul3A_987 : i32
        %add3A_989 = arith.constant 8 : i32
        %add3A_990 = arith.addi %mul3A_988, %add3A_989 : i32
        %get3A_991 = arith.index_cast %add3A_990 : i32 to index
        %get3A_992 = arith.constant 48 : index
        %get3A_993 = tpu.vector_load %arg16[%get3A_991, %get3A_992] {strides = array<i32>} : memref<160x128xf32, #tpu.memory_space<vmem>>, vector<1x16xf32>,
        %get3A_994 = vector.shape_cast %get3A_993 : vector<1x16xf32> to vector<16xf32>
        %add3A_995 = arith.addf %add3A_986, %get3A_994 : vector<16xf32>
        %mul3A_996 = arith.constant 20 : i32
        %mul3A_997 = arith.muli %add3A_345, %mul3A_996 : i32
        %add3A_998 = arith.constant 9 : i32
        %add3A_999 = arith.addi %mul3A_997, %add3A_998 : i32
        %get3A_1000 = arith.index_cast %add3A_999 : i32 to index
        %get3A_1001 = arith.constant 48 : index
        %get3A_1002 = tpu.vector_load %arg16[%get3A_1000, %get3A_1001] {strides = array<i32>} : memref<160x128xf32, #tpu.memory_space<vmem>>, vector<1x16xf32>,
        %get3A_1003 = vector.shape_cast %get3A_1002 : vector<1x16xf32> to vector<16xf32>
        %add3A_1004 = arith.addf %add3A_995, %get3A_1003 : vector<16xf32>
        %mul3A_1005 = arith.constant 20 : i32
        %mul3A_1006 = arith.muli %add3A_345, %mul3A_1005 : i32
        %add3A_1007 = arith.constant 10 : i32
        %add3A_1008 = arith.addi %mul3A_1006, %add3A_1007 : i32
        %get3A_1009 = arith.index_cast %add3A_1008 : i32 to index
        %get3A_1010 = arith.constant 48 : index
        %get3A_1011 = tpu.vector_load %arg16[%get3A_1009, %get3A_1010] {strides = array<i32>} : memref<160x128xf32, #tpu.memory_space<vmem>>, vector<1x16xf32>,
        %get3A_1012 = vector.shape_cast %get3A_1011 : vector<1x16xf32> to vector<16xf32>
        %add3A_1013 = arith.addf %add3A_1004, %get3A_1012 : vector<16xf32>
        %mul3A_1014 = arith.constant 20 : i32
        %mul3A_1015 = arith.muli %add3A_345, %mul3A_1014 : i32
        %add3A_1016 = arith.constant 11 : i32
        %add3A_1017 = arith.addi %mul3A_1015, %add3A_1016 : i32
        %get3A_1018 = arith.index_cast %add3A_1017 : i32 to index
        %get3A_1019 = arith.constant 48 : index
        %get3A_1020 = tpu.vector_load %arg16[%get3A_1018, %get3A_1019] {strides = array<i32>} : memref<160x128xf32, #tpu.memory_space<vmem>>, vector<1x16xf32>,
        %get3A_1021 = vector.shape_cast %get3A_1020 : vector<1x16xf32> to vector<16xf32>
        %add3A_1022 = arith.addf %add3A_1013, %get3A_1021 : vector<16xf32>
        %mul3A_1023 = arith.constant 20 : i32
        %mul3A_1024 = arith.muli %add3A_345, %mul3A_1023 : i32
        %add3A_1025 = arith.constant 12 : i32
        %add3A_1026 = arith.addi %mul3A_1024, %add3A_1025 : i32
        %get3A_1027 = arith.index_cast %add3A_1026 : i32 to index
        %get3A_1028 = arith.constant 48 : index
        %get3A_1029 = tpu.vector_load %arg16[%get3A_1027, %get3A_1028] {strides = array<i32>} : memref<160x128xf32, #tpu.memory_space<vmem>>, vector<1x16xf32>,
        %get3A_1030 = vector.shape_cast %get3A_1029 : vector<1x16xf32> to vector<16xf32>
        %add3A_1031 = arith.addf %add3A_1022, %get3A_1030 : vector<16xf32>
        %mul3A_1032 = arith.constant 20 : i32
        %mul3A_1033 = arith.muli %add3A_345, %mul3A_1032 : i32
        %add3A_1034 = arith.constant 13 : i32
        %add3A_1035 = arith.addi %mul3A_1033, %add3A_1034 : i32
        %get3A_1036 = arith.index_cast %add3A_1035 : i32 to index
        %get3A_1037 = arith.constant 48 : index
        %get3A_1038 = tpu.vector_load %arg16[%get3A_1036, %get3A_1037] {strides = array<i32>} : memref<160x128xf32, #tpu.memory_space<vmem>>, vector<1x16xf32>,
        %get3A_1039 = vector.shape_cast %get3A_1038 : vector<1x16xf32> to vector<16xf32>
        %add3A_1040 = arith.addf %add3A_1031, %get3A_1039 : vector<16xf32>
        %mul3A_1041 = arith.constant 20 : i32
        %mul3A_1042 = arith.muli %add3A_345, %mul3A_1041 : i32
        %add3A_1043 = arith.constant 14 : i32
        %add3A_1044 = arith.addi %mul3A_1042, %add3A_1043 : i32
        %get3A_1045 = arith.index_cast %add3A_1044 : i32 to index
        %get3A_1046 = arith.constant 48 : index
        %get3A_1047 = tpu.vector_load %arg16[%get3A_1045, %get3A_1046] {strides = array<i32>} : memref<160x128xf32, #tpu.memory_space<vmem>>, vector<1x16xf32>,
        %get3A_1048 = vector.shape_cast %get3A_1047 : vector<1x16xf32> to vector<16xf32>
        %add3A_1049 = arith.addf %add3A_1040, %get3A_1048 : vector<16xf32>
        %mul3A_1050 = arith.constant 20 : i32
        %mul3A_1051 = arith.muli %add3A_345, %mul3A_1050 : i32
        %add3A_1052 = arith.constant 15 : i32
        %add3A_1053 = arith.addi %mul3A_1051, %add3A_1052 : i32
        %get3A_1054 = arith.index_cast %add3A_1053 : i32 to index
        %get3A_1055 = arith.constant 48 : index
        %get3A_1056 = tpu.vector_load %arg16[%get3A_1054, %get3A_1055] {strides = array<i32>} : memref<160x128xf32, #tpu.memory_space<vmem>>, vector<1x16xf32>,
        %get3A_1057 = vector.shape_cast %get3A_1056 : vector<1x16xf32> to vector<16xf32>
        %add3A_1058 = arith.addf %add3A_1049, %get3A_1057 : vector<16xf32>
        %mul3A_1059 = arith.constant 20 : i32
        %mul3A_1060 = arith.muli %add3A_345, %mul3A_1059 : i32
        %add3A_1061 = arith.constant 16 : i32
        %add3A_1062 = arith.addi %mul3A_1060, %add3A_1061 : i32
        %get3A_1063 = arith.index_cast %add3A_1062 : i32 to index
        %get3A_1064 = arith.constant 48 : index
        %get3A_1065 = tpu.vector_load %arg16[%get3A_1063, %get3A_1064] {strides = array<i32>} : memref<160x128xf32, #tpu.memory_space<vmem>>, vector<1x16xf32>,
        %get3A_1066 = vector.shape_cast %get3A_1065 : vector<1x16xf32> to vector<16xf32>
        %add3A_1067 = arith.addf %add3A_1058, %get3A_1066 : vector<16xf32>
        %mul3A_1068 = arith.constant 20 : i32
        %mul3A_1069 = arith.muli %add3A_345, %mul3A_1068 : i32
        %add3A_1070 = arith.constant 17 : i32
        %add3A_1071 = arith.addi %mul3A_1069, %add3A_1070 : i32
        %get3A_1072 = arith.index_cast %add3A_1071 : i32 to index
        %get3A_1073 = arith.constant 48 : index
        %get3A_1074 = tpu.vector_load %arg16[%get3A_1072, %get3A_1073] {strides = array<i32>} : memref<160x128xf32, #tpu.memory_space<vmem>>, vector<1x16xf32>,
        %get3A_1075 = vector.shape_cast %get3A_1074 : vector<1x16xf32> to vector<16xf32>
        %add3A_1076 = arith.addf %add3A_1067, %get3A_1075 : vector<16xf32>
        %mul3A_1077 = arith.constant 20 : i32
        %mul3A_1078 = arith.muli %add3A_345, %mul3A_1077 : i32
        %add3A_1079 = arith.constant 18 : i32
        %add3A_1080 = arith.addi %mul3A_1078, %add3A_1079 : i32
        %get3A_1081 = arith.index_cast %add3A_1080 : i32 to index
        %get3A_1082 = arith.constant 48 : index
        %get3A_1083 = tpu.vector_load %arg16[%get3A_1081, %get3A_1082] {strides = array<i32>} : memref<160x128xf32, #tpu.memory_space<vmem>>, vector<1x16xf32>,
        %get3A_1084 = vector.shape_cast %get3A_1083 : vector<1x16xf32> to vector<16xf32>
        %add3A_1085 = arith.addf %add3A_1076, %get3A_1084 : vector<16xf32>
        %mul3A_1086 = arith.constant 20 : i32
        %mul3A_1087 = arith.muli %add3A_345, %mul3A_1086 : i32
        %add3A_1088 = arith.constant 19 : i32
        %add3A_1089 = arith.addi %mul3A_1087, %add3A_1088 : i32
        %get3A_1090 = arith.index_cast %add3A_1089 : i32 to index
        %get3A_1091 = arith.constant 48 : index
        %get3A_1092 = tpu.vector_load %arg16[%get3A_1090, %get3A_1091] {strides = array<i32>} : memref<160x128xf32, #tpu.memory_space<vmem>>, vector<1x16xf32>,
        %get3A_1093 = vector.shape_cast %get3A_1092 : vector<1x16xf32> to vector<16xf32>
        %add3A_1094 = arith.addf %add3A_1085, %get3A_1093 : vector<16xf32>
        %swap3A_1095 = arith.index_cast %add3A_345 : i32 to index
        %swap3A_1096 = arith.constant 48 : index
        %swap3A_1097 = tpu.vector_load %arg18[%swap3A_1095, %swap3A_1096] {strides = array<i32>} : memref<8x128xf32, #tpu.memory_space<vmem>>, vector<1x16xf32>,
        %swap3A_1098 = vector.shape_cast %swap3A_1097 : vector<1x16xf32> to vector<16xf32>
        %swap3A_1099 = vector.shape_cast %add3A_1094 : vector<16xf32> to vector<1x16xf32>
        tpu.vector_store %arg18[%swap3A_1095, %swap3A_1096], %swap3A_1099 {strides = array<i32>} : memref<8x128xf32, #tpu.memory_space<vmem>>, vector<1x16xf32>,
        %get3A_1100 = arith.index_cast %add3A_345 : i32 to index
        %get3A_1101 = arith.constant 64 : index
        %get3A_1102 = tpu.vector_load %arg14[%get3A_1100, %get3A_1101] {strides = array<i32>} : memref<8x128xf32, #tpu.memory_space<vmem>>, vector<1x16xf32>,
        %get3A_1103 = vector.shape_cast %get3A_1102 : vector<1x16xf32> to vector<16xf32>
        %mul3A_1104 = arith.constant 20 : i32
        %mul3A_1105 = arith.muli %add3A_345, %mul3A_1104 : i32
        %add3A_1106 = arith.constant 0 : i32
        %add3A_1107 = arith.addi %mul3A_1105, %add3A_1106 : i32
        %get3A_1108 = arith.index_cast %add3A_1107 : i32 to index
        %get3A_1109 = arith.constant 64 : index
        %get3A_1110 = tpu.vector_load %arg16[%get3A_1108, %get3A_1109] {strides = array<i32>} : memref<160x128xf32, #tpu.memory_space<vmem>>, vector<1x16xf32>,
        %get3A_1111 = vector.shape_cast %get3A_1110 : vector<1x16xf32> to vector<16xf32>
        %add3A_1112 = arith.addf %get3A_1103, %get3A_1111 : vector<16xf32>
        %mul3A_1113 = arith.constant 20 : i32
        %mul3A_1114 = arith.muli %add3A_345, %mul3A_1113 : i32
        %add3A_1115 = arith.constant 1 : i32
        %add3A_1116 = arith.addi %mul3A_1114, %add3A_1115 : i32
        %get3A_1117 = arith.index_cast %add3A_1116 : i32 to index
        %get3A_1118 = arith.constant 64 : index
        %get3A_1119 = tpu.vector_load %arg16[%get3A_1117, %get3A_1118] {strides = array<i32>} : memref<160x128xf32, #tpu.memory_space<vmem>>, vector<1x16xf32>,
        %get3A_1120 = vector.shape_cast %get3A_1119 : vector<1x16xf32> to vector<16xf32>
        %add3A_1121 = arith.addf %add3A_1112, %get3A_1120 : vector<16xf32>
        %mul3A_1122 = arith.constant 20 : i32
        %mul3A_1123 = arith.muli %add3A_345, %mul3A_1122 : i32
        %add3A_1124 = arith.constant 2 : i32
        %add3A_1125 = arith.addi %mul3A_1123, %add3A_1124 : i32
        %get3A_1126 = arith.index_cast %add3A_1125 : i32 to index
        %get3A_1127 = arith.constant 64 : index
        %get3A_1128 = tpu.vector_load %arg16[%get3A_1126, %get3A_1127] {strides = array<i32>} : memref<160x128xf32, #tpu.memory_space<vmem>>, vector<1x16xf32>,
        %get3A_1129 = vector.shape_cast %get3A_1128 : vector<1x16xf32> to vector<16xf32>
        %add3A_1130 = arith.addf %add3A_1121, %get3A_1129 : vector<16xf32>
        %mul3A_1131 = arith.constant 20 : i32
        %mul3A_1132 = arith.muli %add3A_345, %mul3A_1131 : i32
        %add3A_1133 = arith.constant 3 : i32
        %add3A_1134 = arith.addi %mul3A_1132, %add3A_1133 : i32
        %get3A_1135 = arith.index_cast %add3A_1134 : i32 to index
        %get3A_1136 = arith.constant 64 : index
        %get3A_1137 = tpu.vector_load %arg16[%get3A_1135, %get3A_1136] {strides = array<i32>} : memref<160x128xf32, #tpu.memory_space<vmem>>, vector<1x16xf32>,
        %get3A_1138 = vector.shape_cast %get3A_1137 : vector<1x16xf32> to vector<16xf32>
        %add3A_1139 = arith.addf %add3A_1130, %get3A_1138 : vector<16xf32>
        %mul3A_1140 = arith.constant 20 : i32
        %mul3A_1141 = arith.muli %add3A_345, %mul3A_1140 : i32
        %add3A_1142 = arith.constant 4 : i32
        %add3A_1143 = arith.addi %mul3A_1141, %add3A_1142 : i32
        %get3A_1144 = arith.index_cast %add3A_1143 : i32 to index
        %get3A_1145 = arith.constant 64 : index
        %get3A_1146 = tpu.vector_load %arg16[%get3A_1144, %get3A_1145] {strides = array<i32>} : memref<160x128xf32, #tpu.memory_space<vmem>>, vector<1x16xf32>,
        %get3A_1147 = vector.shape_cast %get3A_1146 : vector<1x16xf32> to vector<16xf32>
        %add3A_1148 = arith.addf %add3A_1139, %get3A_1147 : vector<16xf32>
        %mul3A_1149 = arith.constant 20 : i32
        %mul3A_1150 = arith.muli %add3A_345, %mul3A_1149 : i32
        %add3A_1151 = arith.constant 5 : i32
        %add3A_1152 = arith.addi %mul3A_1150, %add3A_1151 : i32
        %get3A_1153 = arith.index_cast %add3A_1152 : i32 to index
        %get3A_1154 = arith.constant 64 : index
        %get3A_1155 = tpu.vector_load %arg16[%get3A_1153, %get3A_1154] {strides = array<i32>} : memref<160x128xf32, #tpu.memory_space<vmem>>, vector<1x16xf32>,
        %get3A_1156 = vector.shape_cast %get3A_1155 : vector<1x16xf32> to vector<16xf32>
        %add3A_1157 = arith.addf %add3A_1148, %get3A_1156 : vector<16xf32>
        %mul3A_1158 = arith.constant 20 : i32
        %mul3A_1159 = arith.muli %add3A_345, %mul3A_1158 : i32
        %add3A_1160 = arith.constant 6 : i32
        %add3A_1161 = arith.addi %mul3A_1159, %add3A_1160 : i32
        %get3A_1162 = arith.index_cast %add3A_1161 : i32 to index
        %get3A_1163 = arith.constant 64 : index
        %get3A_1164 = tpu.vector_load %arg16[%get3A_1162, %get3A_1163] {strides = array<i32>} : memref<160x128xf32, #tpu.memory_space<vmem>>, vector<1x16xf32>,
        %get3A_1165 = vector.shape_cast %get3A_1164 : vector<1x16xf32> to vector<16xf32>
        %add3A_1166 = arith.addf %add3A_1157, %get3A_1165 : vector<16xf32>
        %mul3A_1167 = arith.constant 20 : i32
        %mul3A_1168 = arith.muli %add3A_345, %mul3A_1167 : i32
        %add3A_1169 = arith.constant 7 : i32
        %add3A_1170 = arith.addi %mul3A_1168, %add3A_1169 : i32
        %get3A_1171 = arith.index_cast %add3A_1170 : i32 to index
        %get3A_1172 = arith.constant 64 : index
        %get3A_1173 = tpu.vector_load %arg16[%get3A_1171, %get3A_1172] {strides = array<i32>} : memref<160x128xf32, #tpu.memory_space<vmem>>, vector<1x16xf32>,
        %get3A_1174 = vector.shape_cast %get3A_1173 : vector<1x16xf32> to vector<16xf32>
        %add3A_1175 = arith.addf %add3A_1166, %get3A_1174 : vector<16xf32>
        %mul3A_1176 = arith.constant 20 : i32
        %mul3A_1177 = arith.muli %add3A_345, %mul3A_1176 : i32
        %add3A_1178 = arith.constant 8 : i32
        %add3A_1179 = arith.addi %mul3A_1177, %add3A_1178 : i32
        %get3A_1180 = arith.index_cast %add3A_1179 : i32 to index
        %get3A_1181 = arith.constant 64 : index
        %get3A_1182 = tpu.vector_load %arg16[%get3A_1180, %get3A_1181] {strides = array<i32>} : memref<160x128xf32, #tpu.memory_space<vmem>>, vector<1x16xf32>,
        %get3A_1183 = vector.shape_cast %get3A_1182 : vector<1x16xf32> to vector<16xf32>
        %add3A_1184 = arith.addf %add3A_1175, %get3A_1183 : vector<16xf32>
        %mul3A_1185 = arith.constant 20 : i32
        %mul3A_1186 = arith.muli %add3A_345, %mul3A_1185 : i32
        %add3A_1187 = arith.constant 9 : i32
        %add3A_1188 = arith.addi %mul3A_1186, %add3A_1187 : i32
        %get3A_1189 = arith.index_cast %add3A_1188 : i32 to index
        %get3A_1190 = arith.constant 64 : index
        %get3A_1191 = tpu.vector_load %arg16[%get3A_1189, %get3A_1190] {strides = array<i32>} : memref<160x128xf32, #tpu.memory_space<vmem>>, vector<1x16xf32>,
        %get3A_1192 = vector.shape_cast %get3A_1191 : vector<1x16xf32> to vector<16xf32>
        %add3A_1193 = arith.addf %add3A_1184, %get3A_1192 : vector<16xf32>
        %mul3A_1194 = arith.constant 20 : i32
        %mul3A_1195 = arith.muli %add3A_345, %mul3A_1194 : i32
        %add3A_1196 = arith.constant 10 : i32
        %add3A_1197 = arith.addi %mul3A_1195, %add3A_1196 : i32
        %get3A_1198 = arith.index_cast %add3A_1197 : i32 to index
        %get3A_1199 = arith.constant 64 : index
        %get3A_1200 = tpu.vector_load %arg16[%get3A_1198, %get3A_1199] {strides = array<i32>} : memref<160x128xf32, #tpu.memory_space<vmem>>, vector<1x16xf32>,
        %get3A_1201 = vector.shape_cast %get3A_1200 : vector<1x16xf32> to vector<16xf32>
        %add3A_1202 = arith.addf %add3A_1193, %get3A_1201 : vector<16xf32>
        %mul3A_1203 = arith.constant 20 : i32
        %mul3A_1204 = arith.muli %add3A_345, %mul3A_1203 : i32
        %add3A_1205 = arith.constant 11 : i32
        %add3A_1206 = arith.addi %mul3A_1204, %add3A_1205 : i32
        %get3A_1207 = arith.index_cast %add3A_1206 : i32 to index
        %get3A_1208 = arith.constant 64 : index
        %get3A_1209 = tpu.vector_load %arg16[%get3A_1207, %get3A_1208] {strides = array<i32>} : memref<160x128xf32, #tpu.memory_space<vmem>>, vector<1x16xf32>,
        %get3A_1210 = vector.shape_cast %get3A_1209 : vector<1x16xf32> to vector<16xf32>
        %add3A_1211 = arith.addf %add3A_1202, %get3A_1210 : vector<16xf32>
        %mul3A_1212 = arith.constant 20 : i32
        %mul3A_1213 = arith.muli %add3A_345, %mul3A_1212 : i32
        %add3A_1214 = arith.constant 12 : i32
        %add3A_1215 = arith.addi %mul3A_1213, %add3A_1214 : i32
        %get3A_1216 = arith.index_cast %add3A_1215 : i32 to index
        %get3A_1217 = arith.constant 64 : index
        %get3A_1218 = tpu.vector_load %arg16[%get3A_1216, %get3A_1217] {strides = array<i32>} : memref<160x128xf32, #tpu.memory_space<vmem>>, vector<1x16xf32>,
        %get3A_1219 = vector.shape_cast %get3A_1218 : vector<1x16xf32> to vector<16xf32>
        %add3A_1220 = arith.addf %add3A_1211, %get3A_1219 : vector<16xf32>
        %mul3A_1221 = arith.constant 20 : i32
        %mul3A_1222 = arith.muli %add3A_345, %mul3A_1221 : i32
        %add3A_1223 = arith.constant 13 : i32
        %add3A_1224 = arith.addi %mul3A_1222, %add3A_1223 : i32
        %get3A_1225 = arith.index_cast %add3A_1224 : i32 to index
        %get3A_1226 = arith.constant 64 : index
        %get3A_1227 = tpu.vector_load %arg16[%get3A_1225, %get3A_1226] {strides = array<i32>} : memref<160x128xf32, #tpu.memory_space<vmem>>, vector<1x16xf32>,
        %get3A_1228 = vector.shape_cast %get3A_1227 : vector<1x16xf32> to vector<16xf32>
        %add3A_1229 = arith.addf %add3A_1220, %get3A_1228 : vector<16xf32>
        %mul3A_1230 = arith.constant 20 : i32
        %mul3A_1231 = arith.muli %add3A_345, %mul3A_1230 : i32
        %add3A_1232 = arith.constant 14 : i32
        %add3A_1233 = arith.addi %mul3A_1231, %add3A_1232 : i32
        %get3A_1234 = arith.index_cast %add3A_1233 : i32 to index
        %get3A_1235 = arith.constant 64 : index
        %get3A_1236 = tpu.vector_load %arg16[%get3A_1234, %get3A_1235] {strides = array<i32>} : memref<160x128xf32, #tpu.memory_space<vmem>>, vector<1x16xf32>,
        %get3A_1237 = vector.shape_cast %get3A_1236 : vector<1x16xf32> to vector<16xf32>
        %add3A_1238 = arith.addf %add3A_1229, %get3A_1237 : vector<16xf32>
        %mul3A_1239 = arith.constant 20 : i32
        %mul3A_1240 = arith.muli %add3A_345, %mul3A_1239 : i32
        %add3A_1241 = arith.constant 15 : i32
        %add3A_1242 = arith.addi %mul3A_1240, %add3A_1241 : i32
        %get3A_1243 = arith.index_cast %add3A_1242 : i32 to index
        %get3A_1244 = arith.constant 64 : index
        %get3A_1245 = tpu.vector_load %arg16[%get3A_1243, %get3A_1244] {strides = array<i32>} : memref<160x128xf32, #tpu.memory_space<vmem>>, vector<1x16xf32>,
        %get3A_1246 = vector.shape_cast %get3A_1245 : vector<1x16xf32> to vector<16xf32>
        %add3A_1247 = arith.addf %add3A_1238, %get3A_1246 : vector<16xf32>
        %mul3A_1248 = arith.constant 20 : i32
        %mul3A_1249 = arith.muli %add3A_345, %mul3A_1248 : i32
        %add3A_1250 = arith.constant 16 : i32
        %add3A_1251 = arith.addi %mul3A_1249, %add3A_1250 : i32
        %get3A_1252 = arith.index_cast %add3A_1251 : i32 to index
        %get3A_1253 = arith.constant 64 : index
        %get3A_1254 = tpu.vector_load %arg16[%get3A_1252, %get3A_1253] {strides = array<i32>} : memref<160x128xf32, #tpu.memory_space<vmem>>, vector<1x16xf32>,
        %get3A_1255 = vector.shape_cast %get3A_1254 : vector<1x16xf32> to vector<16xf32>
        %add3A_1256 = arith.addf %add3A_1247, %get3A_1255 : vector<16xf32>
        %mul3A_1257 = arith.constant 20 : i32
        %mul3A_1258 = arith.muli %add3A_345, %mul3A_1257 : i32
        %add3A_1259 = arith.constant 17 : i32
        %add3A_1260 = arith.addi %mul3A_1258, %add3A_1259 : i32
        %get3A_1261 = arith.index_cast %add3A_1260 : i32 to index
        %get3A_1262 = arith.constant 64 : index
        %get3A_1263 = tpu.vector_load %arg16[%get3A_1261, %get3A_1262] {strides = array<i32>} : memref<160x128xf32, #tpu.memory_space<vmem>>, vector<1x16xf32>,
        %get3A_1264 = vector.shape_cast %get3A_1263 : vector<1x16xf32> to vector<16xf32>
        %add3A_1265 = arith.addf %add3A_1256, %get3A_1264 : vector<16xf32>
        %mul3A_1266 = arith.constant 20 : i32
        %mul3A_1267 = arith.muli %add3A_345, %mul3A_1266 : i32
        %add3A_1268 = arith.constant 18 : i32
        %add3A_1269 = arith.addi %mul3A_1267, %add3A_1268 : i32
        %get3A_1270 = arith.index_cast %add3A_1269 : i32 to index
        %get3A_1271 = arith.constant 64 : index
        %get3A_1272 = tpu.vector_load %arg16[%get3A_1270, %get3A_1271] {strides = array<i32>} : memref<160x128xf32, #tpu.memory_space<vmem>>, vector<1x16xf32>,
        %get3A_1273 = vector.shape_cast %get3A_1272 : vector<1x16xf32> to vector<16xf32>
        %add3A_1274 = arith.addf %add3A_1265, %get3A_1273 : vector<16xf32>
        %mul3A_1275 = arith.constant 20 : i32
        %mul3A_1276 = arith.muli %add3A_345, %mul3A_1275 : i32
        %add3A_1277 = arith.constant 19 : i32
        %add3A_1278 = arith.addi %mul3A_1276, %add3A_1277 : i32
        %get3A_1279 = arith.index_cast %add3A_1278 : i32 to index
        %get3A_1280 = arith.constant 64 : index
        %get3A_1281 = tpu.vector_load %arg16[%get3A_1279, %get3A_1280] {strides = array<i32>} : memref<160x128xf32, #tpu.memory_space<vmem>>, vector<1x16xf32>,
        %get3A_1282 = vector.shape_cast %get3A_1281 : vector<1x16xf32> to vector<16xf32>
        %add3A_1283 = arith.addf %add3A_1274, %get3A_1282 : vector<16xf32>
        %swap3A_1284 = arith.index_cast %add3A_345 : i32 to index
        %swap3A_1285 = arith.constant 64 : index
        %swap3A_1286 = tpu.vector_load %arg18[%swap3A_1284, %swap3A_1285] {strides = array<i32>} : memref<8x128xf32, #tpu.memory_space<vmem>>, vector<1x16xf32>,
        %swap3A_1287 = vector.shape_cast %swap3A_1286 : vector<1x16xf32> to vector<16xf32>
        %swap3A_1288 = vector.shape_cast %add3A_1283 : vector<16xf32> to vector<1x16xf32>
        tpu.vector_store %arg18[%swap3A_1284, %swap3A_1285], %swap3A_1288 {strides = array<i32>} : memref<8x128xf32, #tpu.memory_space<vmem>>, vector<1x16xf32>,
        %get3A_1289 = arith.index_cast %add3A_345 : i32 to index
        %get3A_1290 = arith.constant 80 : index
        %get3A_1291 = tpu.vector_load %arg14[%get3A_1289, %get3A_1290] {strides = array<i32>} : memref<8x128xf32, #tpu.memory_space<vmem>>, vector<1x16xf32>,
        %get3A_1292 = vector.shape_cast %get3A_1291 : vector<1x16xf32> to vector<16xf32>
        %mul3A_1293 = arith.constant 20 : i32
        %mul3A_1294 = arith.muli %add3A_345, %mul3A_1293 : i32
        %add3A_1295 = arith.constant 0 : i32
        %add3A_1296 = arith.addi %mul3A_1294, %add3A_1295 : i32
        %get3A_1297 = arith.index_cast %add3A_1296 : i32 to index
        %get3A_1298 = arith.constant 80 : index
        %get3A_1299 = tpu.vector_load %arg16[%get3A_1297, %get3A_1298] {strides = array<i32>} : memref<160x128xf32, #tpu.memory_space<vmem>>, vector<1x16xf32>,
        %get3A_1300 = vector.shape_cast %get3A_1299 : vector<1x16xf32> to vector<16xf32>
        %add3A_1301 = arith.addf %get3A_1292, %get3A_1300 : vector<16xf32>
        %mul3A_1302 = arith.constant 20 : i32
        %mul3A_1303 = arith.muli %add3A_345, %mul3A_1302 : i32
        %add3A_1304 = arith.constant 1 : i32
        %add3A_1305 = arith.addi %mul3A_1303, %add3A_1304 : i32
        %get3A_1306 = arith.index_cast %add3A_1305 : i32 to index
        %get3A_1307 = arith.constant 80 : index
        %get3A_1308 = tpu.vector_load %arg16[%get3A_1306, %get3A_1307] {strides = array<i32>} : memref<160x128xf32, #tpu.memory_space<vmem>>, vector<1x16xf32>,
        %get3A_1309 = vector.shape_cast %get3A_1308 : vector<1x16xf32> to vector<16xf32>
        %add3A_1310 = arith.addf %add3A_1301, %get3A_1309 : vector<16xf32>
        %mul3A_1311 = arith.constant 20 : i32
        %mul3A_1312 = arith.muli %add3A_345, %mul3A_1311 : i32
        %add3A_1313 = arith.constant 2 : i32
        %add3A_1314 = arith.addi %mul3A_1312, %add3A_1313 : i32
        %get3A_1315 = arith.index_cast %add3A_1314 : i32 to index
        %get3A_1316 = arith.constant 80 : index
        %get3A_1317 = tpu.vector_load %arg16[%get3A_1315, %get3A_1316] {strides = array<i32>} : memref<160x128xf32, #tpu.memory_space<vmem>>, vector<1x16xf32>,
        %get3A_1318 = vector.shape_cast %get3A_1317 : vector<1x16xf32> to vector<16xf32>
        %add3A_1319 = arith.addf %add3A_1310, %get3A_1318 : vector<16xf32>
        %mul3A_1320 = arith.constant 20 : i32
        %mul3A_1321 = arith.muli %add3A_345, %mul3A_1320 : i32
        %add3A_1322 = arith.constant 3 : i32
        %add3A_1323 = arith.addi %mul3A_1321, %add3A_1322 : i32
        %get3A_1324 = arith.index_cast %add3A_1323 : i32 to index
        %get3A_1325 = arith.constant 80 : index
        %get3A_1326 = tpu.vector_load %arg16[%get3A_1324, %get3A_1325] {strides = array<i32>} : memref<160x128xf32, #tpu.memory_space<vmem>>, vector<1x16xf32>,
        %get3A_1327 = vector.shape_cast %get3A_1326 : vector<1x16xf32> to vector<16xf32>
        %add3A_1328 = arith.addf %add3A_1319, %get3A_1327 : vector<16xf32>
        %mul3A_1329 = arith.constant 20 : i32
        %mul3A_1330 = arith.muli %add3A_345, %mul3A_1329 : i32
        %add3A_1331 = arith.constant 4 : i32
        %add3A_1332 = arith.addi %mul3A_1330, %add3A_1331 : i32
        %get3A_1333 = arith.index_cast %add3A_1332 : i32 to index
        %get3A_1334 = arith.constant 80 : index
        %get3A_1335 = tpu.vector_load %arg16[%get3A_1333, %get3A_1334] {strides = array<i32>} : memref<160x128xf32, #tpu.memory_space<vmem>>, vector<1x16xf32>,
        %get3A_1336 = vector.shape_cast %get3A_1335 : vector<1x16xf32> to vector<16xf32>
        %add3A_1337 = arith.addf %add3A_1328, %get3A_1336 : vector<16xf32>
        %mul3A_1338 = arith.constant 20 : i32
        %mul3A_1339 = arith.muli %add3A_345, %mul3A_1338 : i32
        %add3A_1340 = arith.constant 5 : i32
        %add3A_1341 = arith.addi %mul3A_1339, %add3A_1340 : i32
        %get3A_1342 = arith.index_cast %add3A_1341 : i32 to index
        %get3A_1343 = arith.constant 80 : index
        %get3A_1344 = tpu.vector_load %arg16[%get3A_1342, %get3A_1343] {strides = array<i32>} : memref<160x128xf32, #tpu.memory_space<vmem>>, vector<1x16xf32>,
        %get3A_1345 = vector.shape_cast %get3A_1344 : vector<1x16xf32> to vector<16xf32>
        %add3A_1346 = arith.addf %add3A_1337, %get3A_1345 : vector<16xf32>
        %mul3A_1347 = arith.constant 20 : i32
        %mul3A_1348 = arith.muli %add3A_345, %mul3A_1347 : i32
        %add3A_1349 = arith.constant 6 : i32
        %add3A_1350 = arith.addi %mul3A_1348, %add3A_1349 : i32
        %get3A_1351 = arith.index_cast %add3A_1350 : i32 to index
        %get3A_1352 = arith.constant 80 : index
        %get3A_1353 = tpu.vector_load %arg16[%get3A_1351, %get3A_1352] {strides = array<i32>} : memref<160x128xf32, #tpu.memory_space<vmem>>, vector<1x16xf32>,
        %get3A_1354 = vector.shape_cast %get3A_1353 : vector<1x16xf32> to vector<16xf32>
        %add3A_1355 = arith.addf %add3A_1346, %get3A_1354 : vector<16xf32>
        %mul3A_1356 = arith.constant 20 : i32
        %mul3A_1357 = arith.muli %add3A_345, %mul3A_1356 : i32
        %add3A_1358 = arith.constant 7 : i32
        %add3A_1359 = arith.addi %mul3A_1357, %add3A_1358 : i32
        %get3A_1360 = arith.index_cast %add3A_1359 : i32 to index
        %get3A_1361 = arith.constant 80 : index
        %get3A_1362 = tpu.vector_load %arg16[%get3A_1360, %get3A_1361] {strides = array<i32>} : memref<160x128xf32, #tpu.memory_space<vmem>>, vector<1x16xf32>,
        %get3A_1363 = vector.shape_cast %get3A_1362 : vector<1x16xf32> to vector<16xf32>
        %add3A_1364 = arith.addf %add3A_1355, %get3A_1363 : vector<16xf32>
        %mul3A_1365 = arith.constant 20 : i32
        %mul3A_1366 = arith.muli %add3A_345, %mul3A_1365 : i32
        %add3A_1367 = arith.constant 8 : i32
        %add3A_1368 = arith.addi %mul3A_1366, %add3A_1367 : i32
        %get3A_1369 = arith.index_cast %add3A_1368 : i32 to index
        %get3A_1370 = arith.constant 80 : index
        %get3A_1371 = tpu.vector_load %arg16[%get3A_1369, %get3A_1370] {strides = array<i32>} : memref<160x128xf32, #tpu.memory_space<vmem>>, vector<1x16xf32>,
        %get3A_1372 = vector.shape_cast %get3A_1371 : vector<1x16xf32> to vector<16xf32>
        %add3A_1373 = arith.addf %add3A_1364, %get3A_1372 : vector<16xf32>
        %mul3A_1374 = arith.constant 20 : i32
        %mul3A_1375 = arith.muli %add3A_345, %mul3A_1374 : i32
        %add3A_1376 = arith.constant 9 : i32
        %add3A_1377 = arith.addi %mul3A_1375, %add3A_1376 : i32
        %get3A_1378 = arith.index_cast %add3A_1377 : i32 to index
        %get3A_1379 = arith.constant 80 : index
        %get3A_1380 = tpu.vector_load %arg16[%get3A_1378, %get3A_1379] {strides = array<i32>} : memref<160x128xf32, #tpu.memory_space<vmem>>, vector<1x16xf32>,
        %get3A_1381 = vector.shape_cast %get3A_1380 : vector<1x16xf32> to vector<16xf32>
        %add3A_1382 = arith.addf %add3A_1373, %get3A_1381 : vector<16xf32>
        %mul3A_1383 = arith.constant 20 : i32
        %mul3A_1384 = arith.muli %add3A_345, %mul3A_1383 : i32
        %add3A_1385 = arith.constant 10 : i32
        %add3A_1386 = arith.addi %mul3A_1384, %add3A_1385 : i32
        %get3A_1387 = arith.index_cast %add3A_1386 : i32 to index
        %get3A_1388 = arith.constant 80 : index
        %get3A_1389 = tpu.vector_load %arg16[%get3A_1387, %get3A_1388] {strides = array<i32>} : memref<160x128xf32, #tpu.memory_space<vmem>>, vector<1x16xf32>,
        %get3A_1390 = vector.shape_cast %get3A_1389 : vector<1x16xf32> to vector<16xf32>
        %add3A_1391 = arith.addf %add3A_1382, %get3A_1390 : vector<16xf32>
        %mul3A_1392 = arith.constant 20 : i32
        %mul3A_1393 = arith.muli %add3A_345, %mul3A_1392 : i32
        %add3A_1394 = arith.constant 11 : i32
        %add3A_1395 = arith.addi %mul3A_1393, %add3A_1394 : i32
        %get3A_1396 = arith.index_cast %add3A_1395 : i32 to index
        %get3A_1397 = arith.constant 80 : index
        %get3A_1398 = tpu.vector_load %arg16[%get3A_1396, %get3A_1397] {strides = array<i32>} : memref<160x128xf32, #tpu.memory_space<vmem>>, vector<1x16xf32>,
        %get3A_1399 = vector.shape_cast %get3A_1398 : vector<1x16xf32> to vector<16xf32>
        %add3A_1400 = arith.addf %add3A_1391, %get3A_1399 : vector<16xf32>
        %mul3A_1401 = arith.constant 20 : i32
        %mul3A_1402 = arith.muli %add3A_345, %mul3A_1401 : i32
        %add3A_1403 = arith.constant 12 : i32
        %add3A_1404 = arith.addi %mul3A_1402, %add3A_1403 : i32
        %get3A_1405 = arith.index_cast %add3A_1404 : i32 to index
        %get3A_1406 = arith.constant 80 : index
        %get3A_1407 = tpu.vector_load %arg16[%get3A_1405, %get3A_1406] {strides = array<i32>} : memref<160x128xf32, #tpu.memory_space<vmem>>, vector<1x16xf32>,
        %get3A_1408 = vector.shape_cast %get3A_1407 : vector<1x16xf32> to vector<16xf32>
        %add3A_1409 = arith.addf %add3A_1400, %get3A_1408 : vector<16xf32>
        %mul3A_1410 = arith.constant 20 : i32
        %mul3A_1411 = arith.muli %add3A_345, %mul3A_1410 : i32
        %add3A_1412 = arith.constant 13 : i32
        %add3A_1413 = arith.addi %mul3A_1411, %add3A_1412 : i32
        %get3A_1414 = arith.index_cast %add3A_1413 : i32 to index
        %get3A_1415 = arith.constant 80 : index
        %get3A_1416 = tpu.vector_load %arg16[%get3A_1414, %get3A_1415] {strides = array<i32>} : memref<160x128xf32, #tpu.memory_space<vmem>>, vector<1x16xf32>,
        %get3A_1417 = vector.shape_cast %get3A_1416 : vector<1x16xf32> to vector<16xf32>
        %add3A_1418 = arith.addf %add3A_1409, %get3A_1417 : vector<16xf32>
        %mul3A_1419 = arith.constant 20 : i32
        %mul3A_1420 = arith.muli %add3A_345, %mul3A_1419 : i32
        %add3A_1421 = arith.constant 14 : i32
        %add3A_1422 = arith.addi %mul3A_1420, %add3A_1421 : i32
        %get3A_1423 = arith.index_cast %add3A_1422 : i32 to index
        %get3A_1424 = arith.constant 80 : index
        %get3A_1425 = tpu.vector_load %arg16[%get3A_1423, %get3A_1424] {strides = array<i32>} : memref<160x128xf32, #tpu.memory_space<vmem>>, vector<1x16xf32>,
        %get3A_1426 = vector.shape_cast %get3A_1425 : vector<1x16xf32> to vector<16xf32>
        %add3A_1427 = arith.addf %add3A_1418, %get3A_1426 : vector<16xf32>
        %mul3A_1428 = arith.constant 20 : i32
        %mul3A_1429 = arith.muli %add3A_345, %mul3A_1428 : i32
        %add3A_1430 = arith.constant 15 : i32
        %add3A_1431 = arith.addi %mul3A_1429, %add3A_1430 : i32
        %get3A_1432 = arith.index_cast %add3A_1431 : i32 to index
        %get3A_1433 = arith.constant 80 : index
        %get3A_1434 = tpu.vector_load %arg16[%get3A_1432, %get3A_1433] {strides = array<i32>} : memref<160x128xf32, #tpu.memory_space<vmem>>, vector<1x16xf32>,
        %get3A_1435 = vector.shape_cast %get3A_1434 : vector<1x16xf32> to vector<16xf32>
        %add3A_1436 = arith.addf %add3A_1427, %get3A_1435 : vector<16xf32>
        %mul3A_1437 = arith.constant 20 : i32
        %mul3A_1438 = arith.muli %add3A_345, %mul3A_1437 : i32
        %add3A_1439 = arith.constant 16 : i32
        %add3A_1440 = arith.addi %mul3A_1438, %add3A_1439 : i32
        %get3A_1441 = arith.index_cast %add3A_1440 : i32 to index
        %get3A_1442 = arith.constant 80 : index
        %get3A_1443 = tpu.vector_load %arg16[%get3A_1441, %get3A_1442] {strides = array<i32>} : memref<160x128xf32, #tpu.memory_space<vmem>>, vector<1x16xf32>,
        %get3A_1444 = vector.shape_cast %get3A_1443 : vector<1x16xf32> to vector<16xf32>
        %add3A_1445 = arith.addf %add3A_1436, %get3A_1444 : vector<16xf32>
        %mul3A_1446 = arith.constant 20 : i32
        %mul3A_1447 = arith.muli %add3A_345, %mul3A_1446 : i32
        %add3A_1448 = arith.constant 17 : i32
        %add3A_1449 = arith.addi %mul3A_1447, %add3A_1448 : i32
        %get3A_1450 = arith.index_cast %add3A_1449 : i32 to index
        %get3A_1451 = arith.constant 80 : index
        %get3A_1452 = tpu.vector_load %arg16[%get3A_1450, %get3A_1451] {strides = array<i32>} : memref<160x128xf32, #tpu.memory_space<vmem>>, vector<1x16xf32>,
        %get3A_1453 = vector.shape_cast %get3A_1452 : vector<1x16xf32> to vector<16xf32>
        %add3A_1454 = arith.addf %add3A_1445, %get3A_1453 : vector<16xf32>
        %mul3A_1455 = arith.constant 20 : i32
        %mul3A_1456 = arith.muli %add3A_345, %mul3A_1455 : i32
        %add3A_1457 = arith.constant 18 : i32
        %add3A_1458 = arith.addi %mul3A_1456, %add3A_1457 : i32
        %get3A_1459 = arith.index_cast %add3A_1458 : i32 to index
        %get3A_1460 = arith.constant 80 : index
        %get3A_1461 = tpu.vector_load %arg16[%get3A_1459, %get3A_1460] {strides = array<i32>} : memref<160x128xf32, #tpu.memory_space<vmem>>, vector<1x16xf32>,
        %get3A_1462 = vector.shape_cast %get3A_1461 : vector<1x16xf32> to vector<16xf32>
        %add3A_1463 = arith.addf %add3A_1454, %get3A_1462 : vector<16xf32>
        %mul3A_1464 = arith.constant 20 : i32
        %mul3A_1465 = arith.muli %add3A_345, %mul3A_1464 : i32
        %add3A_1466 = arith.constant 19 : i32
        %add3A_1467 = arith.addi %mul3A_1465, %add3A_1466 : i32
        %get3A_1468 = arith.index_cast %add3A_1467 : i32 to index
        %get3A_1469 = arith.constant 80 : index
        %get3A_1470 = tpu.vector_load %arg16[%get3A_1468, %get3A_1469] {strides = array<i32>} : memref<160x128xf32, #tpu.memory_space<vmem>>, vector<1x16xf32>,
        %get3A_1471 = vector.shape_cast %get3A_1470 : vector<1x16xf32> to vector<16xf32>
        %add3A_1472 = arith.addf %add3A_1463, %get3A_1471 : vector<16xf32>
        %swap3A_1473 = arith.index_cast %add3A_345 : i32 to index
        %swap3A_1474 = arith.constant 80 : index
        %swap3A_1475 = tpu.vector_load %arg18[%swap3A_1473, %swap3A_1474] {strides = array<i32>} : memref<8x128xf32, #tpu.memory_space<vmem>>, vector<1x16xf32>,
        %swap3A_1476 = vector.shape_cast %swap3A_1475 : vector<1x16xf32> to vector<16xf32>
        %swap3A_1477 = vector.shape_cast %add3A_1472 : vector<16xf32> to vector<1x16xf32>
        tpu.vector_store %arg18[%swap3A_1473, %swap3A_1474], %swap3A_1477 {strides = array<i32>} : memref<8x128xf32, #tpu.memory_space<vmem>>, vector<1x16xf32>,
        %get3A_1478 = arith.index_cast %add3A_345 : i32 to index
        %get3A_1479 = arith.constant 96 : index
        %get3A_1480 = tpu.vector_load %arg14[%get3A_1478, %get3A_1479] {strides = array<i32>} : memref<8x128xf32, #tpu.memory_space<vmem>>, vector<1x16xf32>,
        %get3A_1481 = vector.shape_cast %get3A_1480 : vector<1x16xf32> to vector<16xf32>
        %mul3A_1482 = arith.constant 20 : i32
        %mul3A_1483 = arith.muli %add3A_345, %mul3A_1482 : i32
        %add3A_1484 = arith.constant 0 : i32
        %add3A_1485 = arith.addi %mul3A_1483, %add3A_1484 : i32
        %get3A_1486 = arith.index_cast %add3A_1485 : i32 to index
        %get3A_1487 = arith.constant 96 : index
        %get3A_1488 = tpu.vector_load %arg16[%get3A_1486, %get3A_1487] {strides = array<i32>} : memref<160x128xf32, #tpu.memory_space<vmem>>, vector<1x16xf32>,
        %get3A_1489 = vector.shape_cast %get3A_1488 : vector<1x16xf32> to vector<16xf32>
        %add3A_1490 = arith.addf %get3A_1481, %get3A_1489 : vector<16xf32>
        %mul3A_1491 = arith.constant 20 : i32
        %mul3A_1492 = arith.muli %add3A_345, %mul3A_1491 : i32
        %add3A_1493 = arith.constant 1 : i32
        %add3A_1494 = arith.addi %mul3A_1492, %add3A_1493 : i32
        %get3A_1495 = arith.index_cast %add3A_1494 : i32 to index
        %get3A_1496 = arith.constant 96 : index
        %get3A_1497 = tpu.vector_load %arg16[%get3A_1495, %get3A_1496] {strides = array<i32>} : memref<160x128xf32, #tpu.memory_space<vmem>>, vector<1x16xf32>,
        %get3A_1498 = vector.shape_cast %get3A_1497 : vector<1x16xf32> to vector<16xf32>
        %add3A_1499 = arith.addf %add3A_1490, %get3A_1498 : vector<16xf32>
        %mul3A_1500 = arith.constant 20 : i32
        %mul3A_1501 = arith.muli %add3A_345, %mul3A_1500 : i32
        %add3A_1502 = arith.constant 2 : i32
        %add3A_1503 = arith.addi %mul3A_1501, %add3A_1502 : i32
        %get3A_1504 = arith.index_cast %add3A_1503 : i32 to index
        %get3A_1505 = arith.constant 96 : index
        %get3A_1506 = tpu.vector_load %arg16[%get3A_1504, %get3A_1505] {strides = array<i32>} : memref<160x128xf32, #tpu.memory_space<vmem>>, vector<1x16xf32>,
        %get3A_1507 = vector.shape_cast %get3A_1506 : vector<1x16xf32> to vector<16xf32>
        %add3A_1508 = arith.addf %add3A_1499, %get3A_1507 : vector<16xf32>
        %mul3A_1509 = arith.constant 20 : i32
        %mul3A_1510 = arith.muli %add3A_345, %mul3A_1509 : i32
        %add3A_1511 = arith.constant 3 : i32
        %add3A_1512 = arith.addi %mul3A_1510, %add3A_1511 : i32
        %get3A_1513 = arith.index_cast %add3A_1512 : i32 to index
        %get3A_1514 = arith.constant 96 : index
        %get3A_1515 = tpu.vector_load %arg16[%get3A_1513, %get3A_1514] {strides = array<i32>} : memref<160x128xf32, #tpu.memory_space<vmem>>, vector<1x16xf32>,
        %get3A_1516 = vector.shape_cast %get3A_1515 : vector<1x16xf32> to vector<16xf32>
        %add3A_1517 = arith.addf %add3A_1508, %get3A_1516 : vector<16xf32>
        %mul3A_1518 = arith.constant 20 : i32
        %mul3A_1519 = arith.muli %add3A_345, %mul3A_1518 : i32
        %add3A_1520 = arith.constant 4 : i32
        %add3A_1521 = arith.addi %mul3A_1519, %add3A_1520 : i32
        %get3A_1522 = arith.index_cast %add3A_1521 : i32 to index
        %get3A_1523 = arith.constant 96 : index
        %get3A_1524 = tpu.vector_load %arg16[%get3A_1522, %get3A_1523] {strides = array<i32>} : memref<160x128xf32, #tpu.memory_space<vmem>>, vector<1x16xf32>,
        %get3A_1525 = vector.shape_cast %get3A_1524 : vector<1x16xf32> to vector<16xf32>
        %add3A_1526 = arith.addf %add3A_1517, %get3A_1525 : vector<16xf32>
        %mul3A_1527 = arith.constant 20 : i32
        %mul3A_1528 = arith.muli %add3A_345, %mul3A_1527 : i32
        %add3A_1529 = arith.constant 5 : i32
        %add3A_1530 = arith.addi %mul3A_1528, %add3A_1529 : i32
        %get3A_1531 = arith.index_cast %add3A_1530 : i32 to index
        %get3A_1532 = arith.constant 96 : index
        %get3A_1533 = tpu.vector_load %arg16[%get3A_1531, %get3A_1532] {strides = array<i32>} : memref<160x128xf32, #tpu.memory_space<vmem>>, vector<1x16xf32>,
        %get3A_1534 = vector.shape_cast %get3A_1533 : vector<1x16xf32> to vector<16xf32>
        %add3A_1535 = arith.addf %add3A_1526, %get3A_1534 : vector<16xf32>
        %mul3A_1536 = arith.constant 20 : i32
        %mul3A_1537 = arith.muli %add3A_345, %mul3A_1536 : i32
        %add3A_1538 = arith.constant 6 : i32
        %add3A_1539 = arith.addi %mul3A_1537, %add3A_1538 : i32
        %get3A_1540 = arith.index_cast %add3A_1539 : i32 to index
        %get3A_1541 = arith.constant 96 : index
        %get3A_1542 = tpu.vector_load %arg16[%get3A_1540, %get3A_1541] {strides = array<i32>} : memref<160x128xf32, #tpu.memory_space<vmem>>, vector<1x16xf32>,
        %get3A_1543 = vector.shape_cast %get3A_1542 : vector<1x16xf32> to vector<16xf32>
        %add3A_1544 = arith.addf %add3A_1535, %get3A_1543 : vector<16xf32>
        %mul3A_1545 = arith.constant 20 : i32
        %mul3A_1546 = arith.muli %add3A_345, %mul3A_1545 : i32
        %add3A_1547 = arith.constant 7 : i32
        %add3A_1548 = arith.addi %mul3A_1546, %add3A_1547 : i32
        %get3A_1549 = arith.index_cast %add3A_1548 : i32 to index
        %get3A_1550 = arith.constant 96 : index
        %get3A_1551 = tpu.vector_load %arg16[%get3A_1549, %get3A_1550] {strides = array<i32>} : memref<160x128xf32, #tpu.memory_space<vmem>>, vector<1x16xf32>,
        %get3A_1552 = vector.shape_cast %get3A_1551 : vector<1x16xf32> to vector<16xf32>
        %add3A_1553 = arith.addf %add3A_1544, %get3A_1552 : vector<16xf32>
        %mul3A_1554 = arith.constant 20 : i32
        %mul3A_1555 = arith.muli %add3A_345, %mul3A_1554 : i32
        %add3A_1556 = arith.constant 8 : i32
        %add3A_1557 = arith.addi %mul3A_1555, %add3A_1556 : i32
        %get3A_1558 = arith.index_cast %add3A_1557 : i32 to index
        %get3A_1559 = arith.constant 96 : index
        %get3A_1560 = tpu.vector_load %arg16[%get3A_1558, %get3A_1559] {strides = array<i32>} : memref<160x128xf32, #tpu.memory_space<vmem>>, vector<1x16xf32>,
        %get3A_1561 = vector.shape_cast %get3A_1560 : vector<1x16xf32> to vector<16xf32>
        %add3A_1562 = arith.addf %add3A_1553, %get3A_1561 : vector<16xf32>
        %mul3A_1563 = arith.constant 20 : i32
        %mul3A_1564 = arith.muli %add3A_345, %mul3A_1563 : i32
        %add3A_1565 = arith.constant 9 : i32
        %add3A_1566 = arith.addi %mul3A_1564, %add3A_1565 : i32
        %get3A_1567 = arith.index_cast %add3A_1566 : i32 to index
        %get3A_1568 = arith.constant 96 : index
        %get3A_1569 = tpu.vector_load %arg16[%get3A_1567, %get3A_1568] {strides = array<i32>} : memref<160x128xf32, #tpu.memory_space<vmem>>, vector<1x16xf32>,
        %get3A_1570 = vector.shape_cast %get3A_1569 : vector<1x16xf32> to vector<16xf32>
        %add3A_1571 = arith.addf %add3A_1562, %get3A_1570 : vector<16xf32>
        %mul3A_1572 = arith.constant 20 : i32
        %mul3A_1573 = arith.muli %add3A_345, %mul3A_1572 : i32
        %add3A_1574 = arith.constant 10 : i32
        %add3A_1575 = arith.addi %mul3A_1573, %add3A_1574 : i32
        %get3A_1576 = arith.index_cast %add3A_1575 : i32 to index
        %get3A_1577 = arith.constant 96 : index
        %get3A_1578 = tpu.vector_load %arg16[%get3A_1576, %get3A_1577] {strides = array<i32>} : memref<160x128xf32, #tpu.memory_space<vmem>>, vector<1x16xf32>,
        %get3A_1579 = vector.shape_cast %get3A_1578 : vector<1x16xf32> to vector<16xf32>
        %add3A_1580 = arith.addf %add3A_1571, %get3A_1579 : vector<16xf32>
        %mul3A_1581 = arith.constant 20 : i32
        %mul3A_1582 = arith.muli %add3A_345, %mul3A_1581 : i32
        %add3A_1583 = arith.constant 11 : i32
        %add3A_1584 = arith.addi %mul3A_1582, %add3A_1583 : i32
        %get3A_1585 = arith.index_cast %add3A_1584 : i32 to index
        %get3A_1586 = arith.constant 96 : index
        %get3A_1587 = tpu.vector_load %arg16[%get3A_1585, %get3A_1586] {strides = array<i32>} : memref<160x128xf32, #tpu.memory_space<vmem>>, vector<1x16xf32>,
        %get3A_1588 = vector.shape_cast %get3A_1587 : vector<1x16xf32> to vector<16xf32>
        %add3A_1589 = arith.addf %add3A_1580, %get3A_1588 : vector<16xf32>
        %mul3A_1590 = arith.constant 20 : i32
        %mul3A_1591 = arith.muli %add3A_345, %mul3A_1590 : i32
        %add3A_1592 = arith.constant 12 : i32
        %add3A_1593 = arith.addi %mul3A_1591, %add3A_1592 : i32
        %get3A_1594 = arith.index_cast %add3A_1593 : i32 to index
        %get3A_1595 = arith.constant 96 : index
        %get3A_1596 = tpu.vector_load %arg16[%get3A_1594, %get3A_1595] {strides = array<i32>} : memref<160x128xf32, #tpu.memory_space<vmem>>, vector<1x16xf32>,
        %get3A_1597 = vector.shape_cast %get3A_1596 : vector<1x16xf32> to vector<16xf32>
        %add3A_1598 = arith.addf %add3A_1589, %get3A_1597 : vector<16xf32>
        %mul3A_1599 = arith.constant 20 : i32
        %mul3A_1600 = arith.muli %add3A_345, %mul3A_1599 : i32
        %add3A_1601 = arith.constant 13 : i32
        %add3A_1602 = arith.addi %mul3A_1600, %add3A_1601 : i32
        %get3A_1603 = arith.index_cast %add3A_1602 : i32 to index
        %get3A_1604 = arith.constant 96 : index
        %get3A_1605 = tpu.vector_load %arg16[%get3A_1603, %get3A_1604] {strides = array<i32>} : memref<160x128xf32, #tpu.memory_space<vmem>>, vector<1x16xf32>,
        %get3A_1606 = vector.shape_cast %get3A_1605 : vector<1x16xf32> to vector<16xf32>
        %add3A_1607 = arith.addf %add3A_1598, %get3A_1606 : vector<16xf32>
        %mul3A_1608 = arith.constant 20 : i32
        %mul3A_1609 = arith.muli %add3A_345, %mul3A_1608 : i32
        %add3A_1610 = arith.constant 14 : i32
        %add3A_1611 = arith.addi %mul3A_1609, %add3A_1610 : i32
        %get3A_1612 = arith.index_cast %add3A_1611 : i32 to index
        %get3A_1613 = arith.constant 96 : index
        %get3A_1614 = tpu.vector_load %arg16[%get3A_1612, %get3A_1613] {strides = array<i32>} : memref<160x128xf32, #tpu.memory_space<vmem>>, vector<1x16xf32>,
        %get3A_1615 = vector.shape_cast %get3A_1614 : vector<1x16xf32> to vector<16xf32>
        %add3A_1616 = arith.addf %add3A_1607, %get3A_1615 : vector<16xf32>
        %mul3A_1617 = arith.constant 20 : i32
        %mul3A_1618 = arith.muli %add3A_345, %mul3A_1617 : i32
        %add3A_1619 = arith.constant 15 : i32
        %add3A_1620 = arith.addi %mul3A_1618, %add3A_1619 : i32
        %get3A_1621 = arith.index_cast %add3A_1620 : i32 to index
        %get3A_1622 = arith.constant 96 : index
        %get3A_1623 = tpu.vector_load %arg16[%get3A_1621, %get3A_1622] {strides = array<i32>} : memref<160x128xf32, #tpu.memory_space<vmem>>, vector<1x16xf32>,
        %get3A_1624 = vector.shape_cast %get3A_1623 : vector<1x16xf32> to vector<16xf32>
        %add3A_1625 = arith.addf %add3A_1616, %get3A_1624 : vector<16xf32>
        %mul3A_1626 = arith.constant 20 : i32
        %mul3A_1627 = arith.muli %add3A_345, %mul3A_1626 : i32
        %add3A_1628 = arith.constant 16 : i32
        %add3A_1629 = arith.addi %mul3A_1627, %add3A_1628 : i32
        %get3A_1630 = arith.index_cast %add3A_1629 : i32 to index
        %get3A_1631 = arith.constant 96 : index
        %get3A_1632 = tpu.vector_load %arg16[%get3A_1630, %get3A_1631] {strides = array<i32>} : memref<160x128xf32, #tpu.memory_space<vmem>>, vector<1x16xf32>,
        %get3A_1633 = vector.shape_cast %get3A_1632 : vector<1x16xf32> to vector<16xf32>
        %add3A_1634 = arith.addf %add3A_1625, %get3A_1633 : vector<16xf32>
        %mul3A_1635 = arith.constant 20 : i32
        %mul3A_1636 = arith.muli %add3A_345, %mul3A_1635 : i32
        %add3A_1637 = arith.constant 17 : i32
        %add3A_1638 = arith.addi %mul3A_1636, %add3A_1637 : i32
        %get3A_1639 = arith.index_cast %add3A_1638 : i32 to index
        %get3A_1640 = arith.constant 96 : index
        %get3A_1641 = tpu.vector_load %arg16[%get3A_1639, %get3A_1640] {strides = array<i32>} : memref<160x128xf32, #tpu.memory_space<vmem>>, vector<1x16xf32>,
        %get3A_1642 = vector.shape_cast %get3A_1641 : vector<1x16xf32> to vector<16xf32>
        %add3A_1643 = arith.addf %add3A_1634, %get3A_1642 : vector<16xf32>
        %mul3A_1644 = arith.constant 20 : i32
        %mul3A_1645 = arith.muli %add3A_345, %mul3A_1644 : i32
        %add3A_1646 = arith.constant 18 : i32
        %add3A_1647 = arith.addi %mul3A_1645, %add3A_1646 : i32
        %get3A_1648 = arith.index_cast %add3A_1647 : i32 to index
        %get3A_1649 = arith.constant 96 : index
        %get3A_1650 = tpu.vector_load %arg16[%get3A_1648, %get3A_1649] {strides = array<i32>} : memref<160x128xf32, #tpu.memory_space<vmem>>, vector<1x16xf32>,
        %get3A_1651 = vector.shape_cast %get3A_1650 : vector<1x16xf32> to vector<16xf32>
        %add3A_1652 = arith.addf %add3A_1643, %get3A_1651 : vector<16xf32>
        %mul3A_1653 = arith.constant 20 : i32
        %mul3A_1654 = arith.muli %add3A_345, %mul3A_1653 : i32
        %add3A_1655 = arith.constant 19 : i32
        %add3A_1656 = arith.addi %mul3A_1654, %add3A_1655 : i32
        %get3A_1657 = arith.index_cast %add3A_1656 : i32 to index
        %get3A_1658 = arith.constant 96 : index
        %get3A_1659 = tpu.vector_load %arg16[%get3A_1657, %get3A_1658] {strides = array<i32>} : memref<160x128xf32, #tpu.memory_space<vmem>>, vector<1x16xf32>,
        %get3A_1660 = vector.shape_cast %get3A_1659 : vector<1x16xf32> to vector<16xf32>
        %add3A_1661 = arith.addf %add3A_1652, %get3A_1660 : vector<16xf32>
        %swap3A_1662 = arith.index_cast %add3A_345 : i32 to index
        %swap3A_1663 = arith.constant 96 : index
        %swap3A_1664 = tpu.vector_load %arg18[%swap3A_1662, %swap3A_1663] {strides = array<i32>} : memref<8x128xf32, #tpu.memory_space<vmem>>, vector<1x16xf32>,
        %swap3A_1665 = vector.shape_cast %swap3A_1664 : vector<1x16xf32> to vector<16xf32>
        %swap3A_1666 = vector.shape_cast %add3A_1661 : vector<16xf32> to vector<1x16xf32>
        tpu.vector_store %arg18[%swap3A_1662, %swap3A_1663], %swap3A_1666 {strides = array<i32>} : memref<8x128xf32, #tpu.memory_space<vmem>>, vector<1x16xf32>,
        %get3A_1667 = arith.index_cast %add3A_345 : i32 to index
        %get3A_1668 = arith.constant 112 : index
        %get3A_1669 = tpu.vector_load %arg14[%get3A_1667, %get3A_1668] {strides = array<i32>} : memref<8x128xf32, #tpu.memory_space<vmem>>, vector<1x16xf32>,
        %get3A_1670 = vector.shape_cast %get3A_1669 : vector<1x16xf32> to vector<16xf32>
        %mul3A_1671 = arith.constant 20 : i32
        %mul3A_1672 = arith.muli %add3A_345, %mul3A_1671 : i32
        %add3A_1673 = arith.constant 0 : i32
        %add3A_1674 = arith.addi %mul3A_1672, %add3A_1673 : i32
        %get3A_1675 = arith.index_cast %add3A_1674 : i32 to index
        %get3A_1676 = arith.constant 112 : index
        %get3A_1677 = tpu.vector_load %arg16[%get3A_1675, %get3A_1676] {strides = array<i32>} : memref<160x128xf32, #tpu.memory_space<vmem>>, vector<1x16xf32>,
        %get3A_1678 = vector.shape_cast %get3A_1677 : vector<1x16xf32> to vector<16xf32>
        %add3A_1679 = arith.addf %get3A_1670, %get3A_1678 : vector<16xf32>
        %mul3A_1680 = arith.constant 20 : i32
        %mul3A_1681 = arith.muli %add3A_345, %mul3A_1680 : i32
        %add3A_1682 = arith.constant 1 : i32
        %add3A_1683 = arith.addi %mul3A_1681, %add3A_1682 : i32
        %get3A_1684 = arith.index_cast %add3A_1683 : i32 to index
        %get3A_1685 = arith.constant 112 : index
        %get3A_1686 = tpu.vector_load %arg16[%get3A_1684, %get3A_1685] {strides = array<i32>} : memref<160x128xf32, #tpu.memory_space<vmem>>, vector<1x16xf32>,
        %get3A_1687 = vector.shape_cast %get3A_1686 : vector<1x16xf32> to vector<16xf32>
        %add3A_1688 = arith.addf %add3A_1679, %get3A_1687 : vector<16xf32>
        %mul3A_1689 = arith.constant 20 : i32
        %mul3A_1690 = arith.muli %add3A_345, %mul3A_1689 : i32
        %add3A_1691 = arith.constant 2 : i32
        %add3A_1692 = arith.addi %mul3A_1690, %add3A_1691 : i32
        %get3A_1693 = arith.index_cast %add3A_1692 : i32 to index
        %get3A_1694 = arith.constant 112 : index
        %get3A_1695 = tpu.vector_load %arg16[%get3A_1693, %get3A_1694] {strides = array<i32>} : memref<160x128xf32, #tpu.memory_space<vmem>>, vector<1x16xf32>,
        %get3A_1696 = vector.shape_cast %get3A_1695 : vector<1x16xf32> to vector<16xf32>
        %add3A_1697 = arith.addf %add3A_1688, %get3A_1696 : vector<16xf32>
        %mul3A_1698 = arith.constant 20 : i32
        %mul3A_1699 = arith.muli %add3A_345, %mul3A_1698 : i32
        %add3A_1700 = arith.constant 3 : i32
        %add3A_1701 = arith.addi %mul3A_1699, %add3A_1700 : i32
        %get3A_1702 = arith.index_cast %add3A_1701 : i32 to index
        %get3A_1703 = arith.constant 112 : index
        %get3A_1704 = tpu.vector_load %arg16[%get3A_1702, %get3A_1703] {strides = array<i32>} : memref<160x128xf32, #tpu.memory_space<vmem>>, vector<1x16xf32>,
        %get3A_1705 = vector.shape_cast %get3A_1704 : vector<1x16xf32> to vector<16xf32>
        %add3A_1706 = arith.addf %add3A_1697, %get3A_1705 : vector<16xf32>
        %mul3A_1707 = arith.constant 20 : i32
        %mul3A_1708 = arith.muli %add3A_345, %mul3A_1707 : i32
        %add3A_1709 = arith.constant 4 : i32
        %add3A_1710 = arith.addi %mul3A_1708, %add3A_1709 : i32
        %get3A_1711 = arith.index_cast %add3A_1710 : i32 to index
        %get3A_1712 = arith.constant 112 : index
        %get3A_1713 = tpu.vector_load %arg16[%get3A_1711, %get3A_1712] {strides = array<i32>} : memref<160x128xf32, #tpu.memory_space<vmem>>, vector<1x16xf32>,
        %get3A_1714 = vector.shape_cast %get3A_1713 : vector<1x16xf32> to vector<16xf32>
        %add3A_1715 = arith.addf %add3A_1706, %get3A_1714 : vector<16xf32>
        %mul3A_1716 = arith.constant 20 : i32
        %mul3A_1717 = arith.muli %add3A_345, %mul3A_1716 : i32
        %add3A_1718 = arith.constant 5 : i32
        %add3A_1719 = arith.addi %mul3A_1717, %add3A_1718 : i32
        %get3A_1720 = arith.index_cast %add3A_1719 : i32 to index
        %get3A_1721 = arith.constant 112 : index
        %get3A_1722 = tpu.vector_load %arg16[%get3A_1720, %get3A_1721] {strides = array<i32>} : memref<160x128xf32, #tpu.memory_space<vmem>>, vector<1x16xf32>,
        %get3A_1723 = vector.shape_cast %get3A_1722 : vector<1x16xf32> to vector<16xf32>
        %add3A_1724 = arith.addf %add3A_1715, %get3A_1723 : vector<16xf32>
        %mul3A_1725 = arith.constant 20 : i32
        %mul3A_1726 = arith.muli %add3A_345, %mul3A_1725 : i32
        %add3A_1727 = arith.constant 6 : i32
        %add3A_1728 = arith.addi %mul3A_1726, %add3A_1727 : i32
        %get3A_1729 = arith.index_cast %add3A_1728 : i32 to index
        %get3A_1730 = arith.constant 112 : index
        %get3A_1731 = tpu.vector_load %arg16[%get3A_1729, %get3A_1730] {strides = array<i32>} : memref<160x128xf32, #tpu.memory_space<vmem>>, vector<1x16xf32>,
        %get3A_1732 = vector.shape_cast %get3A_1731 : vector<1x16xf32> to vector<16xf32>
        %add3A_1733 = arith.addf %add3A_1724, %get3A_1732 : vector<16xf32>
        %mul3A_1734 = arith.constant 20 : i32
        %mul3A_1735 = arith.muli %add3A_345, %mul3A_1734 : i32
        %add3A_1736 = arith.constant 7 : i32
        %add3A_1737 = arith.addi %mul3A_1735, %add3A_1736 : i32
        %get3A_1738 = arith.index_cast %add3A_1737 : i32 to index
        %get3A_1739 = arith.constant 112 : index
        %get3A_1740 = tpu.vector_load %arg16[%get3A_1738, %get3A_1739] {strides = array<i32>} : memref<160x128xf32, #tpu.memory_space<vmem>>, vector<1x16xf32>,
        %get3A_1741 = vector.shape_cast %get3A_1740 : vector<1x16xf32> to vector<16xf32>
        %add3A_1742 = arith.addf %add3A_1733, %get3A_1741 : vector<16xf32>
        %mul3A_1743 = arith.constant 20 : i32
        %mul3A_1744 = arith.muli %add3A_345, %mul3A_1743 : i32
        %add3A_1745 = arith.constant 8 : i32
        %add3A_1746 = arith.addi %mul3A_1744, %add3A_1745 : i32
        %get3A_1747 = arith.index_cast %add3A_1746 : i32 to index
        %get3A_1748 = arith.constant 112 : index
        %get3A_1749 = tpu.vector_load %arg16[%get3A_1747, %get3A_1748] {strides = array<i32>} : memref<160x128xf32, #tpu.memory_space<vmem>>, vector<1x16xf32>,
        %get3A_1750 = vector.shape_cast %get3A_1749 : vector<1x16xf32> to vector<16xf32>
        %add3A_1751 = arith.addf %add3A_1742, %get3A_1750 : vector<16xf32>
        %mul3A_1752 = arith.constant 20 : i32
        %mul3A_1753 = arith.muli %add3A_345, %mul3A_1752 : i32
        %add3A_1754 = arith.constant 9 : i32
        %add3A_1755 = arith.addi %mul3A_1753, %add3A_1754 : i32
        %get3A_1756 = arith.index_cast %add3A_1755 : i32 to index
        %get3A_1757 = arith.constant 112 : index
        %get3A_1758 = tpu.vector_load %arg16[%get3A_1756, %get3A_1757] {strides = array<i32>} : memref<160x128xf32, #tpu.memory_space<vmem>>, vector<1x16xf32>,
        %get3A_1759 = vector.shape_cast %get3A_1758 : vector<1x16xf32> to vector<16xf32>
        %add3A_1760 = arith.addf %add3A_1751, %get3A_1759 : vector<16xf32>
        %mul3A_1761 = arith.constant 20 : i32
        %mul3A_1762 = arith.muli %add3A_345, %mul3A_1761 : i32
        %add3A_1763 = arith.constant 10 : i32
        %add3A_1764 = arith.addi %mul3A_1762, %add3A_1763 : i32
        %get3A_1765 = arith.index_cast %add3A_1764 : i32 to index
        %get3A_1766 = arith.constant 112 : index
        %get3A_1767 = tpu.vector_load %arg16[%get3A_1765, %get3A_1766] {strides = array<i32>} : memref<160x128xf32, #tpu.memory_space<vmem>>, vector<1x16xf32>,
        %get3A_1768 = vector.shape_cast %get3A_1767 : vector<1x16xf32> to vector<16xf32>
        %add3A_1769 = arith.addf %add3A_1760, %get3A_1768 : vector<16xf32>
        %mul3A_1770 = arith.constant 20 : i32
        %mul3A_1771 = arith.muli %add3A_345, %mul3A_1770 : i32
        %add3A_1772 = arith.constant 11 : i32
        %add3A_1773 = arith.addi %mul3A_1771, %add3A_1772 : i32
        %get3A_1774 = arith.index_cast %add3A_1773 : i32 to index
        %get3A_1775 = arith.constant 112 : index
        %get3A_1776 = tpu.vector_load %arg16[%get3A_1774, %get3A_1775] {strides = array<i32>} : memref<160x128xf32, #tpu.memory_space<vmem>>, vector<1x16xf32>,
        %get3A_1777 = vector.shape_cast %get3A_1776 : vector<1x16xf32> to vector<16xf32>
        %add3A_1778 = arith.addf %add3A_1769, %get3A_1777 : vector<16xf32>
        %mul3A_1779 = arith.constant 20 : i32
        %mul3A_1780 = arith.muli %add3A_345, %mul3A_1779 : i32
        %add3A_1781 = arith.constant 12 : i32
        %add3A_1782 = arith.addi %mul3A_1780, %add3A_1781 : i32
        %get3A_1783 = arith.index_cast %add3A_1782 : i32 to index
        %get3A_1784 = arith.constant 112 : index
        %get3A_1785 = tpu.vector_load %arg16[%get3A_1783, %get3A_1784] {strides = array<i32>} : memref<160x128xf32, #tpu.memory_space<vmem>>, vector<1x16xf32>,
        %get3A_1786 = vector.shape_cast %get3A_1785 : vector<1x16xf32> to vector<16xf32>
        %add3A_1787 = arith.addf %add3A_1778, %get3A_1786 : vector<16xf32>
        %mul3A_1788 = arith.constant 20 : i32
        %mul3A_1789 = arith.muli %add3A_345, %mul3A_1788 : i32
        %add3A_1790 = arith.constant 13 : i32
        %add3A_1791 = arith.addi %mul3A_1789, %add3A_1790 : i32
        %get3A_1792 = arith.index_cast %add3A_1791 : i32 to index
        %get3A_1793 = arith.constant 112 : index
        %get3A_1794 = tpu.vector_load %arg16[%get3A_1792, %get3A_1793] {strides = array<i32>} : memref<160x128xf32, #tpu.memory_space<vmem>>, vector<1x16xf32>,
        %get3A_1795 = vector.shape_cast %get3A_1794 : vector<1x16xf32> to vector<16xf32>
        %add3A_1796 = arith.addf %add3A_1787, %get3A_1795 : vector<16xf32>
        %mul3A_1797 = arith.constant 20 : i32
        %mul3A_1798 = arith.muli %add3A_345, %mul3A_1797 : i32
        %add3A_1799 = arith.constant 14 : i32
        %add3A_1800 = arith.addi %mul3A_1798, %add3A_1799 : i32
        %get3A_1801 = arith.index_cast %add3A_1800 : i32 to index
        %get3A_1802 = arith.constant 112 : index
        %get3A_1803 = tpu.vector_load %arg16[%get3A_1801, %get3A_1802] {strides = array<i32>} : memref<160x128xf32, #tpu.memory_space<vmem>>, vector<1x16xf32>,
        %get3A_1804 = vector.shape_cast %get3A_1803 : vector<1x16xf32> to vector<16xf32>
        %add3A_1805 = arith.addf %add3A_1796, %get3A_1804 : vector<16xf32>
        %mul3A_1806 = arith.constant 20 : i32
        %mul3A_1807 = arith.muli %add3A_345, %mul3A_1806 : i32
        %add3A_1808 = arith.constant 15 : i32
        %add3A_1809 = arith.addi %mul3A_1807, %add3A_1808 : i32
        %get3A_1810 = arith.index_cast %add3A_1809 : i32 to index
        %get3A_1811 = arith.constant 112 : index
        %get3A_1812 = tpu.vector_load %arg16[%get3A_1810, %get3A_1811] {strides = array<i32>} : memref<160x128xf32, #tpu.memory_space<vmem>>, vector<1x16xf32>,
        %get3A_1813 = vector.shape_cast %get3A_1812 : vector<1x16xf32> to vector<16xf32>
        %add3A_1814 = arith.addf %add3A_1805, %get3A_1813 : vector<16xf32>
        %mul3A_1815 = arith.constant 20 : i32
        %mul3A_1816 = arith.muli %add3A_345, %mul3A_1815 : i32
        %add3A_1817 = arith.constant 16 : i32
        %add3A_1818 = arith.addi %mul3A_1816, %add3A_1817 : i32
        %get3A_1819 = arith.index_cast %add3A_1818 : i32 to index
        %get3A_1820 = arith.constant 112 : index
        %get3A_1821 = tpu.vector_load %arg16[%get3A_1819, %get3A_1820] {strides = array<i32>} : memref<160x128xf32, #tpu.memory_space<vmem>>, vector<1x16xf32>,
        %get3A_1822 = vector.shape_cast %get3A_1821 : vector<1x16xf32> to vector<16xf32>
        %add3A_1823 = arith.addf %add3A_1814, %get3A_1822 : vector<16xf32>
        %mul3A_1824 = arith.constant 20 : i32
        %mul3A_1825 = arith.muli %add3A_345, %mul3A_1824 : i32
        %add3A_1826 = arith.constant 17 : i32
        %add3A_1827 = arith.addi %mul3A_1825, %add3A_1826 : i32
        %get3A_1828 = arith.index_cast %add3A_1827 : i32 to index
        %get3A_1829 = arith.constant 112 : index
        %get3A_1830 = tpu.vector_load %arg16[%get3A_1828, %get3A_1829] {strides = array<i32>} : memref<160x128xf32, #tpu.memory_space<vmem>>, vector<1x16xf32>,
        %get3A_1831 = vector.shape_cast %get3A_1830 : vector<1x16xf32> to vector<16xf32>
        %add3A_1832 = arith.addf %add3A_1823, %get3A_1831 : vector<16xf32>
        %mul3A_1833 = arith.constant 20 : i32
        %mul3A_1834 = arith.muli %add3A_345, %mul3A_1833 : i32
        %add3A_1835 = arith.constant 18 : i32
        %add3A_1836 = arith.addi %mul3A_1834, %add3A_1835 : i32
        %get3A_1837 = arith.index_cast %add3A_1836 : i32 to index
        %get3A_1838 = arith.constant 112 : index
        %get3A_1839 = tpu.vector_load %arg16[%get3A_1837, %get3A_1838] {strides = array<i32>} : memref<160x128xf32, #tpu.memory_space<vmem>>, vector<1x16xf32>,
        %get3A_1840 = vector.shape_cast %get3A_1839 : vector<1x16xf32> to vector<16xf32>
        %add3A_1841 = arith.addf %add3A_1832, %get3A_1840 : vector<16xf32>
        %mul3A_1842 = arith.constant 20 : i32
        %mul3A_1843 = arith.muli %add3A_345, %mul3A_1842 : i32
        %add3A_1844 = arith.constant 19 : i32
        %add3A_1845 = arith.addi %mul3A_1843, %add3A_1844 : i32
        %get3A_1846 = arith.index_cast %add3A_1845 : i32 to index
        %get3A_1847 = arith.constant 112 : index
        %get3A_1848 = tpu.vector_load %arg16[%get3A_1846, %get3A_1847] {strides = array<i32>} : memref<160x128xf32, #tpu.memory_space<vmem>>, vector<1x16xf32>,
        %get3A_1849 = vector.shape_cast %get3A_1848 : vector<1x16xf32> to vector<16xf32>
        %add3A_1850 = arith.addf %add3A_1841, %get3A_1849 : vector<16xf32>
        %swap3A_1851 = arith.index_cast %add3A_345 : i32 to index
        %swap3A_1852 = arith.constant 112 : index
        %swap3A_1853 = tpu.vector_load %arg18[%swap3A_1851, %swap3A_1852] {strides = array<i32>} : memref<8x128xf32, #tpu.memory_space<vmem>>, vector<1x16xf32>,
        %swap3A_1854 = vector.shape_cast %swap3A_1853 : vector<1x16xf32> to vector<16xf32>
        %swap3A_1855 = vector.shape_cast %add3A_1850 : vector<16xf32> to vector<1x16xf32>
        tpu.vector_store %arg18[%swap3A_1851, %swap3A_1852], %swap3A_1855 {strides = array<i32>} : memref<8x128xf32, #tpu.memory_space<vmem>>, vector<1x16xf32>,
      }
      %scan3A_326 = arith.constant 8 : i32
      %mul3A_327 = arith.constant 8 : i32
      %mul3A_328 = arith.muli %add3A_236, %mul3A_327 : i32
      %add3A_329 = arith.addi %mul3A_2, %mul3A_328 : i32
      %dma_start3A_330 = arith.constant 0 : i32
      %dma_start3A_331 = tpu.memref_slice %arg8[%add3A_329, %dma_start3A_330] : memref<4096x128xf32, #tpu.memory_space<hbm>> -> memref<8x128xf32, #tpu.memory_space<hbm>>
      %dma_start3A_332 = arith.constant 0 : i32
      %dma_start3A_333 = tpu.memref_slice %arg8[%add3A_329, %dma_start3A_332] : memref<4096x128xf32, #tpu.memory_space<hbm>> -> memref<8x128xf32, #tpu.memory_space<hbm>>
      tpu.enqueue_dma source(%arg18 : memref<8x128xf32, #tpu.memory_space<vmem>>) target(%dma_start3A_333 : memref<8x128xf32, #tpu.memory_space<hbm>>) target_semaphore(%arg28 : memref<!tpu.dma_semaphore, #tpu.memory_space<semaphore_mem>>)
      %add3A_334 = arith.constant 2 : i32
      %add3A_335 = arith.addi %add3A_236, %add3A_334 : i32
      %lt3A_336 = arith.constant 16 : i32
      %lt3A_337 = arith.cmpi slt, %add3A_335, %lt3A_336 : i32
      %convert_element_type3A_338 = arith.extui %lt3A_337 : i1 to i32
      %cond3A_339 = arith.constant 0 : i32
      %cond3A_340 = arith.cmpi ne, %convert_element_type3A_338, %cond3A_339 : i32
      scf.if %cond3A_340 {
        %add3A_341 = arith.constant 2 : i32
        %add3A_342 = arith.addi %add3A_236, %add3A_341 : i32
        %mul3A_343 = arith.constant 8 : i32
        %mul3A_344 = arith.muli %add3A_342, %mul3A_343 : i32
        %dma_start3A_345 = arith.constant 0 : i32
        %dma_start3A_346 = tpu.memref_slice %arg10[%dma_start3A_345, %mul3A_344] : memref<1x128xi32, #tpu.memory_space<vmem>> -> memref<1x8xi32, #tpu.memory_space<vmem>>
        %dma_start3A_347 = tpu.memref_squeeze %dma_start3A_346 : memref<1x8xi32, #tpu.memory_space<vmem>> -> memref<8xi32, #tpu.memory_space<vmem>>
        %dma_start3A_348 = arith.constant 0 : i32
        %dma_start3A_349 = arith.constant 0 : i32
        %dma_start3A_350 = tpu.memref_slice %arg5[%dma_start3A_348, %dma_start3A_349] : memref<100000x128xf32, #tpu.memory_space<hbm>> -> memref<100000x128xf32, #tpu.memory_space<hbm>>
        tpu.enqueue_indirect_dma source(%dma_start3A_350 : memref<100000x128xf32, #tpu.memory_space<hbm>>) target(%arg14 : memref<8x128xf32, #tpu.memory_space<vmem>>) offsets(%dma_start3A_347 : memref<8xi32, #tpu.memory_space<vmem>>) semaphore(%arg24 : memref<!tpu.dma_semaphore, #tpu.memory_space<semaphore_mem>>)
        %add3A_351 = arith.constant 2 : i32
        %add3A_352 = arith.addi %add3A_236, %add3A_351 : i32
        %mul3A_353 = arith.constant 2 : i32
        %mul3A_354 = arith.muli %add3A_352, %mul3A_353 : i32
        %add3A_355 = arith.constant 0 : i32
        %add3A_356 = arith.addi %mul3A_354, %add3A_355 : i32
        %dma_start3A_357 = arith.constant 0 : i32
        %dma_start3A_358 = arith.constant 0 : i32
        %dma_start3A_359 = tpu.memref_slice %arg16[%dma_start3A_357, %dma_start3A_358] : memref<160x128xf32, #tpu.memory_space<vmem>> -> memref<80x128xf32, #tpu.memory_space<vmem>>
        %dma_start3A_360 = arith.constant 0 : i32
        %dma_start3A_361 = tpu.memref_slice %arg11[%add3A_356, %dma_start3A_360] : memref<32x80xi32, #tpu.memory_space<vmem>> -> memref<1x80xi32, #tpu.memory_space<vmem>>
        %dma_start3A_362 = tpu.memref_squeeze %dma_start3A_361 : memref<1x80xi32, #tpu.memory_space<vmem>> -> memref<80xi32, #tpu.memory_space<vmem>>
        %dma_start3A_363 = arith.constant 0 : i32
        %dma_start3A_364 = arith.constant 0 : i32
        %dma_start3A_365 = tpu.memref_slice %arg6[%dma_start3A_363, %dma_start3A_364] : memref<100000x128xf32, #tpu.memory_space<hbm>> -> memref<100000x128xf32, #tpu.memory_space<hbm>>
        tpu.enqueue_indirect_dma source(%dma_start3A_365 : memref<100000x128xf32, #tpu.memory_space<hbm>>) target(%dma_start3A_359 : memref<80x128xf32, #tpu.memory_space<vmem>>) offsets(%dma_start3A_362 : memref<80xi32, #tpu.memory_space<vmem>>) semaphore(%arg26 : memref<!tpu.dma_semaphore, #tpu.memory_space<semaphore_mem>>)
        %mul3A_366 = arith.constant 2 : i32
        %mul3A_367 = arith.muli %add3A_352, %mul3A_366 : i32
        %add3A_368 = arith.constant 1 : i32
        %add3A_369 = arith.addi %mul3A_367, %add3A_368 : i32
        %dma_start3A_370 = arith.constant 80 : i32
        %dma_start3A_371 = arith.constant 0 : i32
        %dma_start3A_372 = tpu.memref_slice %arg16[%dma_start3A_370, %dma_start3A_371] : memref<160x128xf32, #tpu.memory_space<vmem>> -> memref<80x128xf32, #tpu.memory_space<vmem>>
        %dma_start3A_373 = arith.constant 0 : i32
        %dma_start3A_374 = tpu.memref_slice %arg11[%add3A_369, %dma_start3A_373] : memref<32x80xi32, #tpu.memory_space<vmem>> -> memref<1x80xi32, #tpu.memory_space<vmem>>
        %dma_start3A_375 = tpu.memref_squeeze %dma_start3A_374 : memref<1x80xi32, #tpu.memory_space<vmem>> -> memref<80xi32, #tpu.memory_space<vmem>>
        %dma_start3A_376 = arith.constant 0 : i32
        %dma_start3A_377 = arith.constant 0 : i32
        %dma_start3A_378 = tpu.memref_slice %arg6[%dma_start3A_376, %dma_start3A_377] : memref<100000x128xf32, #tpu.memory_space<hbm>> -> memref<100000x128xf32, #tpu.memory_space<hbm>>
        tpu.enqueue_indirect_dma source(%dma_start3A_378 : memref<100000x128xf32, #tpu.memory_space<hbm>>) target(%dma_start3A_372 : memref<80x128xf32, #tpu.memory_space<vmem>>) offsets(%dma_start3A_375 : memref<80xi32, #tpu.memory_space<vmem>>) semaphore(%arg26 : memref<!tpu.dma_semaphore, #tpu.memory_space<semaphore_mem>>)
      } else {
      }
    }
    %scan3A_89 = arith.constant 8 : i32
    %add3A_90 = arith.constant 90112 : i32
    %add3A_91 = arith.addi %add3A_90, %mul3A_2 : i32
    %dma_wait3A = arith.constant 0 : i32
    %dma_wait3A_92 = tpu.memref_slice %arg9[%add3A_91, %dma_wait3A] : memref<106496x128xf32, #tpu.memory_space<hbm>> -> memref<128x128xf32, #tpu.memory_space<hbm>>
    %dma_wait3A_93 = arith.constant 0 : i32
    %dma_wait3A_94 = tpu.memref_slice %arg9[%add3A_91, %dma_wait3A_93] : memref<106496x128xf32, #tpu.memory_space<hbm>> -> memref<128x128xf32, #tpu.memory_space<hbm>>
    tpu.wait_dma2 semaphore(%arg35 : memref<!tpu.dma_semaphore, #tpu.memory_space<semaphore_mem>>) src(%arg21 : memref<128x128xf32, #tpu.memory_space<vmem>>) dst(%dma_wait3A_94 : memref<128x128xf32, #tpu.memory_space<hbm>>)
    %add3A_95 = arith.constant 94208 : i32
    %add3A_96 = arith.addi %add3A_95, %mul3A_2 : i32
    %dma_wait3A_97 = arith.constant 0 : i32
    %dma_wait3A_98 = tpu.memref_slice %arg9[%add3A_96, %dma_wait3A_97] : memref<106496x128xf32, #tpu.memory_space<hbm>> -> memref<128x128xf32, #tpu.memory_space<hbm>>
    %dma_wait3A_99 = arith.constant 0 : i32
    %dma_wait3A_100 = tpu.memref_slice %arg9[%add3A_96, %dma_wait3A_99] : memref<106496x128xf32, #tpu.memory_space<hbm>> -> memref<128x128xf32, #tpu.memory_space<hbm>>
    tpu.wait_dma2 semaphore(%arg36 : memref<!tpu.dma_semaphore, #tpu.memory_space<semaphore_mem>>) src(%arg22 : memref<128x128xf32, #tpu.memory_space<vmem>>) dst(%dma_wait3A_100 : memref<128x128xf32, #tpu.memory_space<hbm>>)
    %add3A_101 = arith.constant 98304 : i32
    %add3A_102 = arith.addi %add3A_101, %mul3A_2 : i32
    %dma_wait3A_103 = arith.constant 0 : i32
    %dma_wait3A_104 = tpu.memref_slice %arg9[%add3A_102, %dma_wait3A_103] : memref<106496x128xf32, #tpu.memory_space<hbm>> -> memref<128x128xf32, #tpu.memory_space<hbm>>
    %dma_wait3A_105 = arith.constant 0 : i32
    %dma_wait3A_106 = tpu.memref_slice %arg9[%add3A_102, %dma_wait3A_105] : memref<106496x128xf32, #tpu.memory_space<hbm>> -> memref<128x128xf32, #tpu.memory_space<hbm>>
    tpu.wait_dma2 semaphore(%arg33 : memref<!tpu.dma_semaphore, #tpu.memory_space<semaphore_mem>>) src(%arg19 : memref<128x128xf32, #tpu.memory_space<vmem>>) dst(%dma_wait3A_106 : memref<128x128xf32, #tpu.memory_space<hbm>>)
    %add3A_107 = arith.constant 102400 : i32
    %add3A_108 = arith.addi %add3A_107, %mul3A_2 : i32
    %dma_wait3A_109 = arith.constant 0 : i32
    %dma_wait3A_110 = tpu.memref_slice %arg9[%add3A_108, %dma_wait3A_109] : memref<106496x128xf32, #tpu.memory_space<hbm>> -> memref<128x128xf32, #tpu.memory_space<hbm>>
    %dma_wait3A_111 = arith.constant 0 : i32
    %dma_wait3A_112 = tpu.memref_slice %arg9[%add3A_108, %dma_wait3A_111] : memref<106496x128xf32, #tpu.memory_space<hbm>> -> memref<128x128xf32, #tpu.memory_space<hbm>>
    tpu.wait_dma2 semaphore(%arg34 : memref<!tpu.dma_semaphore, #tpu.memory_space<semaphore_mem>>) src(%arg20 : memref<128x128xf32, #tpu.memory_space<vmem>>) dst(%dma_wait3A_112 : memref<128x128xf32, #tpu.memory_space<hbm>>)
    %add3A_113 = arith.constant 112 : i32
    %add3A_114 = arith.addi %mul3A_2, %add3A_113 : i32
    %dma_wait3A_115 = arith.constant 0 : i32
    %dma_wait3A_116 = tpu.memref_slice %arg8[%add3A_114, %dma_wait3A_115] : memref<4096x128xf32, #tpu.memory_space<hbm>> -> memref<8x128xf32, #tpu.memory_space<hbm>>
    %dma_wait3A_117 = arith.constant 0 : i32
    %dma_wait3A_118 = tpu.memref_slice %arg8[%add3A_114, %dma_wait3A_117] : memref<4096x128xf32, #tpu.memory_space<hbm>> -> memref<8x128xf32, #tpu.memory_space<hbm>>
    tpu.wait_dma2 semaphore(%arg27 : memref<!tpu.dma_semaphore, #tpu.memory_space<semaphore_mem>>) src(%arg17 : memref<8x128xf32, #tpu.memory_space<vmem>>) dst(%dma_wait3A_118 : memref<8x128xf32, #tpu.memory_space<hbm>>)
    %add3A_119 = arith.constant 120 : i32
    %add3A_120 = arith.addi %mul3A_2, %add3A_119 : i32
    %dma_wait3A_121 = arith.constant 0 : i32
    %dma_wait3A_122 = tpu.memref_slice %arg8[%add3A_120, %dma_wait3A_121] : memref<4096x128xf32, #tpu.memory_space<hbm>> -> memref<8x128xf32, #tpu.memory_space<hbm>>
    %dma_wait3A_123 = arith.constant 0 : i32
    %dma_wait3A_124 = tpu.memref_slice %arg8[%add3A_120, %dma_wait3A_123] : memref<4096x128xf32, #tpu.memory_space<hbm>> -> memref<8x128xf32, #tpu.memory_space<hbm>>
    tpu.wait_dma2 semaphore(%arg28 : memref<!tpu.dma_semaphore, #tpu.memory_space<semaphore_mem>>) src(%arg18 : memref<8x128xf32, #tpu.memory_space<vmem>>) dst(%dma_wait3A_124 : memref<8x128xf32, #tpu.memory_space<hbm>>)
    return
  }
}

module attributes {stable_mosaic.version = 14 : i64} {
  func.func @_score_body(%arg0: i32, %arg1: memref<1024x128xf32, #tpu.memory_space<vmem>>, %arg2: memref<26x1024x128xf32, #tpu.memory_space<vmem>>, %arg3: memref<26x1024xf32, #tpu.memory_space<vmem>>) attributes {dimension_semantics = [#tpu.dimension_semantics<arbitrary>], iteration_bounds = array<i64: 4>, scalar_prefetch = 0 : i64, scratch_operands = 0 : i64, tpu.core_type = #tpu.core_type<tc>, window_params = [{transform_indices = @transform_0, window_bounds = array<i64: 1024, 128>}, {transform_indices = @transform_1, window_bounds = array<i64: 26, 1024, 128>}, {transform_indices = @transform_2, window_bounds = array<i64: 26, 1024>}]} {
    %get3A = arith.constant 0 : index
    %get3A_0 = arith.constant 0 : index
    %get3A_1 = vector.load %arg1[%get3A, %get3A_0] : memref<1024x128xf32, #tpu.memory_space<vmem>>, vector<1024x128xf32>
    %get3A_2 = arith.constant 0 : index
    %get3A_3 = arith.constant 0 : index
    %get3A_4 = arith.constant 0 : index
    %get3A_5 = vector.load %arg2[%get3A_2, %get3A_3, %get3A_4] : memref<26x1024x128xf32, #tpu.memory_space<vmem>>, vector<26x1024x128xf32>
    %broadcast_in_dim3A = vector.shape_cast %get3A_1 : vector<1024x128xf32> to vector<1x1024x128xf32>
    %mul3A = vector.broadcast %broadcast_in_dim3A : vector<1x1024x128xf32> to vector<26x1024x128xf32>
    %mul3A_6 = arith.mulf %get3A_5, %mul3A : vector<26x1024x128xf32>
    %reduce_sum3A = arith.constant dense<0.000000e+00> : vector<26x1024xf32>
    %reduce_sum3A_7 = vector.multi_reduction <add>, %mul3A_6, %reduce_sum3A [2] : vector<26x1024x128xf32> to vector<26x1024xf32>
    %swap3A = arith.constant 0 : index
    %swap3A_8 = arith.constant 0 : index
    %swap3A_9 = vector.load %arg3[%swap3A, %swap3A_8] : memref<26x1024xf32, #tpu.memory_space<vmem>>, vector<26x1024xf32>
    tpu.vector_store %arg3[%swap3A, %swap3A_8], %reduce_sum3A_7 {strides = array<i32>} : memref<26x1024xf32, #tpu.memory_space<vmem>>, vector<26x1024xf32>,
    return
  }
  func.func @transform_0(%arg0: i32) -> (i32, i32) {
    %c0_i32 = arith.constant 0 : i32
    %c0_i32_0 = arith.constant 0 : i32
    return %arg0, %c0_i32 : i32, i32
  }
  func.func @transform_1(%arg0: i32) -> (i32, i32, i32) {
    %c0_i32 = arith.constant 0 : i32
    %c0_i32_0 = arith.constant 0 : i32
    %c0_i32_1 = arith.constant 0 : i32
    return %c0_i32, %arg0, %c0_i32_0 : i32, i32, i32
  }
  func.func @transform_2(%arg0: i32) -> (i32, i32) {
    %c0_i32 = arith.constant 0 : i32
    %c0_i32_0 = arith.constant 0 : i32
    return %c0_i32, %arg0 : i32, i32
  }
}

</mosaic_0001>

<sc_bundles>
// kernel: kernel.4.cloned.1.call-start
scs
__scs_entry_jumppad:
0x0: {  	(pc) =	sbr.rel $0x88, $3  }
0x1: {  	(tag) =	ssettag $0x0;
	lr =	simm.s32 $0x1  }
0x2: {  	[smem:$0x3F9B] =	sst lr;
	_ =	strace $0xD0000000  }
0x3: {  	_ = 	snop  }
0x4: {  	_ = 	snop  }
0x5: {  	_ = 	snop  }
0x6: {  	_ = 	snop  }
0x7: {  	_ = 	snop  }
__scs_overlays_trampoline_lowered:
0x8: {  	[smem:$0x3FAA] =	sst s0  }
0x9: {  	[smem:$0x3FAB] =	sst s1  }
0xa: {  	[smem:$0x3FAC] =	sst s2  }
0xb: {  	[smem:$0x3FAD] =	sst s3  }
0xc: {  	[smem:$0x3FAE] =	sst s4  }
0xd: {  	[smem:$0x3FAF] =	sst s5  }
0xe: {  	[smem:$0x3FB0] =	sst s6  }
0xf: {  	[smem:$0x3FB1] =	sst s7  }
0x10: {  	[smem:$0x3FB2] =	sst s8  }
0x11: {  	[smem:$0x3FB3] =	sst s9;
	s0 =	simm.s32 @!p0 $0x0  }
0x12: {  	s1 =	sld [smem:$0x3F99];
	s0 =	simm.s32 @p0 $0x1  }
0x13: {  	[smem:$0x3FB4] =	sst s0;
	s0 =	simm.s32 @!p1 $0x0  }
0x14: {  	s2 =	sld [smem:$0x3F98];
	s0 =	simm.s32 @p1 $0x1  }
0x15: {  	[smem:$0x3FB5] =	sst s0;
	s0 =	simm.s32 @!p2 $0x0  }
0x16: {  	s3 =	sld [smem:$0x3FDB];
	s0 =	simm.s32 @p2 $0x1  }
0x17: {  	s4 =	simm.s32 $0x1BF5;
	[smem:$0x3FB7] =	sst s0  }
0x18: {  	s0 =	sld [smem:$0x3F9A];
	_ =	swait.ge [sflag:s4], $0x0  }
0x19: {  	s7 =	sld [smem:$0x3F9B]  }
0x1a: {  	s8 =	sadd.s32 $0xFFFFE003, lr  }
0x1b: {  	s9 =	sadd.s32 $0xFFFFFEF7, lr;
	s5 =	simm.s32 $0xFFFFFFFF;
	p2 =	slt.u32 s8, $0xFFFFF086  }
0x1c: {  	p1 =	slt.u32 s9, $0xF7A;
	s5 =	simm.s32 @!p2 $0x0  }
0x1d: {  	s5 =	simm.s32 @p1 $0x1;
	p0 =	seq.s32 s7, s2  }
0x1e: {  	s7 =	smul.u32 @!p0 $0xF7A, s2;
	p2 =	seq.s32 @!p0 s5, $0x0  }
0x1f: {  	s9 =	smul.u32 $0xF7A, s1;
	s8 =	simm.s32 @!p0 $0x1BF5;
	p2 =	por !p2, p0  }
0x20: {  	[sflag:s8] =	ssyncset.s32 @!p0 $0xFFFFF086;
	s6 =	sadd.s32 @!p0 s3, s7;
	s7 =	simm.s32 @!p0 $0x108  }
0x21: {  	s3 =	sadd.s32 s3, s9;
	s6 =	sadd.s32 @!p0 $0x88, s6;
	s7 =	simm.s32 @p2 $0x1082  }
0x22: {  	[simem:s7], [sflag:s8] =	dma.local @!p0 [hbm:s6], $0xF7A  }
0x23: {  	s9 =	sor.u32 $0xD0000000, s2;
	s6 =	simm.s32 $0x108;
	_ =	swait.ge @!p0 [sflag:s8], $0x0  }
0x24: {  	s3 =	sadd.s32 $0x88, s3;
	s6 =	simm.s32 @!p1 $0x1082;
	[sflag:s4] =	ssyncset.s32 $0xFFFFF086  }
0x25: {  	[simem:s6], [sflag:s4] =	dma.local [hbm:s3], $0xF7A  }
0x26: {  	[smem:$0x3F9B] =	sst s1;
	(tag) =	ssettag s2;
	_ =	strace s9  }
0x27: {  	s1 =	sld [smem:$0x3FAB]  }
0x28: {  	s2 =	sld [smem:$0x3FAC]  }
0x29: {  	s4 =	sld [smem:$0x3FAE]  }
0x2a: {  	p0 =	seq.s32 s5, $0x0;
	s5 =	sld [smem:$0x3FAF]  }
0x2b: {  	s6 =	sld [smem:$0x3FB0]  }
0x2c: {  	s7 =	sld [smem:$0x3FB1]  }
0x2d: {  	s3 =	simm.s32 $0x108;
	s8 =	sld [smem:$0x3FB2]  }
0x2e: {  	s3 =	simm.s32 @!p0 $0x1082;
	s9 =	sld [smem:$0x3FB3]  }
0x2f: {  	lr =	sadd.s32 s0, s3;
	s0 =	sld [smem:$0x3FAA]  }
0x30: {  	s3 =	sld [smem:$0x3FAD]  }
0x31: {  	[smem:$0x3FB6] =	sst s10  }
0x32: {  	s10 =	sld [smem:$0x3FB4];
	_ =	sdelay $0x3  }
0x33: {  	p0 =	seq.s32 s10, $0x1;
	s10 =	sld [smem:$0x3FB6];
	_ =	sdelay $0x3  }
0x34: {  	[smem:$0x3FB6] =	sst s10  }
0x35: {  	s10 =	sld [smem:$0x3FB5];
	_ =	sdelay $0x3  }
0x36: {  	p1 =	seq.s32 s10, $0x1;
	s10 =	sld [smem:$0x3FB6];
	_ =	sdelay $0x3  }
0x37: {  	[smem:$0x3FB6] =	sst s10  }
0x38: {  	s10 =	sld [smem:$0x3FB7]  }
0x39: {  	_ = 	snop;
	(pc) =	sbr.ind lr, $3  }
0x3a: {  	_ = 	snop  }
0x3b: {  	_ = 	snop  }
0x3c: {  	p2 =	seq.s32 s10, $0x1;
	s10 =	sld [smem:$0x3FB6]  }
0x3d: {  	_ =	shalt  }
0x3e: {  	_ =	shalt  }
0x3f: {  	_ =	shalt  }
0x40: {  	_ =	shalt  }
0x41: {  	_ =	shalt  }
0x42: {  	_ =	shalt  }
0x43: {  	_ =	shalt  }
0x44: {  	_ =	shalt  }
0x45: {  	_ =	shalt  }
0x46: {  	_ =	shalt  }
0x47: {  	_ =	shalt  }
0x48: {  	_ =	shalt  }
0x49: {  	_ =	shalt  }
0x4a: {  	_ =	shalt  }
0x4b: {  	_ =	shalt  }
0x4c: {  	_ =	shalt  }
0x4d: {  	_ =	shalt  }
0x4e: {  	_ =	shalt  }
0x4f: {  	_ =	shalt  }
0x50: {  	_ =	shalt  }
0x51: {  	_ =	shalt  }
0x52: {  	_ =	shalt  }
0x53: {  	_ =	shalt  }
0x54: {  	_ =	shalt  }
0x55: {  	_ =	shalt  }
0x56: {  	_ =	shalt  }
0x57: {  	_ =	shalt  }
0x58: {  	_ =	shalt  }
0x59: {  	_ =	shalt  }
0x5a: {  	_ =	shalt  }
0x5b: {  	_ =	shalt  }
0x5c: {  	_ =	shalt  }
0x5d: {  	_ =	shalt  }
0x5e: {  	_ =	shalt  }
0x5f: {  	_ =	shalt  }
0x60: {  	_ =	shalt  }
0x61: {  	_ =	shalt  }
0x62: {  	_ =	shalt  }
0x63: {  	_ =	shalt  }
0x64: {  	_ =	shalt  }
0x65: {  	_ =	shalt  }
0x66: {  	_ =	shalt  }
0x67: {  	_ =	shalt  }
0x68: {  	_ =	shalt  }
0x69: {  	_ =	shalt  }
0x6a: {  	_ =	shalt  }
0x6b: {  	_ =	shalt  }
0x6c: {  	_ =	shalt  }
0x6d: {  	_ =	shalt  }
0x6e: {  	_ =	shalt  }
0x6f: {  	_ =	shalt  }
0x70: {  	_ =	shalt  }
0x71: {  	_ =	shalt  }
0x72: {  	_ =	shalt  }
0x73: {  	_ =	shalt  }
0x74: {  	_ =	shalt  }
0x75: {  	_ =	shalt  }
0x76: {  	_ =	shalt  }
0x77: {  	_ =	shalt  }
0x78: {  	_ =	shalt  }
0x79: {  	_ =	shalt  }
0x7a: {  	_ =	shalt  }
0x7b: {  	_ =	shalt  }
0x7c: {  	_ =	shalt  }
0x7d: {  	_ =	shalt  }
0x7e: {  	_ =	shalt  }
0x7f: {  	_ =	shalt  }
0x80: {  	_ =	shalt  }
0x81: {  	_ =	shalt  }
0x82: {  	_ =	shalt  }
0x83: {  	_ =	shalt  }
0x84: {  	_ =	shalt  }
0x85: {  	_ =	shalt  }
0x86: {  	_ =	shalt  }
0x87: {  	_ =	shalt  }
.Lfunc_end0:
.L_simem_size_0:
called_computation_lowered:
.L_overlay_start_0:
0x88: {  	s2 =	sld [smem:$0x3FD9]  }
0x89: {  	s3 =	sld [smem:$0x3FFE];
	_ =	sdelay $0x1  }
0x8a: {  	s1 =	srdreg.scid  }
0x8b: {  	s0 =	sand.u32 $0x1, s1  }
0x8c: {  	s17 =	sshll.u32 s0, $0xA;
	s2 =	sadd.s32 s3, s2  }
0x8d: {  	s2 =	sadd.s32 s2, s17  }
0x8e: {  	[smem:$0x3FC2] =	sst s2  }
0x8f: {  	_ = 	snop  }
0x90: {  	s2 =	sld [smem:$0x3FC8]  }
0x91: {  	s18 =	sld [smem:$0x3FC7]  }
0x92: {  	s4 =	sld [smem:$0x3FC6]  }
0x93: {  	s5 =	sld [smem:$0x3FC5]  }
0x94: {  	s6 =	sld [smem:$0x3FC4]  }
0x95: {  	s7 =	sld [smem:$0x3FD0];
	(tm) =	ssettm $0x1  }
0x96: {  	s8 =	sld [smem:$0x3FFB];
	_ =	sdelay $0x3  }
0x97: {  	_ =	strace s8  }
0x98: {  	s8 =	sld [smem:$0x3FFC];
	_ =	sdelay $0x3  }
0x99: {  	_ =	strace s8  }
0x9a: {  	s8 =	sld [smem:$0x3FFD];
	_ =	sdelay $0x3  }
0x9b: {  	_ =	strace s8  }
0x9c: {  	_ =	strace $0x8FFFFFFF  }
0x9d: {  	s19 =	sld [smem:$0x3FDB];
	_ =	sdelay $0x1  }
0x9e: {  	s9 =	simm.s32 $_scs_section_size  }
0x9f: {  	s10 =	simm.s32 $_size__tile_overlayer_lowered;
	s11 =	simm.s32 $_tile_overlayer_lowered  }
0xa0: {  	s22 =	simm.s32 $0x1BFF;
	s21 =	sshll.u32 s11, $0x1;
	s8 =	sadd.s32 s9, s19  }
0xa1: {  	s12 =	simm.s32 $0x0;
	s20 =	sshll.u32 s10, $0x1;
	s10 =	sadd.s32 s21, s8  }
0xa2: {  	[timem:s12], [sflag:s22] =	dma.local [hbm:s10], s20  }
0xa3: {  	_ =	swait.ge [sflag:s22], s20  }
0xa4: {  	s9 =	ssub.s32 $0x0, s20;
	[sflag:s22] =	ssyncset.done $0x0  }
0xa5: {  	[sflag:s22] =	ssyncadd.s32 s9;
	_ =	sdelay $0x1  }
0xa6: {  	s23 =	simm.s32 $0x1B8B  }
0xa7: {  	_ =	swait.ge [sflag:s23], $0x1  }
0xa8: {  	[sflag:s23] =	ssyncset.done $0x0  }
0xa9: {  	s25 =	simm.s32 $0x1B8E;
	s24 =	sld [smem:$0x3FFE];
	[sflag:s23] =	ssyncadd.s32 $0xFFFFFFFF  }
0xaa: {  	s26 =	simm.s32 $execute0_lowered;
	[smem:$0x3FD2] =	sst s25  }
0xab: {  	s10 =	sshll.u32 s26, $0x1;
	_ =	strace $0x80000046;
	[dreg:$0x1] =	wrdreg $0xFFFFFFFF  }
0xac: {  	s28 =	simm.s32 $_size_execute0_lowered;
	s8 =	sadd.s32 s8, s10;
	[dreg:$0x0] =	wrdreg $0x0  }
0xad: {  	s10 =	sshll.u32 s28, $0x1;
	[dreg:$0x2] =	wrdreg s8  }
0xae: {  	[dreg:$0x3] =	wrdreg s10  }
0xaf: {  	[dreg:$0x4] =	wrdreg $0xC0  }
0xb0: {  	_ =	task [dreg:s12], $0x5FFFF  }
0xb1: {  	[dreg:$0x1] =	wrdreg $0xFFFFFFFF  }
0xb2: {  	[dreg:$0x0] =	wrdreg $0x60  }
0xb3: {  	[dreg:$0x2] =	wrdreg s2  }
0xb4: {  	[dreg:$0x3] =	wrdreg s7  }
0xb5: {  	[dreg:$0x4] =	wrdreg s18  }
0xb6: {  	[dreg:$0x5] =	wrdreg s4  }
0xb7: {  	[dreg:$0x6] =	wrdreg s5  }
0xb8: {  	[dreg:$0x7] =	wrdreg s6  }
0xb9: {  	[dreg:$0x8] =	wrdreg s24  }
0xba: {  	[dreg:$0x9] =	wrdreg $0x9  }
0xbb: {  	_ =	task.clear_ibuf [dreg:s12], $0xAFFFF;
	_ =	strace $0x90000046  }
0xbc: {  	s29 =	simm.s32 $0x9;
	_ =	strace $0x80000048  }
0xbd: {  	_ =	swait.ge [sflag:s29], $0x1  }
0xbe: {  	[sflag:s29] =	ssyncadd.s32 $0xFFFFFFFF  }
0xbf: {  	_ =	strace $0x90000048  }
0xc0: {  	_ =	sfence  }
0xc1: {  	s30 =	sld [smem:$0x0];
	_ =	sdelay $0x2  }
0xc2: {  	s31 =	sshll.u32 s1, $0xD;
	s1 =	sshrl.u32 s1, $0x2  }
0xc3: {  	s3 =	sand.u32 $0x4000, s31;
	s1 =	sadd.s32 s1, s30  }
0xc4: {  	s0 =	sor.u32 s3, s0;
	s1 =	sshll.u32 s1, $0x11  }
0xc5: {  	s0 =	sor.u32 s1, s0  }
0xc6: {  	s0 =	sadd.s32 $0x8F2B, s0  }
0xc7: {  	[sflag:s0] =	ssyncadd.remote.s32 $0x1  }
0xc8: {  	_ =	sfence.sel $0xFFFF  }
0xc9: {  	[dreg:$0x0] =	wrdreg $0xFFFFFFFF;
	(pc) =	sbr.abs _section_cstart, $3  }
0xca: {  	[dreg:$0x1] =	wrdreg $0xFFFFFFFF  }
0xcb: {  	_ =	task.clear_ibuf [dreg:s12], $0x2FFFF;
	_ =	strace $0x9FFFFFFF  }
0xcc: {  	(tm) =	ssettm $0x7FFFFFFF  }
0xcd: {  	_ =	shalt  }
tec
execute0_lowered:
.L_overlay_start_1:
0x0: {  	(tag) =	ssettag $0x1  }
0x1: {  	s0 =	rddreg [dreg:$0x0]  }
0x2: {  	s3 =	rddreg [dreg:$0x1]  }
0x3: {  	s8 =	rddreg [dreg:$0x2]  }
0x4: {  	s1 =	rddreg [dreg:$0x3]  }
0x5: {  	s2 =	rddreg [dreg:$0x4]  }
0x6: {  	s4 =	rddreg [dreg:$0x5]  }
0x7: {  	s9 =	rddreg [dreg:$0x6]  }
0x8: {  	s6 =	srdreg.scid;
	s7 =	stileid.u32  }
0x9: {  	s5 =	simm.s32 $0x0;
	s15 =	simm.s32 $0xF;
	s16 =	simm.s32 $0x8  }
0xa: {  	s18 =	simm.s32 $0x2480;
	s31 =	simm.s32 $0x7880;
	s30 =	simm.s32 $0x1  }
0xb: {  	s17 =	simm.s32 $0xC880;
	s20 =	simm.s32 $0x2;
	s21 =	simm.s32 $0x4  }
0xc: {  	s6 =	sand.u32 $0x1, s6;
	s7 =	sshll.u32 s7, $0x1;
	[smem:$0x7FF] =	sst s5  }
0xd: {  	s10 =	sor.u32 s6, s7;
	s11 =	ssub.s32 $0x2, s6;
	_ =	strace $0x80000047  }
0xe: {  	s7 =	sadd.s32 $0x10A00, s9;
	s6 =	sshll.u32 s10, $0xB;
	s12 =	sshrl.u32 s11, $0x1  }
0xf: {  	s24 =	sshll.u32 s10, $0x4;
	s25 =	sshll.u32 s10, $0x9;
	s10 =	sshll.u32 s10, $0x7  }
0x10: {  	s13 =	sadd.s32 s6, s9;
	s14 =	ssub.s32 s11, s12;
	s0 =	sadd.s32 s0, s24  }
0x11: {  	s26 =	sadd.s32 s3, s25;
	s28 =	sadd.s32 s8, s10;
	s11 =	sadd.s32 $0x20A00, s9  }
.Ltmp0:
0x12: {  	s25 =	simm.s32 $0x50;
	[dreg:$0x8] =	wrdreg s0;
	(pc) =	sbr.rel .LBB2_1-.Ltmp0, $4  }
0x13: {  	s3 =	simm.s32 $0xA080;
	s24 =	simm.s32 $0xCC80;
	[dreg:$0x9] =	wrdreg s26  }
0x14: {  	s12 =	sadd.s32 $0xA00, s13;
	s29 =	smax.u32 s14, $0x1;
	[dreg:$0xa] =	wrdreg s28  }
0x15: {  	s13 =	sadd.s32 s7, s6;
	s0 =	sadd.s32 $0x3000, s28;
	[dreg:$0xb] =	wrdreg s29  }
0x16: {  	s14 =	simm.s32 $0x0;
	[dreg:$0xc] =	wrdreg s0;
	s0 =	simm.s32 $0x3  }
.LBB2_8:
0x17: {  	s8 =	simm.s32 $0xD  }
0x18: {  	_ =	swait.ge [sflag:s8], $0x4000  }
0x19: {  	[sflag:s8] =	ssyncset.done $0x0  }
0x1a: {  	s22 =	simm.s32 $0xE;
	[sflag:s8] =	ssyncadd.s32 $0xFFFFC000  }
0x1b: {  	_ =	swait.ge [sflag:s22], $0x4000  }
0x1c: {  	[sflag:s22] =	ssyncset.done $0x0  }
0x1d: {  	s23 =	simm.s32 $0xB;
	[sflag:s22] =	ssyncadd.s32 $0xFFFFC000  }
0x1e: {  	_ =	swait.ge [sflag:s23], $0x4000  }
0x1f: {  	[sflag:s23] =	ssyncset.done $0x0  }
0x20: {  	s26 =	simm.s32 $0xC;
	[sflag:s23] =	ssyncadd.s32 $0xFFFFC000  }
0x21: {  	_ =	swait.ge [sflag:s26], $0x4000  }
0x22: {  	[sflag:s26] =	ssyncset.done $0x0  }
0x23: {  	s28 =	simm.s32 $0x5;
	[sflag:s26] =	ssyncadd.s32 $0xFFFFC000  }
0x24: {  	_ =	swait.ge [sflag:s28], $0x400  }
0x25: {  	[sflag:s28] =	ssyncset.done $0x0  }
0x26: {  	s9 =	simm.s32 $0x6;
	[sflag:s28] =	ssyncadd.s32 $0xFFFFFC00  }
0x27: {  	_ =	swait.ge [sflag:s9], $0x400  }
0x28: {  	s14 =	sadd.s32 $0x1, s14;
	s29 =	rddreg [dreg:$0xb]  }
0x29: {  	p0 =	sne.s32 s14, s29  }
.Ltmp1:
0x2a: {  	_ = 	snop;
	(pc) =	sbr.rel @!p0 .LBB2_9-.Ltmp1, $3  }
0x2b: {  	_ =	sdelay $0x1  }
0x2c: {  	[sflag:s9] =	ssyncset.done $0x0  }
0x2d: {  	[sflag:s9] =	ssyncadd.s32 $0xFFFFFC00  }
.LBB2_1:
0x2e: {  	s8 =	rddreg [dreg:$0x8]  }
0x2f: {  	[tilespmem:s5], [sflag:$0xF] =	stream.linear.gather [hbm4b:s8+s5], $0x80, $0x38;
	[tilespmem:$0x1D080] =	vst v63  }
0x30: {  	_ =	swait.ge [sflag:s15], $0x80  }
0x31: {  	[sflag:s15] =	ssyncset.done $0x0  }
0x32: {  	s22 =	simm.s32 $0x2080;
	[sflag:s15] =	ssyncadd.s32 $0xFFFFFF80  }
0x33: {  	[tilespmem:s22], [sflag:$0x1] =	stream.indirect.gather [hbm4b:s1+s16], $0x80, s5, s16, $0xb8;
	[tilespmem:$0x1D080] =	vst v63  }
0x34: {  	_ = 	snop  }
0x35: {  	[tilespmem:s18], [sflag:$0x2] =	stream.indirect.gather [hbm4b:s1+s16], $0x80, s16, s16, $0xb8;
	[tilespmem:$0x1D080] =	vst v63  }
0x36: {  	s9 =	simm.s32 $0x80;
	s23 =	rddreg [dreg:$0x9]  }
0x37: {  	[tilespmem:s9], [sflag:$0xF] =	stream.linear.gather [hbm4b:s23+s5], $0x1000, $0x38;
	[tilespmem:$0x1D080] =	vst v63  }
0x38: {  	_ =	swait.ge [sflag:s15], $0x1000  }
0x39: {  	s10 =	simm.s32 $0x400;
	s19 =	simm.s32 $0x8000;
	[sflag:s15] =	ssyncset.done $0x0  }
0x3a: {  	s22 =	simm.s32 $0x1080;
	s26 =	rddreg [dreg:$0xa];
	[sflag:s15] =	ssyncadd.s32 $0xFFFFF000  }
0x3b: {  	[tilespmem:s22], [sflag:$0xF] =	stream.strided.gather [hbm4b:s26+s10], $0xC00, s19, s10, $0x38;
	[tilespmem:$0x1D080] =	vst v63  }
0x3c: {  	s29 =	simm.s32 $0x1C80;
	s28 =	rddreg [dreg:$0xc]  }
0x3d: {  	[tilespmem:s29], [sflag:$0xF] =	stream.linear.gather [hbm4b:s28+s5], $0x100, $0x38;
	[tilespmem:$0x1D080] =	vst v63  }
0x3e: {  	_ =	swait.ge [sflag:s15], $0xD00  }
0x3f: {  	[sflag:s15] =	ssyncset.done $0x0  }
0x40: {  	s19 =	simm.s32 $0x2880;
	[sflag:s15] =	ssyncadd.s32 $0xFFFFF300  }
0x41: {  	[tilespmem:s19], [sflag:$0x3] =	stream.indirect.gather [hbm4b:s2+s25], $0x80, s9, s25, $0xb8;
	[tilespmem:$0x1D080] =	vst v63  }
0x42: {  	s23 =	simm.s32 $0x100;
	s26 =	simm.s32 $0x5080  }
0x43: {  	[tilespmem:s26], [sflag:$0x3] =	stream.indirect.gather [hbm4b:s2+s25], $0x80, s23, s25, $0xb8;
	[tilespmem:$0x1D080] =	vst v63  }
0x44: {  	s28 =	simm.s32 $0x180  }
0x45: {  	[tilespmem:s31], [sflag:$0x4] =	stream.indirect.gather [hbm4b:s2+s25], $0x80, s28, s25, $0xb8;
	[tilespmem:$0x1D080] =	vst v63  }
0x46: {  	s29 =	simm.s32 $0x200  }
0x47: {  	[tilespmem:s3], [sflag:$0x4] =	stream.indirect.gather [hbm4b:s2+s25], $0x80, s29, s25, $0xb8;
	[tilespmem:$0x1D080] =	vst v63  }
0x48: {  	s10 =	simm.s32 $0xD080  }
0x49: {  	[tilespmem:s10], [sflag:$0x7] =	stream.indirect.gather [hbm4b:s4+s9], $0x80, s22, s9, $0xb8;
	[tilespmem:$0x1D080] =	vst v63  }
0x4a: {  	s19 =	simm.s32 $0x1100;
	s22 =	simm.s32 $0x11080  }
0x4b: {  	[tilespmem:s22], [sflag:$0x8] =	stream.indirect.gather [hbm4b:s4+s9], $0x80, s19, s9, $0xb8;
	[tilespmem:$0x1D080] =	vst v63  }
0x4c: {  	s23 =	simm.s32 $0x1180;
	s26 =	simm.s32 $0x15080  }
0x4d: {  	[tilespmem:s26], [sflag:$0x9] =	stream.indirect.gather [hbm4b:s4+s9], $0x80, s23, s9, $0xb8;
	[tilespmem:$0x1D080] =	vst v63  }
0x4e: {  	s28 =	simm.s32 $0x1200;
	s29 =	simm.s32 $0x19080;
	s23 =	simm.s32 $0x0  }
0x4f: {  	[tilespmem:s29], [sflag:$0xA] =	stream.indirect.gather [hbm4b:s4+s9], $0x80, s28, s9, $0xb8;
	[tilespmem:$0x1D080] =	vst v63  }
.LBB2_2:
0x50: {  	s8 =	sshll.u32 s23, $0x2  }
0x51: {  	s9 =	sadd.s32 $0xFFFFFFFE, s8  }
0x52: {  	p0 =	sgt.u32 s9, $0x15  }
0x53: {  	s9 =	simm.s32 @!p0 $0xD  }
0x54: {  	_ =	swait.ge @!p0 [sflag:s9], $0x4000  }
0x55: {  	p1 =	seq.s32 s23, $0x0;
	s10 =	sshll.u32 @!p0 s23, $0x9;
	[sflag:s9] =	ssyncset.done @!p0 $0x0  }
0x56: {  	s8 =	sor.u32 $0x3, s8;
	[sflag:s9] =	ssyncadd.s32 @!p0 $0xFFFFC000;
	s9 =	sand.u32 @!p0 $0x3FFFFE00, s10  }
0x57: {  	s22 =	simm.s32 @!p0 $0x15080;
	s10 =	simm.s32 @!p0 $0x80;
	s9 =	sadd.s32 @!p0 $0x1180, s9  }
0x58: {  	[tilespmem:s22], [sflag:$0x9] =	stream.indirect.gather @!p0 [hbm4b:s4+s10], $0x80, s9, s10, $0xb8;
	[tilespmem:$0x1D080] =	vst v63  }
0x59: {  	p0 =	sgt.u32 @!p1 s8, $0x19  }
0x5a: {  	p0 =	por p0, p1  }
0x5b: {  	s9 =	simm.s32 @!p0 $0xE  }
0x5c: {  	s8 =	sshll.u32 @!p0 s8, $0x7;
	_ =	swait.ge @!p0 [sflag:s9], $0x4000  }
0x5d: {  	s10 =	simm.s32 @!p0 $0x19080;
	s8 =	sand.u32 @!p0 $0x3FFFFF80, s8;
	[sflag:s9] =	ssyncset.done @!p0 $0x0  }
0x5e: {  	s8 =	sadd.s32 @!p0 $0x1080, s8;
	[sflag:s9] =	ssyncadd.s32 @!p0 $0xFFFFC000;
	s9 =	simm.s32 @!p0 $0x80  }
0x5f: {  	[tilespmem:s10], [sflag:$0xA] =	stream.indirect.gather @!p0 [hbm4b:s4+s9], $0x80, s8, s9, $0xb8;
	[tilespmem:$0x1D080] =	vst v63  }
0x60: {  	p0 =	seq.s32 s23, $0x7  }
0x61: {  	s8 =	simm.s32 @!p0 $0x7  }
0x62: {  	_ =	swait.ge @!p0 [sflag:s8], $0x4000  }
0x63: {  	s9 =	sshll.u32 @!p0 s23, $0x12;
	[sflag:s8] =	ssyncset.done @!p0 $0x0  }
0x64: {  	[sflag:s8] =	ssyncadd.s32 @!p0 $0xFFFFC000;
	s8 =	sor.u32 @!p0 s6, s9  }
0x65: {  	s10 =	simm.s32 @!p0 $0x0;
	s22 =	simm.s32 @!p0 $0xD080;
	s9 =	sadd.s32 @!p0 s7, s8  }
0x66: {  	[hbm4b:s9+s10] =	stream.linear.scatter @!p0 [tilespmem:s22], [sflag:$0xB], $0x4000, $0x38;
	[tilespmem:$0x1D080] =	vst v63  }
0x67: {  	s9 =	simm.s32 @!p0 $0x8  }
0x68: {  	_ =	swait.ge @!p0 [sflag:s9], $0x4000  }
0x69: {  	[sflag:s9] =	ssyncset.done @!p0 $0x0  }
0x6a: {  	s8 =	sadd.s32 @!p0 s8, s11;
	[sflag:s9] =	ssyncadd.s32 @!p0 $0xFFFFC000;
	s9 =	simm.s32 @!p0 $0x11080  }
0x6b: {  	[hbm4b:s8+s10] =	stream.linear.scatter @!p0 [tilespmem:s9], [sflag:$0xC], $0x4000, $0x38;
	[tilespmem:$0x1D080] =	vst v63  }
0x6c: {  	_ =	swait.ge [sflag:s30], $0x400  }
0x6d: {  	[sflag:s30] =	ssyncset.done $0x0  }
0x6e: {  	[sflag:s30] =	ssyncadd.s32 $0xFFFFFC00  }
0x6f: {  	_ =	swait.ge [sflag:s0], $0x2800  }
0x70: {  	[sflag:s0] =	ssyncset.done $0x0  }
0x71: {  	[sflag:s0] =	ssyncadd.s32 $0xFFFFD800  }
0x72: {  	_ =	swait.ge [sflag:s0], $0x2800  }
0x73: {  	[sflag:s0] =	ssyncset.done $0x0  }
0x74: {  	s8 =	simm.s32 @!p1 $0x5;
	[sflag:s0] =	ssyncadd.s32 $0xFFFFD800  }
0x75: {  	_ =	swait.ge @!p1 [sflag:s8], $0x400  }
0x76: {  	[sflag:s8] =	ssyncset.done @!p1 $0x0  }
0x77: {  	s26 =	simm.s32 $0x0;
	[sflag:s8] =	ssyncadd.s32 @!p1 $0xFFFFFC00  }
0x78: {  	s28 =	simm.s32 $0x2D80;
	v0 =	vld [tilespmem:s26+$0x2080]  }
0x79: {  	v1 =	vld [tilespmem:s28+$0xFFFFFB00];
	_ =	sdelay $0x1  }
0x7a: {  	v2 =	vld [tilespmem:s28+$0xFFFFFB80];
	_ =	sdelay $0x1  }
0x7b: {  	v3 =	vld [tilespmem:s28+$0xFFFFFC00]  }
0x7c: {  	v0 =	vadd.f32 v1, v0  }
0x7d: {  	v1 =	vld [tilespmem:s28+$0xFFFFFC80]  }
0x7e: {  	v0 =	vadd.f32 v2, v0  }
0x7f: {  	v2 =	vld [tilespmem:s28+$0xFFFFFD00]  }
0x80: {  	v0 =	vadd.f32 v3, v0  }
0x81: {  	v3 =	vld [tilespmem:s28+$0xFFFFFD80]  }
0x82: {  	v0 =	vadd.f32 v1, v0  }
0x83: {  	v1 =	vld [tilespmem:s28+$0xFFFFFE00]  }
0x84: {  	v0 =	vadd.f32 v2, v0  }
0x85: {  	v2 =	vld [tilespmem:s28+$0xFFFFFE80]  }
0x86: {  	v0 =	vadd.f32 v3, v0  }
0x87: {  	v3 =	vld [tilespmem:s28+$0xFFFFFF00]  }
0x88: {  	v0 =	vadd.f32 v1, v0  }
0x89: {  	v1 =	vld [tilespmem:s28+$0xFFFFFF80]  }
0x8a: {  	v0 =	vadd.f32 v2, v0  }
0x8b: {  	v2 =	vld [tilespmem:s28+$0x0]  }
0x8c: {  	v0 =	vadd.f32 v3, v0  }
0x8d: {  	v3 =	vld [tilespmem:s28+$0x80]  }
0x8e: {  	v0 =	vadd.f32 v1, v0  }
0x8f: {  	v1 =	vld [tilespmem:s28+$0x100]  }
0x90: {  	v0 =	vadd.f32 v2, v0  }
0x91: {  	v2 =	vld [tilespmem:s28+$0x180]  }
0x92: {  	v0 =	vadd.f32 v3, v0  }
0x93: {  	v3 =	vld [tilespmem:s28+$0x200]  }
0x94: {  	v0 =	vadd.f32 v1, v0  }
0x95: {  	v1 =	vld [tilespmem:s28+$0x280]  }
0x96: {  	v0 =	vadd.f32 v2, v0  }
0x97: {  	v2 =	vld [tilespmem:s28+$0x300]  }
0x98: {  	v0 =	vadd.f32 v3, v0  }
0x99: {  	v3 =	vld [tilespmem:s28+$0x380]  }
0x9a: {  	v0 =	vadd.f32 v1, v0  }
0x9b: {  	v1 =	vld [tilespmem:s28+$0x400]  }
0x9c: {  	v0 =	vadd.f32 v2, v0  }
0x9d: {  	v2 =	vld [tilespmem:s28+$0x480]  }
0x9e: {  	v0 =	vadd.f32 v3, v0;
	_ =	sdelay $0x1  }
0x9f: {  	v0 =	vadd.f32 v1, v0;
	_ =	sdelay $0x1  }
0xa0: {  	v0 =	vadd.f32 v2, v0;
	_ =	sdelay $0x1  }
0xa1: {  	[tilespmem:s26+$0xC880] =	vst v0;
	v0 =	vld [tilespmem:s26+$0x2090]  }
0xa2: {  	v1 =	vld [tilespmem:s28+$0xFFFFFB10];
	_ =	sdelay $0x1  }
0xa3: {  	v2 =	vld [tilespmem:s28+$0xFFFFFB90];
	_ =	sdelay $0x1  }
0xa4: {  	v3 =	vld [tilespmem:s28+$0xFFFFFC10]  }
0xa5: {  	v0 =	vadd.f32 v1, v0  }
0xa6: {  	v1 =	vld [tilespmem:s28+$0xFFFFFC90]  }
0xa7: {  	v0 =	vadd.f32 v2, v0  }
0xa8: {  	v2 =	vld [tilespmem:s28+$0xFFFFFD10]  }
0xa9: {  	v0 =	vadd.f32 v3, v0  }
0xaa: {  	v3 =	vld [tilespmem:s28+$0xFFFFFD90]  }
0xab: {  	v0 =	vadd.f32 v1, v0  }
0xac: {  	v1 =	vld [tilespmem:s28+$0xFFFFFE10]  }
0xad: {  	v0 =	vadd.f32 v2, v0  }
0xae: {  	v2 =	vld [tilespmem:s28+$0xFFFFFE90]  }
0xaf: {  	v0 =	vadd.f32 v3, v0  }
0xb0: {  	v3 =	vld [tilespmem:s28+$0xFFFFFF10]  }
0xb1: {  	v0 =	vadd.f32 v1, v0  }
0xb2: {  	v1 =	vld [tilespmem:s28+$0xFFFFFF90]  }
0xb3: {  	v0 =	vadd.f32 v2, v0  }
0xb4: {  	v2 =	vld [tilespmem:s28+$0x10]  }
0xb5: {  	v0 =	vadd.f32 v3, v0  }
0xb6: {  	v3 =	vld [tilespmem:s28+$0x90]  }
0xb7: {  	v0 =	vadd.f32 v1, v0  }
0xb8: {  	v1 =	vld [tilespmem:s28+$0x110]  }
0xb9: {  	v0 =	vadd.f32 v2, v0  }
0xba: {  	v2 =	vld [tilespmem:s28+$0x190]  }
0xbb: {  	v0 =	vadd.f32 v3, v0  }
0xbc: {  	v3 =	vld [tilespmem:s28+$0x210]  }
0xbd: {  	v0 =	vadd.f32 v1, v0  }
0xbe: {  	v1 =	vld [tilespmem:s28+$0x290]  }
0xbf: {  	v0 =	vadd.f32 v2, v0  }
0xc0: {  	v2 =	vld [tilespmem:s28+$0x310]  }
0xc1: {  	v0 =	vadd.f32 v3, v0  }
0xc2: {  	v3 =	vld [tilespmem:s28+$0x390]  }
0xc3: {  	v0 =	vadd.f32 v1, v0  }
0xc4: {  	v1 =	vld [tilespmem:s28+$0x410]  }
0xc5: {  	v0 =	vadd.f32 v2, v0  }
0xc6: {  	v2 =	vld [tilespmem:s28+$0x490]  }
0xc7: {  	v0 =	vadd.f32 v3, v0;
	_ =	sdelay $0x1  }
0xc8: {  	v0 =	vadd.f32 v1, v0;
	_ =	sdelay $0x1  }
0xc9: {  	v0 =	vadd.f32 v2, v0;
	_ =	sdelay $0x1  }
0xca: {  	[tilespmem:s26+$0xC890] =	vst v0;
	v0 =	vld [tilespmem:s26+$0x20A0]  }
0xcb: {  	v1 =	vld [tilespmem:s28+$0xFFFFFB20];
	_ =	sdelay $0x1  }
0xcc: {  	v2 =	vld [tilespmem:s28+$0xFFFFFBA0];
	_ =	sdelay $0x1  }
0xcd: {  	v3 =	vld [tilespmem:s28+$0xFFFFFC20]  }
0xce: {  	v0 =	vadd.f32 v1, v0  }
0xcf: {  	v1 =	vld [tilespmem:s28+$0xFFFFFCA0]  }
0xd0: {  	v0 =	vadd.f32 v2, v0  }
0xd1: {  	v2 =	vld [tilespmem:s28+$0xFFFFFD20]  }
0xd2: {  	v0 =	vadd.f32 v3, v0  }
0xd3: {  	v3 =	vld [tilespmem:s28+$0xFFFFFDA0]  }
0xd4: {  	v0 =	vadd.f32 v1, v0  }
0xd5: {  	v1 =	vld [tilespmem:s28+$0xFFFFFE20]  }
0xd6: {  	v0 =	vadd.f32 v2, v0  }
0xd7: {  	v2 =	vld [tilespmem:s28+$0xFFFFFEA0]  }
0xd8: {  	v0 =	vadd.f32 v3, v0  }
0xd9: {  	v3 =	vld [tilespmem:s28+$0xFFFFFF20]  }
0xda: {  	v0 =	vadd.f32 v1, v0  }
0xdb: {  	v1 =	vld [tilespmem:s28+$0xFFFFFFA0]  }
0xdc: {  	v0 =	vadd.f32 v2, v0  }
0xdd: {  	v2 =	vld [tilespmem:s28+$0x20]  }
0xde: {  	v0 =	vadd.f32 v3, v0  }
0xdf: {  	v3 =	vld [tilespmem:s28+$0xA0]  }
0xe0: {  	v0 =	vadd.f32 v1, v0  }
0xe1: {  	v1 =	vld [tilespmem:s28+$0x120]  }
0xe2: {  	v0 =	vadd.f32 v2, v0  }
0xe3: {  	v2 =	vld [tilespmem:s28+$0x1A0]  }
0xe4: {  	v0 =	vadd.f32 v3, v0  }
0xe5: {  	v3 =	vld [tilespmem:s28+$0x220]  }
0xe6: {  	v0 =	vadd.f32 v1, v0  }
0xe7: {  	v1 =	vld [tilespmem:s28+$0x2A0]  }
0xe8: {  	v0 =	vadd.f32 v2, v0  }
0xe9: {  	v2 =	vld [tilespmem:s28+$0x320]  }
0xea: {  	v0 =	vadd.f32 v3, v0  }
0xeb: {  	v3 =	vld [tilespmem:s28+$0x3A0]  }
0xec: {  	v0 =	vadd.f32 v1, v0  }
0xed: {  	v1 =	vld [tilespmem:s28+$0x420]  }
0xee: {  	v0 =	vadd.f32 v2, v0  }
0xef: {  	v2 =	vld [tilespmem:s28+$0x4A0]  }
0xf0: {  	v0 =	vadd.f32 v3, v0;
	_ =	sdelay $0x1  }
0xf1: {  	v0 =	vadd.f32 v1, v0;
	_ =	sdelay $0x1  }
0xf2: {  	v0 =	vadd.f32 v2, v0;
	_ =	sdelay $0x1  }
0xf3: {  	[tilespmem:s26+$0xC8A0] =	vst v0;
	v0 =	vld [tilespmem:s26+$0x20B0]  }
0xf4: {  	v1 =	vld [tilespmem:s28+$0xFFFFFB30];
	_ =	sdelay $0x1  }
0xf5: {  	v2 =	vld [tilespmem:s28+$0xFFFFFBB0];
	_ =	sdelay $0x1  }
0xf6: {  	v3 =	vld [tilespmem:s28+$0xFFFFFC30]  }
0xf7: {  	v0 =	vadd.f32 v1, v0  }
0xf8: {  	v1 =	vld [tilespmem:s28+$0xFFFFFCB0]  }
0xf9: {  	v0 =	vadd.f32 v2, v0  }
0xfa: {  	v2 =	vld [tilespmem:s28+$0xFFFFFD30]  }
0xfb: {  	v0 =	vadd.f32 v3, v0  }
0xfc: {  	v3 =	vld [tilespmem:s28+$0xFFFFFDB0]  }
0xfd: {  	v0 =	vadd.f32 v1, v0  }
0xfe: {  	v1 =	vld [tilespmem:s28+$0xFFFFFE30]  }
0xff: {  	v0 =	vadd.f32 v2, v0  }
0x100: {  	v2 =	vld [tilespmem:s28+$0xFFFFFEB0]  }
0x101: {  	v0 =	vadd.f32 v3, v0  }
0x102: {  	v3 =	vld [tilespmem:s28+$0xFFFFFF30]  }
0x103: {  	v0 =	vadd.f32 v1, v0  }
0x104: {  	v1 =	vld [tilespmem:s28+$0xFFFFFFB0]  }
0x105: {  	v0 =	vadd.f32 v2, v0  }
0x106: {  	v2 =	vld [tilespmem:s28+$0x30]  }
0x107: {  	v0 =	vadd.f32 v3, v0  }
0x108: {  	v3 =	vld [tilespmem:s28+$0xB0]  }
0x109: {  	v0 =	vadd.f32 v1, v0  }
0x10a: {  	v1 =	vld [tilespmem:s28+$0x130]  }
0x10b: {  	v0 =	vadd.f32 v2, v0  }
0x10c: {  	v2 =	vld [tilespmem:s28+$0x1B0]  }
0x10d: {  	v0 =	vadd.f32 v3, v0  }
0x10e: {  	v3 =	vld [tilespmem:s28+$0x230]  }
0x10f: {  	v0 =	vadd.f32 v1, v0  }
0x110: {  	v1 =	vld [tilespmem:s28+$0x2B0]  }
0x111: {  	v0 =	vadd.f32 v2, v0  }
0x112: {  	v2 =	vld [tilespmem:s28+$0x330]  }
0x113: {  	v0 =	vadd.f32 v3, v0  }
0x114: {  	v3 =	vld [tilespmem:s28+$0x3B0]  }
0x115: {  	v0 =	vadd.f32 v1, v0  }
0x116: {  	v1 =	vld [tilespmem:s28+$0x430]  }
0x117: {  	v0 =	vadd.f32 v2, v0  }
0x118: {  	v2 =	vld [tilespmem:s28+$0x4B0]  }
0x119: {  	v0 =	vadd.f32 v3, v0;
	_ =	sdelay $0x1  }
0x11a: {  	v0 =	vadd.f32 v1, v0;
	_ =	sdelay $0x1  }
0x11b: {  	v0 =	vadd.f32 v2, v0;
	_ =	sdelay $0x1  }
0x11c: {  	[tilespmem:s26+$0xC8B0] =	vst v0;
	v0 =	vld [tilespmem:s26+$0x20C0]  }
0x11d: {  	v1 =	vld [tilespmem:s28+$0xFFFFFB40];
	_ =	sdelay $0x1  }
0x11e: {  	v2 =	vld [tilespmem:s28+$0xFFFFFBC0];
	_ =	sdelay $0x1  }
0x11f: {  	v3 =	vld [tilespmem:s28+$0xFFFFFC40]  }
0x120: {  	v0 =	vadd.f32 v1, v0  }
0x121: {  	v1 =	vld [tilespmem:s28+$0xFFFFFCC0]  }
0x122: {  	v0 =	vadd.f32 v2, v0  }
0x123: {  	v2 =	vld [tilespmem:s28+$0xFFFFFD40]  }
0x124: {  	v0 =	vadd.f32 v3, v0  }
0x125: {  	v3 =	vld [tilespmem:s28+$0xFFFFFDC0]  }
0x126: {  	v0 =	vadd.f32 v1, v0  }
0x127: {  	v1 =	vld [tilespmem:s28+$0xFFFFFE40]  }
0x128: {  	v0 =	vadd.f32 v2, v0  }
0x129: {  	v2 =	vld [tilespmem:s28+$0xFFFFFEC0]  }
0x12a: {  	v0 =	vadd.f32 v3, v0  }
0x12b: {  	v3 =	vld [tilespmem:s28+$0xFFFFFF40]  }
0x12c: {  	v0 =	vadd.f32 v1, v0  }
0x12d: {  	v1 =	vld [tilespmem:s28+$0xFFFFFFC0]  }
0x12e: {  	v0 =	vadd.f32 v2, v0  }
0x12f: {  	v2 =	vld [tilespmem:s28+$0x40]  }
0x130: {  	v0 =	vadd.f32 v3, v0  }
0x131: {  	v3 =	vld [tilespmem:s28+$0xC0]  }
0x132: {  	v0 =	vadd.f32 v1, v0  }
0x133: {  	v1 =	vld [tilespmem:s28+$0x140]  }
0x134: {  	v0 =	vadd.f32 v2, v0  }
0x135: {  	v2 =	vld [tilespmem:s28+$0x1C0]  }
0x136: {  	v0 =	vadd.f32 v3, v0  }
0x137: {  	v3 =	vld [tilespmem:s28+$0x240]  }
0x138: {  	v0 =	vadd.f32 v1, v0  }
0x139: {  	v1 =	vld [tilespmem:s28+$0x2C0]  }
0x13a: {  	v0 =	vadd.f32 v2, v0  }
0x13b: {  	v2 =	vld [tilespmem:s28+$0x340]  }
0x13c: {  	v0 =	vadd.f32 v3, v0  }
0x13d: {  	v3 =	vld [tilespmem:s28+$0x3C0]  }
0x13e: {  	v0 =	vadd.f32 v1, v0  }
0x13f: {  	v1 =	vld [tilespmem:s28+$0x440]  }
0x140: {  	v0 =	vadd.f32 v2, v0  }
0x141: {  	v2 =	vld [tilespmem:s28+$0x4C0]  }
0x142: {  	v0 =	vadd.f32 v3, v0;
	_ =	sdelay $0x1  }
0x143: {  	v0 =	vadd.f32 v1, v0;
	_ =	sdelay $0x1  }
0x144: {  	v0 =	vadd.f32 v2, v0;
	_ =	sdelay $0x1  }
0x145: {  	[tilespmem:s26+$0xC8C0] =	vst v0;
	v0 =	vld [tilespmem:s26+$0x20D0]  }
0x146: {  	v1 =	vld [tilespmem:s28+$0xFFFFFB50];
	_ =	sdelay $0x1  }
0x147: {  	v2 =	vld [tilespmem:s28+$0xFFFFFBD0];
	_ =	sdelay $0x1  }
0x148: {  	v3 =	vld [tilespmem:s28+$0xFFFFFC50]  }
0x149: {  	v0 =	vadd.f32 v1, v0  }
0x14a: {  	v1 =	vld [tilespmem:s28+$0xFFFFFCD0]  }
0x14b: {  	v0 =	vadd.f32 v2, v0  }
0x14c: {  	v2 =	vld [tilespmem:s28+$0xFFFFFD50]  }
0x14d: {  	v0 =	vadd.f32 v3, v0  }
0x14e: {  	v3 =	vld [tilespmem:s28+$0xFFFFFDD0]  }
0x14f: {  	v0 =	vadd.f32 v1, v0  }
0x150: {  	v1 =	vld [tilespmem:s28+$0xFFFFFE50]  }
0x151: {  	v0 =	vadd.f32 v2, v0  }
0x152: {  	v2 =	vld [tilespmem:s28+$0xFFFFFED0]  }
0x153: {  	v0 =	vadd.f32 v3, v0  }
0x154: {  	v3 =	vld [tilespmem:s28+$0xFFFFFF50]  }
0x155: {  	v0 =	vadd.f32 v1, v0  }
0x156: {  	v1 =	vld [tilespmem:s28+$0xFFFFFFD0]  }
0x157: {  	v0 =	vadd.f32 v2, v0  }
0x158: {  	v2 =	vld [tilespmem:s28+$0x50]  }
0x159: {  	v0 =	vadd.f32 v3, v0  }
0x15a: {  	v3 =	vld [tilespmem:s28+$0xD0]  }
0x15b: {  	v0 =	vadd.f32 v1, v0  }
0x15c: {  	v1 =	vld [tilespmem:s28+$0x150]  }
0x15d: {  	v0 =	vadd.f32 v2, v0  }
0x15e: {  	v2 =	vld [tilespmem:s28+$0x1D0]  }
0x15f: {  	v0 =	vadd.f32 v3, v0  }
0x160: {  	v3 =	vld [tilespmem:s28+$0x250]  }
0x161: {  	v0 =	vadd.f32 v1, v0  }
0x162: {  	v1 =	vld [tilespmem:s28+$0x2D0]  }
0x163: {  	v0 =	vadd.f32 v2, v0  }
0x164: {  	v2 =	vld [tilespmem:s28+$0x350]  }
0x165: {  	v0 =	vadd.f32 v3, v0  }
0x166: {  	v3 =	vld [tilespmem:s28+$0x3D0]  }
0x167: {  	v0 =	vadd.f32 v1, v0  }
0x168: {  	v1 =	vld [tilespmem:s28+$0x450]  }
0x169: {  	v0 =	vadd.f32 v2, v0  }
0x16a: {  	v2 =	vld [tilespmem:s28+$0x4D0]  }
0x16b: {  	v0 =	vadd.f32 v3, v0;
	_ =	sdelay $0x1  }
0x16c: {  	v0 =	vadd.f32 v1, v0;
	_ =	sdelay $0x1  }
0x16d: {  	v0 =	vadd.f32 v2, v0;
	_ =	sdelay $0x1  }
0x16e: {  	[tilespmem:s26+$0xC8D0] =	vst v0;
	v0 =	vld [tilespmem:s26+$0x20E0]  }
0x16f: {  	v1 =	vld [tilespmem:s28+$0xFFFFFB60];
	_ =	sdelay $0x1  }
0x170: {  	v2 =	vld [tilespmem:s28+$0xFFFFFBE0];
	_ =	sdelay $0x1  }
0x171: {  	v3 =	vld [tilespmem:s28+$0xFFFFFC60]  }
0x172: {  	v0 =	vadd.f32 v1, v0  }
0x173: {  	v1 =	vld [tilespmem:s28+$0xFFFFFCE0]  }
0x174: {  	v0 =	vadd.f32 v2, v0  }
0x175: {  	v2 =	vld [tilespmem:s28+$0xFFFFFD60]  }
0x176: {  	v0 =	vadd.f32 v3, v0  }
0x177: {  	v3 =	vld [tilespmem:s28+$0xFFFFFDE0]  }
0x178: {  	v0 =	vadd.f32 v1, v0  }
0x179: {  	v1 =	vld [tilespmem:s28+$0xFFFFFE60]  }
0x17a: {  	v0 =	vadd.f32 v2, v0  }
0x17b: {  	v2 =	vld [tilespmem:s28+$0xFFFFFEE0]  }
0x17c: {  	v0 =	vadd.f32 v3, v0  }
0x17d: {  	v3 =	vld [tilespmem:s28+$0xFFFFFF60]  }
0x17e: {  	v0 =	vadd.f32 v1, v0  }
0x17f: {  	v1 =	vld [tilespmem:s28+$0xFFFFFFE0]  }
0x180: {  	v0 =	vadd.f32 v2, v0  }
0x181: {  	v2 =	vld [tilespmem:s28+$0x60]  }
0x182: {  	v0 =	vadd.f32 v3, v0  }
0x183: {  	v3 =	vld [tilespmem:s28+$0xE0]  }
0x184: {  	v0 =	vadd.f32 v1, v0  }
0x185: {  	v1 =	vld [tilespmem:s28+$0x160]  }
0x186: {  	v0 =	vadd.f32 v2, v0  }
0x187: {  	v2 =	vld [tilespmem:s28+$0x1E0]  }
0x188: {  	v0 =	vadd.f32 v3, v0  }
0x189: {  	v3 =	vld [tilespmem:s28+$0x260]  }
0x18a: {  	v0 =	vadd.f32 v1, v0  }
0x18b: {  	v1 =	vld [tilespmem:s28+$0x2E0]  }
0x18c: {  	v0 =	vadd.f32 v2, v0  }
0x18d: {  	v2 =	vld [tilespmem:s28+$0x360]  }
0x18e: {  	v0 =	vadd.f32 v3, v0  }
0x18f: {  	v3 =	vld [tilespmem:s28+$0x3E0]  }
0x190: {  	v0 =	vadd.f32 v1, v0  }
0x191: {  	v1 =	vld [tilespmem:s28+$0x460]  }
0x192: {  	v0 =	vadd.f32 v2, v0  }
0x193: {  	v2 =	vld [tilespmem:s28+$0x4E0]  }
0x194: {  	v0 =	vadd.f32 v3, v0;
	_ =	sdelay $0x1  }
0x195: {  	v0 =	vadd.f32 v1, v0;
	_ =	sdelay $0x1  }
0x196: {  	v0 =	vadd.f32 v2, v0;
	_ =	sdelay $0x1  }
0x197: {  	[tilespmem:s26+$0xC8E0] =	vst v0;
	v0 =	vld [tilespmem:s26+$0x20F0]  }
0x198: {  	v1 =	vld [tilespmem:s28+$0xFFFFFB70];
	_ =	sdelay $0x1  }
0x199: {  	v2 =	vld [tilespmem:s28+$0xFFFFFBF0];
	_ =	sdelay $0x1  }
0x19a: {  	v3 =	vld [tilespmem:s28+$0xFFFFFC70]  }
0x19b: {  	v0 =	vadd.f32 v1, v0  }
0x19c: {  	v1 =	vld [tilespmem:s28+$0xFFFFFCF0]  }
0x19d: {  	v0 =	vadd.f32 v2, v0  }
0x19e: {  	v2 =	vld [tilespmem:s28+$0xFFFFFD70]  }
0x19f: {  	v0 =	vadd.f32 v3, v0  }
0x1a0: {  	v3 =	vld [tilespmem:s28+$0xFFFFFDF0]  }
0x1a1: {  	v0 =	vadd.f32 v1, v0  }
0x1a2: {  	v1 =	vld [tilespmem:s28+$0xFFFFFE70]  }
0x1a3: {  	v0 =	vadd.f32 v2, v0  }
0x1a4: {  	v2 =	vld [tilespmem:s28+$0xFFFFFEF0]  }
0x1a5: {  	v0 =	vadd.f32 v3, v0  }
0x1a6: {  	v3 =	vld [tilespmem:s28+$0xFFFFFF70]  }
0x1a7: {  	v0 =	vadd.f32 v1, v0  }
0x1a8: {  	v1 =	vld [tilespmem:s28+$0xFFFFFFF0]  }
0x1a9: {  	v0 =	vadd.f32 v2, v0  }
0x1aa: {  	v2 =	vld [tilespmem:s28+$0x70]  }
0x1ab: {  	v0 =	vadd.f32 v3, v0  }
0x1ac: {  	v3 =	vld [tilespmem:s28+$0xF0]  }
0x1ad: {  	v0 =	vadd.f32 v1, v0  }
0x1ae: {  	v1 =	vld [tilespmem:s28+$0x170]  }
0x1af: {  	v0 =	vadd.f32 v2, v0  }
0x1b0: {  	v2 =	vld [tilespmem:s28+$0x1F0]  }
0x1b1: {  	v0 =	vadd.f32 v3, v0  }
0x1b2: {  	v3 =	vld [tilespmem:s28+$0x270]  }
0x1b3: {  	v0 =	vadd.f32 v1, v0  }
0x1b4: {  	v1 =	vld [tilespmem:s28+$0x2F0]  }
0x1b5: {  	v0 =	vadd.f32 v2, v0  }
0x1b6: {  	v2 =	vld [tilespmem:s28+$0x370]  }
0x1b7: {  	v0 =	vadd.f32 v3, v0  }
0x1b8: {  	v3 =	vld [tilespmem:s28+$0x3F0]  }
0x1b9: {  	v0 =	vadd.f32 v1, v0  }
0x1ba: {  	v1 =	vld [tilespmem:s28+$0x470]  }
0x1bb: {  	v0 =	vadd.f32 v2, v0  }
0x1bc: {  	v2 =	vld [tilespmem:s28+$0x4F0]  }
0x1bd: {  	v0 =	vadd.f32 v3, v0;
	_ =	sdelay $0x1  }
0x1be: {  	v0 =	vadd.f32 v1, v0;
	_ =	sdelay $0x1  }
0x1bf: {  	s29 =	simm.s32 $0x200;
	s10 =	sshll.u32 s23, $0x1;
	s8 =	simm.s32 $0x400;
	v0 =	vadd.f32 v2, v0  }
.LBB2_3:
0x1c0: {  	s9 =	sshra.s32 s29, $0x2  }
0x1c1: {  	s28 =	sadd.s32 $0xA00, s28;
	s29 =	smov.u32 s8;
	s22 =	sadd.s32 $0x200, s8  }
0x1c2: {  	p2 =	sne.s32 s8, $0xE00;
	v1 =	vld [tilespmem:s9+$0x2080];
	[tilespmem:s26+$0xC8F0] =	vst v0;
	s26 =	smov.u32 s9  }
0x1c3: {  	v0 =	vld [tilespmem:s28+$0xFFFFFB00]  }
0x1c4: {  	v2 =	vld [tilespmem:s28+$0xFFFFFB80];
	_ =	sdelay $0x1  }
0x1c5: {  	v3 =	vld [tilespmem:s28+$0xFFFFFC00];
	_ =	sdelay $0x1  }
0x1c6: {  	v0 =	vadd.f32 v0, v1;
	v1 =	vld [tilespmem:s28+$0xFFFFFC80];
	_ =	sdelay $0x1  }
0x1c7: {  	v0 =	vadd.f32 v2, v0;
	v2 =	vld [tilespmem:s28+$0xFFFFFD00];
	_ =	sdelay $0x1  }
0x1c8: {  	v0 =	vadd.f32 v3, v0;
	v3 =	vld [tilespmem:s28+$0xFFFFFD80];
	_ =	sdelay $0x1  }
0x1c9: {  	v0 =	vadd.f32 v1, v0;
	v1 =	vld [tilespmem:s28+$0xFFFFFE00];
	_ =	sdelay $0x1  }
0x1ca: {  	v0 =	vadd.f32 v2, v0;
	v2 =	vld [tilespmem:s28+$0xFFFFFE80];
	_ =	sdelay $0x1  }
0x1cb: {  	v0 =	vadd.f32 v3, v0;
	v3 =	vld [tilespmem:s28+$0xFFFFFF00];
	_ =	sdelay $0x1  }
0x1cc: {  	v0 =	vadd.f32 v1, v0;
	v1 =	vld [tilespmem:s28+$0xFFFFFF80];
	_ =	sdelay $0x1  }
0x1cd: {  	v0 =	vadd.f32 v2, v0;
	v2 =	vld [tilespmem:s28+$0x0];
	_ =	sdelay $0x1  }
0x1ce: {  	v0 =	vadd.f32 v3, v0;
	v3 =	vld [tilespmem:s28+$0x80];
	_ =	sdelay $0x1  }
0x1cf: {  	v0 =	vadd.f32 v1, v0;
	v1 =	vld [tilespmem:s28+$0x100];
	_ =	sdelay $0x1  }
0x1d0: {  	v0 =	vadd.f32 v2, v0;
	v2 =	vld [tilespmem:s28+$0x180];
	_ =	sdelay $0x1  }
0x1d1: {  	v0 =	vadd.f32 v3, v0;
	v3 =	vld [tilespmem:s28+$0x200];
	_ =	sdelay $0x1  }
0x1d2: {  	v0 =	vadd.f32 v1, v0;
	v1 =	vld [tilespmem:s28+$0x280];
	_ =	sdelay $0x1  }
0x1d3: {  	v0 =	vadd.f32 v2, v0;
	v2 =	vld [tilespmem:s28+$0x300];
	_ =	sdelay $0x1  }
0x1d4: {  	v0 =	vadd.f32 v3, v0;
	v3 =	vld [tilespmem:s28+$0x380];
	_ =	sdelay $0x1  }
0x1d5: {  	v0 =	vadd.f32 v1, v0;
	v1 =	vld [tilespmem:s28+$0x400];
	_ =	sdelay $0x1  }
0x1d6: {  	v0 =	vadd.f32 v2, v0;
	v2 =	vld [tilespmem:s28+$0x480];
	_ =	sdelay $0x1  }
0x1d7: {  	v0 =	vadd.f32 v3, v0;
	_ =	sdelay $0x1  }
0x1d8: {  	v0 =	vadd.f32 v1, v0;
	_ =	sdelay $0x1  }
0x1d9: {  	v0 =	vadd.f32 v2, v0;
	_ =	sdelay $0x1  }
0x1da: {  	[tilespmem:s26+$0xC880] =	vst v0;
	v0 =	vld [tilespmem:s26+$0x2090]  }
0x1db: {  	v1 =	vld [tilespmem:s28+$0xFFFFFB10]  }
0x1dc: {  	v2 =	vld [tilespmem:s28+$0xFFFFFB90];
	_ =	sdelay $0x1  }
0x1dd: {  	v3 =	vld [tilespmem:s28+$0xFFFFFC10];
	_ =	sdelay $0x1  }
0x1de: {  	v0 =	vadd.f32 v1, v0;
	v1 =	vld [tilespmem:s28+$0xFFFFFC90];
	_ =	sdelay $0x1  }
0x1df: {  	v0 =	vadd.f32 v2, v0;
	v2 =	vld [tilespmem:s28+$0xFFFFFD10];
	_ =	sdelay $0x1  }
0x1e0: {  	v0 =	vadd.f32 v3, v0;
	v3 =	vld [tilespmem:s28+$0xFFFFFD90];
	_ =	sdelay $0x1  }
0x1e1: {  	v0 =	vadd.f32 v1, v0;
	v1 =	vld [tilespmem:s28+$0xFFFFFE10];
	_ =	sdelay $0x1  }
0x1e2: {  	v0 =	vadd.f32 v2, v0;
	v2 =	vld [tilespmem:s28+$0xFFFFFE90];
	_ =	sdelay $0x1  }
0x1e3: {  	v0 =	vadd.f32 v3, v0;
	v3 =	vld [tilespmem:s28+$0xFFFFFF10];
	_ =	sdelay $0x1  }
0x1e4: {  	v0 =	vadd.f32 v1, v0;
	v1 =	vld [tilespmem:s28+$0xFFFFFF90];
	_ =	sdelay $0x1  }
0x1e5: {  	v0 =	vadd.f32 v2, v0;
	v2 =	vld [tilespmem:s28+$0x10];
	_ =	sdelay $0x1  }
0x1e6: {  	v0 =	vadd.f32 v3, v0;
	v3 =	vld [tilespmem:s28+$0x90];
	_ =	sdelay $0x1  }
0x1e7: {  	v0 =	vadd.f32 v1, v0;
	v1 =	vld [tilespmem:s28+$0x110];
	_ =	sdelay $0x1  }
0x1e8: {  	v0 =	vadd.f32 v2, v0;
	v2 =	vld [tilespmem:s28+$0x190];
	_ =	sdelay $0x1  }
0x1e9: {  	v0 =	vadd.f32 v3, v0;
	v3 =	vld [tilespmem:s28+$0x210];
	_ =	sdelay $0x1  }
0x1ea: {  	v0 =	vadd.f32 v1, v0;
	v1 =	vld [tilespmem:s28+$0x290];
	_ =	sdelay $0x1  }
0x1eb: {  	v0 =	vadd.f32 v2, v0;
	v2 =	vld [tilespmem:s28+$0x310];
	_ =	sdelay $0x1  }
0x1ec: {  	v0 =	vadd.f32 v3, v0;
	v3 =	vld [tilespmem:s28+$0x390];
	_ =	sdelay $0x1  }
0x1ed: {  	v0 =	vadd.f32 v1, v0;
	v1 =	vld [tilespmem:s28+$0x410];
	_ =	sdelay $0x1  }
0x1ee: {  	v0 =	vadd.f32 v2, v0;
	v2 =	vld [tilespmem:s28+$0x490];
	_ =	sdelay $0x1  }
0x1ef: {  	v0 =	vadd.f32 v3, v0;
	_ =	sdelay $0x1  }
0x1f0: {  	v0 =	vadd.f32 v1, v0;
	_ =	sdelay $0x1  }
0x1f1: {  	v0 =	vadd.f32 v2, v0;
	_ =	sdelay $0x1  }
0x1f2: {  	[tilespmem:s26+$0xC890] =	vst v0;
	v0 =	vld [tilespmem:s26+$0x20A0]  }
0x1f3: {  	v1 =	vld [tilespmem:s28+$0xFFFFFB20]  }
0x1f4: {  	v2 =	vld [tilespmem:s28+$0xFFFFFBA0];
	_ =	sdelay $0x1  }
0x1f5: {  	v3 =	vld [tilespmem:s28+$0xFFFFFC20];
	_ =	sdelay $0x1  }
0x1f6: {  	v0 =	vadd.f32 v1, v0;
	v1 =	vld [tilespmem:s28+$0xFFFFFCA0];
	_ =	sdelay $0x1  }
0x1f7: {  	v0 =	vadd.f32 v2, v0;
	v2 =	vld [tilespmem:s28+$0xFFFFFD20];
	_ =	sdelay $0x1  }
0x1f8: {  	v0 =	vadd.f32 v3, v0;
	v3 =	vld [tilespmem:s28+$0xFFFFFDA0];
	_ =	sdelay $0x1  }
0x1f9: {  	v0 =	vadd.f32 v1, v0;
	v1 =	vld [tilespmem:s28+$0xFFFFFE20];
	_ =	sdelay $0x1  }
0x1fa: {  	v0 =	vadd.f32 v2, v0;
	v2 =	vld [tilespmem:s28+$0xFFFFFEA0];
	_ =	sdelay $0x1  }
0x1fb: {  	v0 =	vadd.f32 v3, v0;
	v3 =	vld [tilespmem:s28+$0xFFFFFF20];
	_ =	sdelay $0x1  }
0x1fc: {  	v0 =	vadd.f32 v1, v0;
	v1 =	vld [tilespmem:s28+$0xFFFFFFA0];
	_ =	sdelay $0x1  }
0x1fd: {  	v0 =	vadd.f32 v2, v0;
	v2 =	vld [tilespmem:s28+$0x20];
	_ =	sdelay $0x1  }
0x1fe: {  	v0 =	vadd.f32 v3, v0;
	v3 =	vld [tilespmem:s28+$0xA0];
	_ =	sdelay $0x1  }
0x1ff: {  	v0 =	vadd.f32 v1, v0;
	v1 =	vld [tilespmem:s28+$0x120];
	_ =	sdelay $0x1  }
0x200: {  	v0 =	vadd.f32 v2, v0;
	v2 =	vld [tilespmem:s28+$0x1A0];
	_ =	sdelay $0x1  }
0x201: {  	v0 =	vadd.f32 v3, v0;
	v3 =	vld [tilespmem:s28+$0x220];
	_ =	sdelay $0x1  }
0x202: {  	v0 =	vadd.f32 v1, v0;
	v1 =	vld [tilespmem:s28+$0x2A0];
	_ =	sdelay $0x1  }
0x203: {  	v0 =	vadd.f32 v2, v0;
	v2 =	vld [tilespmem:s28+$0x320];
	_ =	sdelay $0x1  }
0x204: {  	v0 =	vadd.f32 v3, v0;
	v3 =	vld [tilespmem:s28+$0x3A0];
	_ =	sdelay $0x1  }
0x205: {  	v0 =	vadd.f32 v1, v0;
	v1 =	vld [tilespmem:s28+$0x420];
	_ =	sdelay $0x1  }
0x206: {  	v0 =	vadd.f32 v2, v0;
	v2 =	vld [tilespmem:s28+$0x4A0];
	_ =	sdelay $0x1  }
0x207: {  	v0 =	vadd.f32 v3, v0;
	_ =	sdelay $0x1  }
0x208: {  	v0 =	vadd.f32 v1, v0;
	_ =	sdelay $0x1  }
0x209: {  	v0 =	vadd.f32 v2, v0;
	_ =	sdelay $0x1  }
0x20a: {  	[tilespmem:s26+$0xC8A0] =	vst v0;
	v0 =	vld [tilespmem:s26+$0x20B0]  }
0x20b: {  	v1 =	vld [tilespmem:s28+$0xFFFFFB30]  }
0x20c: {  	v2 =	vld [tilespmem:s28+$0xFFFFFBB0];
	_ =	sdelay $0x1  }
0x20d: {  	v3 =	vld [tilespmem:s28+$0xFFFFFC30];
	_ =	sdelay $0x1  }
0x20e: {  	v0 =	vadd.f32 v1, v0;
	v1 =	vld [tilespmem:s28+$0xFFFFFCB0];
	_ =	sdelay $0x1  }
0x20f: {  	v0 =	vadd.f32 v2, v0;
	v2 =	vld [tilespmem:s28+$0xFFFFFD30];
	_ =	sdelay $0x1  }
0x210: {  	v0 =	vadd.f32 v3, v0;
	v3 =	vld [tilespmem:s28+$0xFFFFFDB0];
	_ =	sdelay $0x1  }
0x211: {  	v0 =	vadd.f32 v1, v0;
	v1 =	vld [tilespmem:s28+$0xFFFFFE30];
	_ =	sdelay $0x1  }
0x212: {  	v0 =	vadd.f32 v2, v0;
	v2 =	vld [tilespmem:s28+$0xFFFFFEB0];
	_ =	sdelay $0x1  }
0x213: {  	v0 =	vadd.f32 v3, v0;
	v3 =	vld [tilespmem:s28+$0xFFFFFF30];
	_ =	sdelay $0x1  }
0x214: {  	v0 =	vadd.f32 v1, v0;
	v1 =	vld [tilespmem:s28+$0xFFFFFFB0];
	_ =	sdelay $0x1  }
0x215: {  	v0 =	vadd.f32 v2, v0;
	v2 =	vld [tilespmem:s28+$0x30];
	_ =	sdelay $0x1  }
0x216: {  	v0 =	vadd.f32 v3, v0;
	v3 =	vld [tilespmem:s28+$0xB0];
	_ =	sdelay $0x1  }
0x217: {  	v0 =	vadd.f32 v1, v0;
	v1 =	vld [tilespmem:s28+$0x130];
	_ =	sdelay $0x1  }
0x218: {  	v0 =	vadd.f32 v2, v0;
	v2 =	vld [tilespmem:s28+$0x1B0];
	_ =	sdelay $0x1  }
0x219: {  	v0 =	vadd.f32 v3, v0;
	v3 =	vld [tilespmem:s28+$0x230];
	_ =	sdelay $0x1  }
0x21a: {  	v0 =	vadd.f32 v1, v0;
	v1 =	vld [tilespmem:s28+$0x2B0];
	_ =	sdelay $0x1  }
0x21b: {  	v0 =	vadd.f32 v2, v0;
	v2 =	vld [tilespmem:s28+$0x330];
	_ =	sdelay $0x1  }
0x21c: {  	v0 =	vadd.f32 v3, v0;
	v3 =	vld [tilespmem:s28+$0x3B0];
	_ =	sdelay $0x1  }
0x21d: {  	v0 =	vadd.f32 v1, v0;
	v1 =	vld [tilespmem:s28+$0x430];
	_ =	sdelay $0x1  }
0x21e: {  	v0 =	vadd.f32 v2, v0;
	v2 =	vld [tilespmem:s28+$0x4B0];
	_ =	sdelay $0x1  }
0x21f: {  	v0 =	vadd.f32 v3, v0;
	_ =	sdelay $0x1  }
0x220: {  	v0 =	vadd.f32 v1, v0;
	_ =	sdelay $0x1  }
0x221: {  	v0 =	vadd.f32 v2, v0;
	_ =	sdelay $0x1  }
0x222: {  	[tilespmem:s26+$0xC8B0] =	vst v0;
	v0 =	vld [tilespmem:s26+$0x20C0]  }
0x223: {  	v1 =	vld [tilespmem:s28+$0xFFFFFB40]  }
0x224: {  	v2 =	vld [tilespmem:s28+$0xFFFFFBC0];
	_ =	sdelay $0x1  }
0x225: {  	v3 =	vld [tilespmem:s28+$0xFFFFFC40];
	_ =	sdelay $0x1  }
0x226: {  	v0 =	vadd.f32 v1, v0;
	v1 =	vld [tilespmem:s28+$0xFFFFFCC0];
	_ =	sdelay $0x1  }
0x227: {  	v0 =	vadd.f32 v2, v0;
	v2 =	vld [tilespmem:s28+$0xFFFFFD40];
	_ =	sdelay $0x1  }
0x228: {  	v0 =	vadd.f32 v3, v0;
	v3 =	vld [tilespmem:s28+$0xFFFFFDC0];
	_ =	sdelay $0x1  }
0x229: {  	v0 =	vadd.f32 v1, v0;
	v1 =	vld [tilespmem:s28+$0xFFFFFE40];
	_ =	sdelay $0x1  }
0x22a: {  	v0 =	vadd.f32 v2, v0;
	v2 =	vld [tilespmem:s28+$0xFFFFFEC0];
	_ =	sdelay $0x1  }
0x22b: {  	v0 =	vadd.f32 v3, v0;
	v3 =	vld [tilespmem:s28+$0xFFFFFF40];
	_ =	sdelay $0x1  }
0x22c: {  	v0 =	vadd.f32 v1, v0;
	v1 =	vld [tilespmem:s28+$0xFFFFFFC0];
	_ =	sdelay $0x1  }
0x22d: {  	v0 =	vadd.f32 v2, v0;
	v2 =	vld [tilespmem:s28+$0x40];
	_ =	sdelay $0x1  }
0x22e: {  	v0 =	vadd.f32 v3, v0;
	v3 =	vld [tilespmem:s28+$0xC0];
	_ =	sdelay $0x1  }
0x22f: {  	v0 =	vadd.f32 v1, v0;
	v1 =	vld [tilespmem:s28+$0x140];
	_ =	sdelay $0x1  }
0x230: {  	v0 =	vadd.f32 v2, v0;
	v2 =	vld [tilespmem:s28+$0x1C0];
	_ =	sdelay $0x1  }
0x231: {  	v0 =	vadd.f32 v3, v0;
	v3 =	vld [tilespmem:s28+$0x240];
	_ =	sdelay $0x1  }
0x232: {  	v0 =	vadd.f32 v1, v0;
	v1 =	vld [tilespmem:s28+$0x2C0];
	_ =	sdelay $0x1  }
0x233: {  	v0 =	vadd.f32 v2, v0;
	v2 =	vld [tilespmem:s28+$0x340];
	_ =	sdelay $0x1  }
0x234: {  	v0 =	vadd.f32 v3, v0;
	v3 =	vld [tilespmem:s28+$0x3C0];
	_ =	sdelay $0x1  }
0x235: {  	v0 =	vadd.f32 v1, v0;
	v1 =	vld [tilespmem:s28+$0x440];
	_ =	sdelay $0x1  }
0x236: {  	v0 =	vadd.f32 v2, v0;
	v2 =	vld [tilespmem:s28+$0x4C0];
	_ =	sdelay $0x1  }
0x237: {  	v0 =	vadd.f32 v3, v0;
	_ =	sdelay $0x1  }
0x238: {  	v0 =	vadd.f32 v1, v0;
	_ =	sdelay $0x1  }
0x239: {  	v0 =	vadd.f32 v2, v0;
	_ =	sdelay $0x1  }
0x23a: {  	[tilespmem:s26+$0xC8C0] =	vst v0;
	v0 =	vld [tilespmem:s26+$0x20D0]  }
0x23b: {  	v1 =	vld [tilespmem:s28+$0xFFFFFB50]  }
0x23c: {  	v2 =	vld [tilespmem:s28+$0xFFFFFBD0]  }
0x23d: {  	v3 =	vld [tilespmem:s28+$0xFFFFFC50]  }
0x23e: {  	v4 =	vld [tilespmem:s28+$0xFFFFFCD0]  }
0x23f: {  	v5 =	vld [tilespmem:s28+$0xFFFFFD50]  }
0x240: {  	v0 =	vadd.f32 v1, v0;
	v1 =	vld [tilespmem:s28+$0xFFFFFDD0]  }
0x241: {  	v6 =	vld [tilespmem:s28+$0xFFFFFE50]  }
0x242: {  	v0 =	vadd.f32 v2, v0;
	v2 =	vld [tilespmem:s28+$0xFFFFFED0]  }
0x243: {  	v7 =	vld [tilespmem:s28+$0xFFFFFF50]  }
0x244: {  	v0 =	vadd.f32 v3, v0;
	v3 =	vld [tilespmem:s28+$0xFFFFFFD0]  }
0x245: {  	v8 =	vld [tilespmem:s28+$0x50]  }
0x246: {  	v0 =	vadd.f32 v4, v0;
	v4 =	vld [tilespmem:s28+$0xD0]  }
0x247: {  	v9 =	vld [tilespmem:s28+$0x150]  }
0x248: {  	v0 =	vadd.f32 v5, v0;
	v5 =	vld [tilespmem:s28+$0x1D0]  }
0x249: {  	v10 =	vld [tilespmem:s28+$0x250]  }
0x24a: {  	v0 =	vadd.f32 v1, v0;
	v1 =	vld [tilespmem:s28+$0x2D0]  }
0x24b: {  	v11 =	vld [tilespmem:s28+$0x350]  }
0x24c: {  	v0 =	vadd.f32 v6, v0;
	v6 =	vld [tilespmem:s28+$0x3D0]  }
0x24d: {  	v12 =	vld [tilespmem:s28+$0x450]  }
0x24e: {  	v0 =	vadd.f32 v2, v0;
	v2 =	vld [tilespmem:s28+$0x4D0];
	_ =	sdelay $0x1  }
0x24f: {  	v0 =	vadd.f32 v7, v0;
	_ =	sdelay $0x1  }
0x250: {  	v0 =	vadd.f32 v3, v0;
	_ =	sdelay $0x1  }
0x251: {  	v0 =	vadd.f32 v8, v0;
	_ =	sdelay $0x1  }
0x252: {  	v0 =	vadd.f32 v4, v0;
	_ =	sdelay $0x1  }
0x253: {  	v0 =	vadd.f32 v9, v0;
	_ =	sdelay $0x1  }
0x254: {  	v0 =	vadd.f32 v5, v0;
	_ =	sdelay $0x1  }
0x255: {  	v0 =	vadd.f32 v10, v0;
	_ =	sdelay $0x1  }
0x256: {  	v0 =	vadd.f32 v1, v0;
	_ =	sdelay $0x1  }
0x257: {  	v0 =	vadd.f32 v11, v0;
	_ =	sdelay $0x1  }
0x258: {  	v0 =	vadd.f32 v6, v0;
	_ =	sdelay $0x1  }
0x259: {  	v0 =	vadd.f32 v12, v0;
	_ =	sdelay $0x1  }
0x25a: {  	v0 =	vadd.f32 v2, v0;
	_ =	sdelay $0x1  }
0x25b: {  	[tilespmem:s26+$0xC8D0] =	vst v0;
	v0 =	vld [tilespmem:s26+$0x20E0]  }
0x25c: {  	v1 =	vld [tilespmem:s28+$0xFFFFFB60]  }
0x25d: {  	v2 =	vld [tilespmem:s28+$0xFFFFFBE0]  }
0x25e: {  	v3 =	vld [tilespmem:s28+$0xFFFFFC60]  }
0x25f: {  	v4 =	vld [tilespmem:s28+$0xFFFFFCE0]  }
0x260: {  	v5 =	vld [tilespmem:s28+$0xFFFFFD60]  }
0x261: {  	v0 =	vadd.f32 v1, v0;
	v1 =	vld [tilespmem:s28+$0xFFFFFDE0]  }
0x262: {  	v6 =	vld [tilespmem:s28+$0xFFFFFE60]  }
0x263: {  	v0 =	vadd.f32 v2, v0;
	v2 =	vld [tilespmem:s28+$0xFFFFFEE0]  }
0x264: {  	v7 =	vld [tilespmem:s28+$0xFFFFFF60]  }
0x265: {  	v0 =	vadd.f32 v3, v0;
	v3 =	vld [tilespmem:s28+$0xFFFFFFE0]  }
0x266: {  	v8 =	vld [tilespmem:s28+$0x60]  }
0x267: {  	v0 =	vadd.f32 v4, v0;
	v4 =	vld [tilespmem:s28+$0xE0]  }
0x268: {  	v9 =	vld [tilespmem:s28+$0x160]  }
0x269: {  	v0 =	vadd.f32 v5, v0;
	v5 =	vld [tilespmem:s28+$0x1E0]  }
0x26a: {  	v10 =	vld [tilespmem:s28+$0x260]  }
0x26b: {  	v0 =	vadd.f32 v1, v0;
	v1 =	vld [tilespmem:s28+$0x2E0]  }
0x26c: {  	v11 =	vld [tilespmem:s28+$0x360]  }
0x26d: {  	v0 =	vadd.f32 v6, v0;
	v6 =	vld [tilespmem:s28+$0x3E0]  }
0x26e: {  	v12 =	vld [tilespmem:s28+$0x460]  }
0x26f: {  	v0 =	vadd.f32 v2, v0;
	v2 =	vld [tilespmem:s28+$0x4E0];
	_ =	sdelay $0x1  }
0x270: {  	v0 =	vadd.f32 v7, v0;
	_ =	sdelay $0x1  }
0x271: {  	v0 =	vadd.f32 v3, v0;
	_ =	sdelay $0x1  }
0x272: {  	v0 =	vadd.f32 v8, v0;
	_ =	sdelay $0x1  }
0x273: {  	v0 =	vadd.f32 v4, v0;
	_ =	sdelay $0x1  }
0x274: {  	v0 =	vadd.f32 v9, v0;
	_ =	sdelay $0x1  }
0x275: {  	v0 =	vadd.f32 v5, v0;
	_ =	sdelay $0x1  }
0x276: {  	v0 =	vadd.f32 v10, v0;
	_ =	sdelay $0x1  }
0x277: {  	v0 =	vadd.f32 v1, v0;
	_ =	sdelay $0x1  }
0x278: {  	v0 =	vadd.f32 v11, v0;
	_ =	sdelay $0x1  }
0x279: {  	v0 =	vadd.f32 v6, v0;
	_ =	sdelay $0x1  }
0x27a: {  	v0 =	vadd.f32 v12, v0;
	_ =	sdelay $0x1  }
0x27b: {  	v0 =	vadd.f32 v2, v0;
	_ =	sdelay $0x1  }
0x27c: {  	[tilespmem:s26+$0xC8E0] =	vst v0;
	v0 =	vld [tilespmem:s26+$0x20F0]  }
0x27d: {  	v1 =	vld [tilespmem:s28+$0xFFFFFB70]  }
0x27e: {  	v2 =	vld [tilespmem:s28+$0xFFFFFBF0]  }
0x27f: {  	v3 =	vld [tilespmem:s28+$0xFFFFFC70]  }
0x280: {  	v4 =	vld [tilespmem:s28+$0xFFFFFCF0]  }
0x281: {  	v5 =	vld [tilespmem:s28+$0xFFFFFD70]  }
0x282: {  	v0 =	vadd.f32 v1, v0;
	v1 =	vld [tilespmem:s28+$0xFFFFFDF0]  }
0x283: {  	v6 =	vld [tilespmem:s28+$0xFFFFFE70]  }
0x284: {  	v0 =	vadd.f32 v2, v0;
	v2 =	vld [tilespmem:s28+$0xFFFFFEF0]  }
0x285: {  	v7 =	vld [tilespmem:s28+$0xFFFFFF70]  }
0x286: {  	v0 =	vadd.f32 v3, v0;
	v3 =	vld [tilespmem:s28+$0xFFFFFFF0]  }
0x287: {  	v8 =	vld [tilespmem:s28+$0x70]  }
0x288: {  	v0 =	vadd.f32 v4, v0;
	v4 =	vld [tilespmem:s28+$0xF0]  }
0x289: {  	v9 =	vld [tilespmem:s28+$0x170]  }
0x28a: {  	v0 =	vadd.f32 v5, v0;
	v5 =	vld [tilespmem:s28+$0x1F0]  }
0x28b: {  	v10 =	vld [tilespmem:s28+$0x270]  }
0x28c: {  	v0 =	vadd.f32 v1, v0;
	v1 =	vld [tilespmem:s28+$0x2F0]  }
0x28d: {  	v11 =	vld [tilespmem:s28+$0x370]  }
0x28e: {  	v0 =	vadd.f32 v6, v0;
	v6 =	vld [tilespmem:s28+$0x3F0]  }
0x28f: {  	v12 =	vld [tilespmem:s28+$0x470]  }
0x290: {  	v0 =	vadd.f32 v2, v0;
	v2 =	vld [tilespmem:s28+$0x4F0];
	_ =	sdelay $0x1  }
0x291: {  	v0 =	vadd.f32 v7, v0;
	_ =	sdelay $0x1  }
0x292: {  	v0 =	vadd.f32 v3, v0;
	_ =	sdelay $0x1  }
0x293: {  	v0 =	vadd.f32 v8, v0;
	_ =	sdelay $0x1  }
0x294: {  	v0 =	vadd.f32 v4, v0;
	_ =	sdelay $0x1  }
0x295: {  	v0 =	vadd.f32 v9, v0;
	_ =	sdelay $0x1  }
0x296: {  	v0 =	vadd.f32 v5, v0;
	_ =	sdelay $0x1  }
0x297: {  	v0 =	vadd.f32 v10, v0;
	_ =	sdelay $0x1  }
0x298: {  	v0 =	vadd.f32 v1, v0;
	_ =	sdelay $0x1  }
0x299: {  	v0 =	vadd.f32 v11, v0;
	_ =	sdelay $0x1  }
.Ltmp2:
0x29a: {  	v0 =	vadd.f32 v6, v0;
	(pc) =	sbr.rel @p2 .LBB2_3-.Ltmp2, $3  }
0x29b: {  	_ = 	snop  }
0x29c: {  	v0 =	vadd.f32 v12, v0;
	_ =	sdelay $0x1  }
0x29d: {  	s8 =	smov.u32 s22;
	v0 =	vadd.f32 v2, v0  }
0x29e: {  	s8 =	sshra.s32 s29, $0x2  }
0x29f: {  	s22 =	sadd.s32 $0xA00, s28;
	v1 =	vld [tilespmem:s8+$0x2080];
	[tilespmem:s26+$0xC8F0] =	vst v0  }
0x2a0: {  	v0 =	vld [tilespmem:s22+$0xFFFFFB00];
	_ =	sdelay $0x1  }
0x2a1: {  	v2 =	vld [tilespmem:s22+$0xFFFFFB80];
	_ =	sdelay $0x1  }
0x2a2: {  	v3 =	vld [tilespmem:s22+$0xFFFFFC00]  }
0x2a3: {  	v0 =	vadd.f32 v0, v1  }
0x2a4: {  	v1 =	vld [tilespmem:s22+$0xFFFFFC80]  }
0x2a5: {  	v0 =	vadd.f32 v2, v0  }
0x2a6: {  	v2 =	vld [tilespmem:s22+$0xFFFFFD00]  }
0x2a7: {  	v0 =	vadd.f32 v3, v0  }
0x2a8: {  	v3 =	vld [tilespmem:s22+$0xFFFFFD80]  }
0x2a9: {  	v0 =	vadd.f32 v1, v0  }
0x2aa: {  	v1 =	vld [tilespmem:s22+$0xFFFFFE00]  }
0x2ab: {  	v0 =	vadd.f32 v2, v0  }
0x2ac: {  	v2 =	vld [tilespmem:s22+$0xFFFFFE80]  }
0x2ad: {  	v0 =	vadd.f32 v3, v0  }
0x2ae: {  	v3 =	vld [tilespmem:s22+$0xFFFFFF00]  }
0x2af: {  	v0 =	vadd.f32 v1, v0  }
0x2b0: {  	v1 =	vld [tilespmem:s22+$0xFFFFFF80]  }
0x2b1: {  	v0 =	vadd.f32 v2, v0  }
0x2b2: {  	v2 =	vld [tilespmem:s22+$0x0]  }
0x2b3: {  	v0 =	vadd.f32 v3, v0  }
0x2b4: {  	v3 =	vld [tilespmem:s22+$0x80]  }
0x2b5: {  	v0 =	vadd.f32 v1, v0  }
0x2b6: {  	v1 =	vld [tilespmem:s22+$0x100]  }
0x2b7: {  	v0 =	vadd.f32 v2, v0  }
0x2b8: {  	v2 =	vld [tilespmem:s22+$0x180]  }
0x2b9: {  	v0 =	vadd.f32 v3, v0  }
0x2ba: {  	v3 =	vld [tilespmem:s22+$0x200]  }
0x2bb: {  	v0 =	vadd.f32 v1, v0  }
0x2bc: {  	v1 =	vld [tilespmem:s22+$0x280]  }
0x2bd: {  	v0 =	vadd.f32 v2, v0  }
0x2be: {  	v2 =	vld [tilespmem:s22+$0x300]  }
0x2bf: {  	v0 =	vadd.f32 v3, v0  }
0x2c0: {  	v3 =	vld [tilespmem:s22+$0x380]  }
0x2c1: {  	v0 =	vadd.f32 v1, v0  }
0x2c2: {  	v1 =	vld [tilespmem:s22+$0x400]  }
0x2c3: {  	v0 =	vadd.f32 v2, v0  }
0x2c4: {  	v2 =	vld [tilespmem:s22+$0x480]  }
0x2c5: {  	v0 =	vadd.f32 v3, v0;
	_ =	sdelay $0x1  }
0x2c6: {  	v0 =	vadd.f32 v1, v0;
	_ =	sdelay $0x1  }
0x2c7: {  	v0 =	vadd.f32 v2, v0;
	_ =	sdelay $0x1  }
0x2c8: {  	[tilespmem:s8+$0xC880] =	vst v0;
	v0 =	vld [tilespmem:s8+$0x2090]  }
0x2c9: {  	v1 =	vld [tilespmem:s22+$0xFFFFFB10];
	_ =	sdelay $0x1  }
0x2ca: {  	v2 =	vld [tilespmem:s22+$0xFFFFFB90];
	_ =	sdelay $0x1  }
0x2cb: {  	v3 =	vld [tilespmem:s22+$0xFFFFFC10]  }
0x2cc: {  	v0 =	vadd.f32 v1, v0  }
0x2cd: {  	v1 =	vld [tilespmem:s22+$0xFFFFFC90]  }
0x2ce: {  	v0 =	vadd.f32 v2, v0  }
0x2cf: {  	v2 =	vld [tilespmem:s22+$0xFFFFFD10]  }
0x2d0: {  	v0 =	vadd.f32 v3, v0  }
0x2d1: {  	v3 =	vld [tilespmem:s22+$0xFFFFFD90]  }
0x2d2: {  	v0 =	vadd.f32 v1, v0  }
0x2d3: {  	v1 =	vld [tilespmem:s22+$0xFFFFFE10]  }
0x2d4: {  	v0 =	vadd.f32 v2, v0  }
0x2d5: {  	v2 =	vld [tilespmem:s22+$0xFFFFFE90]  }
0x2d6: {  	v0 =	vadd.f32 v3, v0  }
0x2d7: {  	v3 =	vld [tilespmem:s22+$0xFFFFFF10]  }
0x2d8: {  	v0 =	vadd.f32 v1, v0  }
0x2d9: {  	v1 =	vld [tilespmem:s22+$0xFFFFFF90]  }
0x2da: {  	v0 =	vadd.f32 v2, v0  }
0x2db: {  	v2 =	vld [tilespmem:s22+$0x10]  }
0x2dc: {  	v0 =	vadd.f32 v3, v0  }
0x2dd: {  	v3 =	vld [tilespmem:s22+$0x90]  }
0x2de: {  	v0 =	vadd.f32 v1, v0  }
0x2df: {  	v1 =	vld [tilespmem:s22+$0x110]  }
0x2e0: {  	v0 =	vadd.f32 v2, v0  }
0x2e1: {  	v2 =	vld [tilespmem:s22+$0x190]  }
0x2e2: {  	v0 =	vadd.f32 v3, v0  }
0x2e3: {  	v3 =	vld [tilespmem:s22+$0x210]  }
0x2e4: {  	v0 =	vadd.f32 v1, v0  }
0x2e5: {  	v1 =	vld [tilespmem:s22+$0x290]  }
0x2e6: {  	v0 =	vadd.f32 v2, v0  }
0x2e7: {  	v2 =	vld [tilespmem:s22+$0x310]  }
0x2e8: {  	v0 =	vadd.f32 v3, v0  }
0x2e9: {  	v3 =	vld [tilespmem:s22+$0x390]  }
0x2ea: {  	v0 =	vadd.f32 v1, v0  }
0x2eb: {  	v1 =	vld [tilespmem:s22+$0x410]  }
0x2ec: {  	v0 =	vadd.f32 v2, v0  }
0x2ed: {  	v2 =	vld [tilespmem:s22+$0x490]  }
0x2ee: {  	v0 =	vadd.f32 v3, v0;
	_ =	sdelay $0x1  }
0x2ef: {  	v0 =	vadd.f32 v1, v0;
	_ =	sdelay $0x1  }
0x2f0: {  	v0 =	vadd.f32 v2, v0;
	_ =	sdelay $0x1  }
0x2f1: {  	[tilespmem:s8+$0xC890] =	vst v0;
	v0 =	vld [tilespmem:s8+$0x20A0]  }
0x2f2: {  	v1 =	vld [tilespmem:s22+$0xFFFFFB20];
	_ =	sdelay $0x1  }
0x2f3: {  	v2 =	vld [tilespmem:s22+$0xFFFFFBA0];
	_ =	sdelay $0x1  }
0x2f4: {  	v3 =	vld [tilespmem:s22+$0xFFFFFC20]  }
0x2f5: {  	v0 =	vadd.f32 v1, v0  }
0x2f6: {  	v1 =	vld [tilespmem:s22+$0xFFFFFCA0]  }
0x2f7: {  	v0 =	vadd.f32 v2, v0  }
0x2f8: {  	v2 =	vld [tilespmem:s22+$0xFFFFFD20]  }
0x2f9: {  	v0 =	vadd.f32 v3, v0  }
0x2fa: {  	v3 =	vld [tilespmem:s22+$0xFFFFFDA0]  }
0x2fb: {  	v0 =	vadd.f32 v1, v0  }
0x2fc: {  	v1 =	vld [tilespmem:s22+$0xFFFFFE20]  }
0x2fd: {  	v0 =	vadd.f32 v2, v0  }
0x2fe: {  	v2 =	vld [tilespmem:s22+$0xFFFFFEA0]  }
0x2ff: {  	v0 =	vadd.f32 v3, v0  }
0x300: {  	v3 =	vld [tilespmem:s22+$0xFFFFFF20]  }
0x301: {  	v0 =	vadd.f32 v1, v0  }
0x302: {  	v1 =	vld [tilespmem:s22+$0xFFFFFFA0]  }
0x303: {  	v0 =	vadd.f32 v2, v0  }
0x304: {  	v2 =	vld [tilespmem:s22+$0x20]  }
0x305: {  	v0 =	vadd.f32 v3, v0  }
0x306: {  	v3 =	vld [tilespmem:s22+$0xA0]  }
0x307: {  	v0 =	vadd.f32 v1, v0  }
0x308: {  	v1 =	vld [tilespmem:s22+$0x120]  }
0x309: {  	v0 =	vadd.f32 v2, v0  }
0x30a: {  	v2 =	vld [tilespmem:s22+$0x1A0]  }
0x30b: {  	v0 =	vadd.f32 v3, v0  }
0x30c: {  	v3 =	vld [tilespmem:s22+$0x220]  }
0x30d: {  	v0 =	vadd.f32 v1, v0  }
0x30e: {  	v1 =	vld [tilespmem:s22+$0x2A0]  }
0x30f: {  	v0 =	vadd.f32 v2, v0  }
0x310: {  	v2 =	vld [tilespmem:s22+$0x320]  }
0x311: {  	v0 =	vadd.f32 v3, v0  }
0x312: {  	v3 =	vld [tilespmem:s22+$0x3A0]  }
0x313: {  	v0 =	vadd.f32 v1, v0  }
0x314: {  	v1 =	vld [tilespmem:s22+$0x420]  }
0x315: {  	v0 =	vadd.f32 v2, v0  }
0x316: {  	v2 =	vld [tilespmem:s22+$0x4A0]  }
0x317: {  	v0 =	vadd.f32 v3, v0;
	_ =	sdelay $0x1  }
0x318: {  	v0 =	vadd.f32 v1, v0;
	_ =	sdelay $0x1  }
0x319: {  	v0 =	vadd.f32 v2, v0;
	_ =	sdelay $0x1  }
0x31a: {  	[tilespmem:s8+$0xC8A0] =	vst v0;
	v0 =	vld [tilespmem:s8+$0x20B0]  }
0x31b: {  	v1 =	vld [tilespmem:s22+$0xFFFFFB30];
	_ =	sdelay $0x1  }
0x31c: {  	v2 =	vld [tilespmem:s22+$0xFFFFFBB0];
	_ =	sdelay $0x1  }
0x31d: {  	v3 =	vld [tilespmem:s22+$0xFFFFFC30]  }
0x31e: {  	v0 =	vadd.f32 v1, v0  }
0x31f: {  	v1 =	vld [tilespmem:s22+$0xFFFFFCB0]  }
0x320: {  	v0 =	vadd.f32 v2, v0  }
0x321: {  	v2 =	vld [tilespmem:s22+$0xFFFFFD30]  }
0x322: {  	v0 =	vadd.f32 v3, v0  }
0x323: {  	v3 =	vld [tilespmem:s22+$0xFFFFFDB0]  }
0x324: {  	v0 =	vadd.f32 v1, v0  }
0x325: {  	v1 =	vld [tilespmem:s22+$0xFFFFFE30]  }
0x326: {  	v0 =	vadd.f32 v2, v0  }
0x327: {  	v2 =	vld [tilespmem:s22+$0xFFFFFEB0]  }
0x328: {  	v0 =	vadd.f32 v3, v0  }
0x329: {  	v3 =	vld [tilespmem:s22+$0xFFFFFF30]  }
0x32a: {  	v0 =	vadd.f32 v1, v0  }
0x32b: {  	v1 =	vld [tilespmem:s22+$0xFFFFFFB0]  }
0x32c: {  	v0 =	vadd.f32 v2, v0  }
0x32d: {  	v2 =	vld [tilespmem:s22+$0x30]  }
0x32e: {  	v0 =	vadd.f32 v3, v0  }
0x32f: {  	v3 =	vld [tilespmem:s22+$0xB0]  }
0x330: {  	v0 =	vadd.f32 v1, v0  }
0x331: {  	v1 =	vld [tilespmem:s22+$0x130]  }
0x332: {  	v0 =	vadd.f32 v2, v0  }
0x333: {  	v2 =	vld [tilespmem:s22+$0x1B0]  }
0x334: {  	v0 =	vadd.f32 v3, v0  }
0x335: {  	v3 =	vld [tilespmem:s22+$0x230]  }
0x336: {  	v0 =	vadd.f32 v1, v0  }
0x337: {  	v1 =	vld [tilespmem:s22+$0x2B0]  }
0x338: {  	v0 =	vadd.f32 v2, v0  }
0x339: {  	v2 =	vld [tilespmem:s22+$0x330]  }
0x33a: {  	v0 =	vadd.f32 v3, v0  }
0x33b: {  	v3 =	vld [tilespmem:s22+$0x3B0]  }
0x33c: {  	v0 =	vadd.f32 v1, v0  }
0x33d: {  	v1 =	vld [tilespmem:s22+$0x430]  }
0x33e: {  	v0 =	vadd.f32 v2, v0  }
0x33f: {  	v2 =	vld [tilespmem:s22+$0x4B0]  }
0x340: {  	v0 =	vadd.f32 v3, v0;
	_ =	sdelay $0x1  }
0x341: {  	v0 =	vadd.f32 v1, v0;
	_ =	sdelay $0x1  }
0x342: {  	v0 =	vadd.f32 v2, v0;
	_ =	sdelay $0x1  }
0x343: {  	[tilespmem:s8+$0xC8B0] =	vst v0;
	v0 =	vld [tilespmem:s8+$0x20C0]  }
0x344: {  	v1 =	vld [tilespmem:s22+$0xFFFFFB40];
	_ =	sdelay $0x1  }
0x345: {  	v2 =	vld [tilespmem:s22+$0xFFFFFBC0];
	_ =	sdelay $0x1  }
0x346: {  	v3 =	vld [tilespmem:s22+$0xFFFFFC40]  }
0x347: {  	v0 =	vadd.f32 v1, v0  }
0x348: {  	v1 =	vld [tilespmem:s22+$0xFFFFFCC0]  }
0x349: {  	v0 =	vadd.f32 v2, v0  }
0x34a: {  	v2 =	vld [tilespmem:s22+$0xFFFFFD40]  }
0x34b: {  	v0 =	vadd.f32 v3, v0  }
0x34c: {  	v3 =	vld [tilespmem:s22+$0xFFFFFDC0]  }
0x34d: {  	v0 =	vadd.f32 v1, v0  }
0x34e: {  	v1 =	vld [tilespmem:s22+$0xFFFFFE40]  }
0x34f: {  	v0 =	vadd.f32 v2, v0  }
0x350: {  	v2 =	vld [tilespmem:s22+$0xFFFFFEC0]  }
0x351: {  	v0 =	vadd.f32 v3, v0  }
0x352: {  	v3 =	vld [tilespmem:s22+$0xFFFFFF40]  }
0x353: {  	v0 =	vadd.f32 v1, v0  }
0x354: {  	v1 =	vld [tilespmem:s22+$0xFFFFFFC0]  }
0x355: {  	v0 =	vadd.f32 v2, v0  }
0x356: {  	v2 =	vld [tilespmem:s22+$0x40]  }
0x357: {  	v0 =	vadd.f32 v3, v0  }
0x358: {  	v3 =	vld [tilespmem:s22+$0xC0]  }
0x359: {  	v0 =	vadd.f32 v1, v0  }
0x35a: {  	v1 =	vld [tilespmem:s22+$0x140]  }
0x35b: {  	v0 =	vadd.f32 v2, v0  }
0x35c: {  	v2 =	vld [tilespmem:s22+$0x1C0]  }
0x35d: {  	v0 =	vadd.f32 v3, v0  }
0x35e: {  	v3 =	vld [tilespmem:s22+$0x240]  }
0x35f: {  	v0 =	vadd.f32 v1, v0  }
0x360: {  	v1 =	vld [tilespmem:s22+$0x2C0]  }
0x361: {  	v0 =	vadd.f32 v2, v0  }
0x362: {  	v2 =	vld [tilespmem:s22+$0x340]  }
0x363: {  	v0 =	vadd.f32 v3, v0  }
0x364: {  	v3 =	vld [tilespmem:s22+$0x3C0]  }
0x365: {  	v0 =	vadd.f32 v1, v0  }
0x366: {  	v1 =	vld [tilespmem:s22+$0x440]  }
0x367: {  	v0 =	vadd.f32 v2, v0  }
0x368: {  	v2 =	vld [tilespmem:s22+$0x4C0]  }
0x369: {  	v0 =	vadd.f32 v3, v0;
	_ =	sdelay $0x1  }
0x36a: {  	v0 =	vadd.f32 v1, v0;
	_ =	sdelay $0x1  }
0x36b: {  	v0 =	vadd.f32 v2, v0;
	_ =	sdelay $0x1  }
0x36c: {  	[tilespmem:s8+$0xC8C0] =	vst v0;
	v0 =	vld [tilespmem:s8+$0x20D0]  }
0x36d: {  	v1 =	vld [tilespmem:s22+$0xFFFFFB50];
	_ =	sdelay $0x1  }
0x36e: {  	v2 =	vld [tilespmem:s22+$0xFFFFFBD0];
	_ =	sdelay $0x1  }
0x36f: {  	v3 =	vld [tilespmem:s22+$0xFFFFFC50]  }
0x370: {  	v0 =	vadd.f32 v1, v0  }
0x371: {  	v1 =	vld [tilespmem:s22+$0xFFFFFCD0]  }
0x372: {  	v0 =	vadd.f32 v2, v0  }
0x373: {  	v2 =	vld [tilespmem:s22+$0xFFFFFD50]  }
0x374: {  	v0 =	vadd.f32 v3, v0  }
0x375: {  	v3 =	vld [tilespmem:s22+$0xFFFFFDD0]  }
0x376: {  	v0 =	vadd.f32 v1, v0  }
0x377: {  	v1 =	vld [tilespmem:s22+$0xFFFFFE50]  }
0x378: {  	v0 =	vadd.f32 v2, v0  }
0x379: {  	v2 =	vld [tilespmem:s22+$0xFFFFFED0]  }
0x37a: {  	v0 =	vadd.f32 v3, v0  }
0x37b: {  	v3 =	vld [tilespmem:s22+$0xFFFFFF50]  }
0x37c: {  	v0 =	vadd.f32 v1, v0  }
0x37d: {  	v1 =	vld [tilespmem:s22+$0xFFFFFFD0]  }
0x37e: {  	v0 =	vadd.f32 v2, v0  }
0x37f: {  	v2 =	vld [tilespmem:s22+$0x50]  }
0x380: {  	v0 =	vadd.f32 v3, v0  }
0x381: {  	v3 =	vld [tilespmem:s22+$0xD0]  }
0x382: {  	v0 =	vadd.f32 v1, v0  }
0x383: {  	v1 =	vld [tilespmem:s22+$0x150]  }
0x384: {  	v0 =	vadd.f32 v2, v0  }
0x385: {  	v2 =	vld [tilespmem:s22+$0x1D0]  }
0x386: {  	v0 =	vadd.f32 v3, v0  }
0x387: {  	v3 =	vld [tilespmem:s22+$0x250]  }
0x388: {  	v0 =	vadd.f32 v1, v0  }
0x389: {  	v1 =	vld [tilespmem:s22+$0x2D0]  }
0x38a: {  	v0 =	vadd.f32 v2, v0  }
0x38b: {  	v2 =	vld [tilespmem:s22+$0x350]  }
0x38c: {  	v0 =	vadd.f32 v3, v0  }
0x38d: {  	v3 =	vld [tilespmem:s22+$0x3D0]  }
0x38e: {  	v0 =	vadd.f32 v1, v0  }
0x38f: {  	v1 =	vld [tilespmem:s22+$0x450]  }
0x390: {  	v0 =	vadd.f32 v2, v0  }
0x391: {  	v2 =	vld [tilespmem:s22+$0x4D0]  }
0x392: {  	v0 =	vadd.f32 v3, v0;
	_ =	sdelay $0x1  }
0x393: {  	v0 =	vadd.f32 v1, v0;
	_ =	sdelay $0x1  }
0x394: {  	v0 =	vadd.f32 v2, v0;
	_ =	sdelay $0x1  }
0x395: {  	[tilespmem:s8+$0xC8D0] =	vst v0;
	v0 =	vld [tilespmem:s8+$0x20E0]  }
0x396: {  	v1 =	vld [tilespmem:s22+$0xFFFFFB60];
	_ =	sdelay $0x1  }
0x397: {  	v2 =	vld [tilespmem:s22+$0xFFFFFBE0];
	_ =	sdelay $0x1  }
0x398: {  	v3 =	vld [tilespmem:s22+$0xFFFFFC60]  }
0x399: {  	v0 =	vadd.f32 v1, v0  }
0x39a: {  	v1 =	vld [tilespmem:s22+$0xFFFFFCE0]  }
0x39b: {  	v0 =	vadd.f32 v2, v0  }
0x39c: {  	v2 =	vld [tilespmem:s22+$0xFFFFFD60]  }
0x39d: {  	v0 =	vadd.f32 v3, v0  }
0x39e: {  	v3 =	vld [tilespmem:s22+$0xFFFFFDE0]  }
0x39f: {  	v0 =	vadd.f32 v1, v0  }
0x3a0: {  	v1 =	vld [tilespmem:s22+$0xFFFFFE60]  }
0x3a1: {  	v0 =	vadd.f32 v2, v0  }
0x3a2: {  	v2 =	vld [tilespmem:s22+$0xFFFFFEE0]  }
0x3a3: {  	v0 =	vadd.f32 v3, v0  }
0x3a4: {  	v3 =	vld [tilespmem:s22+$0xFFFFFF60]  }
0x3a5: {  	v0 =	vadd.f32 v1, v0  }
0x3a6: {  	v1 =	vld [tilespmem:s22+$0xFFFFFFE0]  }
0x3a7: {  	v0 =	vadd.f32 v2, v0  }
0x3a8: {  	v2 =	vld [tilespmem:s22+$0x60]  }
0x3a9: {  	v0 =	vadd.f32 v3, v0  }
0x3aa: {  	v3 =	vld [tilespmem:s22+$0xE0]  }
0x3ab: {  	v0 =	vadd.f32 v1, v0  }
0x3ac: {  	v1 =	vld [tilespmem:s22+$0x160]  }
0x3ad: {  	v0 =	vadd.f32 v2, v0  }
0x3ae: {  	v2 =	vld [tilespmem:s22+$0x1E0]  }
0x3af: {  	v0 =	vadd.f32 v3, v0  }
0x3b0: {  	v3 =	vld [tilespmem:s22+$0x260]  }
0x3b1: {  	v0 =	vadd.f32 v1, v0  }
0x3b2: {  	v1 =	vld [tilespmem:s22+$0x2E0]  }
0x3b3: {  	v0 =	vadd.f32 v2, v0  }
0x3b4: {  	v2 =	vld [tilespmem:s22+$0x360]  }
0x3b5: {  	v0 =	vadd.f32 v3, v0  }
0x3b6: {  	v3 =	vld [tilespmem:s22+$0x3E0]  }
0x3b7: {  	v0 =	vadd.f32 v1, v0  }
0x3b8: {  	v1 =	vld [tilespmem:s22+$0x460]  }
0x3b9: {  	v0 =	vadd.f32 v2, v0  }
0x3ba: {  	v2 =	vld [tilespmem:s22+$0x4E0]  }
0x3bb: {  	v0 =	vadd.f32 v3, v0;
	_ =	sdelay $0x1  }
0x3bc: {  	v0 =	vadd.f32 v1, v0;
	_ =	sdelay $0x1  }
0x3bd: {  	v0 =	vadd.f32 v2, v0;
	_ =	sdelay $0x1  }
0x3be: {  	[tilespmem:s8+$0xC8E0] =	vst v0;
	v0 =	vld [tilespmem:s8+$0x20F0]  }
0x3bf: {  	v1 =	vld [tilespmem:s22+$0xFFFFFB70];
	_ =	sdelay $0x1  }
0x3c0: {  	v2 =	vld [tilespmem:s22+$0xFFFFFBF0];
	_ =	sdelay $0x1  }
0x3c1: {  	v3 =	vld [tilespmem:s22+$0xFFFFFC70]  }
0x3c2: {  	v0 =	vadd.f32 v1, v0  }
0x3c3: {  	v1 =	vld [tilespmem:s22+$0xFFFFFCF0]  }
0x3c4: {  	v0 =	vadd.f32 v2, v0  }
0x3c5: {  	v2 =	vld [tilespmem:s22+$0xFFFFFD70]  }
0x3c6: {  	v0 =	vadd.f32 v3, v0  }
0x3c7: {  	v3 =	vld [tilespmem:s22+$0xFFFFFDF0]  }
0x3c8: {  	v0 =	vadd.f32 v1, v0  }
0x3c9: {  	v1 =	vld [tilespmem:s22+$0xFFFFFE70]  }
0x3ca: {  	v0 =	vadd.f32 v2, v0  }
0x3cb: {  	v2 =	vld [tilespmem:s22+$0xFFFFFEF0]  }
0x3cc: {  	v0 =	vadd.f32 v3, v0  }
0x3cd: {  	v3 =	vld [tilespmem:s22+$0xFFFFFF70]  }
0x3ce: {  	v0 =	vadd.f32 v1, v0  }
0x3cf: {  	v1 =	vld [tilespmem:s22+$0xFFFFFFF0]  }
0x3d0: {  	v0 =	vadd.f32 v2, v0  }
0x3d1: {  	v2 =	vld [tilespmem:s22+$0x70]  }
0x3d2: {  	v0 =	vadd.f32 v3, v0  }
0x3d3: {  	v3 =	vld [tilespmem:s22+$0xF0]  }
0x3d4: {  	v0 =	vadd.f32 v1, v0  }
0x3d5: {  	v1 =	vld [tilespmem:s22+$0x170]  }
0x3d6: {  	v0 =	vadd.f32 v2, v0  }
0x3d7: {  	v2 =	vld [tilespmem:s22+$0x1F0]  }
0x3d8: {  	v0 =	vadd.f32 v3, v0  }
0x3d9: {  	v3 =	vld [tilespmem:s22+$0x270]  }
0x3da: {  	v0 =	vadd.f32 v1, v0  }
0x3db: {  	v1 =	vld [tilespmem:s22+$0x2F0]  }
0x3dc: {  	v0 =	vadd.f32 v2, v0  }
0x3dd: {  	v2 =	vld [tilespmem:s22+$0x370]  }
0x3de: {  	v0 =	vadd.f32 v3, v0  }
0x3df: {  	v3 =	vld [tilespmem:s22+$0x3F0]  }
0x3e0: {  	v0 =	vadd.f32 v1, v0  }
0x3e1: {  	v1 =	vld [tilespmem:s22+$0x470]  }
0x3e2: {  	v0 =	vadd.f32 v2, v0  }
0x3e3: {  	v2 =	vld [tilespmem:s22+$0x4F0]  }
0x3e4: {  	v0 =	vadd.f32 v3, v0;
	_ =	sdelay $0x1  }
0x3e5: {  	v0 =	vadd.f32 v1, v0;
	_ =	sdelay $0x1  }
0x3e6: {  	v0 =	vadd.f32 v2, v0  }
0x3e7: {  	s9 =	sshll.u32 s23, $0x8  }
0x3e8: {  	p2 =	sgt.u32 @!p0 s23, $0x5;
	s26 =	sadd.s32 s9, s12;
	[tilespmem:s8+$0xC8F0] =	vst v0;
	s8 =	sadd.s32 @!p0 $0x2, s10  }
0x3e9: {  	[hbm4b:s26+s5] =	stream.linear.scatter [tilespmem:s17], [sflag:$0x5], $0x400, $0x38;
	[tilespmem:$0x1D080] =	vst v63  }
0x3ea: {  	s9 =	sshll.u32 @!p0 s8, $0x3;
	s26 =	simm.s32 @!p0 $0x2080;
	s8 =	sshll.u32 @!p0 s8, $0x8  }
0x3eb: {  	s22 =	simm.s32 @!p0 $0x8;
	s9 =	sand.u32 @!p0 $0x3FFFFFF8, s9;
	s8 =	sand.u32 @!p0 $0x3FFFFF00, s8  }
0x3ec: {  	[tilespmem:s26], [sflag:$0x1] =	stream.indirect.gather @!p0 [hbm4b:s1+s22], $0x80, s9, s22, $0xb8;
	[tilespmem:$0x1D080] =	vst v63  }
0x3ed: {  	s9 =	sor.u32 @!p0 $0x80, s8;
	s22 =	simm.s32 @!p0 $0x50;
	s26 =	simm.s32 @!p0 $0x2880  }
0x3ee: {  	[tilespmem:s26], [sflag:$0x3] =	stream.indirect.gather @!p0 [hbm4b:s2+s22], $0x80, s9, s22, $0xb8;
	[tilespmem:$0x1D080] =	vst v63  }
0x3ef: {  	p2 =	por p2, p0;
	s8 =	sadd.s32 @!p0 $0x100, s8;
	s9 =	simm.s32 @!p0 $0x5080  }
0x3f0: {  	[tilespmem:s9], [sflag:$0x3] =	stream.indirect.gather @!p0 [hbm4b:s2+s22], $0x80, s8, s22, $0xb8;
	[tilespmem:$0x1D080] =	vst v63  }
0x3f1: {  	s8 =	simm.s32 @!p2 $0xB  }
0x3f2: {  	s26 =	sor.u32 @!p0 $0x1, s10;
	_ =	swait.ge @!p2 [sflag:s8], $0x4000  }
0x3f3: {  	s9 =	sshll.u32 @!p2 s26, $0x8;
	[sflag:s8] =	ssyncset.done @!p2 $0x0  }
0x3f4: {  	[sflag:s8] =	ssyncadd.s32 @!p2 $0xFFFFC000;
	s8 =	sand.u32 @!p2 $0x3FFFFF00, s9  }
0x3f5: {  	s28 =	simm.s32 @!p2 $0xD080;
	s22 =	simm.s32 @!p2 $0x80;
	s9 =	sadd.s32 @!p2 $0x1180, s8  }
0x3f6: {  	[tilespmem:s28], [sflag:$0x7] =	stream.indirect.gather @!p2 [hbm4b:s4+s22], $0x80, s9, s22, $0xb8;
	[tilespmem:$0x1D080] =	vst v63  }
0x3f7: {  	s9 =	simm.s32 @!p2 $0xC  }
0x3f8: {  	_ =	swait.ge @!p2 [sflag:s9], $0x4000  }
0x3f9: {  	[sflag:s9] =	ssyncset.done @!p2 $0x0  }
0x3fa: {  	s8 =	sadd.s32 @!p2 $0x1200, s8;
	[sflag:s9] =	ssyncadd.s32 @!p2 $0xFFFFC000;
	s9 =	simm.s32 @!p2 $0x11080  }
0x3fb: {  	[tilespmem:s9], [sflag:$0x8] =	stream.indirect.gather @!p2 [hbm4b:s4+s22], $0x80, s8, s22, $0xb8;
	[tilespmem:$0x1D080] =	vst v63  }
0x3fc: {  	p2 =	sgt.u32 @!p0 s26, $0xC  }
0x3fd: {  	p2 =	por p2, p0  }
0x3fe: {  	s8 =	simm.s32 @!p2 $0x9  }
0x3ff: {  	_ =	swait.ge @!p2 [sflag:s8], $0x4000  }
0x400: {  	s9 =	sshll.u32 @!p0 s26, $0x11;
	s22 =	simm.s32 @!p2 $0x0;
	[sflag:s8] =	ssyncset.done @!p2 $0x0  }
0x401: {  	s28 =	simm.s32 @!p2 $0x15080;
	[sflag:s8] =	ssyncadd.s32 @!p2 $0xFFFFC000;
	s8 =	sadd.s32 @!p2 s9, s13  }
0x402: {  	[hbm4b:s8+s22] =	stream.linear.scatter @!p2 [tilespmem:s28], [sflag:$0xD], $0x4000, $0x38;
	[tilespmem:$0x1D080] =	vst v63  }
0x403: {  	s8 =	simm.s32 @!p2 $0xA  }
0x404: {  	_ =	swait.ge @!p2 [sflag:s8], $0x4000  }
0x405: {  	s9 =	sor.u32 @!p2 s9, s6;
	[sflag:s8] =	ssyncset.done @!p2 $0x0  }
0x406: {  	[sflag:s8] =	ssyncadd.s32 @!p2 $0xFFFFC000;
	s8 =	sadd.s32 @!p2 s9, s11;
	s9 =	simm.s32 @!p2 $0x19080  }
0x407: {  	[hbm4b:s8+s22] =	stream.linear.scatter @!p2 [tilespmem:s9], [sflag:$0xE], $0x4000, $0x38;
	[tilespmem:$0x1D080] =	vst v63  }
0x408: {  	_ =	swait.ge [sflag:s20], $0x400  }
0x409: {  	[sflag:s20] =	ssyncset.done $0x0  }
0x40a: {  	[sflag:s20] =	ssyncadd.s32 $0xFFFFFC00  }
0x40b: {  	_ =	swait.ge [sflag:s21], $0x2800  }
0x40c: {  	[sflag:s21] =	ssyncset.done $0x0  }
0x40d: {  	[sflag:s21] =	ssyncadd.s32 $0xFFFFD800  }
0x40e: {  	_ =	swait.ge [sflag:s21], $0x2800  }
0x40f: {  	[sflag:s21] =	ssyncset.done $0x0  }
0x410: {  	s8 =	simm.s32 @!p1 $0x6;
	[sflag:s21] =	ssyncadd.s32 $0xFFFFD800  }
0x411: {  	_ =	swait.ge @!p1 [sflag:s8], $0x400  }
0x412: {  	[sflag:s8] =	ssyncset.done @!p1 $0x0  }
0x413: {  	s28 =	simm.s32 $0x0;
	[sflag:s8] =	ssyncadd.s32 @!p1 $0xFFFFFC00  }
0x414: {  	s29 =	simm.s32 $0x7D80;
	v0 =	vld [tilespmem:s28+$0x2480]  }
0x415: {  	v1 =	vld [tilespmem:s29+$0xFFFFFB00];
	_ =	sdelay $0x1  }
0x416: {  	v2 =	vld [tilespmem:s29+$0xFFFFFB80];
	_ =	sdelay $0x1  }
0x417: {  	v3 =	vld [tilespmem:s29+$0xFFFFFC00]  }
0x418: {  	v0 =	vadd.f32 v1, v0  }
0x419: {  	v1 =	vld [tilespmem:s29+$0xFFFFFC80]  }
0x41a: {  	v0 =	vadd.f32 v2, v0  }
0x41b: {  	v2 =	vld [tilespmem:s29+$0xFFFFFD00]  }
0x41c: {  	v0 =	vadd.f32 v3, v0  }
0x41d: {  	v3 =	vld [tilespmem:s29+$0xFFFFFD80]  }
0x41e: {  	v0 =	vadd.f32 v1, v0  }
0x41f: {  	v1 =	vld [tilespmem:s29+$0xFFFFFE00]  }
0x420: {  	v0 =	vadd.f32 v2, v0  }
0x421: {  	v2 =	vld [tilespmem:s29+$0xFFFFFE80]  }
0x422: {  	v0 =	vadd.f32 v3, v0  }
0x423: {  	v3 =	vld [tilespmem:s29+$0xFFFFFF00]  }
0x424: {  	v0 =	vadd.f32 v1, v0  }
0x425: {  	v1 =	vld [tilespmem:s29+$0xFFFFFF80]  }
0x426: {  	v0 =	vadd.f32 v2, v0  }
0x427: {  	v2 =	vld [tilespmem:s29+$0x0]  }
0x428: {  	v0 =	vadd.f32 v3, v0  }
0x429: {  	v3 =	vld [tilespmem:s29+$0x80]  }
0x42a: {  	v0 =	vadd.f32 v1, v0  }
0x42b: {  	v1 =	vld [tilespmem:s29+$0x100]  }
0x42c: {  	v0 =	vadd.f32 v2, v0  }
0x42d: {  	v2 =	vld [tilespmem:s29+$0x180]  }
0x42e: {  	v0 =	vadd.f32 v3, v0  }
0x42f: {  	v3 =	vld [tilespmem:s29+$0x200]  }
0x430: {  	v0 =	vadd.f32 v1, v0  }
0x431: {  	v1 =	vld [tilespmem:s29+$0x280]  }
0x432: {  	v0 =	vadd.f32 v2, v0  }
0x433: {  	v2 =	vld [tilespmem:s29+$0x300]  }
0x434: {  	v0 =	vadd.f32 v3, v0  }
0x435: {  	v3 =	vld [tilespmem:s29+$0x380]  }
0x436: {  	v0 =	vadd.f32 v1, v0  }
0x437: {  	v1 =	vld [tilespmem:s29+$0x400]  }
0x438: {  	v0 =	vadd.f32 v2, v0  }
0x439: {  	v2 =	vld [tilespmem:s29+$0x480]  }
0x43a: {  	v0 =	vadd.f32 v3, v0;
	_ =	sdelay $0x1  }
0x43b: {  	v0 =	vadd.f32 v1, v0;
	_ =	sdelay $0x1  }
0x43c: {  	v0 =	vadd.f32 v2, v0;
	_ =	sdelay $0x1  }
0x43d: {  	[tilespmem:s28+$0xCC80] =	vst v0;
	v0 =	vld [tilespmem:s28+$0x2490]  }
0x43e: {  	v1 =	vld [tilespmem:s29+$0xFFFFFB10];
	_ =	sdelay $0x1  }
0x43f: {  	v2 =	vld [tilespmem:s29+$0xFFFFFB90];
	_ =	sdelay $0x1  }
0x440: {  	v3 =	vld [tilespmem:s29+$0xFFFFFC10]  }
0x441: {  	v0 =	vadd.f32 v1, v0  }
0x442: {  	v1 =	vld [tilespmem:s29+$0xFFFFFC90]  }
0x443: {  	v0 =	vadd.f32 v2, v0  }
0x444: {  	v2 =	vld [tilespmem:s29+$0xFFFFFD10]  }
0x445: {  	v0 =	vadd.f32 v3, v0  }
0x446: {  	v3 =	vld [tilespmem:s29+$0xFFFFFD90]  }
0x447: {  	v0 =	vadd.f32 v1, v0  }
0x448: {  	v1 =	vld [tilespmem:s29+$0xFFFFFE10]  }
0x449: {  	v0 =	vadd.f32 v2, v0  }
0x44a: {  	v2 =	vld [tilespmem:s29+$0xFFFFFE90]  }
0x44b: {  	v0 =	vadd.f32 v3, v0  }
0x44c: {  	v3 =	vld [tilespmem:s29+$0xFFFFFF10]  }
0x44d: {  	v0 =	vadd.f32 v1, v0  }
0x44e: {  	v1 =	vld [tilespmem:s29+$0xFFFFFF90]  }
0x44f: {  	v0 =	vadd.f32 v2, v0  }
0x450: {  	v2 =	vld [tilespmem:s29+$0x10]  }
0x451: {  	v0 =	vadd.f32 v3, v0  }
0x452: {  	v3 =	vld [tilespmem:s29+$0x90]  }
0x453: {  	v0 =	vadd.f32 v1, v0  }
0x454: {  	v1 =	vld [tilespmem:s29+$0x110]  }
0x455: {  	v0 =	vadd.f32 v2, v0  }
0x456: {  	v2 =	vld [tilespmem:s29+$0x190]  }
0x457: {  	v0 =	vadd.f32 v3, v0  }
0x458: {  	v3 =	vld [tilespmem:s29+$0x210]  }
0x459: {  	v0 =	vadd.f32 v1, v0  }
0x45a: {  	v1 =	vld [tilespmem:s29+$0x290]  }
0x45b: {  	v0 =	vadd.f32 v2, v0  }
0x45c: {  	v2 =	vld [tilespmem:s29+$0x310]  }
0x45d: {  	v0 =	vadd.f32 v3, v0  }
0x45e: {  	v3 =	vld [tilespmem:s29+$0x390]  }
0x45f: {  	v0 =	vadd.f32 v1, v0  }
0x460: {  	v1 =	vld [tilespmem:s29+$0x410]  }
0x461: {  	v0 =	vadd.f32 v2, v0  }
0x462: {  	v2 =	vld [tilespmem:s29+$0x490]  }
0x463: {  	v0 =	vadd.f32 v3, v0;
	_ =	sdelay $0x1  }
0x464: {  	v0 =	vadd.f32 v1, v0;
	_ =	sdelay $0x1  }
0x465: {  	v0 =	vadd.f32 v2, v0;
	_ =	sdelay $0x1  }
0x466: {  	[tilespmem:s28+$0xCC90] =	vst v0;
	v0 =	vld [tilespmem:s28+$0x24A0]  }
0x467: {  	v1 =	vld [tilespmem:s29+$0xFFFFFB20];
	_ =	sdelay $0x1  }
0x468: {  	v2 =	vld [tilespmem:s29+$0xFFFFFBA0];
	_ =	sdelay $0x1  }
0x469: {  	v3 =	vld [tilespmem:s29+$0xFFFFFC20]  }
0x46a: {  	v0 =	vadd.f32 v1, v0  }
0x46b: {  	v1 =	vld [tilespmem:s29+$0xFFFFFCA0]  }
0x46c: {  	v0 =	vadd.f32 v2, v0  }
0x46d: {  	v2 =	vld [tilespmem:s29+$0xFFFFFD20]  }
0x46e: {  	v0 =	vadd.f32 v3, v0  }
0x46f: {  	v3 =	vld [tilespmem:s29+$0xFFFFFDA0]  }
0x470: {  	v0 =	vadd.f32 v1, v0  }
0x471: {  	v1 =	vld [tilespmem:s29+$0xFFFFFE20]  }
0x472: {  	v0 =	vadd.f32 v2, v0  }
0x473: {  	v2 =	vld [tilespmem:s29+$0xFFFFFEA0]  }
0x474: {  	v0 =	vadd.f32 v3, v0  }
0x475: {  	v3 =	vld [tilespmem:s29+$0xFFFFFF20]  }
0x476: {  	v0 =	vadd.f32 v1, v0  }
0x477: {  	v1 =	vld [tilespmem:s29+$0xFFFFFFA0]  }
0x478: {  	v0 =	vadd.f32 v2, v0  }
0x479: {  	v2 =	vld [tilespmem:s29+$0x20]  }
0x47a: {  	v0 =	vadd.f32 v3, v0  }
0x47b: {  	v3 =	vld [tilespmem:s29+$0xA0]  }
0x47c: {  	v0 =	vadd.f32 v1, v0  }
0x47d: {  	v1 =	vld [tilespmem:s29+$0x120]  }
0x47e: {  	v0 =	vadd.f32 v2, v0  }
0x47f: {  	v2 =	vld [tilespmem:s29+$0x1A0]  }
0x480: {  	v0 =	vadd.f32 v3, v0  }
0x481: {  	v3 =	vld [tilespmem:s29+$0x220]  }
0x482: {  	v0 =	vadd.f32 v1, v0  }
0x483: {  	v1 =	vld [tilespmem:s29+$0x2A0]  }
0x484: {  	v0 =	vadd.f32 v2, v0  }
0x485: {  	v2 =	vld [tilespmem:s29+$0x320]  }
0x486: {  	v0 =	vadd.f32 v3, v0  }
0x487: {  	v3 =	vld [tilespmem:s29+$0x3A0]  }
0x488: {  	v0 =	vadd.f32 v1, v0  }
0x489: {  	v1 =	vld [tilespmem:s29+$0x420]  }
0x48a: {  	v0 =	vadd.f32 v2, v0  }
0x48b: {  	v2 =	vld [tilespmem:s29+$0x4A0]  }
0x48c: {  	v0 =	vadd.f32 v3, v0;
	_ =	sdelay $0x1  }
0x48d: {  	v0 =	vadd.f32 v1, v0;
	_ =	sdelay $0x1  }
0x48e: {  	v0 =	vadd.f32 v2, v0;
	_ =	sdelay $0x1  }
0x48f: {  	[tilespmem:s28+$0xCCA0] =	vst v0;
	v0 =	vld [tilespmem:s28+$0x24B0]  }
0x490: {  	v1 =	vld [tilespmem:s29+$0xFFFFFB30];
	_ =	sdelay $0x1  }
0x491: {  	v2 =	vld [tilespmem:s29+$0xFFFFFBB0];
	_ =	sdelay $0x1  }
0x492: {  	v3 =	vld [tilespmem:s29+$0xFFFFFC30]  }
0x493: {  	v0 =	vadd.f32 v1, v0  }
0x494: {  	v1 =	vld [tilespmem:s29+$0xFFFFFCB0]  }
0x495: {  	v0 =	vadd.f32 v2, v0  }
0x496: {  	v2 =	vld [tilespmem:s29+$0xFFFFFD30]  }
0x497: {  	v0 =	vadd.f32 v3, v0  }
0x498: {  	v3 =	vld [tilespmem:s29+$0xFFFFFDB0]  }
0x499: {  	v0 =	vadd.f32 v1, v0  }
0x49a: {  	v1 =	vld [tilespmem:s29+$0xFFFFFE30]  }
0x49b: {  	v0 =	vadd.f32 v2, v0  }
0x49c: {  	v2 =	vld [tilespmem:s29+$0xFFFFFEB0]  }
0x49d: {  	v0 =	vadd.f32 v3, v0  }
0x49e: {  	v3 =	vld [tilespmem:s29+$0xFFFFFF30]  }
0x49f: {  	v0 =	vadd.f32 v1, v0  }
0x4a0: {  	v1 =	vld [tilespmem:s29+$0xFFFFFFB0]  }
0x4a1: {  	v0 =	vadd.f32 v2, v0  }
0x4a2: {  	v2 =	vld [tilespmem:s29+$0x30]  }
0x4a3: {  	v0 =	vadd.f32 v3, v0  }
0x4a4: {  	v3 =	vld [tilespmem:s29+$0xB0]  }
0x4a5: {  	v0 =	vadd.f32 v1, v0  }
0x4a6: {  	v1 =	vld [tilespmem:s29+$0x130]  }
0x4a7: {  	v0 =	vadd.f32 v2, v0  }
0x4a8: {  	v2 =	vld [tilespmem:s29+$0x1B0]  }
0x4a9: {  	v0 =	vadd.f32 v3, v0  }
0x4aa: {  	v3 =	vld [tilespmem:s29+$0x230]  }
0x4ab: {  	v0 =	vadd.f32 v1, v0  }
0x4ac: {  	v1 =	vld [tilespmem:s29+$0x2B0]  }
0x4ad: {  	v0 =	vadd.f32 v2, v0  }
0x4ae: {  	v2 =	vld [tilespmem:s29+$0x330]  }
0x4af: {  	v0 =	vadd.f32 v3, v0  }
0x4b0: {  	v3 =	vld [tilespmem:s29+$0x3B0]  }
0x4b1: {  	v0 =	vadd.f32 v1, v0  }
0x4b2: {  	v1 =	vld [tilespmem:s29+$0x430]  }
0x4b3: {  	v0 =	vadd.f32 v2, v0  }
0x4b4: {  	v2 =	vld [tilespmem:s29+$0x4B0]  }
0x4b5: {  	v0 =	vadd.f32 v3, v0;
	_ =	sdelay $0x1  }
0x4b6: {  	v0 =	vadd.f32 v1, v0;
	_ =	sdelay $0x1  }
0x4b7: {  	v0 =	vadd.f32 v2, v0;
	_ =	sdelay $0x1  }
0x4b8: {  	[tilespmem:s28+$0xCCB0] =	vst v0;
	v0 =	vld [tilespmem:s28+$0x24C0]  }
0x4b9: {  	v1 =	vld [tilespmem:s29+$0xFFFFFB40];
	_ =	sdelay $0x1  }
0x4ba: {  	v2 =	vld [tilespmem:s29+$0xFFFFFBC0];
	_ =	sdelay $0x1  }
0x4bb: {  	v3 =	vld [tilespmem:s29+$0xFFFFFC40]  }
0x4bc: {  	v0 =	vadd.f32 v1, v0  }
0x4bd: {  	v1 =	vld [tilespmem:s29+$0xFFFFFCC0]  }
0x4be: {  	v0 =	vadd.f32 v2, v0  }
0x4bf: {  	v2 =	vld [tilespmem:s29+$0xFFFFFD40]  }
0x4c0: {  	v0 =	vadd.f32 v3, v0  }
0x4c1: {  	v3 =	vld [tilespmem:s29+$0xFFFFFDC0]  }
0x4c2: {  	v0 =	vadd.f32 v1, v0  }
0x4c3: {  	v1 =	vld [tilespmem:s29+$0xFFFFFE40]  }
0x4c4: {  	v0 =	vadd.f32 v2, v0  }
0x4c5: {  	v2 =	vld [tilespmem:s29+$0xFFFFFEC0]  }
0x4c6: {  	v0 =	vadd.f32 v3, v0  }
0x4c7: {  	v3 =	vld [tilespmem:s29+$0xFFFFFF40]  }
0x4c8: {  	v0 =	vadd.f32 v1, v0  }
0x4c9: {  	v1 =	vld [tilespmem:s29+$0xFFFFFFC0]  }
0x4ca: {  	v0 =	vadd.f32 v2, v0  }
0x4cb: {  	v2 =	vld [tilespmem:s29+$0x40]  }
0x4cc: {  	v0 =	vadd.f32 v3, v0  }
0x4cd: {  	v3 =	vld [tilespmem:s29+$0xC0]  }
0x4ce: {  	v0 =	vadd.f32 v1, v0  }
0x4cf: {  	v1 =	vld [tilespmem:s29+$0x140]  }
0x4d0: {  	v0 =	vadd.f32 v2, v0  }
0x4d1: {  	v2 =	vld [tilespmem:s29+$0x1C0]  }
0x4d2: {  	v0 =	vadd.f32 v3, v0  }
0x4d3: {  	v3 =	vld [tilespmem:s29+$0x240]  }
0x4d4: {  	v0 =	vadd.f32 v1, v0  }
0x4d5: {  	v1 =	vld [tilespmem:s29+$0x2C0]  }
0x4d6: {  	v0 =	vadd.f32 v2, v0  }
0x4d7: {  	v2 =	vld [tilespmem:s29+$0x340]  }
0x4d8: {  	v0 =	vadd.f32 v3, v0  }
0x4d9: {  	v3 =	vld [tilespmem:s29+$0x3C0]  }
0x4da: {  	v0 =	vadd.f32 v1, v0  }
0x4db: {  	v1 =	vld [tilespmem:s29+$0x440]  }
0x4dc: {  	v0 =	vadd.f32 v2, v0  }
0x4dd: {  	v2 =	vld [tilespmem:s29+$0x4C0]  }
0x4de: {  	v0 =	vadd.f32 v3, v0;
	_ =	sdelay $0x1  }
0x4df: {  	v0 =	vadd.f32 v1, v0;
	_ =	sdelay $0x1  }
0x4e0: {  	v0 =	vadd.f32 v2, v0;
	_ =	sdelay $0x1  }
0x4e1: {  	[tilespmem:s28+$0xCCC0] =	vst v0;
	v0 =	vld [tilespmem:s28+$0x24D0]  }
0x4e2: {  	v1 =	vld [tilespmem:s29+$0xFFFFFB50];
	_ =	sdelay $0x1  }
0x4e3: {  	v2 =	vld [tilespmem:s29+$0xFFFFFBD0];
	_ =	sdelay $0x1  }
0x4e4: {  	v3 =	vld [tilespmem:s29+$0xFFFFFC50]  }
0x4e5: {  	v0 =	vadd.f32 v1, v0  }
0x4e6: {  	v1 =	vld [tilespmem:s29+$0xFFFFFCD0]  }
0x4e7: {  	v0 =	vadd.f32 v2, v0  }
0x4e8: {  	v2 =	vld [tilespmem:s29+$0xFFFFFD50]  }
0x4e9: {  	v0 =	vadd.f32 v3, v0  }
0x4ea: {  	v3 =	vld [tilespmem:s29+$0xFFFFFDD0]  }
0x4eb: {  	v0 =	vadd.f32 v1, v0  }
0x4ec: {  	v1 =	vld [tilespmem:s29+$0xFFFFFE50]  }
0x4ed: {  	v0 =	vadd.f32 v2, v0  }
0x4ee: {  	v2 =	vld [tilespmem:s29+$0xFFFFFED0]  }
0x4ef: {  	v0 =	vadd.f32 v3, v0  }
0x4f0: {  	v3 =	vld [tilespmem:s29+$0xFFFFFF50]  }
0x4f1: {  	v0 =	vadd.f32 v1, v0  }
0x4f2: {  	v1 =	vld [tilespmem:s29+$0xFFFFFFD0]  }
0x4f3: {  	v0 =	vadd.f32 v2, v0  }
0x4f4: {  	v2 =	vld [tilespmem:s29+$0x50]  }
0x4f5: {  	v0 =	vadd.f32 v3, v0  }
0x4f6: {  	v3 =	vld [tilespmem:s29+$0xD0]  }
0x4f7: {  	v0 =	vadd.f32 v1, v0  }
0x4f8: {  	v1 =	vld [tilespmem:s29+$0x150]  }
0x4f9: {  	v0 =	vadd.f32 v2, v0  }
0x4fa: {  	v2 =	vld [tilespmem:s29+$0x1D0]  }
0x4fb: {  	v0 =	vadd.f32 v3, v0  }
0x4fc: {  	v3 =	vld [tilespmem:s29+$0x250]  }
0x4fd: {  	v0 =	vadd.f32 v1, v0  }
0x4fe: {  	v1 =	vld [tilespmem:s29+$0x2D0]  }
0x4ff: {  	v0 =	vadd.f32 v2, v0  }
0x500: {  	v2 =	vld [tilespmem:s29+$0x350]  }
0x501: {  	v0 =	vadd.f32 v3, v0  }
0x502: {  	v3 =	vld [tilespmem:s29+$0x3D0]  }
0x503: {  	v0 =	vadd.f32 v1, v0  }
0x504: {  	v1 =	vld [tilespmem:s29+$0x450]  }
0x505: {  	v0 =	vadd.f32 v2, v0  }
0x506: {  	v2 =	vld [tilespmem:s29+$0x4D0]  }
0x507: {  	v0 =	vadd.f32 v3, v0;
	_ =	sdelay $0x1  }
0x508: {  	v0 =	vadd.f32 v1, v0;
	_ =	sdelay $0x1  }
0x509: {  	v0 =	vadd.f32 v2, v0;
	_ =	sdelay $0x1  }
0x50a: {  	[tilespmem:s28+$0xCCD0] =	vst v0;
	v0 =	vld [tilespmem:s28+$0x24E0]  }
0x50b: {  	v1 =	vld [tilespmem:s29+$0xFFFFFB60];
	_ =	sdelay $0x1  }
0x50c: {  	v2 =	vld [tilespmem:s29+$0xFFFFFBE0];
	_ =	sdelay $0x1  }
0x50d: {  	v3 =	vld [tilespmem:s29+$0xFFFFFC60]  }
0x50e: {  	v0 =	vadd.f32 v1, v0  }
0x50f: {  	v1 =	vld [tilespmem:s29+$0xFFFFFCE0]  }
0x510: {  	v0 =	vadd.f32 v2, v0  }
0x511: {  	v2 =	vld [tilespmem:s29+$0xFFFFFD60]  }
0x512: {  	v0 =	vadd.f32 v3, v0  }
0x513: {  	v3 =	vld [tilespmem:s29+$0xFFFFFDE0]  }
0x514: {  	v0 =	vadd.f32 v1, v0  }
0x515: {  	v1 =	vld [tilespmem:s29+$0xFFFFFE60]  }
0x516: {  	v0 =	vadd.f32 v2, v0  }
0x517: {  	v2 =	vld [tilespmem:s29+$0xFFFFFEE0]  }
0x518: {  	v0 =	vadd.f32 v3, v0  }
0x519: {  	v3 =	vld [tilespmem:s29+$0xFFFFFF60]  }
0x51a: {  	v0 =	vadd.f32 v1, v0  }
0x51b: {  	v1 =	vld [tilespmem:s29+$0xFFFFFFE0]  }
0x51c: {  	v0 =	vadd.f32 v2, v0  }
0x51d: {  	v2 =	vld [tilespmem:s29+$0x60]  }
0x51e: {  	v0 =	vadd.f32 v3, v0  }
0x51f: {  	v3 =	vld [tilespmem:s29+$0xE0]  }
0x520: {  	v0 =	vadd.f32 v1, v0  }
0x521: {  	v1 =	vld [tilespmem:s29+$0x160]  }
0x522: {  	v0 =	vadd.f32 v2, v0  }
0x523: {  	v2 =	vld [tilespmem:s29+$0x1E0]  }
0x524: {  	v0 =	vadd.f32 v3, v0  }
0x525: {  	v3 =	vld [tilespmem:s29+$0x260]  }
0x526: {  	v0 =	vadd.f32 v1, v0  }
0x527: {  	v1 =	vld [tilespmem:s29+$0x2E0]  }
0x528: {  	v0 =	vadd.f32 v2, v0  }
0x529: {  	v2 =	vld [tilespmem:s29+$0x360]  }
0x52a: {  	v0 =	vadd.f32 v3, v0  }
0x52b: {  	v3 =	vld [tilespmem:s29+$0x3E0]  }
0x52c: {  	v0 =	vadd.f32 v1, v0  }
0x52d: {  	v1 =	vld [tilespmem:s29+$0x460]  }
0x52e: {  	v0 =	vadd.f32 v2, v0  }
0x52f: {  	v2 =	vld [tilespmem:s29+$0x4E0]  }
0x530: {  	v0 =	vadd.f32 v3, v0;
	_ =	sdelay $0x1  }
0x531: {  	v0 =	vadd.f32 v1, v0;
	_ =	sdelay $0x1  }
0x532: {  	v0 =	vadd.f32 v2, v0;
	_ =	sdelay $0x1  }
0x533: {  	[tilespmem:s28+$0xCCE0] =	vst v0;
	v0 =	vld [tilespmem:s28+$0x24F0]  }
0x534: {  	v1 =	vld [tilespmem:s29+$0xFFFFFB70];
	_ =	sdelay $0x1  }
0x535: {  	v2 =	vld [tilespmem:s29+$0xFFFFFBF0];
	_ =	sdelay $0x1  }
0x536: {  	v3 =	vld [tilespmem:s29+$0xFFFFFC70]  }
0x537: {  	v0 =	vadd.f32 v1, v0  }
0x538: {  	v1 =	vld [tilespmem:s29+$0xFFFFFCF0]  }
0x539: {  	v0 =	vadd.f32 v2, v0  }
0x53a: {  	v2 =	vld [tilespmem:s29+$0xFFFFFD70]  }
0x53b: {  	v0 =	vadd.f32 v3, v0  }
0x53c: {  	v3 =	vld [tilespmem:s29+$0xFFFFFDF0]  }
0x53d: {  	v0 =	vadd.f32 v1, v0  }
0x53e: {  	v1 =	vld [tilespmem:s29+$0xFFFFFE70]  }
0x53f: {  	v0 =	vadd.f32 v2, v0  }
0x540: {  	v2 =	vld [tilespmem:s29+$0xFFFFFEF0]  }
0x541: {  	v0 =	vadd.f32 v3, v0  }
0x542: {  	v3 =	vld [tilespmem:s29+$0xFFFFFF70]  }
0x543: {  	v0 =	vadd.f32 v1, v0  }
0x544: {  	v1 =	vld [tilespmem:s29+$0xFFFFFFF0]  }
0x545: {  	v0 =	vadd.f32 v2, v0  }
0x546: {  	v2 =	vld [tilespmem:s29+$0x70]  }
0x547: {  	v0 =	vadd.f32 v3, v0  }
0x548: {  	v3 =	vld [tilespmem:s29+$0xF0]  }
0x549: {  	v0 =	vadd.f32 v1, v0  }
0x54a: {  	v1 =	vld [tilespmem:s29+$0x170]  }
0x54b: {  	v0 =	vadd.f32 v2, v0  }
0x54c: {  	v2 =	vld [tilespmem:s29+$0x1F0]  }
0x54d: {  	v0 =	vadd.f32 v3, v0  }
0x54e: {  	v3 =	vld [tilespmem:s29+$0x270]  }
0x54f: {  	v0 =	vadd.f32 v1, v0  }
0x550: {  	v1 =	vld [tilespmem:s29+$0x2F0]  }
0x551: {  	v0 =	vadd.f32 v2, v0  }
0x552: {  	v2 =	vld [tilespmem:s29+$0x370]  }
0x553: {  	v0 =	vadd.f32 v3, v0  }
0x554: {  	v3 =	vld [tilespmem:s29+$0x3F0]  }
0x555: {  	v0 =	vadd.f32 v1, v0  }
0x556: {  	v1 =	vld [tilespmem:s29+$0x470]  }
0x557: {  	v0 =	vadd.f32 v2, v0  }
0x558: {  	v2 =	vld [tilespmem:s29+$0x4F0]  }
0x559: {  	v0 =	vadd.f32 v3, v0;
	_ =	sdelay $0x1  }
0x55a: {  	v0 =	vadd.f32 v1, v0;
	_ =	sdelay $0x1  }
0x55b: {  	s26 =	simm.s32 @p0 $0xF;
	s22 =	simm.s32 $0x200;
	s8 =	simm.s32 $0x400;
	v0 =	vadd.f32 v2, v0  }
.LBB2_5:
0x55c: {  	s19 =	sshra.s32 s22, $0x2  }
0x55d: {  	s29 =	sadd.s32 $0xA00, s29;
	s22 =	smov.u32 s8;
	s9 =	sadd.s32 $0x200, s8  }
0x55e: {  	p1 =	sne.s32 s8, $0xE00;
	v1 =	vld [tilespmem:s19+$0x2480];
	[tilespmem:s28+$0xCCF0] =	vst v0;
	s28 =	smov.u32 s19  }
0x55f: {  	v0 =	vld [tilespmem:s29+$0xFFFFFB00]  }
0x560: {  	v2 =	vld [tilespmem:s29+$0xFFFFFB80];
	_ =	sdelay $0x1  }
0x561: {  	v3 =	vld [tilespmem:s29+$0xFFFFFC00];
	_ =	sdelay $0x1  }
0x562: {  	v0 =	vadd.f32 v0, v1;
	v1 =	vld [tilespmem:s29+$0xFFFFFC80];
	_ =	sdelay $0x1  }
0x563: {  	v0 =	vadd.f32 v2, v0;
	v2 =	vld [tilespmem:s29+$0xFFFFFD00];
	_ =	sdelay $0x1  }
0x564: {  	v0 =	vadd.f32 v3, v0;
	v3 =	vld [tilespmem:s29+$0xFFFFFD80];
	_ =	sdelay $0x1  }
0x565: {  	v0 =	vadd.f32 v1, v0;
	v1 =	vld [tilespmem:s29+$0xFFFFFE00];
	_ =	sdelay $0x1  }
0x566: {  	v0 =	vadd.f32 v2, v0;
	v2 =	vld [tilespmem:s29+$0xFFFFFE80];
	_ =	sdelay $0x1  }
0x567: {  	v0 =	vadd.f32 v3, v0;
	v3 =	vld [tilespmem:s29+$0xFFFFFF00];
	_ =	sdelay $0x1  }
0x568: {  	v0 =	vadd.f32 v1, v0;
	v1 =	vld [tilespmem:s29+$0xFFFFFF80];
	_ =	sdelay $0x1  }
0x569: {  	v0 =	vadd.f32 v2, v0;
	v2 =	vld [tilespmem:s29+$0x0];
	_ =	sdelay $0x1  }
0x56a: {  	v0 =	vadd.f32 v3, v0;
	v3 =	vld [tilespmem:s29+$0x80];
	_ =	sdelay $0x1  }
0x56b: {  	v0 =	vadd.f32 v1, v0;
	v1 =	vld [tilespmem:s29+$0x100];
	_ =	sdelay $0x1  }
0x56c: {  	v0 =	vadd.f32 v2, v0;
	v2 =	vld [tilespmem:s29+$0x180];
	_ =	sdelay $0x1  }
0x56d: {  	v0 =	vadd.f32 v3, v0;
	v3 =	vld [tilespmem:s29+$0x200];
	_ =	sdelay $0x1  }
0x56e: {  	v0 =	vadd.f32 v1, v0;
	v1 =	vld [tilespmem:s29+$0x280];
	_ =	sdelay $0x1  }
0x56f: {  	v0 =	vadd.f32 v2, v0;
	v2 =	vld [tilespmem:s29+$0x300];
	_ =	sdelay $0x1  }
0x570: {  	v0 =	vadd.f32 v3, v0;
	v3 =	vld [tilespmem:s29+$0x380];
	_ =	sdelay $0x1  }
0x571: {  	v0 =	vadd.f32 v1, v0;
	v1 =	vld [tilespmem:s29+$0x400];
	_ =	sdelay $0x1  }
0x572: {  	v0 =	vadd.f32 v2, v0;
	v2 =	vld [tilespmem:s29+$0x480];
	_ =	sdelay $0x1  }
0x573: {  	v0 =	vadd.f32 v3, v0;
	_ =	sdelay $0x1  }
0x574: {  	v0 =	vadd.f32 v1, v0;
	_ =	sdelay $0x1  }
0x575: {  	v0 =	vadd.f32 v2, v0;
	_ =	sdelay $0x1  }
0x576: {  	[tilespmem:s28+$0xCC80] =	vst v0;
	v0 =	vld [tilespmem:s28+$0x2490]  }
0x577: {  	v1 =	vld [tilespmem:s29+$0xFFFFFB10]  }
0x578: {  	v2 =	vld [tilespmem:s29+$0xFFFFFB90];
	_ =	sdelay $0x1  }
0x579: {  	v3 =	vld [tilespmem:s29+$0xFFFFFC10];
	_ =	sdelay $0x1  }
0x57a: {  	v0 =	vadd.f32 v1, v0;
	v1 =	vld [tilespmem:s29+$0xFFFFFC90];
	_ =	sdelay $0x1  }
0x57b: {  	v0 =	vadd.f32 v2, v0;
	v2 =	vld [tilespmem:s29+$0xFFFFFD10];
	_ =	sdelay $0x1  }
0x57c: {  	v0 =	vadd.f32 v3, v0;
	v3 =	vld [tilespmem:s29+$0xFFFFFD90];
	_ =	sdelay $0x1  }
0x57d: {  	v0 =	vadd.f32 v1, v0;
	v1 =	vld [tilespmem:s29+$0xFFFFFE10];
	_ =	sdelay $0x1  }
0x57e: {  	v0 =	vadd.f32 v2, v0;
	v2 =	vld [tilespmem:s29+$0xFFFFFE90];
	_ =	sdelay $0x1  }
0x57f: {  	v0 =	vadd.f32 v3, v0;
	v3 =	vld [tilespmem:s29+$0xFFFFFF10];
	_ =	sdelay $0x1  }
0x580: {  	v0 =	vadd.f32 v1, v0;
	v1 =	vld [tilespmem:s29+$0xFFFFFF90];
	_ =	sdelay $0x1  }
0x581: {  	v0 =	vadd.f32 v2, v0;
	v2 =	vld [tilespmem:s29+$0x10];
	_ =	sdelay $0x1  }
0x582: {  	v0 =	vadd.f32 v3, v0;
	v3 =	vld [tilespmem:s29+$0x90];
	_ =	sdelay $0x1  }
0x583: {  	v0 =	vadd.f32 v1, v0;
	v1 =	vld [tilespmem:s29+$0x110];
	_ =	sdelay $0x1  }
0x584: {  	v0 =	vadd.f32 v2, v0;
	v2 =	vld [tilespmem:s29+$0x190];
	_ =	sdelay $0x1  }
0x585: {  	v0 =	vadd.f32 v3, v0;
	v3 =	vld [tilespmem:s29+$0x210];
	_ =	sdelay $0x1  }
0x586: {  	v0 =	vadd.f32 v1, v0;
	v1 =	vld [tilespmem:s29+$0x290];
	_ =	sdelay $0x1  }
0x587: {  	v0 =	vadd.f32 v2, v0;
	v2 =	vld [tilespmem:s29+$0x310];
	_ =	sdelay $0x1  }
0x588: {  	v0 =	vadd.f32 v3, v0;
	v3 =	vld [tilespmem:s29+$0x390];
	_ =	sdelay $0x1  }
0x589: {  	v0 =	vadd.f32 v1, v0;
	v1 =	vld [tilespmem:s29+$0x410];
	_ =	sdelay $0x1  }
0x58a: {  	v0 =	vadd.f32 v2, v0;
	v2 =	vld [tilespmem:s29+$0x490];
	_ =	sdelay $0x1  }
0x58b: {  	v0 =	vadd.f32 v3, v0;
	_ =	sdelay $0x1  }
0x58c: {  	v0 =	vadd.f32 v1, v0;
	_ =	sdelay $0x1  }
0x58d: {  	v0 =	vadd.f32 v2, v0;
	_ =	sdelay $0x1  }
0x58e: {  	[tilespmem:s28+$0xCC90] =	vst v0;
	v0 =	vld [tilespmem:s28+$0x24A0]  }
0x58f: {  	v1 =	vld [tilespmem:s29+$0xFFFFFB20]  }
0x590: {  	v2 =	vld [tilespmem:s29+$0xFFFFFBA0];
	_ =	sdelay $0x1  }
0x591: {  	v3 =	vld [tilespmem:s29+$0xFFFFFC20];
	_ =	sdelay $0x1  }
0x592: {  	v0 =	vadd.f32 v1, v0;
	v1 =	vld [tilespmem:s29+$0xFFFFFCA0];
	_ =	sdelay $0x1  }
0x593: {  	v0 =	vadd.f32 v2, v0;
	v2 =	vld [tilespmem:s29+$0xFFFFFD20];
	_ =	sdelay $0x1  }
0x594: {  	v0 =	vadd.f32 v3, v0;
	v3 =	vld [tilespmem:s29+$0xFFFFFDA0];
	_ =	sdelay $0x1  }
0x595: {  	v0 =	vadd.f32 v1, v0;
	v1 =	vld [tilespmem:s29+$0xFFFFFE20];
	_ =	sdelay $0x1  }
0x596: {  	v0 =	vadd.f32 v2, v0;
	v2 =	vld [tilespmem:s29+$0xFFFFFEA0];
	_ =	sdelay $0x1  }
0x597: {  	v0 =	vadd.f32 v3, v0;
	v3 =	vld [tilespmem:s29+$0xFFFFFF20];
	_ =	sdelay $0x1  }
0x598: {  	v0 =	vadd.f32 v1, v0;
	v1 =	vld [tilespmem:s29+$0xFFFFFFA0];
	_ =	sdelay $0x1  }
0x599: {  	v0 =	vadd.f32 v2, v0;
	v2 =	vld [tilespmem:s29+$0x20];
	_ =	sdelay $0x1  }
0x59a: {  	v0 =	vadd.f32 v3, v0;
	v3 =	vld [tilespmem:s29+$0xA0];
	_ =	sdelay $0x1  }
0x59b: {  	v0 =	vadd.f32 v1, v0;
	v1 =	vld [tilespmem:s29+$0x120];
	_ =	sdelay $0x1  }
0x59c: {  	v0 =	vadd.f32 v2, v0;
	v2 =	vld [tilespmem:s29+$0x1A0];
	_ =	sdelay $0x1  }
0x59d: {  	v0 =	vadd.f32 v3, v0;
	v3 =	vld [tilespmem:s29+$0x220];
	_ =	sdelay $0x1  }
0x59e: {  	v0 =	vadd.f32 v1, v0;
	v1 =	vld [tilespmem:s29+$0x2A0];
	_ =	sdelay $0x1  }
0x59f: {  	v0 =	vadd.f32 v2, v0;
	v2 =	vld [tilespmem:s29+$0x320];
	_ =	sdelay $0x1  }
0x5a0: {  	v0 =	vadd.f32 v3, v0;
	v3 =	vld [tilespmem:s29+$0x3A0];
	_ =	sdelay $0x1  }
0x5a1: {  	v0 =	vadd.f32 v1, v0;
	v1 =	vld [tilespmem:s29+$0x420];
	_ =	sdelay $0x1  }
0x5a2: {  	v0 =	vadd.f32 v2, v0;
	v2 =	vld [tilespmem:s29+$0x4A0];
	_ =	sdelay $0x1  }
0x5a3: {  	v0 =	vadd.f32 v3, v0;
	_ =	sdelay $0x1  }
0x5a4: {  	v0 =	vadd.f32 v1, v0;
	_ =	sdelay $0x1  }
0x5a5: {  	v0 =	vadd.f32 v2, v0;
	_ =	sdelay $0x1  }
0x5a6: {  	[tilespmem:s28+$0xCCA0] =	vst v0;
	v0 =	vld [tilespmem:s28+$0x24B0]  }
0x5a7: {  	v1 =	vld [tilespmem:s29+$0xFFFFFB30]  }
0x5a8: {  	v2 =	vld [tilespmem:s29+$0xFFFFFBB0];
	_ =	sdelay $0x1  }
0x5a9: {  	v3 =	vld [tilespmem:s29+$0xFFFFFC30];
	_ =	sdelay $0x1  }
0x5aa: {  	v0 =	vadd.f32 v1, v0;
	v1 =	vld [tilespmem:s29+$0xFFFFFCB0];
	_ =	sdelay $0x1  }
0x5ab: {  	v0 =	vadd.f32 v2, v0;
	v2 =	vld [tilespmem:s29+$0xFFFFFD30];
	_ =	sdelay $0x1  }
0x5ac: {  	v0 =	vadd.f32 v3, v0;
	v3 =	vld [tilespmem:s29+$0xFFFFFDB0];
	_ =	sdelay $0x1  }
0x5ad: {  	v0 =	vadd.f32 v1, v0;
	v1 =	vld [tilespmem:s29+$0xFFFFFE30];
	_ =	sdelay $0x1  }
0x5ae: {  	v0 =	vadd.f32 v2, v0;
	v2 =	vld [tilespmem:s29+$0xFFFFFEB0];
	_ =	sdelay $0x1  }
0x5af: {  	v0 =	vadd.f32 v3, v0;
	v3 =	vld [tilespmem:s29+$0xFFFFFF30];
	_ =	sdelay $0x1  }
0x5b0: {  	v0 =	vadd.f32 v1, v0;
	v1 =	vld [tilespmem:s29+$0xFFFFFFB0];
	_ =	sdelay $0x1  }
0x5b1: {  	v0 =	vadd.f32 v2, v0;
	v2 =	vld [tilespmem:s29+$0x30];
	_ =	sdelay $0x1  }
0x5b2: {  	v0 =	vadd.f32 v3, v0;
	v3 =	vld [tilespmem:s29+$0xB0];
	_ =	sdelay $0x1  }
0x5b3: {  	v0 =	vadd.f32 v1, v0;
	v1 =	vld [tilespmem:s29+$0x130];
	_ =	sdelay $0x1  }
0x5b4: {  	v0 =	vadd.f32 v2, v0;
	v2 =	vld [tilespmem:s29+$0x1B0];
	_ =	sdelay $0x1  }
0x5b5: {  	v0 =	vadd.f32 v3, v0;
	v3 =	vld [tilespmem:s29+$0x230];
	_ =	sdelay $0x1  }
0x5b6: {  	v0 =	vadd.f32 v1, v0;
	v1 =	vld [tilespmem:s29+$0x2B0];
	_ =	sdelay $0x1  }
0x5b7: {  	v0 =	vadd.f32 v2, v0;
	v2 =	vld [tilespmem:s29+$0x330];
	_ =	sdelay $0x1  }
0x5b8: {  	v0 =	vadd.f32 v3, v0;
	v3 =	vld [tilespmem:s29+$0x3B0];
	_ =	sdelay $0x1  }
0x5b9: {  	v0 =	vadd.f32 v1, v0;
	v1 =	vld [tilespmem:s29+$0x430];
	_ =	sdelay $0x1  }
0x5ba: {  	v0 =	vadd.f32 v2, v0;
	v2 =	vld [tilespmem:s29+$0x4B0];
	_ =	sdelay $0x1  }
0x5bb: {  	v0 =	vadd.f32 v3, v0;
	_ =	sdelay $0x1  }
0x5bc: {  	v0 =	vadd.f32 v1, v0;
	_ =	sdelay $0x1  }
0x5bd: {  	v0 =	vadd.f32 v2, v0;
	_ =	sdelay $0x1  }
0x5be: {  	[tilespmem:s28+$0xCCB0] =	vst v0;
	v0 =	vld [tilespmem:s28+$0x24C0]  }
0x5bf: {  	v1 =	vld [tilespmem:s29+$0xFFFFFB40]  }
0x5c0: {  	v2 =	vld [tilespmem:s29+$0xFFFFFBC0];
	_ =	sdelay $0x1  }
0x5c1: {  	v3 =	vld [tilespmem:s29+$0xFFFFFC40];
	_ =	sdelay $0x1  }
0x5c2: {  	v0 =	vadd.f32 v1, v0;
	v1 =	vld [tilespmem:s29+$0xFFFFFCC0];
	_ =	sdelay $0x1  }
0x5c3: {  	v0 =	vadd.f32 v2, v0;
	v2 =	vld [tilespmem:s29+$0xFFFFFD40];
	_ =	sdelay $0x1  }
0x5c4: {  	v0 =	vadd.f32 v3, v0;
	v3 =	vld [tilespmem:s29+$0xFFFFFDC0];
	_ =	sdelay $0x1  }
0x5c5: {  	v0 =	vadd.f32 v1, v0;
	v1 =	vld [tilespmem:s29+$0xFFFFFE40];
	_ =	sdelay $0x1  }
0x5c6: {  	v0 =	vadd.f32 v2, v0;
	v2 =	vld [tilespmem:s29+$0xFFFFFEC0];
	_ =	sdelay $0x1  }
0x5c7: {  	v0 =	vadd.f32 v3, v0;
	v3 =	vld [tilespmem:s29+$0xFFFFFF40];
	_ =	sdelay $0x1  }
0x5c8: {  	v0 =	vadd.f32 v1, v0;
	v1 =	vld [tilespmem:s29+$0xFFFFFFC0];
	_ =	sdelay $0x1  }
0x5c9: {  	v0 =	vadd.f32 v2, v0;
	v2 =	vld [tilespmem:s29+$0x40];
	_ =	sdelay $0x1  }
0x5ca: {  	v0 =	vadd.f32 v3, v0;
	v3 =	vld [tilespmem:s29+$0xC0];
	_ =	sdelay $0x1  }
0x5cb: {  	v0 =	vadd.f32 v1, v0;
	v1 =	vld [tilespmem:s29+$0x140];
	_ =	sdelay $0x1  }
0x5cc: {  	v0 =	vadd.f32 v2, v0;
	v2 =	vld [tilespmem:s29+$0x1C0];
	_ =	sdelay $0x1  }
0x5cd: {  	v0 =	vadd.f32 v3, v0;
	v3 =	vld [tilespmem:s29+$0x240];
	_ =	sdelay $0x1  }
0x5ce: {  	v0 =	vadd.f32 v1, v0;
	v1 =	vld [tilespmem:s29+$0x2C0];
	_ =	sdelay $0x1  }
0x5cf: {  	v0 =	vadd.f32 v2, v0;
	v2 =	vld [tilespmem:s29+$0x340];
	_ =	sdelay $0x1  }
0x5d0: {  	v0 =	vadd.f32 v3, v0;
	v3 =	vld [tilespmem:s29+$0x3C0];
	_ =	sdelay $0x1  }
0x5d1: {  	v0 =	vadd.f32 v1, v0;
	v1 =	vld [tilespmem:s29+$0x440];
	_ =	sdelay $0x1  }
0x5d2: {  	v0 =	vadd.f32 v2, v0;
	v2 =	vld [tilespmem:s29+$0x4C0];
	_ =	sdelay $0x1  }
0x5d3: {  	v0 =	vadd.f32 v3, v0;
	_ =	sdelay $0x1  }
0x5d4: {  	v0 =	vadd.f32 v1, v0;
	_ =	sdelay $0x1  }
0x5d5: {  	v0 =	vadd.f32 v2, v0;
	_ =	sdelay $0x1  }
0x5d6: {  	[tilespmem:s28+$0xCCC0] =	vst v0;
	v0 =	vld [tilespmem:s28+$0x24D0]  }
0x5d7: {  	v1 =	vld [tilespmem:s29+$0xFFFFFB50]  }
0x5d8: {  	v2 =	vld [tilespmem:s29+$0xFFFFFBD0]  }
0x5d9: {  	v3 =	vld [tilespmem:s29+$0xFFFFFC50]  }
0x5da: {  	v4 =	vld [tilespmem:s29+$0xFFFFFCD0]  }
0x5db: {  	v5 =	vld [tilespmem:s29+$0xFFFFFD50]  }
0x5dc: {  	v0 =	vadd.f32 v1, v0;
	v1 =	vld [tilespmem:s29+$0xFFFFFDD0]  }
0x5dd: {  	v6 =	vld [tilespmem:s29+$0xFFFFFE50]  }
0x5de: {  	v0 =	vadd.f32 v2, v0;
	v2 =	vld [tilespmem:s29+$0xFFFFFED0]  }
0x5df: {  	v7 =	vld [tilespmem:s29+$0xFFFFFF50]  }
0x5e0: {  	v0 =	vadd.f32 v3, v0;
	v3 =	vld [tilespmem:s29+$0xFFFFFFD0]  }
0x5e1: {  	v8 =	vld [tilespmem:s29+$0x50]  }
0x5e2: {  	v0 =	vadd.f32 v4, v0;
	v4 =	vld [tilespmem:s29+$0xD0]  }
0x5e3: {  	v9 =	vld [tilespmem:s29+$0x150]  }
0x5e4: {  	v0 =	vadd.f32 v5, v0;
	v5 =	vld [tilespmem:s29+$0x1D0]  }
0x5e5: {  	v10 =	vld [tilespmem:s29+$0x250]  }
0x5e6: {  	v0 =	vadd.f32 v1, v0;
	v1 =	vld [tilespmem:s29+$0x2D0]  }
0x5e7: {  	v11 =	vld [tilespmem:s29+$0x350]  }
0x5e8: {  	v0 =	vadd.f32 v6, v0;
	v6 =	vld [tilespmem:s29+$0x3D0]  }
0x5e9: {  	v12 =	vld [tilespmem:s29+$0x450]  }
0x5ea: {  	v0 =	vadd.f32 v2, v0;
	v2 =	vld [tilespmem:s29+$0x4D0];
	_ =	sdelay $0x1  }
0x5eb: {  	v0 =	vadd.f32 v7, v0;
	_ =	sdelay $0x1  }
0x5ec: {  	v0 =	vadd.f32 v3, v0;
	_ =	sdelay $0x1  }
0x5ed: {  	v0 =	vadd.f32 v8, v0;
	_ =	sdelay $0x1  }
0x5ee: {  	v0 =	vadd.f32 v4, v0;
	_ =	sdelay $0x1  }
0x5ef: {  	v0 =	vadd.f32 v9, v0;
	_ =	sdelay $0x1  }
0x5f0: {  	v0 =	vadd.f32 v5, v0;
	_ =	sdelay $0x1  }
0x5f1: {  	v0 =	vadd.f32 v10, v0;
	_ =	sdelay $0x1  }
0x5f2: {  	v0 =	vadd.f32 v1, v0;
	_ =	sdelay $0x1  }
0x5f3: {  	v0 =	vadd.f32 v11, v0;
	_ =	sdelay $0x1  }
0x5f4: {  	v0 =	vadd.f32 v6, v0;
	_ =	sdelay $0x1  }
0x5f5: {  	v0 =	vadd.f32 v12, v0;
	_ =	sdelay $0x1  }
0x5f6: {  	v0 =	vadd.f32 v2, v0;
	_ =	sdelay $0x1  }
0x5f7: {  	[tilespmem:s28+$0xCCD0] =	vst v0;
	v0 =	vld [tilespmem:s28+$0x24E0]  }
0x5f8: {  	v1 =	vld [tilespmem:s29+$0xFFFFFB60]  }
0x5f9: {  	v2 =	vld [tilespmem:s29+$0xFFFFFBE0]  }
0x5fa: {  	v3 =	vld [tilespmem:s29+$0xFFFFFC60]  }
0x5fb: {  	v4 =	vld [tilespmem:s29+$0xFFFFFCE0]  }
0x5fc: {  	v5 =	vld [tilespmem:s29+$0xFFFFFD60]  }
0x5fd: {  	v0 =	vadd.f32 v1, v0;
	v1 =	vld [tilespmem:s29+$0xFFFFFDE0]  }
0x5fe: {  	v6 =	vld [tilespmem:s29+$0xFFFFFE60]  }
0x5ff: {  	v0 =	vadd.f32 v2, v0;
	v2 =	vld [tilespmem:s29+$0xFFFFFEE0]  }
0x600: {  	v7 =	vld [tilespmem:s29+$0xFFFFFF60]  }
0x601: {  	v0 =	vadd.f32 v3, v0;
	v3 =	vld [tilespmem:s29+$0xFFFFFFE0]  }
0x602: {  	v8 =	vld [tilespmem:s29+$0x60]  }
0x603: {  	v0 =	vadd.f32 v4, v0;
	v4 =	vld [tilespmem:s29+$0xE0]  }
0x604: {  	v9 =	vld [tilespmem:s29+$0x160]  }
0x605: {  	v0 =	vadd.f32 v5, v0;
	v5 =	vld [tilespmem:s29+$0x1E0]  }
0x606: {  	v10 =	vld [tilespmem:s29+$0x260]  }
0x607: {  	v0 =	vadd.f32 v1, v0;
	v1 =	vld [tilespmem:s29+$0x2E0]  }
0x608: {  	v11 =	vld [tilespmem:s29+$0x360]  }
0x609: {  	v0 =	vadd.f32 v6, v0;
	v6 =	vld [tilespmem:s29+$0x3E0]  }
0x60a: {  	v12 =	vld [tilespmem:s29+$0x460]  }
0x60b: {  	v0 =	vadd.f32 v2, v0;
	v2 =	vld [tilespmem:s29+$0x4E0];
	_ =	sdelay $0x1  }
0x60c: {  	v0 =	vadd.f32 v7, v0;
	_ =	sdelay $0x1  }
0x60d: {  	v0 =	vadd.f32 v3, v0;
	_ =	sdelay $0x1  }
0x60e: {  	v0 =	vadd.f32 v8, v0;
	_ =	sdelay $0x1  }
0x60f: {  	v0 =	vadd.f32 v4, v0;
	_ =	sdelay $0x1  }
0x610: {  	v0 =	vadd.f32 v9, v0;
	_ =	sdelay $0x1  }
0x611: {  	v0 =	vadd.f32 v5, v0;
	_ =	sdelay $0x1  }
0x612: {  	v0 =	vadd.f32 v10, v0;
	_ =	sdelay $0x1  }
0x613: {  	v0 =	vadd.f32 v1, v0;
	_ =	sdelay $0x1  }
0x614: {  	v0 =	vadd.f32 v11, v0;
	_ =	sdelay $0x1  }
0x615: {  	v0 =	vadd.f32 v6, v0;
	_ =	sdelay $0x1  }
0x616: {  	v0 =	vadd.f32 v12, v0;
	_ =	sdelay $0x1  }
0x617: {  	v0 =	vadd.f32 v2, v0;
	_ =	sdelay $0x1  }
0x618: {  	[tilespmem:s28+$0xCCE0] =	vst v0;
	v0 =	vld [tilespmem:s28+$0x24F0]  }
0x619: {  	v1 =	vld [tilespmem:s29+$0xFFFFFB70]  }
0x61a: {  	v2 =	vld [tilespmem:s29+$0xFFFFFBF0]  }
0x61b: {  	v3 =	vld [tilespmem:s29+$0xFFFFFC70]  }
0x61c: {  	v4 =	vld [tilespmem:s29+$0xFFFFFCF0]  }
0x61d: {  	v5 =	vld [tilespmem:s29+$0xFFFFFD70]  }
0x61e: {  	v0 =	vadd.f32 v1, v0;
	v1 =	vld [tilespmem:s29+$0xFFFFFDF0]  }
0x61f: {  	v6 =	vld [tilespmem:s29+$0xFFFFFE70]  }
0x620: {  	v0 =	vadd.f32 v2, v0;
	v2 =	vld [tilespmem:s29+$0xFFFFFEF0]  }
0x621: {  	v7 =	vld [tilespmem:s29+$0xFFFFFF70]  }
0x622: {  	v0 =	vadd.f32 v3, v0;
	v3 =	vld [tilespmem:s29+$0xFFFFFFF0]  }
0x623: {  	v8 =	vld [tilespmem:s29+$0x70]  }
0x624: {  	v0 =	vadd.f32 v4, v0;
	v4 =	vld [tilespmem:s29+$0xF0]  }
0x625: {  	v9 =	vld [tilespmem:s29+$0x170]  }
0x626: {  	v0 =	vadd.f32 v5, v0;
	v5 =	vld [tilespmem:s29+$0x1F0]  }
0x627: {  	v10 =	vld [tilespmem:s29+$0x270]  }
0x628: {  	v0 =	vadd.f32 v1, v0;
	v1 =	vld [tilespmem:s29+$0x2F0]  }
0x629: {  	v11 =	vld [tilespmem:s29+$0x370]  }
0x62a: {  	v0 =	vadd.f32 v6, v0;
	v6 =	vld [tilespmem:s29+$0x3F0]  }
0x62b: {  	v12 =	vld [tilespmem:s29+$0x470]  }
0x62c: {  	v0 =	vadd.f32 v2, v0;
	v2 =	vld [tilespmem:s29+$0x4F0];
	_ =	sdelay $0x1  }
0x62d: {  	v0 =	vadd.f32 v7, v0;
	_ =	sdelay $0x1  }
0x62e: {  	v0 =	vadd.f32 v3, v0;
	_ =	sdelay $0x1  }
0x62f: {  	v0 =	vadd.f32 v8, v0;
	_ =	sdelay $0x1  }
0x630: {  	v0 =	vadd.f32 v4, v0;
	_ =	sdelay $0x1  }
0x631: {  	v0 =	vadd.f32 v9, v0;
	_ =	sdelay $0x1  }
0x632: {  	v0 =	vadd.f32 v5, v0;
	_ =	sdelay $0x1  }
0x633: {  	v0 =	vadd.f32 v10, v0;
	_ =	sdelay $0x1  }
0x634: {  	v0 =	vadd.f32 v1, v0;
	_ =	sdelay $0x1  }
0x635: {  	v0 =	vadd.f32 v11, v0;
	_ =	sdelay $0x1  }
.Ltmp3:
0x636: {  	v0 =	vadd.f32 v6, v0;
	(pc) =	sbr.rel @p1 .LBB2_5-.Ltmp3, $3  }
0x637: {  	_ = 	snop  }
0x638: {  	v0 =	vadd.f32 v12, v0;
	_ =	sdelay $0x1  }
0x639: {  	s8 =	smov.u32 s9;
	v0 =	vadd.f32 v2, v0  }
0x63a: {  	s8 =	sshra.s32 s22, $0x2  }
0x63b: {  	s19 =	sadd.s32 $0xA00, s29;
	v1 =	vld [tilespmem:s8+$0x2480];
	[tilespmem:s28+$0xCCF0] =	vst v0  }
0x63c: {  	v0 =	vld [tilespmem:s19+$0xFFFFFB00];
	_ =	sdelay $0x1  }
0x63d: {  	v2 =	vld [tilespmem:s19+$0xFFFFFB80];
	_ =	sdelay $0x1  }
0x63e: {  	v3 =	vld [tilespmem:s19+$0xFFFFFC00]  }
0x63f: {  	v0 =	vadd.f32 v0, v1  }
0x640: {  	v16 =	vld [tilespmem:s19+$0xFFFFFC80]  }
0x641: {  	v0 =	vadd.f32 v2, v0  }
0x642: {  	v17 =	vld [tilespmem:s19+$0xFFFFFD00]  }
0x643: {  	v0 =	vadd.f32 v3, v0  }
0x644: {  	v18 =	vld [tilespmem:s19+$0xFFFFFD80]  }
0x645: {  	v0 =	vadd.f32 v16, v0  }
0x646: {  	v19 =	vld [tilespmem:s19+$0xFFFFFE00]  }
0x647: {  	v0 =	vadd.f32 v17, v0  }
0x648: {  	v20 =	vld [tilespmem:s19+$0xFFFFFE80]  }
0x649: {  	v0 =	vadd.f32 v18, v0  }
0x64a: {  	v21 =	vld [tilespmem:s19+$0xFFFFFF00]  }
0x64b: {  	v0 =	vadd.f32 v19, v0  }
0x64c: {  	v22 =	vld [tilespmem:s19+$0xFFFFFF80]  }
0x64d: {  	v0 =	vadd.f32 v20, v0  }
0x64e: {  	v23 =	vld [tilespmem:s19+$0x0]  }
0x64f: {  	v0 =	vadd.f32 v21, v0  }
0x650: {  	v24 =	vld [tilespmem:s19+$0x80]  }
0x651: {  	v0 =	vadd.f32 v22, v0  }
0x652: {  	v25 =	vld [tilespmem:s19+$0x100]  }
0x653: {  	v0 =	vadd.f32 v23, v0  }
0x654: {  	v26 =	vld [tilespmem:s19+$0x180]  }
0x655: {  	v0 =	vadd.f32 v24, v0  }
0x656: {  	v27 =	vld [tilespmem:s19+$0x200]  }
0x657: {  	v0 =	vadd.f32 v25, v0  }
0x658: {  	v28 =	vld [tilespmem:s19+$0x280]  }
0x659: {  	v0 =	vadd.f32 v26, v0  }
0x65a: {  	v29 =	vld [tilespmem:s19+$0x300]  }
0x65b: {  	v0 =	vadd.f32 v27, v0  }
0x65c: {  	v30 =	vld [tilespmem:s19+$0x380]  }
0x65d: {  	v0 =	vadd.f32 v28, v0  }
0x65e: {  	v31 =	vld [tilespmem:s19+$0x400]  }
0x65f: {  	v0 =	vadd.f32 v29, v0  }
0x660: {  	v32 =	vld [tilespmem:s19+$0x480]  }
0x661: {  	v0 =	vadd.f32 v30, v0;
	_ =	sdelay $0x1  }
0x662: {  	v0 =	vadd.f32 v31, v0;
	_ =	sdelay $0x1  }
0x663: {  	v0 =	vadd.f32 v32, v0;
	_ =	sdelay $0x1  }
0x664: {  	v33 =	vld [tilespmem:s8+$0x2490];
	[tilespmem:s8+$0xCC80] =	vst v0  }
0x665: {  	v34 =	vld [tilespmem:s19+$0xFFFFFB10];
	_ =	sdelay $0x1  }
0x666: {  	v35 =	vld [tilespmem:s19+$0xFFFFFB90];
	_ =	sdelay $0x1  }
0x667: {  	v36 =	vld [tilespmem:s19+$0xFFFFFC10]  }
0x668: {  	v0 =	vadd.f32 v34, v33  }
0x669: {  	v37 =	vld [tilespmem:s19+$0xFFFFFC90]  }
0x66a: {  	v0 =	vadd.f32 v35, v0  }
0x66b: {  	v38 =	vld [tilespmem:s19+$0xFFFFFD10]  }
0x66c: {  	v0 =	vadd.f32 v36, v0  }
0x66d: {  	v39 =	vld [tilespmem:s19+$0xFFFFFD90]  }
0x66e: {  	v0 =	vadd.f32 v37, v0  }
0x66f: {  	v40 =	vld [tilespmem:s19+$0xFFFFFE10]  }
0x670: {  	v0 =	vadd.f32 v38, v0  }
0x671: {  	v41 =	vld [tilespmem:s19+$0xFFFFFE90]  }
0x672: {  	v0 =	vadd.f32 v39, v0  }
0x673: {  	v42 =	vld [tilespmem:s19+$0xFFFFFF10]  }
0x674: {  	v0 =	vadd.f32 v40, v0  }
0x675: {  	v43 =	vld [tilespmem:s19+$0xFFFFFF90]  }
0x676: {  	v0 =	vadd.f32 v41, v0  }
0x677: {  	v44 =	vld [tilespmem:s19+$0x10]  }
0x678: {  	v0 =	vadd.f32 v42, v0  }
0x679: {  	v45 =	vld [tilespmem:s19+$0x90]  }
0x67a: {  	v0 =	vadd.f32 v43, v0  }
0x67b: {  	v46 =	vld [tilespmem:s19+$0x110]  }
0x67c: {  	v0 =	vadd.f32 v44, v0  }
0x67d: {  	v47 =	vld [tilespmem:s19+$0x190]  }
0x67e: {  	v0 =	vadd.f32 v45, v0  }
0x67f: {  	v48 =	vld [tilespmem:s19+$0x210]  }
0x680: {  	v0 =	vadd.f32 v46, v0  }
0x681: {  	v49 =	vld [tilespmem:s19+$0x290]  }
0x682: {  	v0 =	vadd.f32 v47, v0  }
0x683: {  	v50 =	vld [tilespmem:s19+$0x310]  }
0x684: {  	v0 =	vadd.f32 v48, v0  }
0x685: {  	v51 =	vld [tilespmem:s19+$0x390]  }
0x686: {  	v0 =	vadd.f32 v49, v0  }
0x687: {  	v52 =	vld [tilespmem:s19+$0x410]  }
0x688: {  	v0 =	vadd.f32 v50, v0  }
0x689: {  	v53 =	vld [tilespmem:s19+$0x490]  }
0x68a: {  	v0 =	vadd.f32 v51, v0;
	_ =	sdelay $0x1  }
0x68b: {  	v0 =	vadd.f32 v52, v0;
	_ =	sdelay $0x1  }
0x68c: {  	v0 =	vadd.f32 v53, v0;
	_ =	sdelay $0x1  }
0x68d: {  	v54 =	vld [tilespmem:s8+$0x24A0];
	[tilespmem:s8+$0xCC90] =	vst v0  }
0x68e: {  	v55 =	vld [tilespmem:s19+$0xFFFFFB20];
	_ =	sdelay $0x1  }
0x68f: {  	v56 =	vld [tilespmem:s19+$0xFFFFFBA0];
	_ =	sdelay $0x1  }
0x690: {  	v57 =	vld [tilespmem:s19+$0xFFFFFC20]  }
0x691: {  	v0 =	vadd.f32 v55, v54  }
0x692: {  	v58 =	vld [tilespmem:s19+$0xFFFFFCA0]  }
0x693: {  	v0 =	vadd.f32 v56, v0  }
0x694: {  	v59 =	vld [tilespmem:s19+$0xFFFFFD20]  }
0x695: {  	v0 =	vadd.f32 v57, v0  }
0x696: {  	v60 =	vld [tilespmem:s19+$0xFFFFFDA0]  }
0x697: {  	v0 =	vadd.f32 v58, v0  }
0x698: {  	v61 =	vld [tilespmem:s19+$0xFFFFFE20]  }
0x699: {  	v0 =	vadd.f32 v59, v0  }
0x69a: {  	v62 =	vld [tilespmem:s19+$0xFFFFFEA0]  }
0x69b: {  	v0 =	vadd.f32 v60, v0  }
0x69c: {  	v63 =	vld [tilespmem:s19+$0xFFFFFF20]  }
0x69d: {  	v0 =	vadd.f32 v61, v0  }
0x69e: {  	v6 =	vld [tilespmem:s19+$0xFFFFFFA0]  }
0x69f: {  	v0 =	vadd.f32 v62, v0  }
0x6a0: {  	v7 =	vld [tilespmem:s19+$0x20]  }
0x6a1: {  	v0 =	vadd.f32 v63, v0  }
0x6a2: {  	v8 =	vld [tilespmem:s19+$0xA0]  }
0x6a3: {  	v0 =	vadd.f32 v6, v0  }
0x6a4: {  	v9 =	vld [tilespmem:s19+$0x120]  }
0x6a5: {  	v0 =	vadd.f32 v7, v0  }
0x6a6: {  	v10 =	vld [tilespmem:s19+$0x1A0]  }
0x6a7: {  	v0 =	vadd.f32 v8, v0  }
0x6a8: {  	v11 =	vld [tilespmem:s19+$0x220]  }
0x6a9: {  	v0 =	vadd.f32 v9, v0  }
0x6aa: {  	v12 =	vld [tilespmem:s19+$0x2A0]  }
0x6ab: {  	v0 =	vadd.f32 v10, v0  }
0x6ac: {  	v13 =	vld [tilespmem:s19+$0x320]  }
0x6ad: {  	v0 =	vadd.f32 v11, v0  }
0x6ae: {  	v14 =	vld [tilespmem:s19+$0x3A0]  }
0x6af: {  	v0 =	vadd.f32 v12, v0  }
0x6b0: {  	v15 =	vld [tilespmem:s19+$0x420]  }
0x6b1: {  	v0 =	vadd.f32 v13, v0  }
0x6b2: {  	v16 =	vld [tilespmem:s19+$0x4A0]  }
0x6b3: {  	v0 =	vadd.f32 v14, v0;
	_ =	sdelay $0x1  }
0x6b4: {  	v0 =	vadd.f32 v15, v0;
	_ =	sdelay $0x1  }
0x6b5: {  	v0 =	vadd.f32 v16, v0;
	_ =	sdelay $0x1  }
0x6b6: {  	v17 =	vld [tilespmem:s8+$0x24B0];
	[tilespmem:s8+$0xCCA0] =	vst v0  }
0x6b7: {  	v18 =	vld [tilespmem:s19+$0xFFFFFB30];
	_ =	sdelay $0x1  }
0x6b8: {  	v19 =	vld [tilespmem:s19+$0xFFFFFBB0];
	_ =	sdelay $0x1  }
0x6b9: {  	v20 =	vld [tilespmem:s19+$0xFFFFFC30]  }
0x6ba: {  	v0 =	vadd.f32 v18, v17  }
0x6bb: {  	v21 =	vld [tilespmem:s19+$0xFFFFFCB0]  }
0x6bc: {  	v0 =	vadd.f32 v19, v0  }
0x6bd: {  	v22 =	vld [tilespmem:s19+$0xFFFFFD30]  }
0x6be: {  	v0 =	vadd.f32 v20, v0  }
0x6bf: {  	v23 =	vld [tilespmem:s19+$0xFFFFFDB0]  }
0x6c0: {  	v0 =	vadd.f32 v21, v0  }
0x6c1: {  	v24 =	vld [tilespmem:s19+$0xFFFFFE30]  }
0x6c2: {  	v0 =	vadd.f32 v22, v0  }
0x6c3: {  	v25 =	vld [tilespmem:s19+$0xFFFFFEB0]  }
0x6c4: {  	v0 =	vadd.f32 v23, v0  }
0x6c5: {  	v26 =	vld [tilespmem:s19+$0xFFFFFF30]  }
0x6c6: {  	v0 =	vadd.f32 v24, v0  }
0x6c7: {  	v27 =	vld [tilespmem:s19+$0xFFFFFFB0]  }
0x6c8: {  	v0 =	vadd.f32 v25, v0  }
0x6c9: {  	v28 =	vld [tilespmem:s19+$0x30]  }
0x6ca: {  	v0 =	vadd.f32 v26, v0  }
0x6cb: {  	v29 =	vld [tilespmem:s19+$0xB0]  }
0x6cc: {  	v0 =	vadd.f32 v27, v0  }
0x6cd: {  	v30 =	vld [tilespmem:s19+$0x130]  }
0x6ce: {  	v0 =	vadd.f32 v28, v0  }
0x6cf: {  	v31 =	vld [tilespmem:s19+$0x1B0]  }
0x6d0: {  	v0 =	vadd.f32 v29, v0  }
0x6d1: {  	v32 =	vld [tilespmem:s19+$0x230]  }
0x6d2: {  	v0 =	vadd.f32 v30, v0  }
0x6d3: {  	v33 =	vld [tilespmem:s19+$0x2B0]  }
0x6d4: {  	v0 =	vadd.f32 v31, v0  }
0x6d5: {  	v34 =	vld [tilespmem:s19+$0x330]  }
0x6d6: {  	v0 =	vadd.f32 v32, v0  }
0x6d7: {  	v35 =	vld [tilespmem:s19+$0x3B0]  }
0x6d8: {  	v0 =	vadd.f32 v33, v0  }
0x6d9: {  	v36 =	vld [tilespmem:s19+$0x430]  }
0x6da: {  	v0 =	vadd.f32 v34, v0  }
0x6db: {  	v37 =	vld [tilespmem:s19+$0x4B0]  }
0x6dc: {  	v0 =	vadd.f32 v35, v0;
	_ =	sdelay $0x1  }
0x6dd: {  	v0 =	vadd.f32 v36, v0;
	_ =	sdelay $0x1  }
0x6de: {  	v0 =	vadd.f32 v37, v0;
	_ =	sdelay $0x1  }
0x6df: {  	v38 =	vld [tilespmem:s8+$0x24C0];
	[tilespmem:s8+$0xCCB0] =	vst v0  }
0x6e0: {  	v39 =	vld [tilespmem:s19+$0xFFFFFB40];
	_ =	sdelay $0x1  }
0x6e1: {  	v40 =	vld [tilespmem:s19+$0xFFFFFBC0];
	_ =	sdelay $0x1  }
0x6e2: {  	v41 =	vld [tilespmem:s19+$0xFFFFFC40]  }
0x6e3: {  	v0 =	vadd.f32 v39, v38  }
0x6e4: {  	v42 =	vld [tilespmem:s19+$0xFFFFFCC0]  }
0x6e5: {  	v0 =	vadd.f32 v40, v0  }
0x6e6: {  	v43 =	vld [tilespmem:s19+$0xFFFFFD40]  }
0x6e7: {  	v0 =	vadd.f32 v41, v0  }
0x6e8: {  	v44 =	vld [tilespmem:s19+$0xFFFFFDC0]  }
0x6e9: {  	v0 =	vadd.f32 v42, v0  }
0x6ea: {  	v45 =	vld [tilespmem:s19+$0xFFFFFE40]  }
0x6eb: {  	v0 =	vadd.f32 v43, v0  }
0x6ec: {  	v46 =	vld [tilespmem:s19+$0xFFFFFEC0]  }
0x6ed: {  	v0 =	vadd.f32 v44, v0  }
0x6ee: {  	v47 =	vld [tilespmem:s19+$0xFFFFFF40]  }
0x6ef: {  	v0 =	vadd.f32 v45, v0  }
0x6f0: {  	v48 =	vld [tilespmem:s19+$0xFFFFFFC0]  }
0x6f1: {  	v0 =	vadd.f32 v46, v0  }
0x6f2: {  	v49 =	vld [tilespmem:s19+$0x40]  }
0x6f3: {  	v0 =	vadd.f32 v47, v0  }
0x6f4: {  	v50 =	vld [tilespmem:s19+$0xC0]  }
0x6f5: {  	v0 =	vadd.f32 v48, v0  }
0x6f6: {  	v51 =	vld [tilespmem:s19+$0x140]  }
0x6f7: {  	v0 =	vadd.f32 v49, v0  }
0x6f8: {  	v52 =	vld [tilespmem:s19+$0x1C0]  }
0x6f9: {  	v0 =	vadd.f32 v50, v0  }
0x6fa: {  	v53 =	vld [tilespmem:s19+$0x240]  }
0x6fb: {  	v0 =	vadd.f32 v51, v0  }
0x6fc: {  	v54 =	vld [tilespmem:s19+$0x2C0]  }
0x6fd: {  	v0 =	vadd.f32 v52, v0  }
0x6fe: {  	v55 =	vld [tilespmem:s19+$0x340]  }
0x6ff: {  	v0 =	vadd.f32 v53, v0  }
0x700: {  	v56 =	vld [tilespmem:s19+$0x3C0]  }
0x701: {  	v0 =	vadd.f32 v54, v0  }
0x702: {  	v57 =	vld [tilespmem:s19+$0x440]  }
0x703: {  	v0 =	vadd.f32 v55, v0  }
0x704: {  	v58 =	vld [tilespmem:s19+$0x4C0]  }
0x705: {  	v0 =	vadd.f32 v56, v0;
	_ =	sdelay $0x1  }
0x706: {  	v0 =	vadd.f32 v57, v0;
	_ =	sdelay $0x1  }
0x707: {  	v0 =	vadd.f32 v58, v0;
	_ =	sdelay $0x1  }
0x708: {  	v59 =	vld [tilespmem:s8+$0x24D0];
	[tilespmem:s8+$0xCCC0] =	vst v0  }
0x709: {  	v60 =	vld [tilespmem:s19+$0xFFFFFB50];
	_ =	sdelay $0x1  }
0x70a: {  	v61 =	vld [tilespmem:s19+$0xFFFFFBD0];
	_ =	sdelay $0x1  }
0x70b: {  	v62 =	vld [tilespmem:s19+$0xFFFFFC50]  }
0x70c: {  	v0 =	vadd.f32 v60, v59  }
0x70d: {  	v63 =	vld [tilespmem:s19+$0xFFFFFCD0]  }
0x70e: {  	v0 =	vadd.f32 v61, v0  }
0x70f: {  	v6 =	vld [tilespmem:s19+$0xFFFFFD50]  }
0x710: {  	v0 =	vadd.f32 v62, v0  }
0x711: {  	v7 =	vld [tilespmem:s19+$0xFFFFFDD0]  }
0x712: {  	v0 =	vadd.f32 v63, v0  }
0x713: {  	v8 =	vld [tilespmem:s19+$0xFFFFFE50]  }
0x714: {  	v0 =	vadd.f32 v6, v0  }
0x715: {  	v9 =	vld [tilespmem:s19+$0xFFFFFED0]  }
0x716: {  	v0 =	vadd.f32 v7, v0  }
0x717: {  	v10 =	vld [tilespmem:s19+$0xFFFFFF50]  }
0x718: {  	v0 =	vadd.f32 v8, v0  }
0x719: {  	v11 =	vld [tilespmem:s19+$0xFFFFFFD0]  }
0x71a: {  	v0 =	vadd.f32 v9, v0  }
0x71b: {  	v12 =	vld [tilespmem:s19+$0x50]  }
0x71c: {  	v0 =	vadd.f32 v10, v0  }
0x71d: {  	v13 =	vld [tilespmem:s19+$0xD0]  }
0x71e: {  	v0 =	vadd.f32 v11, v0  }
0x71f: {  	v14 =	vld [tilespmem:s19+$0x150]  }
0x720: {  	v0 =	vadd.f32 v12, v0  }
0x721: {  	v15 =	vld [tilespmem:s19+$0x1D0]  }
0x722: {  	v0 =	vadd.f32 v13, v0  }
0x723: {  	v16 =	vld [tilespmem:s19+$0x250]  }
0x724: {  	v0 =	vadd.f32 v14, v0  }
0x725: {  	v17 =	vld [tilespmem:s19+$0x2D0]  }
0x726: {  	v0 =	vadd.f32 v15, v0  }
0x727: {  	v18 =	vld [tilespmem:s19+$0x350]  }
0x728: {  	v0 =	vadd.f32 v16, v0  }
0x729: {  	v19 =	vld [tilespmem:s19+$0x3D0]  }
0x72a: {  	v0 =	vadd.f32 v17, v0  }
0x72b: {  	v20 =	vld [tilespmem:s19+$0x450]  }
0x72c: {  	v0 =	vadd.f32 v18, v0  }
0x72d: {  	v21 =	vld [tilespmem:s19+$0x4D0]  }
0x72e: {  	v0 =	vadd.f32 v19, v0;
	_ =	sdelay $0x1  }
0x72f: {  	v0 =	vadd.f32 v20, v0;
	_ =	sdelay $0x1  }
0x730: {  	v0 =	vadd.f32 v21, v0;
	_ =	sdelay $0x1  }
0x731: {  	v22 =	vld [tilespmem:s8+$0x24E0];
	[tilespmem:s8+$0xCCD0] =	vst v0  }
0x732: {  	v23 =	vld [tilespmem:s19+$0xFFFFFB60];
	_ =	sdelay $0x1  }
0x733: {  	v24 =	vld [tilespmem:s19+$0xFFFFFBE0];
	_ =	sdelay $0x1  }
0x734: {  	v25 =	vld [tilespmem:s19+$0xFFFFFC60]  }
0x735: {  	v0 =	vadd.f32 v23, v22  }
0x736: {  	v26 =	vld [tilespmem:s19+$0xFFFFFCE0]  }
0x737: {  	v0 =	vadd.f32 v24, v0  }
0x738: {  	v27 =	vld [tilespmem:s19+$0xFFFFFD60]  }
0x739: {  	v0 =	vadd.f32 v25, v0  }
0x73a: {  	v28 =	vld [tilespmem:s19+$0xFFFFFDE0]  }
0x73b: {  	v0 =	vadd.f32 v26, v0  }
0x73c: {  	v29 =	vld [tilespmem:s19+$0xFFFFFE60]  }
0x73d: {  	v0 =	vadd.f32 v27, v0  }
0x73e: {  	v30 =	vld [tilespmem:s19+$0xFFFFFEE0]  }
0x73f: {  	v0 =	vadd.f32 v28, v0  }
0x740: {  	v31 =	vld [tilespmem:s19+$0xFFFFFF60]  }
0x741: {  	v0 =	vadd.f32 v29, v0  }
0x742: {  	v32 =	vld [tilespmem:s19+$0xFFFFFFE0]  }
0x743: {  	v0 =	vadd.f32 v30, v0  }
0x744: {  	v33 =	vld [tilespmem:s19+$0x60]  }
0x745: {  	v0 =	vadd.f32 v31, v0  }
0x746: {  	v34 =	vld [tilespmem:s19+$0xE0]  }
0x747: {  	v0 =	vadd.f32 v32, v0  }
0x748: {  	v35 =	vld [tilespmem:s19+$0x160]  }
0x749: {  	v0 =	vadd.f32 v33, v0  }
0x74a: {  	v36 =	vld [tilespmem:s19+$0x1E0]  }
0x74b: {  	v0 =	vadd.f32 v34, v0  }
0x74c: {  	v37 =	vld [tilespmem:s19+$0x260]  }
0x74d: {  	v0 =	vadd.f32 v35, v0  }
0x74e: {  	v38 =	vld [tilespmem:s19+$0x2E0]  }
0x74f: {  	v0 =	vadd.f32 v36, v0  }
0x750: {  	v39 =	vld [tilespmem:s19+$0x360]  }
0x751: {  	v0 =	vadd.f32 v37, v0  }
0x752: {  	v40 =	vld [tilespmem:s19+$0x3E0]  }
0x753: {  	v0 =	vadd.f32 v38, v0  }
0x754: {  	v41 =	vld [tilespmem:s19+$0x460]  }
0x755: {  	v0 =	vadd.f32 v39, v0  }
0x756: {  	v42 =	vld [tilespmem:s19+$0x4E0]  }
0x757: {  	v0 =	vadd.f32 v40, v0;
	_ =	sdelay $0x1  }
0x758: {  	v0 =	vadd.f32 v41, v0;
	_ =	sdelay $0x1  }
0x759: {  	v0 =	vadd.f32 v42, v0;
	_ =	sdelay $0x1  }
0x75a: {  	v43 =	vld [tilespmem:s8+$0x24F0];
	[tilespmem:s8+$0xCCE0] =	vst v0  }
0x75b: {  	v44 =	vld [tilespmem:s19+$0xFFFFFB70];
	_ =	sdelay $0x1  }
0x75c: {  	v45 =	vld [tilespmem:s19+$0xFFFFFBF0];
	_ =	sdelay $0x1  }
0x75d: {  	v46 =	vld [tilespmem:s19+$0xFFFFFC70]  }
0x75e: {  	v0 =	vadd.f32 v44, v43  }
0x75f: {  	v47 =	vld [tilespmem:s19+$0xFFFFFCF0]  }
0x760: {  	v0 =	vadd.f32 v45, v0  }
0x761: {  	v48 =	vld [tilespmem:s19+$0xFFFFFD70]  }
0x762: {  	v0 =	vadd.f32 v46, v0  }
0x763: {  	v49 =	vld [tilespmem:s19+$0xFFFFFDF0]  }
0x764: {  	v0 =	vadd.f32 v47, v0  }
0x765: {  	v50 =	vld [tilespmem:s19+$0xFFFFFE70]  }
0x766: {  	v0 =	vadd.f32 v48, v0  }
0x767: {  	v51 =	vld [tilespmem:s19+$0xFFFFFEF0]  }
0x768: {  	v0 =	vadd.f32 v49, v0  }
0x769: {  	v52 =	vld [tilespmem:s19+$0xFFFFFF70]  }
0x76a: {  	v0 =	vadd.f32 v50, v0  }
0x76b: {  	v53 =	vld [tilespmem:s19+$0xFFFFFFF0]  }
0x76c: {  	v0 =	vadd.f32 v51, v0  }
0x76d: {  	v54 =	vld [tilespmem:s19+$0x70]  }
0x76e: {  	v0 =	vadd.f32 v52, v0  }
0x76f: {  	v55 =	vld [tilespmem:s19+$0xF0]  }
0x770: {  	v0 =	vadd.f32 v53, v0  }
0x771: {  	v56 =	vld [tilespmem:s19+$0x170]  }
0x772: {  	v0 =	vadd.f32 v54, v0  }
0x773: {  	v57 =	vld [tilespmem:s19+$0x1F0]  }
0x774: {  	v0 =	vadd.f32 v55, v0  }
0x775: {  	v58 =	vld [tilespmem:s19+$0x270]  }
0x776: {  	v0 =	vadd.f32 v56, v0  }
0x777: {  	v59 =	vld [tilespmem:s19+$0x2F0]  }
0x778: {  	v0 =	vadd.f32 v57, v0  }
0x779: {  	v60 =	vld [tilespmem:s19+$0x370]  }
0x77a: {  	v0 =	vadd.f32 v58, v0  }
0x77b: {  	v61 =	vld [tilespmem:s19+$0x3F0]  }
0x77c: {  	v0 =	vadd.f32 v59, v0  }
0x77d: {  	v62 =	vld [tilespmem:s19+$0x470]  }
0x77e: {  	v0 =	vadd.f32 v60, v0  }
0x77f: {  	v63 =	vld [tilespmem:s19+$0x4F0]  }
0x780: {  	v0 =	vadd.f32 v61, v0;
	_ =	sdelay $0x1  }
0x781: {  	v0 =	vadd.f32 v62, v0  }
.Ltmp4:
0x782: {  	_ = 	snop;
	(pc) =	sbr.rel @p0 .LBB2_8-.Ltmp4, $4  }
0x783: {  	v0 =	vadd.f32 v63, v0  }
0x784: {  	s9 =	sshll.u32 s26, $0x7  }
0x785: {  	s29 =	sadd.s32 s9, s12;
	[tilespmem:s8+$0xCCF0] =	vst v0  }
0x786: {  	[hbm4b:s29+s5] =	stream.linear.scatter [tilespmem:s24], [sflag:$0x6], $0x400, $0x38;
	[tilespmem:$0x1D080] =	vst v63  }
0x787: {  	s8 =	sadd.s32 $0x3, s10  }
0x788: {  	s9 =	sshll.u32 s8, $0x3  }
0x789: {  	s8 =	sshll.u32 s8, $0x8;
	s9 =	sand.u32 $0x3FFFFFF8, s9  }
0x78a: {  	[tilespmem:s18], [sflag:$0x2] =	stream.indirect.gather [hbm4b:s1+s16], $0x80, s9, s16, $0xb8;
	[tilespmem:$0x1D080] =	vst v63  }
.Ltmp5:
0x78b: {  	s8 =	sand.u32 $0x3FFFFF00, s8;
	(pc) =	sbr.rel .LBB2_2-.Ltmp5, $4  }
0x78c: {  	s29 =	sor.u32 $0x80, s8  }
0x78d: {  	[tilespmem:s31], [sflag:$0x4] =	stream.indirect.gather [hbm4b:s2+s25], $0x80, s29, s25, $0xb8;
	[tilespmem:$0x1D080] =	vst v63  }
0x78e: {  	s23 =	sadd.s32 $0x1, s23;
	s8 =	sadd.s32 $0x100, s8  }
0x78f: {  	[tilespmem:s3], [sflag:$0x4] =	stream.indirect.gather [hbm4b:s2+s25], $0x80, s8, s25, $0xb8;
	[tilespmem:$0x1D080] =	vst v63  }
.LBB2_9:
0x790: {  	_ =	sfence.sel $0x180000  }
0x791: {  	[bflag:$0x0] =	sbarrier.arrive $0xFFFF  }
0x792: {  	_ =	strace $0x90000047  }
0x793: {  	s0 =	stileid.u32;
	[bflag:$0x2] =	sbarrier.arrive $0xFFFF  }
0x794: {  	p0 =	sne.s32 s0, $0x0;
	s0 =	rddreg [dreg:$0x7]  }
0x795: {  	s0 =	sadd.s32 @!p0 $0x100000, s0  }
0x796: {  	[sflag:s0] =	ssyncadd.tile.s32 @!p0 $0x1;
	_ =	shalt  }
.Lfunc_end2:
_tile_overlayer_lowered:
.L_overlay_start_2:
0x797: {  	(tag) =	ssettag $0x2  }
0x798: {  	s0 =	rddreg [dreg:$0x0];
	s2 =	stileid.u32  }
0x799: {  	s1 =	rddreg [dreg:$0x1];
	p0 =	sne.s32 s2, $0x0  }
0x79a: {  	s3 =	rddreg [dreg:$0x2];
	[bflag:$0x3] =	sbarrier.arrive $0xFFFF;
	s2 =	simm.s32 @!p0 $0x1C0F  }
0x79b: {  	[timem:s3], [sflag:s2] =	dma.local @!p0 [hbm:s0], s1  }
0x79c: {  	s0 =	simm.s32 @!p0 $0xF  }
0x79d: {  	_ =	swait.ge @!p0 [sflag:s0], s1  }
0x79e: {  	s1 =	ssub.s32 @!p0 $0x0, s1;
	[sflag:s0] =	ssyncset.done @!p0 $0x0  }
0x79f: {  	[sflag:s0] =	ssyncadd.s32 @!p0 s1  }
0x7a0: {  	[bflag:$0x3] =	sbarrier.arrive $0xFFFF  }
0x7a1: {  	_ =	shalt  }

</sc_bundles>
